<compile_context>
chip_gen: v7x
topology: tpu7x:2x2x1
jax: 0.10.2.dev20260603
libtpu: 0.0.44.dev20260713+nightly
codegen_flags: <defaults>
</compile_context>

<pallas_src>
import jax
import jax.numpy as jnp
from jax import lax
from jax.experimental import pallas as pl
from jax.experimental.pallas import tpu as pltpu
from jax.experimental.pallas import tpu_sc as plsc

N_NODE = 10000
E = 160000
D = 256
HID = 512

NC = 2
NS = 16
NW = NC * NS
L = 16

BR = 320
NOUT = NW * BR
ACC_R = BR + 8
CE = 640
NCHUNK = E // CE
NPAIR = NCHUNK // 2
SCAP = 2 * CE + 32
HCAP = 157 * 1024
GB = 64
WBIG = 1024
assert NCHUNK * CE == E and NPAIR * 2 == NCHUNK


def _build_body(src_h, dst_h, spill, ttab,
                srcA, dstA, srcB, dstB, sw_v, tt_v,
                semSA, semDA, semSB, semDB):
    c = lax.axis_index("c")
    s = lax.axis_index("s")
    b = c * NS + s
    lo = b * BR
    hbase = b * HCAP
    lanes = lax.iota(jnp.int32, L)

    pltpu.async_copy(src_h.at[pl.ds(0, CE)], srcA, semSA)
    pltpu.async_copy(dst_h.at[pl.ds(0, CE)], dstA, semDA)
    pltpu.async_copy(src_h.at[pl.ds(CE, CE)], srcB, semSB)
    pltpu.async_copy(dst_h.at[pl.ds(CE, CE)], dstB, semDB)

    def scan_chunk(src_c, dst_c, cur, hcur):
        for v2 in range(CE // L // 2):
            d0 = dst_c[pl.ds(2 * v2 * L, L)]
            sv0 = src_c[pl.ds(2 * v2 * L, L)]
            d1 = dst_c[pl.ds((2 * v2 + 1) * L, L)]
            sv1 = src_c[pl.ds((2 * v2 + 1) * L, L)]
            m0 = (d0 >= lo) & (d0 < lo + BR)
            m1 = (d1 >= lo) & (d1 < lo + BR)
            w0 = (sv0 << 9) | (d0 - lo)
            w1 = (sv1 << 9) | (d1 - lo)
            key0 = jnp.where(m0, lanes, lanes + L)
            key1 = jnp.where(m1, lanes, lanes + L)
            _, ws0 = plsc.sort_key_val(key0, w0)
            _, ws1 = plsc.sort_key_val(key1, w1)
            pc0 = plsc.all_reduce_population_count(m0)[0]
            pc1 = plsc.all_reduce_population_count(m1)[0]
            sw_v[pl.ds(cur, L)] = ws0
            sw_v[pl.ds(cur + pc0, L)] = ws1
            cur = cur + pc0 + pc1
        do_flush = cur >= CE

        @pl.when(do_flush)
        def _():
            pltpu.sync_copy(
                sw_v.at[pl.ds(0, CE)],
                spill.at[pl.ds(pl.multiple_of(hbase + hcur, CE), CE)])

            def mv(k, carry2):
                resw = sw_v[pl.ds(CE + k * L, L)]
                sw_v[pl.ds(k * L, L)] = resw
                return carry2
            lax.fori_loop(0, (CE + 32) // L, mv, 0)

        cur = jnp.where(do_flush, cur - CE, cur)
        hcur = jnp.where(do_flush, hcur + CE, hcur)
        return cur, hcur

    def pair(i, carry):
        cur, hcur = carry
        pltpu.make_async_copy(src_h.at[pl.ds(0, CE)], srcA, semSA).wait()
        pltpu.make_async_copy(dst_h.at[pl.ds(0, CE)], dstA, semDA).wait()
        cur, hcur = scan_chunk(srcA, dstA, cur, hcur)

        @pl.when(i < NPAIR - 1)
        def _():
            base = pl.multiple_of((2 * i + 2) * CE, CE)
            pltpu.async_copy(src_h.at[pl.ds(base, CE)], srcA, semSA)
            pltpu.async_copy(dst_h.at[pl.ds(base, CE)], dstA, semDA)

        pltpu.make_async_copy(src_h.at[pl.ds(0, CE)], srcB, semSB).wait()
        pltpu.make_async_copy(dst_h.at[pl.ds(0, CE)], dstB, semDB).wait()
        cur, hcur = scan_chunk(srcB, dstB, cur, hcur)

        @pl.when(i < NPAIR - 1)
        def _():
            base = pl.multiple_of((2 * i + 3) * CE, CE)
            pltpu.async_copy(src_h.at[pl.ds(base, CE)], srcB, semSB)
            pltpu.async_copy(dst_h.at[pl.ds(base, CE)], dstB, semDB)

        return cur, hcur

    cur, hcur = lax.fori_loop(0, NPAIR, pair,
                              (jnp.int32(0), jnp.int32(0)))

    T = ((cur + 2 * GB - 1) // (2 * GB)) * (2 * GB)

    def padk(k, carry2):
        off = k * L
        vv = sw_v[pl.ds(off, L)]
        sw_v[pl.ds(off, L)] = jnp.where(off + lanes < cur, vv, BR)
        return carry2
    lax.fori_loop(0, SCAP // L, padk, 0)
    pltpu.sync_copy(sw_v,
                    spill.at[pl.ds(pl.multiple_of(hbase + hcur, 32), SCAP)])
    tt_v[pl.ds(0, L)] = jnp.full((L,), hcur + T, jnp.int32)
    pltpu.sync_copy(tt_v, ttab.at[pl.ds(b * L, L)])


@jax.jit
def _agg_build(src, dst):
    mesh = plsc.VectorSubcoreMesh(core_axis_name="c", subcore_axis_name="s",
                                  num_cores=NC, num_subcores=NS)
    return pl.kernel(
        _build_body,
        out_type=[jax.ShapeDtypeStruct((NW * HCAP,), jnp.int32),
                  jax.ShapeDtypeStruct((NW * L,), jnp.int32)],
        mesh=mesh,
        scratch_types=[
            pltpu.VMEM((CE,), jnp.int32),
            pltpu.VMEM((CE,), jnp.int32),
            pltpu.VMEM((CE,), jnp.int32),
            pltpu.VMEM((CE,), jnp.int32),
            pltpu.VMEM((SCAP,), jnp.int32),
            pltpu.VMEM((L,), jnp.int32),
            pltpu.SemaphoreType.DMA,
            pltpu.SemaphoreType.DMA,
            pltpu.SemaphoreType.DMA,
            pltpu.SemaphoreType.DMA,
        ],
        compiler_params=pltpu.CompilerParams(needs_layout_passes=False),
    )(src, dst)


def _drain_body(table, spill, ttab, out_s, out_c,
                acc, accc, wbig, tt_v, gi0, gi1, ldb0, ldb1, rows0, rows1,
                semG0, semG1):
    c = lax.axis_index("c")
    s = lax.axis_index("s")
    b = c * NS + s
    hbase = b * HCAP
    zero16 = jnp.zeros((L,), jnp.float32)
    one16 = jnp.ones((L,), jnp.float32)

    def zr(r, carry):
        acc[pl.ds(r * L, L)] = zero16
        return carry
    lax.fori_loop(0, (ACC_R * D) // L, zr, 0)

    def zc(r, carry):
        accc[pl.ds(r * L, L)] = zero16
        return carry
    lax.fori_loop(0, ACC_R, zc, 0)

    pltpu.sync_copy(ttab.at[pl.ds(b * L, L)], tt_v)
    TT = tt_v[pl.ds(0, L)][0]

    def issue(j, gi, ldb, rows, sem):
        woff = (j % (WBIG // GB)) * GB
        for q in range(GB // L):
            wv = wbig[pl.ds(woff + q * L, L)]
            gi[pl.ds(q * L, L)] = wv >> 9
            ldb[pl.ds(q * L, L)] = wv & 511
        pltpu.async_copy(table.at[gi], rows, sem)

    def accum(gi, ldb, rows, sem):
        pltpu.make_async_copy(table.at[gi], rows, sem).wait()
        for q in range(GB // L):
            ldv = ldb[pl.ds(q * L, L)]
            for lq in range(L):
                l = q * L + lq
                ld = ldv[lq]
                rbase = ld * D
                vals = [rows[l, pl.ds(j2 * L, L)] for j2 in range(D // L)]
                for j2 in range(D // L):
                    plsc.addupdate(acc.at[pl.ds(rbase + j2 * L, L)],
                                   vals[j2])
                plsc.addupdate(accc.at[pl.ds(ld * L, L)], one16)

    def load_sb(j):
        pltpu.sync_copy(
            spill.at[pl.ds(pl.multiple_of(
                hbase + (j // (WBIG // GB)) * WBIG, WBIG), WBIG)],
            wbig)

    nb = TT // GB

    @pl.when(nb > 0)
    def _():
        load_sb(0)
        issue(0, gi0, ldb0, rows0, semG0)
        issue(1, gi1, ldb1, rows1, semG1)

    def pairb(u, carry):
        j0 = u * 2
        accum(gi0, ldb0, rows0, semG0)

        @pl.when(j0 + 2 < nb)
        def _():
            @pl.when(((j0 + 2) % (WBIG // GB)) == 0)
            def _():
                load_sb(j0 + 2)
            issue(j0 + 2, gi0, ldb0, rows0, semG0)

        accum(gi1, ldb1, rows1, semG1)

        @pl.when(j0 + 3 < nb)
        def _():
            issue(j0 + 3, gi1, ldb1, rows1, semG1)

        return carry

    lax.fori_loop(0, nb // 2, pairb, 0)

    pltpu.sync_copy(acc.at[pl.ds(0, BR * D)],
                    out_s.at[pl.ds(b * BR * D, BR * D)])
    pltpu.sync_copy(accc.at[pl.ds(0, BR * L)],
                    out_c.at[pl.ds(b * BR * L, BR * L)])


@jax.jit
def _agg_drain(table, spill, ttab):
    mesh = plsc.VectorSubcoreMesh(core_axis_name="c", subcore_axis_name="s",
                                  num_cores=NC, num_subcores=NS)
    return pl.kernel(
        _drain_body,
        out_type=[jax.ShapeDtypeStruct((NOUT * D,), jnp.float32),
                  jax.ShapeDtypeStruct((NOUT * L,), jnp.float32)],
        mesh=mesh,
        scratch_types=[
            pltpu.VMEM((ACC_R * D,), jnp.float32),
            pltpu.VMEM((ACC_R * L,), jnp.float32),
            pltpu.VMEM((WBIG,), jnp.int32),
            pltpu.VMEM((L,), jnp.int32),
            pltpu.VMEM((GB,), jnp.int32),
            pltpu.VMEM((GB,), jnp.int32),
            pltpu.VMEM((GB,), jnp.int32),
            pltpu.VMEM((GB,), jnp.int32),
            pltpu.VMEM((GB, D), jnp.float32),
            pltpu.VMEM((GB, D), jnp.float32),
            pltpu.SemaphoreType.DMA,
            pltpu.SemaphoreType.DMA,
        ],
        compiler_params=pltpu.CompilerParams(needs_layout_passes=False),
    )(table, spill, ttab)


BM = 1000


def _mm_body(sr, cr, srb, crb, w1r, b1r, w1rb, b1rb, w2r, b2r, w2rb, b2rb,
             wh2u, wh2i):
    cnt_r = cr[...][:, :1]
    cnt_rb = crb[...][:, :1]
    m_r = sr[...] / jnp.maximum(cnt_r, 1.0)
    m_rb = srb[...] / jnp.maximum(cnt_rb, 1.0)
    h_item1 = (jnp.dot(m_r, w1r[...], preferred_element_type=jnp.float32)
               + jnp.where(cnt_r > 0.0, 1.0, 0.0) * b1r[...])
    h_user1 = (jnp.dot(m_rb, w1rb[...], preferred_element_type=jnp.float32)
               + jnp.where(cnt_rb > 0.0, 1.0, 0.0) * b1rb[...])
    wh2u[...] = jnp.dot(h_user1, w2r[...],
                        preferred_element_type=jnp.float32) + b2r[...]
    wh2i[...] = jnp.dot(h_item1, w2rb[...],
                        preferred_element_type=jnp.float32) + b2rb[...]


@jax.jit
def _mm(S_r, C_r, S_rb, C_rb, w1r, b1r, w1rb, b1rb, w2r, b2r, w2rb, b2rb):
    grid = N_NODE // BM
    blk = lambda w: pl.BlockSpec(w, lambda i: (0, 0))
    row = lambda w: pl.BlockSpec((BM, w), lambda i: (i, 0))
    return pl.pallas_call(
        _mm_body,
        grid=(grid,),
        in_specs=[row(D), row(L), row(D), row(L),
                  blk((D, HID)), blk((1, HID)), blk((D, HID)), blk((1, HID)),
                  blk((HID, D)), blk((1, D)), blk((HID, D)), blk((1, D))],
        out_specs=[row(D), row(D)],
        out_shape=[jax.ShapeDtypeStruct((N_NODE, D), jnp.float32),
                   jax.ShapeDtypeStruct((N_NODE, D), jnp.float32)],
    )(S_r, C_r, S_rb, C_rb, w1r, b1r, w1rb, b1rb, w2r, b2r, w2rb, b2rb)


def _div_body(s2r, cr, s2rb, crb, h_item, h_user):
    h_item[...] = s2r[...] / jnp.maximum(cr[...][:, :1], 1.0)
    h_user[...] = s2rb[...] / jnp.maximum(crb[...][:, :1], 1.0)


@jax.jit
def _div(S2_r, C_r, S2_rb, C_rb):
    grid = N_NODE // BM
    row = lambda w: pl.BlockSpec((BM, w), lambda i: (i, 0))
    return pl.pallas_call(
        _div_body,
        grid=(grid,),
        in_specs=[row(D), row(L), row(D), row(L)],
        out_specs=[row(D), row(D)],
        out_shape=[jax.ShapeDtypeStruct((N_NODE, D), jnp.float32),
                   jax.ShapeDtypeStruct((N_NODE, D), jnp.float32)],
    )(S2_r, C_r, S2_rb, C_rb)


def kernel(edge_index_rates, edge_index_ratedby, emb_user, emb_item,
           W1_rates, b1_rates, W1_ratedby, b1_ratedby,
           W2_rates, b2_rates, W2_ratedby, b2_ratedby):
    src_r = edge_index_rates[0]
    dst_r = edge_index_rates[1]
    src_rb = edge_index_ratedby[0]
    dst_rb = edge_index_ratedby[1]

    sp_r, tt_r = _agg_build(src_r, dst_r)
    sp_rb, tt_rb = _agg_build(src_rb, dst_rb)

    S_r, C_r = _agg_drain(emb_user, sp_r, tt_r)
    S_rb, C_rb = _agg_drain(emb_item, sp_rb, tt_rb)
    S_r = S_r.reshape(NOUT, D)
    C_r = C_r.reshape(NOUT, L)
    S_rb = S_rb.reshape(NOUT, D)
    C_rb = C_rb.reshape(NOUT, L)

    Wh2u, Wh2i = _mm(S_r, C_r, S_rb, C_rb,
                     W1_rates, b1_rates.reshape(1, HID),
                     W1_ratedby, b1_ratedby.reshape(1, HID),
                     W2_rates, b2_rates.reshape(1, D),
                     W2_ratedby, b2_ratedby.reshape(1, D))

    S2_r, _ = _agg_drain(Wh2u, sp_r, tt_r)
    S2_rb, _ = _agg_drain(Wh2i, sp_rb, tt_rb)
    S2_r = S2_r.reshape(NOUT, D)
    S2_rb = S2_rb.reshape(NOUT, D)

    h_item2, h_user2 = _div(S2_r, C_r, S2_rb, C_rb)
    return (h_user2, h_item2)

# --- scband reference (transcript-rebuilt; emitter-appended) ---
"""Pipeline reference for scband-hetero-gcnnet-21225728377248 (READ-ONLY COPY).

The authoritative reference and input builder live on the scoring server;
editing this copy changes nothing except your own understanding.
"""

import jax, jax.numpy as jnp
import numpy as np

N_USER = 10000
N_ITEM = 10000
E = 160000
IN_SIZE = 256
HIDDEN = 512
OUT_SIZE = 256

def _xavier(key, shape):
    limit = float(np.sqrt(6.0 / (shape[0] + shape[1])))
    return jax.random.uniform(key, shape, minval=-limit, maxval=limit, dtype=jnp.float32)

def setup_inputs(seed: int = 0):
    key = jax.random.key(seed)
    ks = jax.random.split(key, 16)
    inp = {}
    inp["edge_index_rates"] = jnp.stack([
        jax.random.randint(ks[0], (E,), 0, N_USER),
        jax.random.randint(ks[1], (E,), 0, N_ITEM)])
    inp["edge_index_ratedby"] = jnp.stack([
        jax.random.randint(ks[2], (E,), 0, N_ITEM),
        jax.random.randint(ks[3], (E,), 0, N_USER)])
    inp["emb_user"] = _xavier(ks[4], (N_USER, IN_SIZE))
    inp["emb_item"] = _xavier(ks[5], (N_ITEM, IN_SIZE))
    inp["W1_rates"] = _xavier(ks[6], (IN_SIZE, HIDDEN))
    inp["b1_rates"] = jnp.zeros((HIDDEN,), jnp.float32)
    inp["W1_ratedby"] = _xavier(ks[7], (IN_SIZE, HIDDEN))
    inp["b1_ratedby"] = jnp.zeros((HIDDEN,), jnp.float32)
    inp["W2_rates"] = _xavier(ks[8], (HIDDEN, OUT_SIZE))
    inp["b2_rates"] = jnp.zeros((OUT_SIZE,), jnp.float32)
    inp["W2_ratedby"] = _xavier(ks[9], (HIDDEN, OUT_SIZE))
    inp["b2_ratedby"] = jnp.zeros((OUT_SIZE,), jnp.float32)
    return inp

def _mean_aggregate(Wh_src, src, dst, num_dst):
    msg = Wh_src[src]
    s = jax.ops.segment_sum(msg, dst, num_segments=num_dst)
    cnt = jax.ops.segment_sum(jnp.ones((msg.shape[0],), jnp.float32), dst, num_segments=num_dst)
    return s / jnp.maximum(cnt, 1.0)[:, None]

def _hetero_layer(x_user, x_item, Wr, br, Wrb, brb, ei_r, ei_rb):
    # etype 'rates': user -> item, copy_u(Wh) then mean at dst items
    Wh_user = x_user @ Wr + br
    h_item = _mean_aggregate(Wh_user, ei_r[0], ei_r[1], x_item.shape[0])
    # etype 'rated-by': item -> user
    Wh_item = x_item @ Wrb + brb
    h_user = _mean_aggregate(Wh_item, ei_rb[0], ei_rb[1], x_user.shape[0])
    # multi_update_all cross-etype 'sum': one etype per dst ntype, so identity
    return h_user, h_item

def reference(edge_index_rates, edge_index_ratedby, emb_user, emb_item, W1_rates, b1_rates, W1_ratedby, b1_ratedby, W2_rates, b2_rates, W2_ratedby, b2_ratedby):
    h_user, h_item = _hetero_layer(emb_user, emb_item, W1_rates, b1_rates, W1_ratedby, b1_ratedby, edge_index_rates, edge_index_ratedby)
    h_user, h_item = _hetero_layer(h_user, h_item, W2_rates, b2_rates, W2_ratedby, b2_ratedby, edge_index_rates, edge_index_ratedby)
    return (h_user, h_item)

if __name__ == "__main__":
    import jax
    _d = setup_inputs()
    print(jax.jit(kernel)(*tuple(_d.values())))

</pallas_src>

<mosaic_0001>
#map = affine_map<(d0, d1) -> (0)>
module attributes {stable_mosaic.version = 14 : i64} {
  func.func @_build_body(%arg0: i32, %arg1: i32, %arg2: memref<160000xi32, #tpu.memory_space<hbm>>, %arg3: memref<160000xi32, #tpu.memory_space<hbm>>, %arg4: memref<5144576xi32, #tpu.memory_space<hbm>>, %arg5: memref<512xi32, #tpu.memory_space<hbm>>, %arg6: memref<640xi32, #tpu.memory_space<vmem>>, %arg7: memref<640xi32, #tpu.memory_space<vmem>>, %arg8: memref<640xi32, #tpu.memory_space<vmem>>, %arg9: memref<640xi32, #tpu.memory_space<vmem>>, %arg10: memref<1312xi32, #tpu.memory_space<vmem>>, %arg11: memref<16xi32, #tpu.memory_space<vmem>>, %arg12: memref<!tpu.dma_semaphore, #tpu.memory_space<semaphore_mem>>, %arg13: memref<!tpu.dma_semaphore, #tpu.memory_space<semaphore_mem>>, %arg14: memref<!tpu.dma_semaphore, #tpu.memory_space<semaphore_mem>>, %arg15: memref<!tpu.dma_semaphore, #tpu.memory_space<semaphore_mem>>) attributes {dimension_semantics = [#tpu.dimension_semantics<core_parallel>, #tpu.dimension_semantics<subcore_parallel>], iteration_bounds = array<i64: 2, 16>, scalar_prefetch = 0 : i64, scratch_operands = 10 : i64, tpu.core_type = #tpu.core_type<sc_vector_subcore>, window_params = [{transform_indices = #map}, {transform_indices = #map}, {transform_indices = #map}, {transform_indices = #map}]} {
    %mul3A = arith.constant 16 : i32
    %mul3A_0 = arith.muli %arg0, %mul3A : i32
    %add3A = arith.addi %mul3A_0, %arg1 : i32
    %mul3A_1 = arith.constant 320 : i32
    %mul3A_2 = arith.muli %add3A, %mul3A_1 : i32
    %mul3A_3 = arith.constant 160768 : i32
    %mul3A_4 = arith.muli %add3A, %mul3A_3 : i32
    %iota3A = tpu.iota {dimensions = array<i32: 0>} : vector<16xi32>
    %dma_start3A = arith.constant 0 : i32
    %dma_start3A_5 = tpu.memref_slice %arg2[%dma_start3A] : memref<160000xi32, #tpu.memory_space<hbm>> -> memref<640xi32, #tpu.memory_space<hbm>>
    %dma_start3A_6 = arith.constant 0 : i32
    %dma_start3A_7 = tpu.memref_slice %arg2[%dma_start3A_6] : memref<160000xi32, #tpu.memory_space<hbm>> -> memref<640xi32, #tpu.memory_space<hbm>>
    tpu.enqueue_dma source(%dma_start3A_7 : memref<640xi32, #tpu.memory_space<hbm>>) target(%arg6 : memref<640xi32, #tpu.memory_space<vmem>>) target_semaphore(%arg12 : memref<!tpu.dma_semaphore, #tpu.memory_space<semaphore_mem>>)
    %dma_start3A_8 = arith.constant 0 : i32
    %dma_start3A_9 = tpu.memref_slice %arg3[%dma_start3A_8] : memref<160000xi32, #tpu.memory_space<hbm>> -> memref<640xi32, #tpu.memory_space<hbm>>
    %dma_start3A_10 = arith.constant 0 : i32
    %dma_start3A_11 = tpu.memref_slice %arg3[%dma_start3A_10] : memref<160000xi32, #tpu.memory_space<hbm>> -> memref<640xi32, #tpu.memory_space<hbm>>
    tpu.enqueue_dma source(%dma_start3A_11 : memref<640xi32, #tpu.memory_space<hbm>>) target(%arg7 : memref<640xi32, #tpu.memory_space<vmem>>) target_semaphore(%arg13 : memref<!tpu.dma_semaphore, #tpu.memory_space<semaphore_mem>>)
    %dma_start3A_12 = arith.constant 640 : i32
    %dma_start3A_13 = tpu.memref_slice %arg2[%dma_start3A_12] : memref<160000xi32, #tpu.memory_space<hbm>> -> memref<640xi32, #tpu.memory_space<hbm>>
    %dma_start3A_14 = arith.constant 640 : i32
    %dma_start3A_15 = tpu.memref_slice %arg2[%dma_start3A_14] : memref<160000xi32, #tpu.memory_space<hbm>> -> memref<640xi32, #tpu.memory_space<hbm>>
    tpu.enqueue_dma source(%dma_start3A_15 : memref<640xi32, #tpu.memory_space<hbm>>) target(%arg8 : memref<640xi32, #tpu.memory_space<vmem>>) target_semaphore(%arg14 : memref<!tpu.dma_semaphore, #tpu.memory_space<semaphore_mem>>)
    %dma_start3A_16 = arith.constant 640 : i32
    %dma_start3A_17 = tpu.memref_slice %arg3[%dma_start3A_16] : memref<160000xi32, #tpu.memory_space<hbm>> -> memref<640xi32, #tpu.memory_space<hbm>>
    %dma_start3A_18 = arith.constant 640 : i32
    %dma_start3A_19 = tpu.memref_slice %arg3[%dma_start3A_18] : memref<160000xi32, #tpu.memory_space<hbm>> -> memref<640xi32, #tpu.memory_space<hbm>>
    tpu.enqueue_dma source(%dma_start3A_19 : memref<640xi32, #tpu.memory_space<hbm>>) target(%arg9 : memref<640xi32, #tpu.memory_space<vmem>>) target_semaphore(%arg15 : memref<!tpu.dma_semaphore, #tpu.memory_space<semaphore_mem>>)
    %scan3A = arith.constant 0 : i32
    %scan3A_20 = arith.constant 0 : i32
    %scan3A_21 = arith.constant 0 : i32
    %scan3A_22 = arith.constant 125 : i32
    %scan3A_23 = arith.addi %scan3A_21, %scan3A_22 : i32
    %scan3A_24 = arith.constant 1 : i32
    %scan3A_25:2 = scf.for %scan3A_60 = %scan3A_21 to %scan3A_23 step %scan3A_24 iter_args(%scan3A_61 = %scan3A, %scan3A_62 = %scan3A_20) -> (i32, i32)  : i32 {
      %dma_wait3A = arith.constant 0 : i32
      %dma_wait3A_63 = tpu.memref_slice %arg2[%dma_wait3A] : memref<160000xi32, #tpu.memory_space<hbm>> -> memref<640xi32, #tpu.memory_space<hbm>>
      %dma_wait3A_64 = arith.constant 0 : i32
      %dma_wait3A_65 = tpu.memref_slice %arg2[%dma_wait3A_64] : memref<160000xi32, #tpu.memory_space<hbm>> -> memref<640xi32, #tpu.memory_space<hbm>>
      tpu.wait_dma2 semaphore(%arg12 : memref<!tpu.dma_semaphore, #tpu.memory_space<semaphore_mem>>) src(%dma_wait3A_65 : memref<640xi32, #tpu.memory_space<hbm>>) dst(%arg6 : memref<640xi32, #tpu.memory_space<vmem>>)
      %dma_wait3A_66 = arith.constant 0 : i32
      %dma_wait3A_67 = tpu.memref_slice %arg3[%dma_wait3A_66] : memref<160000xi32, #tpu.memory_space<hbm>> -> memref<640xi32, #tpu.memory_space<hbm>>
      %dma_wait3A_68 = arith.constant 0 : i32
      %dma_wait3A_69 = tpu.memref_slice %arg3[%dma_wait3A_68] : memref<160000xi32, #tpu.memory_space<hbm>> -> memref<640xi32, #tpu.memory_space<hbm>>
      tpu.wait_dma2 semaphore(%arg13 : memref<!tpu.dma_semaphore, #tpu.memory_space<semaphore_mem>>) src(%dma_wait3A_69 : memref<640xi32, #tpu.memory_space<hbm>>) dst(%arg7 : memref<640xi32, #tpu.memory_space<vmem>>)
      %get3A = arith.constant 0 : index
      %get3A_70 = tpu.vector_load %arg7[%get3A] {strides = array<i32>} : memref<640xi32, #tpu.memory_space<vmem>>, vector<16xi32>,
      %get3A_71 = arith.constant 0 : index
      %get3A_72 = tpu.vector_load %arg6[%get3A_71] {strides = array<i32>} : memref<640xi32, #tpu.memory_space<vmem>>, vector<16xi32>,
      %get3A_73 = arith.constant 16 : index
      %get3A_74 = tpu.vector_load %arg7[%get3A_73] {strides = array<i32>} : memref<640xi32, #tpu.memory_space<vmem>>, vector<16xi32>,
      %get3A_75 = arith.constant 16 : index
      %get3A_76 = tpu.vector_load %arg6[%get3A_75] {strides = array<i32>} : memref<640xi32, #tpu.memory_space<vmem>>, vector<16xi32>,
      %ge3A = vector.broadcast %mul3A_2 : i32 to vector<16xi32>
      %ge3A_77 = arith.cmpi sge, %get3A_70, %ge3A : vector<16xi32>
      %add3A_78 = arith.constant 320 : i32
      %add3A_79 = arith.addi %mul3A_2, %add3A_78 : i32
      %lt3A = vector.broadcast %add3A_79 : i32 to vector<16xi32>
      %lt3A_80 = arith.cmpi slt, %get3A_70, %lt3A : vector<16xi32>
      %and3A_81 = arith.andi %ge3A_77, %lt3A_80 : vector<16xi1>
      %ge3A_82 = vector.broadcast %mul3A_2 : i32 to vector<16xi32>
      %ge3A_83 = arith.cmpi sge, %get3A_74, %ge3A_82 : vector<16xi32>
      %add3A_84 = arith.constant 320 : i32
      %add3A_85 = arith.addi %mul3A_2, %add3A_84 : i32
      %lt3A_86 = vector.broadcast %add3A_85 : i32 to vector<16xi32>
      %lt3A_87 = arith.cmpi slt, %get3A_74, %lt3A_86 : vector<16xi32>
      %and3A_88 = arith.andi %ge3A_83, %lt3A_87 : vector<16xi1>
      %shift_left3A = arith.constant 9 : i32
      %shift_left3A_89 = vector.broadcast %shift_left3A : i32 to vector<16xi32>
      %shift_left3A_90 = arith.shli %get3A_72, %shift_left3A_89 : vector<16xi32>
      %sub3A_91 = vector.broadcast %mul3A_2 : i32 to vector<16xi32>
      %sub3A_92 = arith.subi %get3A_70, %sub3A_91 : vector<16xi32>
      %or3A = arith.ori %shift_left3A_90, %sub3A_92 : vector<16xi32>
      %shift_left3A_93 = arith.constant 9 : i32
      %shift_left3A_94 = vector.broadcast %shift_left3A_93 : i32 to vector<16xi32>
      %shift_left3A_95 = arith.shli %get3A_76, %shift_left3A_94 : vector<16xi32>
      %sub3A_96 = vector.broadcast %mul3A_2 : i32 to vector<16xi32>
      %sub3A_97 = arith.subi %get3A_74, %sub3A_96 : vector<16xi32>
      %or3A_98 = arith.ori %shift_left3A_95, %sub3A_97 : vector<16xi32>
      %add3A_99 = arith.constant 16 : i32
      %add3A_100 = vector.broadcast %add3A_99 : i32 to vector<16xi32>
      %add3A_101 = arith.addi %iota3A, %add3A_100 : vector<16xi32>
      %select_n3A_102 = arith.select %and3A_81, %iota3A, %add3A_101 : vector<16xi1>, vector<16xi32>
      %add3A_103 = arith.constant 16 : i32
      %add3A_104 = vector.broadcast %add3A_103 : i32 to vector<16xi32>
      %add3A_105 = arith.addi %iota3A, %add3A_104 : vector<16xi32>
      %select_n3A_106 = arith.select %and3A_88, %iota3A, %add3A_105 : vector<16xi1>, vector<16xi32>
      %masked_sort3A = arith.constant dense<true> : vector<16xi1>
      %masked_sort3A_107 = arith.constant -2147483648 : i32
      %masked_sort3A_108 = vector.broadcast %masked_sort3A_107 : i32 to vector<16xi32>
      %masked_sort3A_109 = arith.xori %select_n3A_102, %masked_sort3A_108 : vector<16xi32>
      %masked_sort3A_110, %masked_sort3A_111, %masked_sort3A_112 = tpu.sort %masked_sort3A_109, %or3A masked %masked_sort3A : (vector<16xi32>, vector<16xi32>, vector<16xi1>) -> (vector<16xi1>, vector<16xi32>, vector<16xi32>)
      %masked_sort3A_113 = arith.xori %masked_sort3A_111, %masked_sort3A_108 : vector<16xi32>
      %masked_sort3A_114 = arith.constant dense<true> : vector<16xi1>
      %masked_sort3A_115 = arith.constant -2147483648 : i32
      %masked_sort3A_116 = vector.broadcast %masked_sort3A_115 : i32 to vector<16xi32>
      %masked_sort3A_117 = arith.xori %select_n3A_106, %masked_sort3A_116 : vector<16xi32>
      %masked_sort3A_118, %masked_sort3A_119, %masked_sort3A_120 = tpu.sort %masked_sort3A_117, %or3A_98 masked %masked_sort3A_114 : (vector<16xi32>, vector<16xi32>, vector<16xi1>) -> (vector<16xi1>, vector<16xi32>, vector<16xi32>)
      %masked_sort3A_121 = arith.xori %masked_sort3A_119, %masked_sort3A_116 : vector<16xi32>
      %all_reduce_population_count3A = tpu.all_reduce %and3A_81 {dim = 0 : i64, kind = #tpu.reduction_kind<sum>} : vector<16xi1> -> vector<16xi32>
      %slice3A = vector.extract_strided_slice %all_reduce_population_count3A {offsets = [0], sizes = [1], strides = [1]} : vector<16xi32> to vector<1xi32>
      %squeeze3A = vector.extract %slice3A[0] : i32 from vector<1xi32>
      %all_reduce_population_count3A_122 = tpu.all_reduce %and3A_88 {dim = 0 : i64, kind = #tpu.reduction_kind<sum>} : vector<16xi1> -> vector<16xi32>
      %slice3A_123 = vector.extract_strided_slice %all_reduce_population_count3A_122 {offsets = [0], sizes = [1], strides = [1]} : vector<16xi32> to vector<1xi32>
      %squeeze3A_124 = vector.extract %slice3A_123[0] : i32 from vector<1xi32>
      %swap3A_125 = arith.index_cast %scan3A_61 : i32 to index
      %swap3A_126 = tpu.vector_load %arg10[%swap3A_125] {strides = array<i32>} : memref<1312xi32, #tpu.memory_space<vmem>>, vector<16xi32>,
      tpu.vector_store %arg10[%swap3A_125], %masked_sort3A_112 {strides = array<i32>} : memref<1312xi32, #tpu.memory_space<vmem>>, vector<16xi32>,
      %add3A_127 = arith.addi %scan3A_61, %squeeze3A : i32
      %swap3A_128 = arith.index_cast %add3A_127 : i32 to index
      %swap3A_129 = tpu.vector_load %arg10[%swap3A_128] {strides = array<i32>} : memref<1312xi32, #tpu.memory_space<vmem>>, vector<16xi32>,
      tpu.vector_store %arg10[%swap3A_128], %masked_sort3A_120 {strides = array<i32>} : memref<1312xi32, #tpu.memory_space<vmem>>, vector<16xi32>,
      %add3A_130 = arith.addi %scan3A_61, %squeeze3A : i32
      %add3A_131 = arith.addi %add3A_130, %squeeze3A_124 : i32
      %get3A_132 = arith.constant 32 : index
      %get3A_133 = tpu.vector_load %arg7[%get3A_132] {strides = array<i32>} : memref<640xi32, #tpu.memory_space<vmem>>, vector<16xi32>,
      %get3A_134 = arith.constant 32 : index
      %get3A_135 = tpu.vector_load %arg6[%get3A_134] {strides = array<i32>} : memref<640xi32, #tpu.memory_space<vmem>>, vector<16xi32>,
      %get3A_136 = arith.constant 48 : index
      %get3A_137 = tpu.vector_load %arg7[%get3A_136] {strides = array<i32>} : memref<640xi32, #tpu.memory_space<vmem>>, vector<16xi32>,
      %get3A_138 = arith.constant 48 : index
      %get3A_139 = tpu.vector_load %arg6[%get3A_138] {strides = array<i32>} : memref<640xi32, #tpu.memory_space<vmem>>, vector<16xi32>,
      %ge3A_140 = vector.broadcast %mul3A_2 : i32 to vector<16xi32>
      %ge3A_141 = arith.cmpi sge, %get3A_133, %ge3A_140 : vector<16xi32>
      %add3A_142 = arith.constant 320 : i32
      %add3A_143 = arith.addi %mul3A_2, %add3A_142 : i32
      %lt3A_144 = vector.broadcast %add3A_143 : i32 to vector<16xi32>
      %lt3A_145 = arith.cmpi slt, %get3A_133, %lt3A_144 : vector<16xi32>
      %and3A_146 = arith.andi %ge3A_141, %lt3A_145 : vector<16xi1>
      %ge3A_147 = vector.broadcast %mul3A_2 : i32 to vector<16xi32>
      %ge3A_148 = arith.cmpi sge, %get3A_137, %ge3A_147 : vector<16xi32>
      %add3A_149 = arith.constant 320 : i32
      %add3A_150 = arith.addi %mul3A_2, %add3A_149 : i32
      %lt3A_151 = vector.broadcast %add3A_150 : i32 to vector<16xi32>
      %lt3A_152 = arith.cmpi slt, %get3A_137, %lt3A_151 : vector<16xi32>
      %and3A_153 = arith.andi %ge3A_148, %lt3A_152 : vector<16xi1>
      %shift_left3A_154 = arith.constant 9 : i32
      %shift_left3A_155 = vector.broadcast %shift_left3A_154 : i32 to vector<16xi32>
      %shift_left3A_156 = arith.shli %get3A_135, %shift_left3A_155 : vector<16xi32>
      %sub3A_157 = vector.broadcast %mul3A_2 : i32 to vector<16xi32>
      %sub3A_158 = arith.subi %get3A_133, %sub3A_157 : vector<16xi32>
      %or3A_159 = arith.ori %shift_left3A_156, %sub3A_158 : vector<16xi32>
      %shift_left3A_160 = arith.constant 9 : i32
      %shift_left3A_161 = vector.broadcast %shift_left3A_160 : i32 to vector<16xi32>
      %shift_left3A_162 = arith.shli %get3A_139, %shift_left3A_161 : vector<16xi32>
      %sub3A_163 = vector.broadcast %mul3A_2 : i32 to vector<16xi32>
      %sub3A_164 = arith.subi %get3A_137, %sub3A_163 : vector<16xi32>
      %or3A_165 = arith.ori %shift_left3A_162, %sub3A_164 : vector<16xi32>
      %add3A_166 = arith.constant 16 : i32
      %add3A_167 = vector.broadcast %add3A_166 : i32 to vector<16xi32>
      %add3A_168 = arith.addi %iota3A, %add3A_167 : vector<16xi32>
      %select_n3A_169 = arith.select %and3A_146, %iota3A, %add3A_168 : vector<16xi1>, vector<16xi32>
      %add3A_170 = arith.constant 16 : i32
      %add3A_171 = vector.broadcast %add3A_170 : i32 to vector<16xi32>
      %add3A_172 = arith.addi %iota3A, %add3A_171 : vector<16xi32>
      %select_n3A_173 = arith.select %and3A_153, %iota3A, %add3A_172 : vector<16xi1>, vector<16xi32>
      %masked_sort3A_174 = arith.constant dense<true> : vector<16xi1>
      %masked_sort3A_175 = arith.constant -2147483648 : i32
      %masked_sort3A_176 = vector.broadcast %masked_sort3A_175 : i32 to vector<16xi32>
      %masked_sort3A_177 = arith.xori %select_n3A_169, %masked_sort3A_176 : vector<16xi32>
      %masked_sort3A_178, %masked_sort3A_179, %masked_sort3A_180 = tpu.sort %masked_sort3A_177, %or3A_159 masked %masked_sort3A_174 : (vector<16xi32>, vector<16xi32>, vector<16xi1>) -> (vector<16xi1>, vector<16xi32>, vector<16xi32>)
      %masked_sort3A_181 = arith.xori %masked_sort3A_179, %masked_sort3A_176 : vector<16xi32>
      %masked_sort3A_182 = arith.constant dense<true> : vector<16xi1>
      %masked_sort3A_183 = arith.constant -2147483648 : i32
      %masked_sort3A_184 = vector.broadcast %masked_sort3A_183 : i32 to vector<16xi32>
      %masked_sort3A_185 = arith.xori %select_n3A_173, %masked_sort3A_184 : vector<16xi32>
      %masked_sort3A_186, %masked_sort3A_187, %masked_sort3A_188 = tpu.sort %masked_sort3A_185, %or3A_165 masked %masked_sort3A_182 : (vector<16xi32>, vector<16xi32>, vector<16xi1>) -> (vector<16xi1>, vector<16xi32>, vector<16xi32>)
      %masked_sort3A_189 = arith.xori %masked_sort3A_187, %masked_sort3A_184 : vector<16xi32>
      %all_reduce_population_count3A_190 = tpu.all_reduce %and3A_146 {dim = 0 : i64, kind = #tpu.reduction_kind<sum>} : vector<16xi1> -> vector<16xi32>
      %slice3A_191 = vector.extract_strided_slice %all_reduce_population_count3A_190 {offsets = [0], sizes = [1], strides = [1]} : vector<16xi32> to vector<1xi32>
      %squeeze3A_192 = vector.extract %slice3A_191[0] : i32 from vector<1xi32>
      %all_reduce_population_count3A_193 = tpu.all_reduce %and3A_153 {dim = 0 : i64, kind = #tpu.reduction_kind<sum>} : vector<16xi1> -> vector<16xi32>
      %slice3A_194 = vector.extract_strided_slice %all_reduce_population_count3A_193 {offsets = [0], sizes = [1], strides = [1]} : vector<16xi32> to vector<1xi32>
      %squeeze3A_195 = vector.extract %slice3A_194[0] : i32 from vector<1xi32>
      %swap3A_196 = arith.index_cast %add3A_131 : i32 to index
      %swap3A_197 = tpu.vector_load %arg10[%swap3A_196] {strides = array<i32>} : memref<1312xi32, #tpu.memory_space<vmem>>, vector<16xi32>,
      tpu.vector_store %arg10[%swap3A_196], %masked_sort3A_180 {strides = array<i32>} : memref<1312xi32, #tpu.memory_space<vmem>>, vector<16xi32>,
      %add3A_198 = arith.addi %add3A_131, %squeeze3A_192 : i32
      %swap3A_199 = arith.index_cast %add3A_198 : i32 to index
      %swap3A_200 = tpu.vector_load %arg10[%swap3A_199] {strides = array<i32>} : memref<1312xi32, #tpu.memory_space<vmem>>, vector<16xi32>,
      tpu.vector_store %arg10[%swap3A_199], %masked_sort3A_188 {strides = array<i32>} : memref<1312xi32, #tpu.memory_space<vmem>>, vector<16xi32>,
      %add3A_201 = arith.addi %add3A_131, %squeeze3A_192 : i32
      %add3A_202 = arith.addi %add3A_201, %squeeze3A_195 : i32
      %get3A_203 = arith.constant 64 : index
      %get3A_204 = tpu.vector_load %arg7[%get3A_203] {strides = array<i32>} : memref<640xi32, #tpu.memory_space<vmem>>, vector<16xi32>,
      %get3A_205 = arith.constant 64 : index
      %get3A_206 = tpu.vector_load %arg6[%get3A_205] {strides = array<i32>} : memref<640xi32, #tpu.memory_space<vmem>>, vector<16xi32>,
      %get3A_207 = arith.constant 80 : index
      %get3A_208 = tpu.vector_load %arg7[%get3A_207] {strides = array<i32>} : memref<640xi32, #tpu.memory_space<vmem>>, vector<16xi32>,
      %get3A_209 = arith.constant 80 : index
      %get3A_210 = tpu.vector_load %arg6[%get3A_209] {strides = array<i32>} : memref<640xi32, #tpu.memory_space<vmem>>, vector<16xi32>,
      %ge3A_211 = vector.broadcast %mul3A_2 : i32 to vector<16xi32>
      %ge3A_212 = arith.cmpi sge, %get3A_204, %ge3A_211 : vector<16xi32>
      %add3A_213 = arith.constant 320 : i32
      %add3A_214 = arith.addi %mul3A_2, %add3A_213 : i32
      %lt3A_215 = vector.broadcast %add3A_214 : i32 to vector<16xi32>
      %lt3A_216 = arith.cmpi slt, %get3A_204, %lt3A_215 : vector<16xi32>
      %and3A_217 = arith.andi %ge3A_212, %lt3A_216 : vector<16xi1>
      %ge3A_218 = vector.broadcast %mul3A_2 : i32 to vector<16xi32>
      %ge3A_219 = arith.cmpi sge, %get3A_208, %ge3A_218 : vector<16xi32>
      %add3A_220 = arith.constant 320 : i32
      %add3A_221 = arith.addi %mul3A_2, %add3A_220 : i32
      %lt3A_222 = vector.broadcast %add3A_221 : i32 to vector<16xi32>
      %lt3A_223 = arith.cmpi slt, %get3A_208, %lt3A_222 : vector<16xi32>
      %and3A_224 = arith.andi %ge3A_219, %lt3A_223 : vector<16xi1>
      %shift_left3A_225 = arith.constant 9 : i32
      %shift_left3A_226 = vector.broadcast %shift_left3A_225 : i32 to vector<16xi32>
      %shift_left3A_227 = arith.shli %get3A_206, %shift_left3A_226 : vector<16xi32>
      %sub3A_228 = vector.broadcast %mul3A_2 : i32 to vector<16xi32>
      %sub3A_229 = arith.subi %get3A_204, %sub3A_228 : vector<16xi32>
      %or3A_230 = arith.ori %shift_left3A_227, %sub3A_229 : vector<16xi32>
      %shift_left3A_231 = arith.constant 9 : i32
      %shift_left3A_232 = vector.broadcast %shift_left3A_231 : i32 to vector<16xi32>
      %shift_left3A_233 = arith.shli %get3A_210, %shift_left3A_232 : vector<16xi32>
      %sub3A_234 = vector.broadcast %mul3A_2 : i32 to vector<16xi32>
      %sub3A_235 = arith.subi %get3A_208, %sub3A_234 : vector<16xi32>
      %or3A_236 = arith.ori %shift_left3A_233, %sub3A_235 : vector<16xi32>
      %add3A_237 = arith.constant 16 : i32
      %add3A_238 = vector.broadcast %add3A_237 : i32 to vector<16xi32>
      %add3A_239 = arith.addi %iota3A, %add3A_238 : vector<16xi32>
      %select_n3A_240 = arith.select %and3A_217, %iota3A, %add3A_239 : vector<16xi1>, vector<16xi32>
      %add3A_241 = arith.constant 16 : i32
      %add3A_242 = vector.broadcast %add3A_241 : i32 to vector<16xi32>
      %add3A_243 = arith.addi %iota3A, %add3A_242 : vector<16xi32>
      %select_n3A_244 = arith.select %and3A_224, %iota3A, %add3A_243 : vector<16xi1>, vector<16xi32>
      %masked_sort3A_245 = arith.constant dense<true> : vector<16xi1>
      %masked_sort3A_246 = arith.constant -2147483648 : i32
      %masked_sort3A_247 = vector.broadcast %masked_sort3A_246 : i32 to vector<16xi32>
      %masked_sort3A_248 = arith.xori %select_n3A_240, %masked_sort3A_247 : vector<16xi32>
      %masked_sort3A_249, %masked_sort3A_250, %masked_sort3A_251 = tpu.sort %masked_sort3A_248, %or3A_230 masked %masked_sort3A_245 : (vector<16xi32>, vector<16xi32>, vector<16xi1>) -> (vector<16xi1>, vector<16xi32>, vector<16xi32>)
      %masked_sort3A_252 = arith.xori %masked_sort3A_250, %masked_sort3A_247 : vector<16xi32>
      %masked_sort3A_253 = arith.constant dense<true> : vector<16xi1>
      %masked_sort3A_254 = arith.constant -2147483648 : i32
      %masked_sort3A_255 = vector.broadcast %masked_sort3A_254 : i32 to vector<16xi32>
      %masked_sort3A_256 = arith.xori %select_n3A_244, %masked_sort3A_255 : vector<16xi32>
      %masked_sort3A_257, %masked_sort3A_258, %masked_sort3A_259 = tpu.sort %masked_sort3A_256, %or3A_236 masked %masked_sort3A_253 : (vector<16xi32>, vector<16xi32>, vector<16xi1>) -> (vector<16xi1>, vector<16xi32>, vector<16xi32>)
      %masked_sort3A_260 = arith.xori %masked_sort3A_258, %masked_sort3A_255 : vector<16xi32>
      %all_reduce_population_count3A_261 = tpu.all_reduce %and3A_217 {dim = 0 : i64, kind = #tpu.reduction_kind<sum>} : vector<16xi1> -> vector<16xi32>
      %slice3A_262 = vector.extract_strided_slice %all_reduce_population_count3A_261 {offsets = [0], sizes = [1], strides = [1]} : vector<16xi32> to vector<1xi32>
      %squeeze3A_263 = vector.extract %slice3A_262[0] : i32 from vector<1xi32>
      %all_reduce_population_count3A_264 = tpu.all_reduce %and3A_224 {dim = 0 : i64, kind = #tpu.reduction_kind<sum>} : vector<16xi1> -> vector<16xi32>
      %slice3A_265 = vector.extract_strided_slice %all_reduce_population_count3A_264 {offsets = [0], sizes = [1], strides = [1]} : vector<16xi32> to vector<1xi32>
      %squeeze3A_266 = vector.extract %slice3A_265[0] : i32 from vector<1xi32>
      %swap3A_267 = arith.index_cast %add3A_202 : i32 to index
      %swap3A_268 = tpu.vector_load %arg10[%swap3A_267] {strides = array<i32>} : memref<1312xi32, #tpu.memory_space<vmem>>, vector<16xi32>,
      tpu.vector_store %arg10[%swap3A_267], %masked_sort3A_251 {strides = array<i32>} : memref<1312xi32, #tpu.memory_space<vmem>>, vector<16xi32>,
      %add3A_269 = arith.addi %add3A_202, %squeeze3A_263 : i32
      %swap3A_270 = arith.index_cast %add3A_269 : i32 to index
      %swap3A_271 = tpu.vector_load %arg10[%swap3A_270] {strides = array<i32>} : memref<1312xi32, #tpu.memory_space<vmem>>, vector<16xi32>,
      tpu.vector_store %arg10[%swap3A_270], %masked_sort3A_259 {strides = array<i32>} : memref<1312xi32, #tpu.memory_space<vmem>>, vector<16xi32>,
      %add3A_272 = arith.addi %add3A_202, %squeeze3A_263 : i32
      %add3A_273 = arith.addi %add3A_272, %squeeze3A_266 : i32
      %get3A_274 = arith.constant 96 : index
      %get3A_275 = tpu.vector_load %arg7[%get3A_274] {strides = array<i32>} : memref<640xi32, #tpu.memory_space<vmem>>, vector<16xi32>,
      %get3A_276 = arith.constant 96 : index
      %get3A_277 = tpu.vector_load %arg6[%get3A_276] {strides = array<i32>} : memref<640xi32, #tpu.memory_space<vmem>>, vector<16xi32>,
      %get3A_278 = arith.constant 112 : index
      %get3A_279 = tpu.vector_load %arg7[%get3A_278] {strides = array<i32>} : memref<640xi32, #tpu.memory_space<vmem>>, vector<16xi32>,
      %get3A_280 = arith.constant 112 : index
      %get3A_281 = tpu.vector_load %arg6[%get3A_280] {strides = array<i32>} : memref<640xi32, #tpu.memory_space<vmem>>, vector<16xi32>,
      %ge3A_282 = vector.broadcast %mul3A_2 : i32 to vector<16xi32>
      %ge3A_283 = arith.cmpi sge, %get3A_275, %ge3A_282 : vector<16xi32>
      %add3A_284 = arith.constant 320 : i32
      %add3A_285 = arith.addi %mul3A_2, %add3A_284 : i32
      %lt3A_286 = vector.broadcast %add3A_285 : i32 to vector<16xi32>
      %lt3A_287 = arith.cmpi slt, %get3A_275, %lt3A_286 : vector<16xi32>
      %and3A_288 = arith.andi %ge3A_283, %lt3A_287 : vector<16xi1>
      %ge3A_289 = vector.broadcast %mul3A_2 : i32 to vector<16xi32>
      %ge3A_290 = arith.cmpi sge, %get3A_279, %ge3A_289 : vector<16xi32>
      %add3A_291 = arith.constant 320 : i32
      %add3A_292 = arith.addi %mul3A_2, %add3A_291 : i32
      %lt3A_293 = vector.broadcast %add3A_292 : i32 to vector<16xi32>
      %lt3A_294 = arith.cmpi slt, %get3A_279, %lt3A_293 : vector<16xi32>
      %and3A_295 = arith.andi %ge3A_290, %lt3A_294 : vector<16xi1>
      %shift_left3A_296 = arith.constant 9 : i32
      %shift_left3A_297 = vector.broadcast %shift_left3A_296 : i32 to vector<16xi32>
      %shift_left3A_298 = arith.shli %get3A_277, %shift_left3A_297 : vector<16xi32>
      %sub3A_299 = vector.broadcast %mul3A_2 : i32 to vector<16xi32>
      %sub3A_300 = arith.subi %get3A_275, %sub3A_299 : vector<16xi32>
      %or3A_301 = arith.ori %shift_left3A_298, %sub3A_300 : vector<16xi32>
      %shift_left3A_302 = arith.constant 9 : i32
      %shift_left3A_303 = vector.broadcast %shift_left3A_302 : i32 to vector<16xi32>
      %shift_left3A_304 = arith.shli %get3A_281, %shift_left3A_303 : vector<16xi32>
      %sub3A_305 = vector.broadcast %mul3A_2 : i32 to vector<16xi32>
      %sub3A_306 = arith.subi %get3A_279, %sub3A_305 : vector<16xi32>
      %or3A_307 = arith.ori %shift_left3A_304, %sub3A_306 : vector<16xi32>
      %add3A_308 = arith.constant 16 : i32
      %add3A_309 = vector.broadcast %add3A_308 : i32 to vector<16xi32>
      %add3A_310 = arith.addi %iota3A, %add3A_309 : vector<16xi32>
      %select_n3A_311 = arith.select %and3A_288, %iota3A, %add3A_310 : vector<16xi1>, vector<16xi32>
      %add3A_312 = arith.constant 16 : i32
      %add3A_313 = vector.broadcast %add3A_312 : i32 to vector<16xi32>
      %add3A_314 = arith.addi %iota3A, %add3A_313 : vector<16xi32>
      %select_n3A_315 = arith.select %and3A_295, %iota3A, %add3A_314 : vector<16xi1>, vector<16xi32>
      %masked_sort3A_316 = arith.constant dense<true> : vector<16xi1>
      %masked_sort3A_317 = arith.constant -2147483648 : i32
      %masked_sort3A_318 = vector.broadcast %masked_sort3A_317 : i32 to vector<16xi32>
      %masked_sort3A_319 = arith.xori %select_n3A_311, %masked_sort3A_318 : vector<16xi32>
      %masked_sort3A_320, %masked_sort3A_321, %masked_sort3A_322 = tpu.sort %masked_sort3A_319, %or3A_301 masked %masked_sort3A_316 : (vector<16xi32>, vector<16xi32>, vector<16xi1>) -> (vector<16xi1>, vector<16xi32>, vector<16xi32>)
      %masked_sort3A_323 = arith.xori %masked_sort3A_321, %masked_sort3A_318 : vector<16xi32>
      %masked_sort3A_324 = arith.constant dense<true> : vector<16xi1>
      %masked_sort3A_325 = arith.constant -2147483648 : i32
      %masked_sort3A_326 = vector.broadcast %masked_sort3A_325 : i32 to vector<16xi32>
      %masked_sort3A_327 = arith.xori %select_n3A_315, %masked_sort3A_326 : vector<16xi32>
      %masked_sort3A_328, %masked_sort3A_329, %masked_sort3A_330 = tpu.sort %masked_sort3A_327, %or3A_307 masked %masked_sort3A_324 : (vector<16xi32>, vector<16xi32>, vector<16xi1>) -> (vector<16xi1>, vector<16xi32>, vector<16xi32>)
      %masked_sort3A_331 = arith.xori %masked_sort3A_329, %masked_sort3A_326 : vector<16xi32>
      %all_reduce_population_count3A_332 = tpu.all_reduce %and3A_288 {dim = 0 : i64, kind = #tpu.reduction_kind<sum>} : vector<16xi1> -> vector<16xi32>
      %slice3A_333 = vector.extract_strided_slice %all_reduce_population_count3A_332 {offsets = [0], sizes = [1], strides = [1]} : vector<16xi32> to vector<1xi32>
      %squeeze3A_334 = vector.extract %slice3A_333[0] : i32 from vector<1xi32>
      %all_reduce_population_count3A_335 = tpu.all_reduce %and3A_295 {dim = 0 : i64, kind = #tpu.reduction_kind<sum>} : vector<16xi1> -> vector<16xi32>
      %slice3A_336 = vector.extract_strided_slice %all_reduce_population_count3A_335 {offsets = [0], sizes = [1], strides = [1]} : vector<16xi32> to vector<1xi32>
      %squeeze3A_337 = vector.extract %slice3A_336[0] : i32 from vector<1xi32>
      %swap3A_338 = arith.index_cast %add3A_273 : i32 to index
      %swap3A_339 = tpu.vector_load %arg10[%swap3A_338] {strides = array<i32>} : memref<1312xi32, #tpu.memory_space<vmem>>, vector<16xi32>,
      tpu.vector_store %arg10[%swap3A_338], %masked_sort3A_322 {strides = array<i32>} : memref<1312xi32, #tpu.memory_space<vmem>>, vector<16xi32>,
      %add3A_340 = arith.addi %add3A_273, %squeeze3A_334 : i32
      %swap3A_341 = arith.index_cast %add3A_340 : i32 to index
      %swap3A_342 = tpu.vector_load %arg10[%swap3A_341] {strides = array<i32>} : memref<1312xi32, #tpu.memory_space<vmem>>, vector<16xi32>,
      tpu.vector_store %arg10[%swap3A_341], %masked_sort3A_330 {strides = array<i32>} : memref<1312xi32, #tpu.memory_space<vmem>>, vector<16xi32>,
      %add3A_343 = arith.addi %add3A_273, %squeeze3A_334 : i32
      %add3A_344 = arith.addi %add3A_343, %squeeze3A_337 : i32
      %get3A_345 = arith.constant 128 : index
      %get3A_346 = tpu.vector_load %arg7[%get3A_345] {strides = array<i32>} : memref<640xi32, #tpu.memory_space<vmem>>, vector<16xi32>,
      %get3A_347 = arith.constant 128 : index
      %get3A_348 = tpu.vector_load %arg6[%get3A_347] {strides = array<i32>} : memref<640xi32, #tpu.memory_space<vmem>>, vector<16xi32>,
      %get3A_349 = arith.constant 144 : index
      %get3A_350 = tpu.vector_load %arg7[%get3A_349] {strides = array<i32>} : memref<640xi32, #tpu.memory_space<vmem>>, vector<16xi32>,
      %get3A_351 = arith.constant 144 : index
      %get3A_352 = tpu.vector_load %arg6[%get3A_351] {strides = array<i32>} : memref<640xi32, #tpu.memory_space<vmem>>, vector<16xi32>,
      %ge3A_353 = vector.broadcast %mul3A_2 : i32 to vector<16xi32>
      %ge3A_354 = arith.cmpi sge, %get3A_346, %ge3A_353 : vector<16xi32>
      %add3A_355 = arith.constant 320 : i32
      %add3A_356 = arith.addi %mul3A_2, %add3A_355 : i32
      %lt3A_357 = vector.broadcast %add3A_356 : i32 to vector<16xi32>
      %lt3A_358 = arith.cmpi slt, %get3A_346, %lt3A_357 : vector<16xi32>
      %and3A_359 = arith.andi %ge3A_354, %lt3A_358 : vector<16xi1>
      %ge3A_360 = vector.broadcast %mul3A_2 : i32 to vector<16xi32>
      %ge3A_361 = arith.cmpi sge, %get3A_350, %ge3A_360 : vector<16xi32>
      %add3A_362 = arith.constant 320 : i32
      %add3A_363 = arith.addi %mul3A_2, %add3A_362 : i32
      %lt3A_364 = vector.broadcast %add3A_363 : i32 to vector<16xi32>
      %lt3A_365 = arith.cmpi slt, %get3A_350, %lt3A_364 : vector<16xi32>
      %and3A_366 = arith.andi %ge3A_361, %lt3A_365 : vector<16xi1>
      %shift_left3A_367 = arith.constant 9 : i32
      %shift_left3A_368 = vector.broadcast %shift_left3A_367 : i32 to vector<16xi32>
      %shift_left3A_369 = arith.shli %get3A_348, %shift_left3A_368 : vector<16xi32>
      %sub3A_370 = vector.broadcast %mul3A_2 : i32 to vector<16xi32>
      %sub3A_371 = arith.subi %get3A_346, %sub3A_370 : vector<16xi32>
      %or3A_372 = arith.ori %shift_left3A_369, %sub3A_371 : vector<16xi32>
      %shift_left3A_373 = arith.constant 9 : i32
      %shift_left3A_374 = vector.broadcast %shift_left3A_373 : i32 to vector<16xi32>
      %shift_left3A_375 = arith.shli %get3A_352, %shift_left3A_374 : vector<16xi32>
      %sub3A_376 = vector.broadcast %mul3A_2 : i32 to vector<16xi32>
      %sub3A_377 = arith.subi %get3A_350, %sub3A_376 : vector<16xi32>
      %or3A_378 = arith.ori %shift_left3A_375, %sub3A_377 : vector<16xi32>
      %add3A_379 = arith.constant 16 : i32
      %add3A_380 = vector.broadcast %add3A_379 : i32 to vector<16xi32>
      %add3A_381 = arith.addi %iota3A, %add3A_380 : vector<16xi32>
      %select_n3A_382 = arith.select %and3A_359, %iota3A, %add3A_381 : vector<16xi1>, vector<16xi32>
      %add3A_383 = arith.constant 16 : i32
      %add3A_384 = vector.broadcast %add3A_383 : i32 to vector<16xi32>
      %add3A_385 = arith.addi %iota3A, %add3A_384 : vector<16xi32>
      %select_n3A_386 = arith.select %and3A_366, %iota3A, %add3A_385 : vector<16xi1>, vector<16xi32>
      %masked_sort3A_387 = arith.constant dense<true> : vector<16xi1>
      %masked_sort3A_388 = arith.constant -2147483648 : i32
      %masked_sort3A_389 = vector.broadcast %masked_sort3A_388 : i32 to vector<16xi32>
      %masked_sort3A_390 = arith.xori %select_n3A_382, %masked_sort3A_389 : vector<16xi32>
      %masked_sort3A_391, %masked_sort3A_392, %masked_sort3A_393 = tpu.sort %masked_sort3A_390, %or3A_372 masked %masked_sort3A_387 : (vector<16xi32>, vector<16xi32>, vector<16xi1>) -> (vector<16xi1>, vector<16xi32>, vector<16xi32>)
      %masked_sort3A_394 = arith.xori %masked_sort3A_392, %masked_sort3A_389 : vector<16xi32>
      %masked_sort3A_395 = arith.constant dense<true> : vector<16xi1>
      %masked_sort3A_396 = arith.constant -2147483648 : i32
      %masked_sort3A_397 = vector.broadcast %masked_sort3A_396 : i32 to vector<16xi32>
      %masked_sort3A_398 = arith.xori %select_n3A_386, %masked_sort3A_397 : vector<16xi32>
      %masked_sort3A_399, %masked_sort3A_400, %masked_sort3A_401 = tpu.sort %masked_sort3A_398, %or3A_378 masked %masked_sort3A_395 : (vector<16xi32>, vector<16xi32>, vector<16xi1>) -> (vector<16xi1>, vector<16xi32>, vector<16xi32>)
      %masked_sort3A_402 = arith.xori %masked_sort3A_400, %masked_sort3A_397 : vector<16xi32>
      %all_reduce_population_count3A_403 = tpu.all_reduce %and3A_359 {dim = 0 : i64, kind = #tpu.reduction_kind<sum>} : vector<16xi1> -> vector<16xi32>
      %slice3A_404 = vector.extract_strided_slice %all_reduce_population_count3A_403 {offsets = [0], sizes = [1], strides = [1]} : vector<16xi32> to vector<1xi32>
      %squeeze3A_405 = vector.extract %slice3A_404[0] : i32 from vector<1xi32>
      %all_reduce_population_count3A_406 = tpu.all_reduce %and3A_366 {dim = 0 : i64, kind = #tpu.reduction_kind<sum>} : vector<16xi1> -> vector<16xi32>
      %slice3A_407 = vector.extract_strided_slice %all_reduce_population_count3A_406 {offsets = [0], sizes = [1], strides = [1]} : vector<16xi32> to vector<1xi32>
      %squeeze3A_408 = vector.extract %slice3A_407[0] : i32 from vector<1xi32>
      %swap3A_409 = arith.index_cast %add3A_344 : i32 to index
      %swap3A_410 = tpu.vector_load %arg10[%swap3A_409] {strides = array<i32>} : memref<1312xi32, #tpu.memory_space<vmem>>, vector<16xi32>,
      tpu.vector_store %arg10[%swap3A_409], %masked_sort3A_393 {strides = array<i32>} : memref<1312xi32, #tpu.memory_space<vmem>>, vector<16xi32>,
      %add3A_411 = arith.addi %add3A_344, %squeeze3A_405 : i32
      %swap3A_412 = arith.index_cast %add3A_411 : i32 to index
      %swap3A_413 = tpu.vector_load %arg10[%swap3A_412] {strides = array<i32>} : memref<1312xi32, #tpu.memory_space<vmem>>, vector<16xi32>,
      tpu.vector_store %arg10[%swap3A_412], %masked_sort3A_401 {strides = array<i32>} : memref<1312xi32, #tpu.memory_space<vmem>>, vector<16xi32>,
      %add3A_414 = arith.addi %add3A_344, %squeeze3A_405 : i32
      %add3A_415 = arith.addi %add3A_414, %squeeze3A_408 : i32
      %get3A_416 = arith.constant 160 : index
      %get3A_417 = tpu.vector_load %arg7[%get3A_416] {strides = array<i32>} : memref<640xi32, #tpu.memory_space<vmem>>, vector<16xi32>,
      %get3A_418 = arith.constant 160 : index
      %get3A_419 = tpu.vector_load %arg6[%get3A_418] {strides = array<i32>} : memref<640xi32, #tpu.memory_space<vmem>>, vector<16xi32>,
      %get3A_420 = arith.constant 176 : index
      %get3A_421 = tpu.vector_load %arg7[%get3A_420] {strides = array<i32>} : memref<640xi32, #tpu.memory_space<vmem>>, vector<16xi32>,
      %get3A_422 = arith.constant 176 : index
      %get3A_423 = tpu.vector_load %arg6[%get3A_422] {strides = array<i32>} : memref<640xi32, #tpu.memory_space<vmem>>, vector<16xi32>,
      %ge3A_424 = vector.broadcast %mul3A_2 : i32 to vector<16xi32>
      %ge3A_425 = arith.cmpi sge, %get3A_417, %ge3A_424 : vector<16xi32>
      %add3A_426 = arith.constant 320 : i32
      %add3A_427 = arith.addi %mul3A_2, %add3A_426 : i32
      %lt3A_428 = vector.broadcast %add3A_427 : i32 to vector<16xi32>
      %lt3A_429 = arith.cmpi slt, %get3A_417, %lt3A_428 : vector<16xi32>
      %and3A_430 = arith.andi %ge3A_425, %lt3A_429 : vector<16xi1>
      %ge3A_431 = vector.broadcast %mul3A_2 : i32 to vector<16xi32>
      %ge3A_432 = arith.cmpi sge, %get3A_421, %ge3A_431 : vector<16xi32>
      %add3A_433 = arith.constant 320 : i32
      %add3A_434 = arith.addi %mul3A_2, %add3A_433 : i32
      %lt3A_435 = vector.broadcast %add3A_434 : i32 to vector<16xi32>
      %lt3A_436 = arith.cmpi slt, %get3A_421, %lt3A_435 : vector<16xi32>
      %and3A_437 = arith.andi %ge3A_432, %lt3A_436 : vector<16xi1>
      %shift_left3A_438 = arith.constant 9 : i32
      %shift_left3A_439 = vector.broadcast %shift_left3A_438 : i32 to vector<16xi32>
      %shift_left3A_440 = arith.shli %get3A_419, %shift_left3A_439 : vector<16xi32>
      %sub3A_441 = vector.broadcast %mul3A_2 : i32 to vector<16xi32>
      %sub3A_442 = arith.subi %get3A_417, %sub3A_441 : vector<16xi32>
      %or3A_443 = arith.ori %shift_left3A_440, %sub3A_442 : vector<16xi32>
      %shift_left3A_444 = arith.constant 9 : i32
      %shift_left3A_445 = vector.broadcast %shift_left3A_444 : i32 to vector<16xi32>
      %shift_left3A_446 = arith.shli %get3A_423, %shift_left3A_445 : vector<16xi32>
      %sub3A_447 = vector.broadcast %mul3A_2 : i32 to vector<16xi32>
      %sub3A_448 = arith.subi %get3A_421, %sub3A_447 : vector<16xi32>
      %or3A_449 = arith.ori %shift_left3A_446, %sub3A_448 : vector<16xi32>
      %add3A_450 = arith.constant 16 : i32
      %add3A_451 = vector.broadcast %add3A_450 : i32 to vector<16xi32>
      %add3A_452 = arith.addi %iota3A, %add3A_451 : vector<16xi32>
      %select_n3A_453 = arith.select %and3A_430, %iota3A, %add3A_452 : vector<16xi1>, vector<16xi32>
      %add3A_454 = arith.constant 16 : i32
      %add3A_455 = vector.broadcast %add3A_454 : i32 to vector<16xi32>
      %add3A_456 = arith.addi %iota3A, %add3A_455 : vector<16xi32>
      %select_n3A_457 = arith.select %and3A_437, %iota3A, %add3A_456 : vector<16xi1>, vector<16xi32>
      %masked_sort3A_458 = arith.constant dense<true> : vector<16xi1>
      %masked_sort3A_459 = arith.constant -2147483648 : i32
      %masked_sort3A_460 = vector.broadcast %masked_sort3A_459 : i32 to vector<16xi32>
      %masked_sort3A_461 = arith.xori %select_n3A_453, %masked_sort3A_460 : vector<16xi32>
      %masked_sort3A_462, %masked_sort3A_463, %masked_sort3A_464 = tpu.sort %masked_sort3A_461, %or3A_443 masked %masked_sort3A_458 : (vector<16xi32>, vector<16xi32>, vector<16xi1>) -> (vector<16xi1>, vector<16xi32>, vector<16xi32>)
      %masked_sort3A_465 = arith.xori %masked_sort3A_463, %masked_sort3A_460 : vector<16xi32>
      %masked_sort3A_466 = arith.constant dense<true> : vector<16xi1>
      %masked_sort3A_467 = arith.constant -2147483648 : i32
      %masked_sort3A_468 = vector.broadcast %masked_sort3A_467 : i32 to vector<16xi32>
      %masked_sort3A_469 = arith.xori %select_n3A_457, %masked_sort3A_468 : vector<16xi32>
      %masked_sort3A_470, %masked_sort3A_471, %masked_sort3A_472 = tpu.sort %masked_sort3A_469, %or3A_449 masked %masked_sort3A_466 : (vector<16xi32>, vector<16xi32>, vector<16xi1>) -> (vector<16xi1>, vector<16xi32>, vector<16xi32>)
      %masked_sort3A_473 = arith.xori %masked_sort3A_471, %masked_sort3A_468 : vector<16xi32>
      %all_reduce_population_count3A_474 = tpu.all_reduce %and3A_430 {dim = 0 : i64, kind = #tpu.reduction_kind<sum>} : vector<16xi1> -> vector<16xi32>
      %slice3A_475 = vector.extract_strided_slice %all_reduce_population_count3A_474 {offsets = [0], sizes = [1], strides = [1]} : vector<16xi32> to vector<1xi32>
      %squeeze3A_476 = vector.extract %slice3A_475[0] : i32 from vector<1xi32>
      %all_reduce_population_count3A_477 = tpu.all_reduce %and3A_437 {dim = 0 : i64, kind = #tpu.reduction_kind<sum>} : vector<16xi1> -> vector<16xi32>
      %slice3A_478 = vector.extract_strided_slice %all_reduce_population_count3A_477 {offsets = [0], sizes = [1], strides = [1]} : vector<16xi32> to vector<1xi32>
      %squeeze3A_479 = vector.extract %slice3A_478[0] : i32 from vector<1xi32>
      %swap3A_480 = arith.index_cast %add3A_415 : i32 to index
      %swap3A_481 = tpu.vector_load %arg10[%swap3A_480] {strides = array<i32>} : memref<1312xi32, #tpu.memory_space<vmem>>, vector<16xi32>,
      tpu.vector_store %arg10[%swap3A_480], %masked_sort3A_464 {strides = array<i32>} : memref<1312xi32, #tpu.memory_space<vmem>>, vector<16xi32>,
      %add3A_482 = arith.addi %add3A_415, %squeeze3A_476 : i32
      %swap3A_483 = arith.index_cast %add3A_482 : i32 to index
      %swap3A_484 = tpu.vector_load %arg10[%swap3A_483] {strides = array<i32>} : memref<1312xi32, #tpu.memory_space<vmem>>, vector<16xi32>,
      tpu.vector_store %arg10[%swap3A_483], %masked_sort3A_472 {strides = array<i32>} : memref<1312xi32, #tpu.memory_space<vmem>>, vector<16xi32>,
      %add3A_485 = arith.addi %add3A_415, %squeeze3A_476 : i32
      %add3A_486 = arith.addi %add3A_485, %squeeze3A_479 : i32
      %get3A_487 = arith.constant 192 : index
      %get3A_488 = tpu.vector_load %arg7[%get3A_487] {strides = array<i32>} : memref<640xi32, #tpu.memory_space<vmem>>, vector<16xi32>,
      %get3A_489 = arith.constant 192 : index
      %get3A_490 = tpu.vector_load %arg6[%get3A_489] {strides = array<i32>} : memref<640xi32, #tpu.memory_space<vmem>>, vector<16xi32>,
      %get3A_491 = arith.constant 208 : index
      %get3A_492 = tpu.vector_load %arg7[%get3A_491] {strides = array<i32>} : memref<640xi32, #tpu.memory_space<vmem>>, vector<16xi32>,
      %get3A_493 = arith.constant 208 : index
      %get3A_494 = tpu.vector_load %arg6[%get3A_493] {strides = array<i32>} : memref<640xi32, #tpu.memory_space<vmem>>, vector<16xi32>,
      %ge3A_495 = vector.broadcast %mul3A_2 : i32 to vector<16xi32>
      %ge3A_496 = arith.cmpi sge, %get3A_488, %ge3A_495 : vector<16xi32>
      %add3A_497 = arith.constant 320 : i32
      %add3A_498 = arith.addi %mul3A_2, %add3A_497 : i32
      %lt3A_499 = vector.broadcast %add3A_498 : i32 to vector<16xi32>
      %lt3A_500 = arith.cmpi slt, %get3A_488, %lt3A_499 : vector<16xi32>
      %and3A_501 = arith.andi %ge3A_496, %lt3A_500 : vector<16xi1>
      %ge3A_502 = vector.broadcast %mul3A_2 : i32 to vector<16xi32>
      %ge3A_503 = arith.cmpi sge, %get3A_492, %ge3A_502 : vector<16xi32>
      %add3A_504 = arith.constant 320 : i32
      %add3A_505 = arith.addi %mul3A_2, %add3A_504 : i32
      %lt3A_506 = vector.broadcast %add3A_505 : i32 to vector<16xi32>
      %lt3A_507 = arith.cmpi slt, %get3A_492, %lt3A_506 : vector<16xi32>
      %and3A_508 = arith.andi %ge3A_503, %lt3A_507 : vector<16xi1>
      %shift_left3A_509 = arith.constant 9 : i32
      %shift_left3A_510 = vector.broadcast %shift_left3A_509 : i32 to vector<16xi32>
      %shift_left3A_511 = arith.shli %get3A_490, %shift_left3A_510 : vector<16xi32>
      %sub3A_512 = vector.broadcast %mul3A_2 : i32 to vector<16xi32>
      %sub3A_513 = arith.subi %get3A_488, %sub3A_512 : vector<16xi32>
      %or3A_514 = arith.ori %shift_left3A_511, %sub3A_513 : vector<16xi32>
      %shift_left3A_515 = arith.constant 9 : i32
      %shift_left3A_516 = vector.broadcast %shift_left3A_515 : i32 to vector<16xi32>
      %shift_left3A_517 = arith.shli %get3A_494, %shift_left3A_516 : vector<16xi32>
      %sub3A_518 = vector.broadcast %mul3A_2 : i32 to vector<16xi32>
      %sub3A_519 = arith.subi %get3A_492, %sub3A_518 : vector<16xi32>
      %or3A_520 = arith.ori %shift_left3A_517, %sub3A_519 : vector<16xi32>
      %add3A_521 = arith.constant 16 : i32
      %add3A_522 = vector.broadcast %add3A_521 : i32 to vector<16xi32>
      %add3A_523 = arith.addi %iota3A, %add3A_522 : vector<16xi32>
      %select_n3A_524 = arith.select %and3A_501, %iota3A, %add3A_523 : vector<16xi1>, vector<16xi32>
      %add3A_525 = arith.constant 16 : i32
      %add3A_526 = vector.broadcast %add3A_525 : i32 to vector<16xi32>
      %add3A_527 = arith.addi %iota3A, %add3A_526 : vector<16xi32>
      %select_n3A_528 = arith.select %and3A_508, %iota3A, %add3A_527 : vector<16xi1>, vector<16xi32>
      %masked_sort3A_529 = arith.constant dense<true> : vector<16xi1>
      %masked_sort3A_530 = arith.constant -2147483648 : i32
      %masked_sort3A_531 = vector.broadcast %masked_sort3A_530 : i32 to vector<16xi32>
      %masked_sort3A_532 = arith.xori %select_n3A_524, %masked_sort3A_531 : vector<16xi32>
      %masked_sort3A_533, %masked_sort3A_534, %masked_sort3A_535 = tpu.sort %masked_sort3A_532, %or3A_514 masked %masked_sort3A_529 : (vector<16xi32>, vector<16xi32>, vector<16xi1>) -> (vector<16xi1>, vector<16xi32>, vector<16xi32>)
      %masked_sort3A_536 = arith.xori %masked_sort3A_534, %masked_sort3A_531 : vector<16xi32>
      %masked_sort3A_537 = arith.constant dense<true> : vector<16xi1>
      %masked_sort3A_538 = arith.constant -2147483648 : i32
      %masked_sort3A_539 = vector.broadcast %masked_sort3A_538 : i32 to vector<16xi32>
      %masked_sort3A_540 = arith.xori %select_n3A_528, %masked_sort3A_539 : vector<16xi32>
      %masked_sort3A_541, %masked_sort3A_542, %masked_sort3A_543 = tpu.sort %masked_sort3A_540, %or3A_520 masked %masked_sort3A_537 : (vector<16xi32>, vector<16xi32>, vector<16xi1>) -> (vector<16xi1>, vector<16xi32>, vector<16xi32>)
      %masked_sort3A_544 = arith.xori %masked_sort3A_542, %masked_sort3A_539 : vector<16xi32>
      %all_reduce_population_count3A_545 = tpu.all_reduce %and3A_501 {dim = 0 : i64, kind = #tpu.reduction_kind<sum>} : vector<16xi1> -> vector<16xi32>
      %slice3A_546 = vector.extract_strided_slice %all_reduce_population_count3A_545 {offsets = [0], sizes = [1], strides = [1]} : vector<16xi32> to vector<1xi32>
      %squeeze3A_547 = vector.extract %slice3A_546[0] : i32 from vector<1xi32>
      %all_reduce_population_count3A_548 = tpu.all_reduce %and3A_508 {dim = 0 : i64, kind = #tpu.reduction_kind<sum>} : vector<16xi1> -> vector<16xi32>
      %slice3A_549 = vector.extract_strided_slice %all_reduce_population_count3A_548 {offsets = [0], sizes = [1], strides = [1]} : vector<16xi32> to vector<1xi32>
      %squeeze3A_550 = vector.extract %slice3A_549[0] : i32 from vector<1xi32>
      %swap3A_551 = arith.index_cast %add3A_486 : i32 to index
      %swap3A_552 = tpu.vector_load %arg10[%swap3A_551] {strides = array<i32>} : memref<1312xi32, #tpu.memory_space<vmem>>, vector<16xi32>,
      tpu.vector_store %arg10[%swap3A_551], %masked_sort3A_535 {strides = array<i32>} : memref<1312xi32, #tpu.memory_space<vmem>>, vector<16xi32>,
      %add3A_553 = arith.addi %add3A_486, %squeeze3A_547 : i32
      %swap3A_554 = arith.index_cast %add3A_553 : i32 to index
      %swap3A_555 = tpu.vector_load %arg10[%swap3A_554] {strides = array<i32>} : memref<1312xi32, #tpu.memory_space<vmem>>, vector<16xi32>,
      tpu.vector_store %arg10[%swap3A_554], %masked_sort3A_543 {strides = array<i32>} : memref<1312xi32, #tpu.memory_space<vmem>>, vector<16xi32>,
      %add3A_556 = arith.addi %add3A_486, %squeeze3A_547 : i32
      %add3A_557 = arith.addi %add3A_556, %squeeze3A_550 : i32
      %get3A_558 = arith.constant 224 : index
      %get3A_559 = tpu.vector_load %arg7[%get3A_558] {strides = array<i32>} : memref<640xi32, #tpu.memory_space<vmem>>, vector<16xi32>,
      %get3A_560 = arith.constant 224 : index
      %get3A_561 = tpu.vector_load %arg6[%get3A_560] {strides = array<i32>} : memref<640xi32, #tpu.memory_space<vmem>>, vector<16xi32>,
      %get3A_562 = arith.constant 240 : index
      %get3A_563 = tpu.vector_load %arg7[%get3A_562] {strides = array<i32>} : memref<640xi32, #tpu.memory_space<vmem>>, vector<16xi32>,
      %get3A_564 = arith.constant 240 : index
      %get3A_565 = tpu.vector_load %arg6[%get3A_564] {strides = array<i32>} : memref<640xi32, #tpu.memory_space<vmem>>, vector<16xi32>,
      %ge3A_566 = vector.broadcast %mul3A_2 : i32 to vector<16xi32>
      %ge3A_567 = arith.cmpi sge, %get3A_559, %ge3A_566 : vector<16xi32>
      %add3A_568 = arith.constant 320 : i32
      %add3A_569 = arith.addi %mul3A_2, %add3A_568 : i32
      %lt3A_570 = vector.broadcast %add3A_569 : i32 to vector<16xi32>
      %lt3A_571 = arith.cmpi slt, %get3A_559, %lt3A_570 : vector<16xi32>
      %and3A_572 = arith.andi %ge3A_567, %lt3A_571 : vector<16xi1>
      %ge3A_573 = vector.broadcast %mul3A_2 : i32 to vector<16xi32>
      %ge3A_574 = arith.cmpi sge, %get3A_563, %ge3A_573 : vector<16xi32>
      %add3A_575 = arith.constant 320 : i32
      %add3A_576 = arith.addi %mul3A_2, %add3A_575 : i32
      %lt3A_577 = vector.broadcast %add3A_576 : i32 to vector<16xi32>
      %lt3A_578 = arith.cmpi slt, %get3A_563, %lt3A_577 : vector<16xi32>
      %and3A_579 = arith.andi %ge3A_574, %lt3A_578 : vector<16xi1>
      %shift_left3A_580 = arith.constant 9 : i32
      %shift_left3A_581 = vector.broadcast %shift_left3A_580 : i32 to vector<16xi32>
      %shift_left3A_582 = arith.shli %get3A_561, %shift_left3A_581 : vector<16xi32>
      %sub3A_583 = vector.broadcast %mul3A_2 : i32 to vector<16xi32>
      %sub3A_584 = arith.subi %get3A_559, %sub3A_583 : vector<16xi32>
      %or3A_585 = arith.ori %shift_left3A_582, %sub3A_584 : vector<16xi32>
      %shift_left3A_586 = arith.constant 9 : i32
      %shift_left3A_587 = vector.broadcast %shift_left3A_586 : i32 to vector<16xi32>
      %shift_left3A_588 = arith.shli %get3A_565, %shift_left3A_587 : vector<16xi32>
      %sub3A_589 = vector.broadcast %mul3A_2 : i32 to vector<16xi32>
      %sub3A_590 = arith.subi %get3A_563, %sub3A_589 : vector<16xi32>
      %or3A_591 = arith.ori %shift_left3A_588, %sub3A_590 : vector<16xi32>
      %add3A_592 = arith.constant 16 : i32
      %add3A_593 = vector.broadcast %add3A_592 : i32 to vector<16xi32>
      %add3A_594 = arith.addi %iota3A, %add3A_593 : vector<16xi32>
      %select_n3A_595 = arith.select %and3A_572, %iota3A, %add3A_594 : vector<16xi1>, vector<16xi32>
      %add3A_596 = arith.constant 16 : i32
      %add3A_597 = vector.broadcast %add3A_596 : i32 to vector<16xi32>
      %add3A_598 = arith.addi %iota3A, %add3A_597 : vector<16xi32>
      %select_n3A_599 = arith.select %and3A_579, %iota3A, %add3A_598 : vector<16xi1>, vector<16xi32>
      %masked_sort3A_600 = arith.constant dense<true> : vector<16xi1>
      %masked_sort3A_601 = arith.constant -2147483648 : i32
      %masked_sort3A_602 = vector.broadcast %masked_sort3A_601 : i32 to vector<16xi32>
      %masked_sort3A_603 = arith.xori %select_n3A_595, %masked_sort3A_602 : vector<16xi32>
      %masked_sort3A_604, %masked_sort3A_605, %masked_sort3A_606 = tpu.sort %masked_sort3A_603, %or3A_585 masked %masked_sort3A_600 : (vector<16xi32>, vector<16xi32>, vector<16xi1>) -> (vector<16xi1>, vector<16xi32>, vector<16xi32>)
      %masked_sort3A_607 = arith.xori %masked_sort3A_605, %masked_sort3A_602 : vector<16xi32>
      %masked_sort3A_608 = arith.constant dense<true> : vector<16xi1>
      %masked_sort3A_609 = arith.constant -2147483648 : i32
      %masked_sort3A_610 = vector.broadcast %masked_sort3A_609 : i32 to vector<16xi32>
      %masked_sort3A_611 = arith.xori %select_n3A_599, %masked_sort3A_610 : vector<16xi32>
      %masked_sort3A_612, %masked_sort3A_613, %masked_sort3A_614 = tpu.sort %masked_sort3A_611, %or3A_591 masked %masked_sort3A_608 : (vector<16xi32>, vector<16xi32>, vector<16xi1>) -> (vector<16xi1>, vector<16xi32>, vector<16xi32>)
      %masked_sort3A_615 = arith.xori %masked_sort3A_613, %masked_sort3A_610 : vector<16xi32>
      %all_reduce_population_count3A_616 = tpu.all_reduce %and3A_572 {dim = 0 : i64, kind = #tpu.reduction_kind<sum>} : vector<16xi1> -> vector<16xi32>
      %slice3A_617 = vector.extract_strided_slice %all_reduce_population_count3A_616 {offsets = [0], sizes = [1], strides = [1]} : vector<16xi32> to vector<1xi32>
      %squeeze3A_618 = vector.extract %slice3A_617[0] : i32 from vector<1xi32>
      %all_reduce_population_count3A_619 = tpu.all_reduce %and3A_579 {dim = 0 : i64, kind = #tpu.reduction_kind<sum>} : vector<16xi1> -> vector<16xi32>
      %slice3A_620 = vector.extract_strided_slice %all_reduce_population_count3A_619 {offsets = [0], sizes = [1], strides = [1]} : vector<16xi32> to vector<1xi32>
      %squeeze3A_621 = vector.extract %slice3A_620[0] : i32 from vector<1xi32>
      %swap3A_622 = arith.index_cast %add3A_557 : i32 to index
      %swap3A_623 = tpu.vector_load %arg10[%swap3A_622] {strides = array<i32>} : memref<1312xi32, #tpu.memory_space<vmem>>, vector<16xi32>,
      tpu.vector_store %arg10[%swap3A_622], %masked_sort3A_606 {strides = array<i32>} : memref<1312xi32, #tpu.memory_space<vmem>>, vector<16xi32>,
      %add3A_624 = arith.addi %add3A_557, %squeeze3A_618 : i32
      %swap3A_625 = arith.index_cast %add3A_624 : i32 to index
      %swap3A_626 = tpu.vector_load %arg10[%swap3A_625] {strides = array<i32>} : memref<1312xi32, #tpu.memory_space<vmem>>, vector<16xi32>,
      tpu.vector_store %arg10[%swap3A_625], %masked_sort3A_614 {strides = array<i32>} : memref<1312xi32, #tpu.memory_space<vmem>>, vector<16xi32>,
      %add3A_627 = arith.addi %add3A_557, %squeeze3A_618 : i32
      %add3A_628 = arith.addi %add3A_627, %squeeze3A_621 : i32
      %get3A_629 = arith.constant 256 : index
      %get3A_630 = tpu.vector_load %arg7[%get3A_629] {strides = array<i32>} : memref<640xi32, #tpu.memory_space<vmem>>, vector<16xi32>,
      %get3A_631 = arith.constant 256 : index
      %get3A_632 = tpu.vector_load %arg6[%get3A_631] {strides = array<i32>} : memref<640xi32, #tpu.memory_space<vmem>>, vector<16xi32>,
      %get3A_633 = arith.constant 272 : index
      %get3A_634 = tpu.vector_load %arg7[%get3A_633] {strides = array<i32>} : memref<640xi32, #tpu.memory_space<vmem>>, vector<16xi32>,
      %get3A_635 = arith.constant 272 : index
      %get3A_636 = tpu.vector_load %arg6[%get3A_635] {strides = array<i32>} : memref<640xi32, #tpu.memory_space<vmem>>, vector<16xi32>,
      %ge3A_637 = vector.broadcast %mul3A_2 : i32 to vector<16xi32>
      %ge3A_638 = arith.cmpi sge, %get3A_630, %ge3A_637 : vector<16xi32>
      %add3A_639 = arith.constant 320 : i32
      %add3A_640 = arith.addi %mul3A_2, %add3A_639 : i32
      %lt3A_641 = vector.broadcast %add3A_640 : i32 to vector<16xi32>
      %lt3A_642 = arith.cmpi slt, %get3A_630, %lt3A_641 : vector<16xi32>
      %and3A_643 = arith.andi %ge3A_638, %lt3A_642 : vector<16xi1>
      %ge3A_644 = vector.broadcast %mul3A_2 : i32 to vector<16xi32>
      %ge3A_645 = arith.cmpi sge, %get3A_634, %ge3A_644 : vector<16xi32>
      %add3A_646 = arith.constant 320 : i32
      %add3A_647 = arith.addi %mul3A_2, %add3A_646 : i32
      %lt3A_648 = vector.broadcast %add3A_647 : i32 to vector<16xi32>
      %lt3A_649 = arith.cmpi slt, %get3A_634, %lt3A_648 : vector<16xi32>
      %and3A_650 = arith.andi %ge3A_645, %lt3A_649 : vector<16xi1>
      %shift_left3A_651 = arith.constant 9 : i32
      %shift_left3A_652 = vector.broadcast %shift_left3A_651 : i32 to vector<16xi32>
      %shift_left3A_653 = arith.shli %get3A_632, %shift_left3A_652 : vector<16xi32>
      %sub3A_654 = vector.broadcast %mul3A_2 : i32 to vector<16xi32>
      %sub3A_655 = arith.subi %get3A_630, %sub3A_654 : vector<16xi32>
      %or3A_656 = arith.ori %shift_left3A_653, %sub3A_655 : vector<16xi32>
      %shift_left3A_657 = arith.constant 9 : i32
      %shift_left3A_658 = vector.broadcast %shift_left3A_657 : i32 to vector<16xi32>
      %shift_left3A_659 = arith.shli %get3A_636, %shift_left3A_658 : vector<16xi32>
      %sub3A_660 = vector.broadcast %mul3A_2 : i32 to vector<16xi32>
      %sub3A_661 = arith.subi %get3A_634, %sub3A_660 : vector<16xi32>
      %or3A_662 = arith.ori %shift_left3A_659, %sub3A_661 : vector<16xi32>
      %add3A_663 = arith.constant 16 : i32
      %add3A_664 = vector.broadcast %add3A_663 : i32 to vector<16xi32>
      %add3A_665 = arith.addi %iota3A, %add3A_664 : vector<16xi32>
      %select_n3A_666 = arith.select %and3A_643, %iota3A, %add3A_665 : vector<16xi1>, vector<16xi32>
      %add3A_667 = arith.constant 16 : i32
      %add3A_668 = vector.broadcast %add3A_667 : i32 to vector<16xi32>
      %add3A_669 = arith.addi %iota3A, %add3A_668 : vector<16xi32>
      %select_n3A_670 = arith.select %and3A_650, %iota3A, %add3A_669 : vector<16xi1>, vector<16xi32>
      %masked_sort3A_671 = arith.constant dense<true> : vector<16xi1>
      %masked_sort3A_672 = arith.constant -2147483648 : i32
      %masked_sort3A_673 = vector.broadcast %masked_sort3A_672 : i32 to vector<16xi32>
      %masked_sort3A_674 = arith.xori %select_n3A_666, %masked_sort3A_673 : vector<16xi32>
      %masked_sort3A_675, %masked_sort3A_676, %masked_sort3A_677 = tpu.sort %masked_sort3A_674, %or3A_656 masked %masked_sort3A_671 : (vector<16xi32>, vector<16xi32>, vector<16xi1>) -> (vector<16xi1>, vector<16xi32>, vector<16xi32>)
      %masked_sort3A_678 = arith.xori %masked_sort3A_676, %masked_sort3A_673 : vector<16xi32>
      %masked_sort3A_679 = arith.constant dense<true> : vector<16xi1>
      %masked_sort3A_680 = arith.constant -2147483648 : i32
      %masked_sort3A_681 = vector.broadcast %masked_sort3A_680 : i32 to vector<16xi32>
      %masked_sort3A_682 = arith.xori %select_n3A_670, %masked_sort3A_681 : vector<16xi32>
      %masked_sort3A_683, %masked_sort3A_684, %masked_sort3A_685 = tpu.sort %masked_sort3A_682, %or3A_662 masked %masked_sort3A_679 : (vector<16xi32>, vector<16xi32>, vector<16xi1>) -> (vector<16xi1>, vector<16xi32>, vector<16xi32>)
      %masked_sort3A_686 = arith.xori %masked_sort3A_684, %masked_sort3A_681 : vector<16xi32>
      %all_reduce_population_count3A_687 = tpu.all_reduce %and3A_643 {dim = 0 : i64, kind = #tpu.reduction_kind<sum>} : vector<16xi1> -> vector<16xi32>
      %slice3A_688 = vector.extract_strided_slice %all_reduce_population_count3A_687 {offsets = [0], sizes = [1], strides = [1]} : vector<16xi32> to vector<1xi32>
      %squeeze3A_689 = vector.extract %slice3A_688[0] : i32 from vector<1xi32>
      %all_reduce_population_count3A_690 = tpu.all_reduce %and3A_650 {dim = 0 : i64, kind = #tpu.reduction_kind<sum>} : vector<16xi1> -> vector<16xi32>
      %slice3A_691 = vector.extract_strided_slice %all_reduce_population_count3A_690 {offsets = [0], sizes = [1], strides = [1]} : vector<16xi32> to vector<1xi32>
      %squeeze3A_692 = vector.extract %slice3A_691[0] : i32 from vector<1xi32>
      %swap3A_693 = arith.index_cast %add3A_628 : i32 to index
      %swap3A_694 = tpu.vector_load %arg10[%swap3A_693] {strides = array<i32>} : memref<1312xi32, #tpu.memory_space<vmem>>, vector<16xi32>,
      tpu.vector_store %arg10[%swap3A_693], %masked_sort3A_677 {strides = array<i32>} : memref<1312xi32, #tpu.memory_space<vmem>>, vector<16xi32>,
      %add3A_695 = arith.addi %add3A_628, %squeeze3A_689 : i32
      %swap3A_696 = arith.index_cast %add3A_695 : i32 to index
      %swap3A_697 = tpu.vector_load %arg10[%swap3A_696] {strides = array<i32>} : memref<1312xi32, #tpu.memory_space<vmem>>, vector<16xi32>,
      tpu.vector_store %arg10[%swap3A_696], %masked_sort3A_685 {strides = array<i32>} : memref<1312xi32, #tpu.memory_space<vmem>>, vector<16xi32>,
      %add3A_698 = arith.addi %add3A_628, %squeeze3A_689 : i32
      %add3A_699 = arith.addi %add3A_698, %squeeze3A_692 : i32
      %get3A_700 = arith.constant 288 : index
      %get3A_701 = tpu.vector_load %arg7[%get3A_700] {strides = array<i32>} : memref<640xi32, #tpu.memory_space<vmem>>, vector<16xi32>,
      %get3A_702 = arith.constant 288 : index
      %get3A_703 = tpu.vector_load %arg6[%get3A_702] {strides = array<i32>} : memref<640xi32, #tpu.memory_space<vmem>>, vector<16xi32>,
      %get3A_704 = arith.constant 304 : index
      %get3A_705 = tpu.vector_load %arg7[%get3A_704] {strides = array<i32>} : memref<640xi32, #tpu.memory_space<vmem>>, vector<16xi32>,
      %get3A_706 = arith.constant 304 : index
      %get3A_707 = tpu.vector_load %arg6[%get3A_706] {strides = array<i32>} : memref<640xi32, #tpu.memory_space<vmem>>, vector<16xi32>,
      %ge3A_708 = vector.broadcast %mul3A_2 : i32 to vector<16xi32>
      %ge3A_709 = arith.cmpi sge, %get3A_701, %ge3A_708 : vector<16xi32>
      %add3A_710 = arith.constant 320 : i32
      %add3A_711 = arith.addi %mul3A_2, %add3A_710 : i32
      %lt3A_712 = vector.broadcast %add3A_711 : i32 to vector<16xi32>
      %lt3A_713 = arith.cmpi slt, %get3A_701, %lt3A_712 : vector<16xi32>
      %and3A_714 = arith.andi %ge3A_709, %lt3A_713 : vector<16xi1>
      %ge3A_715 = vector.broadcast %mul3A_2 : i32 to vector<16xi32>
      %ge3A_716 = arith.cmpi sge, %get3A_705, %ge3A_715 : vector<16xi32>
      %add3A_717 = arith.constant 320 : i32
      %add3A_718 = arith.addi %mul3A_2, %add3A_717 : i32
      %lt3A_719 = vector.broadcast %add3A_718 : i32 to vector<16xi32>
      %lt3A_720 = arith.cmpi slt, %get3A_705, %lt3A_719 : vector<16xi32>
      %and3A_721 = arith.andi %ge3A_716, %lt3A_720 : vector<16xi1>
      %shift_left3A_722 = arith.constant 9 : i32
      %shift_left3A_723 = vector.broadcast %shift_left3A_722 : i32 to vector<16xi32>
      %shift_left3A_724 = arith.shli %get3A_703, %shift_left3A_723 : vector<16xi32>
      %sub3A_725 = vector.broadcast %mul3A_2 : i32 to vector<16xi32>
      %sub3A_726 = arith.subi %get3A_701, %sub3A_725 : vector<16xi32>
      %or3A_727 = arith.ori %shift_left3A_724, %sub3A_726 : vector<16xi32>
      %shift_left3A_728 = arith.constant 9 : i32
      %shift_left3A_729 = vector.broadcast %shift_left3A_728 : i32 to vector<16xi32>
      %shift_left3A_730 = arith.shli %get3A_707, %shift_left3A_729 : vector<16xi32>
      %sub3A_731 = vector.broadcast %mul3A_2 : i32 to vector<16xi32>
      %sub3A_732 = arith.subi %get3A_705, %sub3A_731 : vector<16xi32>
      %or3A_733 = arith.ori %shift_left3A_730, %sub3A_732 : vector<16xi32>
      %add3A_734 = arith.constant 16 : i32
      %add3A_735 = vector.broadcast %add3A_734 : i32 to vector<16xi32>
      %add3A_736 = arith.addi %iota3A, %add3A_735 : vector<16xi32>
      %select_n3A_737 = arith.select %and3A_714, %iota3A, %add3A_736 : vector<16xi1>, vector<16xi32>
      %add3A_738 = arith.constant 16 : i32
      %add3A_739 = vector.broadcast %add3A_738 : i32 to vector<16xi32>
      %add3A_740 = arith.addi %iota3A, %add3A_739 : vector<16xi32>
      %select_n3A_741 = arith.select %and3A_721, %iota3A, %add3A_740 : vector<16xi1>, vector<16xi32>
      %masked_sort3A_742 = arith.constant dense<true> : vector<16xi1>
      %masked_sort3A_743 = arith.constant -2147483648 : i32
      %masked_sort3A_744 = vector.broadcast %masked_sort3A_743 : i32 to vector<16xi32>
      %masked_sort3A_745 = arith.xori %select_n3A_737, %masked_sort3A_744 : vector<16xi32>
      %masked_sort3A_746, %masked_sort3A_747, %masked_sort3A_748 = tpu.sort %masked_sort3A_745, %or3A_727 masked %masked_sort3A_742 : (vector<16xi32>, vector<16xi32>, vector<16xi1>) -> (vector<16xi1>, vector<16xi32>, vector<16xi32>)
      %masked_sort3A_749 = arith.xori %masked_sort3A_747, %masked_sort3A_744 : vector<16xi32>
      %masked_sort3A_750 = arith.constant dense<true> : vector<16xi1>
      %masked_sort3A_751 = arith.constant -2147483648 : i32
      %masked_sort3A_752 = vector.broadcast %masked_sort3A_751 : i32 to vector<16xi32>
      %masked_sort3A_753 = arith.xori %select_n3A_741, %masked_sort3A_752 : vector<16xi32>
      %masked_sort3A_754, %masked_sort3A_755, %masked_sort3A_756 = tpu.sort %masked_sort3A_753, %or3A_733 masked %masked_sort3A_750 : (vector<16xi32>, vector<16xi32>, vector<16xi1>) -> (vector<16xi1>, vector<16xi32>, vector<16xi32>)
      %masked_sort3A_757 = arith.xori %masked_sort3A_755, %masked_sort3A_752 : vector<16xi32>
      %all_reduce_population_count3A_758 = tpu.all_reduce %and3A_714 {dim = 0 : i64, kind = #tpu.reduction_kind<sum>} : vector<16xi1> -> vector<16xi32>
      %slice3A_759 = vector.extract_strided_slice %all_reduce_population_count3A_758 {offsets = [0], sizes = [1], strides = [1]} : vector<16xi32> to vector<1xi32>
      %squeeze3A_760 = vector.extract %slice3A_759[0] : i32 from vector<1xi32>
      %all_reduce_population_count3A_761 = tpu.all_reduce %and3A_721 {dim = 0 : i64, kind = #tpu.reduction_kind<sum>} : vector<16xi1> -> vector<16xi32>
      %slice3A_762 = vector.extract_strided_slice %all_reduce_population_count3A_761 {offsets = [0], sizes = [1], strides = [1]} : vector<16xi32> to vector<1xi32>
      %squeeze3A_763 = vector.extract %slice3A_762[0] : i32 from vector<1xi32>
      %swap3A_764 = arith.index_cast %add3A_699 : i32 to index
      %swap3A_765 = tpu.vector_load %arg10[%swap3A_764] {strides = array<i32>} : memref<1312xi32, #tpu.memory_space<vmem>>, vector<16xi32>,
      tpu.vector_store %arg10[%swap3A_764], %masked_sort3A_748 {strides = array<i32>} : memref<1312xi32, #tpu.memory_space<vmem>>, vector<16xi32>,
      %add3A_766 = arith.addi %add3A_699, %squeeze3A_760 : i32
      %swap3A_767 = arith.index_cast %add3A_766 : i32 to index
      %swap3A_768 = tpu.vector_load %arg10[%swap3A_767] {strides = array<i32>} : memref<1312xi32, #tpu.memory_space<vmem>>, vector<16xi32>,
      tpu.vector_store %arg10[%swap3A_767], %masked_sort3A_756 {strides = array<i32>} : memref<1312xi32, #tpu.memory_space<vmem>>, vector<16xi32>,
      %add3A_769 = arith.addi %add3A_699, %squeeze3A_760 : i32
      %add3A_770 = arith.addi %add3A_769, %squeeze3A_763 : i32
      %get3A_771 = arith.constant 320 : index
      %get3A_772 = tpu.vector_load %arg7[%get3A_771] {strides = array<i32>} : memref<640xi32, #tpu.memory_space<vmem>>, vector<16xi32>,
      %get3A_773 = arith.constant 320 : index
      %get3A_774 = tpu.vector_load %arg6[%get3A_773] {strides = array<i32>} : memref<640xi32, #tpu.memory_space<vmem>>, vector<16xi32>,
      %get3A_775 = arith.constant 336 : index
      %get3A_776 = tpu.vector_load %arg7[%get3A_775] {strides = array<i32>} : memref<640xi32, #tpu.memory_space<vmem>>, vector<16xi32>,
      %get3A_777 = arith.constant 336 : index
      %get3A_778 = tpu.vector_load %arg6[%get3A_777] {strides = array<i32>} : memref<640xi32, #tpu.memory_space<vmem>>, vector<16xi32>,
      %ge3A_779 = vector.broadcast %mul3A_2 : i32 to vector<16xi32>
      %ge3A_780 = arith.cmpi sge, %get3A_772, %ge3A_779 : vector<16xi32>
      %add3A_781 = arith.constant 320 : i32
      %add3A_782 = arith.addi %mul3A_2, %add3A_781 : i32
      %lt3A_783 = vector.broadcast %add3A_782 : i32 to vector<16xi32>
      %lt3A_784 = arith.cmpi slt, %get3A_772, %lt3A_783 : vector<16xi32>
      %and3A_785 = arith.andi %ge3A_780, %lt3A_784 : vector<16xi1>
      %ge3A_786 = vector.broadcast %mul3A_2 : i32 to vector<16xi32>
      %ge3A_787 = arith.cmpi sge, %get3A_776, %ge3A_786 : vector<16xi32>
      %add3A_788 = arith.constant 320 : i32
      %add3A_789 = arith.addi %mul3A_2, %add3A_788 : i32
      %lt3A_790 = vector.broadcast %add3A_789 : i32 to vector<16xi32>
      %lt3A_791 = arith.cmpi slt, %get3A_776, %lt3A_790 : vector<16xi32>
      %and3A_792 = arith.andi %ge3A_787, %lt3A_791 : vector<16xi1>
      %shift_left3A_793 = arith.constant 9 : i32
      %shift_left3A_794 = vector.broadcast %shift_left3A_793 : i32 to vector<16xi32>
      %shift_left3A_795 = arith.shli %get3A_774, %shift_left3A_794 : vector<16xi32>
      %sub3A_796 = vector.broadcast %mul3A_2 : i32 to vector<16xi32>
      %sub3A_797 = arith.subi %get3A_772, %sub3A_796 : vector<16xi32>
      %or3A_798 = arith.ori %shift_left3A_795, %sub3A_797 : vector<16xi32>
      %shift_left3A_799 = arith.constant 9 : i32
      %shift_left3A_800 = vector.broadcast %shift_left3A_799 : i32 to vector<16xi32>
      %shift_left3A_801 = arith.shli %get3A_778, %shift_left3A_800 : vector<16xi32>
      %sub3A_802 = vector.broadcast %mul3A_2 : i32 to vector<16xi32>
      %sub3A_803 = arith.subi %get3A_776, %sub3A_802 : vector<16xi32>
      %or3A_804 = arith.ori %shift_left3A_801, %sub3A_803 : vector<16xi32>
      %add3A_805 = arith.constant 16 : i32
      %add3A_806 = vector.broadcast %add3A_805 : i32 to vector<16xi32>
      %add3A_807 = arith.addi %iota3A, %add3A_806 : vector<16xi32>
      %select_n3A_808 = arith.select %and3A_785, %iota3A, %add3A_807 : vector<16xi1>, vector<16xi32>
      %add3A_809 = arith.constant 16 : i32
      %add3A_810 = vector.broadcast %add3A_809 : i32 to vector<16xi32>
      %add3A_811 = arith.addi %iota3A, %add3A_810 : vector<16xi32>
      %select_n3A_812 = arith.select %and3A_792, %iota3A, %add3A_811 : vector<16xi1>, vector<16xi32>
      %masked_sort3A_813 = arith.constant dense<true> : vector<16xi1>
      %masked_sort3A_814 = arith.constant -2147483648 : i32
      %masked_sort3A_815 = vector.broadcast %masked_sort3A_814 : i32 to vector<16xi32>
      %masked_sort3A_816 = arith.xori %select_n3A_808, %masked_sort3A_815 : vector<16xi32>
      %masked_sort3A_817, %masked_sort3A_818, %masked_sort3A_819 = tpu.sort %masked_sort3A_816, %or3A_798 masked %masked_sort3A_813 : (vector<16xi32>, vector<16xi32>, vector<16xi1>) -> (vector<16xi1>, vector<16xi32>, vector<16xi32>)
      %masked_sort3A_820 = arith.xori %masked_sort3A_818, %masked_sort3A_815 : vector<16xi32>
      %masked_sort3A_821 = arith.constant dense<true> : vector<16xi1>
      %masked_sort3A_822 = arith.constant -2147483648 : i32
      %masked_sort3A_823 = vector.broadcast %masked_sort3A_822 : i32 to vector<16xi32>
      %masked_sort3A_824 = arith.xori %select_n3A_812, %masked_sort3A_823 : vector<16xi32>
      %masked_sort3A_825, %masked_sort3A_826, %masked_sort3A_827 = tpu.sort %masked_sort3A_824, %or3A_804 masked %masked_sort3A_821 : (vector<16xi32>, vector<16xi32>, vector<16xi1>) -> (vector<16xi1>, vector<16xi32>, vector<16xi32>)
      %masked_sort3A_828 = arith.xori %masked_sort3A_826, %masked_sort3A_823 : vector<16xi32>
      %all_reduce_population_count3A_829 = tpu.all_reduce %and3A_785 {dim = 0 : i64, kind = #tpu.reduction_kind<sum>} : vector<16xi1> -> vector<16xi32>
      %slice3A_830 = vector.extract_strided_slice %all_reduce_population_count3A_829 {offsets = [0], sizes = [1], strides = [1]} : vector<16xi32> to vector<1xi32>
      %squeeze3A_831 = vector.extract %slice3A_830[0] : i32 from vector<1xi32>
      %all_reduce_population_count3A_832 = tpu.all_reduce %and3A_792 {dim = 0 : i64, kind = #tpu.reduction_kind<sum>} : vector<16xi1> -> vector<16xi32>
      %slice3A_833 = vector.extract_strided_slice %all_reduce_population_count3A_832 {offsets = [0], sizes = [1], strides = [1]} : vector<16xi32> to vector<1xi32>
      %squeeze3A_834 = vector.extract %slice3A_833[0] : i32 from vector<1xi32>
      %swap3A_835 = arith.index_cast %add3A_770 : i32 to index
      %swap3A_836 = tpu.vector_load %arg10[%swap3A_835] {strides = array<i32>} : memref<1312xi32, #tpu.memory_space<vmem>>, vector<16xi32>,
      tpu.vector_store %arg10[%swap3A_835], %masked_sort3A_819 {strides = array<i32>} : memref<1312xi32, #tpu.memory_space<vmem>>, vector<16xi32>,
      %add3A_837 = arith.addi %add3A_770, %squeeze3A_831 : i32
      %swap3A_838 = arith.index_cast %add3A_837 : i32 to index
      %swap3A_839 = tpu.vector_load %arg10[%swap3A_838] {strides = array<i32>} : memref<1312xi32, #tpu.memory_space<vmem>>, vector<16xi32>,
      tpu.vector_store %arg10[%swap3A_838], %masked_sort3A_827 {strides = array<i32>} : memref<1312xi32, #tpu.memory_space<vmem>>, vector<16xi32>,
      %add3A_840 = arith.addi %add3A_770, %squeeze3A_831 : i32
      %add3A_841 = arith.addi %add3A_840, %squeeze3A_834 : i32
      %get3A_842 = arith.constant 352 : index
      %get3A_843 = tpu.vector_load %arg7[%get3A_842] {strides = array<i32>} : memref<640xi32, #tpu.memory_space<vmem>>, vector<16xi32>,
      %get3A_844 = arith.constant 352 : index
      %get3A_845 = tpu.vector_load %arg6[%get3A_844] {strides = array<i32>} : memref<640xi32, #tpu.memory_space<vmem>>, vector<16xi32>,
      %get3A_846 = arith.constant 368 : index
      %get3A_847 = tpu.vector_load %arg7[%get3A_846] {strides = array<i32>} : memref<640xi32, #tpu.memory_space<vmem>>, vector<16xi32>,
      %get3A_848 = arith.constant 368 : index
      %get3A_849 = tpu.vector_load %arg6[%get3A_848] {strides = array<i32>} : memref<640xi32, #tpu.memory_space<vmem>>, vector<16xi32>,
      %ge3A_850 = vector.broadcast %mul3A_2 : i32 to vector<16xi32>
      %ge3A_851 = arith.cmpi sge, %get3A_843, %ge3A_850 : vector<16xi32>
      %add3A_852 = arith.constant 320 : i32
      %add3A_853 = arith.addi %mul3A_2, %add3A_852 : i32
      %lt3A_854 = vector.broadcast %add3A_853 : i32 to vector<16xi32>
      %lt3A_855 = arith.cmpi slt, %get3A_843, %lt3A_854 : vector<16xi32>
      %and3A_856 = arith.andi %ge3A_851, %lt3A_855 : vector<16xi1>
      %ge3A_857 = vector.broadcast %mul3A_2 : i32 to vector<16xi32>
      %ge3A_858 = arith.cmpi sge, %get3A_847, %ge3A_857 : vector<16xi32>
      %add3A_859 = arith.constant 320 : i32
      %add3A_860 = arith.addi %mul3A_2, %add3A_859 : i32
      %lt3A_861 = vector.broadcast %add3A_860 : i32 to vector<16xi32>
      %lt3A_862 = arith.cmpi slt, %get3A_847, %lt3A_861 : vector<16xi32>
      %and3A_863 = arith.andi %ge3A_858, %lt3A_862 : vector<16xi1>
      %shift_left3A_864 = arith.constant 9 : i32
      %shift_left3A_865 = vector.broadcast %shift_left3A_864 : i32 to vector<16xi32>
      %shift_left3A_866 = arith.shli %get3A_845, %shift_left3A_865 : vector<16xi32>
      %sub3A_867 = vector.broadcast %mul3A_2 : i32 to vector<16xi32>
      %sub3A_868 = arith.subi %get3A_843, %sub3A_867 : vector<16xi32>
      %or3A_869 = arith.ori %shift_left3A_866, %sub3A_868 : vector<16xi32>
      %shift_left3A_870 = arith.constant 9 : i32
      %shift_left3A_871 = vector.broadcast %shift_left3A_870 : i32 to vector<16xi32>
      %shift_left3A_872 = arith.shli %get3A_849, %shift_left3A_871 : vector<16xi32>
      %sub3A_873 = vector.broadcast %mul3A_2 : i32 to vector<16xi32>
      %sub3A_874 = arith.subi %get3A_847, %sub3A_873 : vector<16xi32>
      %or3A_875 = arith.ori %shift_left3A_872, %sub3A_874 : vector<16xi32>
      %add3A_876 = arith.constant 16 : i32
      %add3A_877 = vector.broadcast %add3A_876 : i32 to vector<16xi32>
      %add3A_878 = arith.addi %iota3A, %add3A_877 : vector<16xi32>
      %select_n3A_879 = arith.select %and3A_856, %iota3A, %add3A_878 : vector<16xi1>, vector<16xi32>
      %add3A_880 = arith.constant 16 : i32
      %add3A_881 = vector.broadcast %add3A_880 : i32 to vector<16xi32>
      %add3A_882 = arith.addi %iota3A, %add3A_881 : vector<16xi32>
      %select_n3A_883 = arith.select %and3A_863, %iota3A, %add3A_882 : vector<16xi1>, vector<16xi32>
      %masked_sort3A_884 = arith.constant dense<true> : vector<16xi1>
      %masked_sort3A_885 = arith.constant -2147483648 : i32
      %masked_sort3A_886 = vector.broadcast %masked_sort3A_885 : i32 to vector<16xi32>
      %masked_sort3A_887 = arith.xori %select_n3A_879, %masked_sort3A_886 : vector<16xi32>
      %masked_sort3A_888, %masked_sort3A_889, %masked_sort3A_890 = tpu.sort %masked_sort3A_887, %or3A_869 masked %masked_sort3A_884 : (vector<16xi32>, vector<16xi32>, vector<16xi1>) -> (vector<16xi1>, vector<16xi32>, vector<16xi32>)
      %masked_sort3A_891 = arith.xori %masked_sort3A_889, %masked_sort3A_886 : vector<16xi32>
      %masked_sort3A_892 = arith.constant dense<true> : vector<16xi1>
      %masked_sort3A_893 = arith.constant -2147483648 : i32
      %masked_sort3A_894 = vector.broadcast %masked_sort3A_893 : i32 to vector<16xi32>
      %masked_sort3A_895 = arith.xori %select_n3A_883, %masked_sort3A_894 : vector<16xi32>
      %masked_sort3A_896, %masked_sort3A_897, %masked_sort3A_898 = tpu.sort %masked_sort3A_895, %or3A_875 masked %masked_sort3A_892 : (vector<16xi32>, vector<16xi32>, vector<16xi1>) -> (vector<16xi1>, vector<16xi32>, vector<16xi32>)
      %masked_sort3A_899 = arith.xori %masked_sort3A_897, %masked_sort3A_894 : vector<16xi32>
      %all_reduce_population_count3A_900 = tpu.all_reduce %and3A_856 {dim = 0 : i64, kind = #tpu.reduction_kind<sum>} : vector<16xi1> -> vector<16xi32>
      %slice3A_901 = vector.extract_strided_slice %all_reduce_population_count3A_900 {offsets = [0], sizes = [1], strides = [1]} : vector<16xi32> to vector<1xi32>
      %squeeze3A_902 = vector.extract %slice3A_901[0] : i32 from vector<1xi32>
      %all_reduce_population_count3A_903 = tpu.all_reduce %and3A_863 {dim = 0 : i64, kind = #tpu.reduction_kind<sum>} : vector<16xi1> -> vector<16xi32>
      %slice3A_904 = vector.extract_strided_slice %all_reduce_population_count3A_903 {offsets = [0], sizes = [1], strides = [1]} : vector<16xi32> to vector<1xi32>
      %squeeze3A_905 = vector.extract %slice3A_904[0] : i32 from vector<1xi32>
      %swap3A_906 = arith.index_cast %add3A_841 : i32 to index
      %swap3A_907 = tpu.vector_load %arg10[%swap3A_906] {strides = array<i32>} : memref<1312xi32, #tpu.memory_space<vmem>>, vector<16xi32>,
      tpu.vector_store %arg10[%swap3A_906], %masked_sort3A_890 {strides = array<i32>} : memref<1312xi32, #tpu.memory_space<vmem>>, vector<16xi32>,
      %add3A_908 = arith.addi %add3A_841, %squeeze3A_902 : i32
      %swap3A_909 = arith.index_cast %add3A_908 : i32 to index
      %swap3A_910 = tpu.vector_load %arg10[%swap3A_909] {strides = array<i32>} : memref<1312xi32, #tpu.memory_space<vmem>>, vector<16xi32>,
      tpu.vector_store %arg10[%swap3A_909], %masked_sort3A_898 {strides = array<i32>} : memref<1312xi32, #tpu.memory_space<vmem>>, vector<16xi32>,
      %add3A_911 = arith.addi %add3A_841, %squeeze3A_902 : i32
      %add3A_912 = arith.addi %add3A_911, %squeeze3A_905 : i32
      %get3A_913 = arith.constant 384 : index
      %get3A_914 = tpu.vector_load %arg7[%get3A_913] {strides = array<i32>} : memref<640xi32, #tpu.memory_space<vmem>>, vector<16xi32>,
      %get3A_915 = arith.constant 384 : index
      %get3A_916 = tpu.vector_load %arg6[%get3A_915] {strides = array<i32>} : memref<640xi32, #tpu.memory_space<vmem>>, vector<16xi32>,
      %get3A_917 = arith.constant 400 : index
      %get3A_918 = tpu.vector_load %arg7[%get3A_917] {strides = array<i32>} : memref<640xi32, #tpu.memory_space<vmem>>, vector<16xi32>,
      %get3A_919 = arith.constant 400 : index
      %get3A_920 = tpu.vector_load %arg6[%get3A_919] {strides = array<i32>} : memref<640xi32, #tpu.memory_space<vmem>>, vector<16xi32>,
      %ge3A_921 = vector.broadcast %mul3A_2 : i32 to vector<16xi32>
      %ge3A_922 = arith.cmpi sge, %get3A_914, %ge3A_921 : vector<16xi32>
      %add3A_923 = arith.constant 320 : i32
      %add3A_924 = arith.addi %mul3A_2, %add3A_923 : i32
      %lt3A_925 = vector.broadcast %add3A_924 : i32 to vector<16xi32>
      %lt3A_926 = arith.cmpi slt, %get3A_914, %lt3A_925 : vector<16xi32>
      %and3A_927 = arith.andi %ge3A_922, %lt3A_926 : vector<16xi1>
      %ge3A_928 = vector.broadcast %mul3A_2 : i32 to vector<16xi32>
      %ge3A_929 = arith.cmpi sge, %get3A_918, %ge3A_928 : vector<16xi32>
      %add3A_930 = arith.constant 320 : i32
      %add3A_931 = arith.addi %mul3A_2, %add3A_930 : i32
      %lt3A_932 = vector.broadcast %add3A_931 : i32 to vector<16xi32>
      %lt3A_933 = arith.cmpi slt, %get3A_918, %lt3A_932 : vector<16xi32>
      %and3A_934 = arith.andi %ge3A_929, %lt3A_933 : vector<16xi1>
      %shift_left3A_935 = arith.constant 9 : i32
      %shift_left3A_936 = vector.broadcast %shift_left3A_935 : i32 to vector<16xi32>
      %shift_left3A_937 = arith.shli %get3A_916, %shift_left3A_936 : vector<16xi32>
      %sub3A_938 = vector.broadcast %mul3A_2 : i32 to vector<16xi32>
      %sub3A_939 = arith.subi %get3A_914, %sub3A_938 : vector<16xi32>
      %or3A_940 = arith.ori %shift_left3A_937, %sub3A_939 : vector<16xi32>
      %shift_left3A_941 = arith.constant 9 : i32
      %shift_left3A_942 = vector.broadcast %shift_left3A_941 : i32 to vector<16xi32>
      %shift_left3A_943 = arith.shli %get3A_920, %shift_left3A_942 : vector<16xi32>
      %sub3A_944 = vector.broadcast %mul3A_2 : i32 to vector<16xi32>
      %sub3A_945 = arith.subi %get3A_918, %sub3A_944 : vector<16xi32>
      %or3A_946 = arith.ori %shift_left3A_943, %sub3A_945 : vector<16xi32>
      %add3A_947 = arith.constant 16 : i32
      %add3A_948 = vector.broadcast %add3A_947 : i32 to vector<16xi32>
      %add3A_949 = arith.addi %iota3A, %add3A_948 : vector<16xi32>
      %select_n3A_950 = arith.select %and3A_927, %iota3A, %add3A_949 : vector<16xi1>, vector<16xi32>
      %add3A_951 = arith.constant 16 : i32
      %add3A_952 = vector.broadcast %add3A_951 : i32 to vector<16xi32>
      %add3A_953 = arith.addi %iota3A, %add3A_952 : vector<16xi32>
      %select_n3A_954 = arith.select %and3A_934, %iota3A, %add3A_953 : vector<16xi1>, vector<16xi32>
      %masked_sort3A_955 = arith.constant dense<true> : vector<16xi1>
      %masked_sort3A_956 = arith.constant -2147483648 : i32
      %masked_sort3A_957 = vector.broadcast %masked_sort3A_956 : i32 to vector<16xi32>
      %masked_sort3A_958 = arith.xori %select_n3A_950, %masked_sort3A_957 : vector<16xi32>
      %masked_sort3A_959, %masked_sort3A_960, %masked_sort3A_961 = tpu.sort %masked_sort3A_958, %or3A_940 masked %masked_sort3A_955 : (vector<16xi32>, vector<16xi32>, vector<16xi1>) -> (vector<16xi1>, vector<16xi32>, vector<16xi32>)
      %masked_sort3A_962 = arith.xori %masked_sort3A_960, %masked_sort3A_957 : vector<16xi32>
      %masked_sort3A_963 = arith.constant dense<true> : vector<16xi1>
      %masked_sort3A_964 = arith.constant -2147483648 : i32
      %masked_sort3A_965 = vector.broadcast %masked_sort3A_964 : i32 to vector<16xi32>
      %masked_sort3A_966 = arith.xori %select_n3A_954, %masked_sort3A_965 : vector<16xi32>
      %masked_sort3A_967, %masked_sort3A_968, %masked_sort3A_969 = tpu.sort %masked_sort3A_966, %or3A_946 masked %masked_sort3A_963 : (vector<16xi32>, vector<16xi32>, vector<16xi1>) -> (vector<16xi1>, vector<16xi32>, vector<16xi32>)
      %masked_sort3A_970 = arith.xori %masked_sort3A_968, %masked_sort3A_965 : vector<16xi32>
      %all_reduce_population_count3A_971 = tpu.all_reduce %and3A_927 {dim = 0 : i64, kind = #tpu.reduction_kind<sum>} : vector<16xi1> -> vector<16xi32>
      %slice3A_972 = vector.extract_strided_slice %all_reduce_population_count3A_971 {offsets = [0], sizes = [1], strides = [1]} : vector<16xi32> to vector<1xi32>
      %squeeze3A_973 = vector.extract %slice3A_972[0] : i32 from vector<1xi32>
      %all_reduce_population_count3A_974 = tpu.all_reduce %and3A_934 {dim = 0 : i64, kind = #tpu.reduction_kind<sum>} : vector<16xi1> -> vector<16xi32>
      %slice3A_975 = vector.extract_strided_slice %all_reduce_population_count3A_974 {offsets = [0], sizes = [1], strides = [1]} : vector<16xi32> to vector<1xi32>
      %squeeze3A_976 = vector.extract %slice3A_975[0] : i32 from vector<1xi32>
      %swap3A_977 = arith.index_cast %add3A_912 : i32 to index
      %swap3A_978 = tpu.vector_load %arg10[%swap3A_977] {strides = array<i32>} : memref<1312xi32, #tpu.memory_space<vmem>>, vector<16xi32>,
      tpu.vector_store %arg10[%swap3A_977], %masked_sort3A_961 {strides = array<i32>} : memref<1312xi32, #tpu.memory_space<vmem>>, vector<16xi32>,
      %add3A_979 = arith.addi %add3A_912, %squeeze3A_973 : i32
      %swap3A_980 = arith.index_cast %add3A_979 : i32 to index
      %swap3A_981 = tpu.vector_load %arg10[%swap3A_980] {strides = array<i32>} : memref<1312xi32, #tpu.memory_space<vmem>>, vector<16xi32>,
      tpu.vector_store %arg10[%swap3A_980], %masked_sort3A_969 {strides = array<i32>} : memref<1312xi32, #tpu.memory_space<vmem>>, vector<16xi32>,
      %add3A_982 = arith.addi %add3A_912, %squeeze3A_973 : i32
      %add3A_983 = arith.addi %add3A_982, %squeeze3A_976 : i32
      %get3A_984 = arith.constant 416 : index
      %get3A_985 = tpu.vector_load %arg7[%get3A_984] {strides = array<i32>} : memref<640xi32, #tpu.memory_space<vmem>>, vector<16xi32>,
      %get3A_986 = arith.constant 416 : index
      %get3A_987 = tpu.vector_load %arg6[%get3A_986] {strides = array<i32>} : memref<640xi32, #tpu.memory_space<vmem>>, vector<16xi32>,
      %get3A_988 = arith.constant 432 : index
      %get3A_989 = tpu.vector_load %arg7[%get3A_988] {strides = array<i32>} : memref<640xi32, #tpu.memory_space<vmem>>, vector<16xi32>,
      %get3A_990 = arith.constant 432 : index
      %get3A_991 = tpu.vector_load %arg6[%get3A_990] {strides = array<i32>} : memref<640xi32, #tpu.memory_space<vmem>>, vector<16xi32>,
      %ge3A_992 = vector.broadcast %mul3A_2 : i32 to vector<16xi32>
      %ge3A_993 = arith.cmpi sge, %get3A_985, %ge3A_992 : vector<16xi32>
      %add3A_994 = arith.constant 320 : i32
      %add3A_995 = arith.addi %mul3A_2, %add3A_994 : i32
      %lt3A_996 = vector.broadcast %add3A_995 : i32 to vector<16xi32>
      %lt3A_997 = arith.cmpi slt, %get3A_985, %lt3A_996 : vector<16xi32>
      %and3A_998 = arith.andi %ge3A_993, %lt3A_997 : vector<16xi1>
      %ge3A_999 = vector.broadcast %mul3A_2 : i32 to vector<16xi32>
      %ge3A_1000 = arith.cmpi sge, %get3A_989, %ge3A_999 : vector<16xi32>
      %add3A_1001 = arith.constant 320 : i32
      %add3A_1002 = arith.addi %mul3A_2, %add3A_1001 : i32
      %lt3A_1003 = vector.broadcast %add3A_1002 : i32 to vector<16xi32>
      %lt3A_1004 = arith.cmpi slt, %get3A_989, %lt3A_1003 : vector<16xi32>
      %and3A_1005 = arith.andi %ge3A_1000, %lt3A_1004 : vector<16xi1>
      %shift_left3A_1006 = arith.constant 9 : i32
      %shift_left3A_1007 = vector.broadcast %shift_left3A_1006 : i32 to vector<16xi32>
      %shift_left3A_1008 = arith.shli %get3A_987, %shift_left3A_1007 : vector<16xi32>
      %sub3A_1009 = vector.broadcast %mul3A_2 : i32 to vector<16xi32>
      %sub3A_1010 = arith.subi %get3A_985, %sub3A_1009 : vector<16xi32>
      %or3A_1011 = arith.ori %shift_left3A_1008, %sub3A_1010 : vector<16xi32>
      %shift_left3A_1012 = arith.constant 9 : i32
      %shift_left3A_1013 = vector.broadcast %shift_left3A_1012 : i32 to vector<16xi32>
      %shift_left3A_1014 = arith.shli %get3A_991, %shift_left3A_1013 : vector<16xi32>
      %sub3A_1015 = vector.broadcast %mul3A_2 : i32 to vector<16xi32>
      %sub3A_1016 = arith.subi %get3A_989, %sub3A_1015 : vector<16xi32>
      %or3A_1017 = arith.ori %shift_left3A_1014, %sub3A_1016 : vector<16xi32>
      %add3A_1018 = arith.constant 16 : i32
      %add3A_1019 = vector.broadcast %add3A_1018 : i32 to vector<16xi32>
      %add3A_1020 = arith.addi %iota3A, %add3A_1019 : vector<16xi32>
      %select_n3A_1021 = arith.select %and3A_998, %iota3A, %add3A_1020 : vector<16xi1>, vector<16xi32>
      %add3A_1022 = arith.constant 16 : i32
      %add3A_1023 = vector.broadcast %add3A_1022 : i32 to vector<16xi32>
      %add3A_1024 = arith.addi %iota3A, %add3A_1023 : vector<16xi32>
      %select_n3A_1025 = arith.select %and3A_1005, %iota3A, %add3A_1024 : vector<16xi1>, vector<16xi32>
      %masked_sort3A_1026 = arith.constant dense<true> : vector<16xi1>
      %masked_sort3A_1027 = arith.constant -2147483648 : i32
      %masked_sort3A_1028 = vector.broadcast %masked_sort3A_1027 : i32 to vector<16xi32>
      %masked_sort3A_1029 = arith.xori %select_n3A_1021, %masked_sort3A_1028 : vector<16xi32>
      %masked_sort3A_1030, %masked_sort3A_1031, %masked_sort3A_1032 = tpu.sort %masked_sort3A_1029, %or3A_1011 masked %masked_sort3A_1026 : (vector<16xi32>, vector<16xi32>, vector<16xi1>) -> (vector<16xi1>, vector<16xi32>, vector<16xi32>)
      %masked_sort3A_1033 = arith.xori %masked_sort3A_1031, %masked_sort3A_1028 : vector<16xi32>
      %masked_sort3A_1034 = arith.constant dense<true> : vector<16xi1>
      %masked_sort3A_1035 = arith.constant -2147483648 : i32
      %masked_sort3A_1036 = vector.broadcast %masked_sort3A_1035 : i32 to vector<16xi32>
      %masked_sort3A_1037 = arith.xori %select_n3A_1025, %masked_sort3A_1036 : vector<16xi32>
      %masked_sort3A_1038, %masked_sort3A_1039, %masked_sort3A_1040 = tpu.sort %masked_sort3A_1037, %or3A_1017 masked %masked_sort3A_1034 : (vector<16xi32>, vector<16xi32>, vector<16xi1>) -> (vector<16xi1>, vector<16xi32>, vector<16xi32>)
      %masked_sort3A_1041 = arith.xori %masked_sort3A_1039, %masked_sort3A_1036 : vector<16xi32>
      %all_reduce_population_count3A_1042 = tpu.all_reduce %and3A_998 {dim = 0 : i64, kind = #tpu.reduction_kind<sum>} : vector<16xi1> -> vector<16xi32>
      %slice3A_1043 = vector.extract_strided_slice %all_reduce_population_count3A_1042 {offsets = [0], sizes = [1], strides = [1]} : vector<16xi32> to vector<1xi32>
      %squeeze3A_1044 = vector.extract %slice3A_1043[0] : i32 from vector<1xi32>
      %all_reduce_population_count3A_1045 = tpu.all_reduce %and3A_1005 {dim = 0 : i64, kind = #tpu.reduction_kind<sum>} : vector<16xi1> -> vector<16xi32>
      %slice3A_1046 = vector.extract_strided_slice %all_reduce_population_count3A_1045 {offsets = [0], sizes = [1], strides = [1]} : vector<16xi32> to vector<1xi32>
      %squeeze3A_1047 = vector.extract %slice3A_1046[0] : i32 from vector<1xi32>
      %swap3A_1048 = arith.index_cast %add3A_983 : i32 to index
      %swap3A_1049 = tpu.vector_load %arg10[%swap3A_1048] {strides = array<i32>} : memref<1312xi32, #tpu.memory_space<vmem>>, vector<16xi32>,
      tpu.vector_store %arg10[%swap3A_1048], %masked_sort3A_1032 {strides = array<i32>} : memref<1312xi32, #tpu.memory_space<vmem>>, vector<16xi32>,
      %add3A_1050 = arith.addi %add3A_983, %squeeze3A_1044 : i32
      %swap3A_1051 = arith.index_cast %add3A_1050 : i32 to index
      %swap3A_1052 = tpu.vector_load %arg10[%swap3A_1051] {strides = array<i32>} : memref<1312xi32, #tpu.memory_space<vmem>>, vector<16xi32>,
      tpu.vector_store %arg10[%swap3A_1051], %masked_sort3A_1040 {strides = array<i32>} : memref<1312xi32, #tpu.memory_space<vmem>>, vector<16xi32>,
      %add3A_1053 = arith.addi %add3A_983, %squeeze3A_1044 : i32
      %add3A_1054 = arith.addi %add3A_1053, %squeeze3A_1047 : i32
      %get3A_1055 = arith.constant 448 : index
      %get3A_1056 = tpu.vector_load %arg7[%get3A_1055] {strides = array<i32>} : memref<640xi32, #tpu.memory_space<vmem>>, vector<16xi32>,
      %get3A_1057 = arith.constant 448 : index
      %get3A_1058 = tpu.vector_load %arg6[%get3A_1057] {strides = array<i32>} : memref<640xi32, #tpu.memory_space<vmem>>, vector<16xi32>,
      %get3A_1059 = arith.constant 464 : index
      %get3A_1060 = tpu.vector_load %arg7[%get3A_1059] {strides = array<i32>} : memref<640xi32, #tpu.memory_space<vmem>>, vector<16xi32>,
      %get3A_1061 = arith.constant 464 : index
      %get3A_1062 = tpu.vector_load %arg6[%get3A_1061] {strides = array<i32>} : memref<640xi32, #tpu.memory_space<vmem>>, vector<16xi32>,
      %ge3A_1063 = vector.broadcast %mul3A_2 : i32 to vector<16xi32>
      %ge3A_1064 = arith.cmpi sge, %get3A_1056, %ge3A_1063 : vector<16xi32>
      %add3A_1065 = arith.constant 320 : i32
      %add3A_1066 = arith.addi %mul3A_2, %add3A_1065 : i32
      %lt3A_1067 = vector.broadcast %add3A_1066 : i32 to vector<16xi32>
      %lt3A_1068 = arith.cmpi slt, %get3A_1056, %lt3A_1067 : vector<16xi32>
      %and3A_1069 = arith.andi %ge3A_1064, %lt3A_1068 : vector<16xi1>
      %ge3A_1070 = vector.broadcast %mul3A_2 : i32 to vector<16xi32>
      %ge3A_1071 = arith.cmpi sge, %get3A_1060, %ge3A_1070 : vector<16xi32>
      %add3A_1072 = arith.constant 320 : i32
      %add3A_1073 = arith.addi %mul3A_2, %add3A_1072 : i32
      %lt3A_1074 = vector.broadcast %add3A_1073 : i32 to vector<16xi32>
      %lt3A_1075 = arith.cmpi slt, %get3A_1060, %lt3A_1074 : vector<16xi32>
      %and3A_1076 = arith.andi %ge3A_1071, %lt3A_1075 : vector<16xi1>
      %shift_left3A_1077 = arith.constant 9 : i32
      %shift_left3A_1078 = vector.broadcast %shift_left3A_1077 : i32 to vector<16xi32>
      %shift_left3A_1079 = arith.shli %get3A_1058, %shift_left3A_1078 : vector<16xi32>
      %sub3A_1080 = vector.broadcast %mul3A_2 : i32 to vector<16xi32>
      %sub3A_1081 = arith.subi %get3A_1056, %sub3A_1080 : vector<16xi32>
      %or3A_1082 = arith.ori %shift_left3A_1079, %sub3A_1081 : vector<16xi32>
      %shift_left3A_1083 = arith.constant 9 : i32
      %shift_left3A_1084 = vector.broadcast %shift_left3A_1083 : i32 to vector<16xi32>
      %shift_left3A_1085 = arith.shli %get3A_1062, %shift_left3A_1084 : vector<16xi32>
      %sub3A_1086 = vector.broadcast %mul3A_2 : i32 to vector<16xi32>
      %sub3A_1087 = arith.subi %get3A_1060, %sub3A_1086 : vector<16xi32>
      %or3A_1088 = arith.ori %shift_left3A_1085, %sub3A_1087 : vector<16xi32>
      %add3A_1089 = arith.constant 16 : i32
      %add3A_1090 = vector.broadcast %add3A_1089 : i32 to vector<16xi32>
      %add3A_1091 = arith.addi %iota3A, %add3A_1090 : vector<16xi32>
      %select_n3A_1092 = arith.select %and3A_1069, %iota3A, %add3A_1091 : vector<16xi1>, vector<16xi32>
      %add3A_1093 = arith.constant 16 : i32
      %add3A_1094 = vector.broadcast %add3A_1093 : i32 to vector<16xi32>
      %add3A_1095 = arith.addi %iota3A, %add3A_1094 : vector<16xi32>
      %select_n3A_1096 = arith.select %and3A_1076, %iota3A, %add3A_1095 : vector<16xi1>, vector<16xi32>
      %masked_sort3A_1097 = arith.constant dense<true> : vector<16xi1>
      %masked_sort3A_1098 = arith.constant -2147483648 : i32
      %masked_sort3A_1099 = vector.broadcast %masked_sort3A_1098 : i32 to vector<16xi32>
      %masked_sort3A_1100 = arith.xori %select_n3A_1092, %masked_sort3A_1099 : vector<16xi32>
      %masked_sort3A_1101, %masked_sort3A_1102, %masked_sort3A_1103 = tpu.sort %masked_sort3A_1100, %or3A_1082 masked %masked_sort3A_1097 : (vector<16xi32>, vector<16xi32>, vector<16xi1>) -> (vector<16xi1>, vector<16xi32>, vector<16xi32>)
      %masked_sort3A_1104 = arith.xori %masked_sort3A_1102, %masked_sort3A_1099 : vector<16xi32>
      %masked_sort3A_1105 = arith.constant dense<true> : vector<16xi1>
      %masked_sort3A_1106 = arith.constant -2147483648 : i32
      %masked_sort3A_1107 = vector.broadcast %masked_sort3A_1106 : i32 to vector<16xi32>
      %masked_sort3A_1108 = arith.xori %select_n3A_1096, %masked_sort3A_1107 : vector<16xi32>
      %masked_sort3A_1109, %masked_sort3A_1110, %masked_sort3A_1111 = tpu.sort %masked_sort3A_1108, %or3A_1088 masked %masked_sort3A_1105 : (vector<16xi32>, vector<16xi32>, vector<16xi1>) -> (vector<16xi1>, vector<16xi32>, vector<16xi32>)
      %masked_sort3A_1112 = arith.xori %masked_sort3A_1110, %masked_sort3A_1107 : vector<16xi32>
      %all_reduce_population_count3A_1113 = tpu.all_reduce %and3A_1069 {dim = 0 : i64, kind = #tpu.reduction_kind<sum>} : vector<16xi1> -> vector<16xi32>
      %slice3A_1114 = vector.extract_strided_slice %all_reduce_population_count3A_1113 {offsets = [0], sizes = [1], strides = [1]} : vector<16xi32> to vector<1xi32>
      %squeeze3A_1115 = vector.extract %slice3A_1114[0] : i32 from vector<1xi32>
      %all_reduce_population_count3A_1116 = tpu.all_reduce %and3A_1076 {dim = 0 : i64, kind = #tpu.reduction_kind<sum>} : vector<16xi1> -> vector<16xi32>
      %slice3A_1117 = vector.extract_strided_slice %all_reduce_population_count3A_1116 {offsets = [0], sizes = [1], strides = [1]} : vector<16xi32> to vector<1xi32>
      %squeeze3A_1118 = vector.extract %slice3A_1117[0] : i32 from vector<1xi32>
      %swap3A_1119 = arith.index_cast %add3A_1054 : i32 to index
      %swap3A_1120 = tpu.vector_load %arg10[%swap3A_1119] {strides = array<i32>} : memref<1312xi32, #tpu.memory_space<vmem>>, vector<16xi32>,
      tpu.vector_store %arg10[%swap3A_1119], %masked_sort3A_1103 {strides = array<i32>} : memref<1312xi32, #tpu.memory_space<vmem>>, vector<16xi32>,
      %add3A_1121 = arith.addi %add3A_1054, %squeeze3A_1115 : i32
      %swap3A_1122 = arith.index_cast %add3A_1121 : i32 to index
      %swap3A_1123 = tpu.vector_load %arg10[%swap3A_1122] {strides = array<i32>} : memref<1312xi32, #tpu.memory_space<vmem>>, vector<16xi32>,
      tpu.vector_store %arg10[%swap3A_1122], %masked_sort3A_1111 {strides = array<i32>} : memref<1312xi32, #tpu.memory_space<vmem>>, vector<16xi32>,
      %add3A_1124 = arith.addi %add3A_1054, %squeeze3A_1115 : i32
      %add3A_1125 = arith.addi %add3A_1124, %squeeze3A_1118 : i32
      %get3A_1126 = arith.constant 480 : index
      %get3A_1127 = tpu.vector_load %arg7[%get3A_1126] {strides = array<i32>} : memref<640xi32, #tpu.memory_space<vmem>>, vector<16xi32>,
      %get3A_1128 = arith.constant 480 : index
      %get3A_1129 = tpu.vector_load %arg6[%get3A_1128] {strides = array<i32>} : memref<640xi32, #tpu.memory_space<vmem>>, vector<16xi32>,
      %get3A_1130 = arith.constant 496 : index
      %get3A_1131 = tpu.vector_load %arg7[%get3A_1130] {strides = array<i32>} : memref<640xi32, #tpu.memory_space<vmem>>, vector<16xi32>,
      %get3A_1132 = arith.constant 496 : index
      %get3A_1133 = tpu.vector_load %arg6[%get3A_1132] {strides = array<i32>} : memref<640xi32, #tpu.memory_space<vmem>>, vector<16xi32>,
      %ge3A_1134 = vector.broadcast %mul3A_2 : i32 to vector<16xi32>
      %ge3A_1135 = arith.cmpi sge, %get3A_1127, %ge3A_1134 : vector<16xi32>
      %add3A_1136 = arith.constant 320 : i32
      %add3A_1137 = arith.addi %mul3A_2, %add3A_1136 : i32
      %lt3A_1138 = vector.broadcast %add3A_1137 : i32 to vector<16xi32>
      %lt3A_1139 = arith.cmpi slt, %get3A_1127, %lt3A_1138 : vector<16xi32>
      %and3A_1140 = arith.andi %ge3A_1135, %lt3A_1139 : vector<16xi1>
      %ge3A_1141 = vector.broadcast %mul3A_2 : i32 to vector<16xi32>
      %ge3A_1142 = arith.cmpi sge, %get3A_1131, %ge3A_1141 : vector<16xi32>
      %add3A_1143 = arith.constant 320 : i32
      %add3A_1144 = arith.addi %mul3A_2, %add3A_1143 : i32
      %lt3A_1145 = vector.broadcast %add3A_1144 : i32 to vector<16xi32>
      %lt3A_1146 = arith.cmpi slt, %get3A_1131, %lt3A_1145 : vector<16xi32>
      %and3A_1147 = arith.andi %ge3A_1142, %lt3A_1146 : vector<16xi1>
      %shift_left3A_1148 = arith.constant 9 : i32
      %shift_left3A_1149 = vector.broadcast %shift_left3A_1148 : i32 to vector<16xi32>
      %shift_left3A_1150 = arith.shli %get3A_1129, %shift_left3A_1149 : vector<16xi32>
      %sub3A_1151 = vector.broadcast %mul3A_2 : i32 to vector<16xi32>
      %sub3A_1152 = arith.subi %get3A_1127, %sub3A_1151 : vector<16xi32>
      %or3A_1153 = arith.ori %shift_left3A_1150, %sub3A_1152 : vector<16xi32>
      %shift_left3A_1154 = arith.constant 9 : i32
      %shift_left3A_1155 = vector.broadcast %shift_left3A_1154 : i32 to vector<16xi32>
      %shift_left3A_1156 = arith.shli %get3A_1133, %shift_left3A_1155 : vector<16xi32>
      %sub3A_1157 = vector.broadcast %mul3A_2 : i32 to vector<16xi32>
      %sub3A_1158 = arith.subi %get3A_1131, %sub3A_1157 : vector<16xi32>
      %or3A_1159 = arith.ori %shift_left3A_1156, %sub3A_1158 : vector<16xi32>
      %add3A_1160 = arith.constant 16 : i32
      %add3A_1161 = vector.broadcast %add3A_1160 : i32 to vector<16xi32>
      %add3A_1162 = arith.addi %iota3A, %add3A_1161 : vector<16xi32>
      %select_n3A_1163 = arith.select %and3A_1140, %iota3A, %add3A_1162 : vector<16xi1>, vector<16xi32>
      %add3A_1164 = arith.constant 16 : i32
      %add3A_1165 = vector.broadcast %add3A_1164 : i32 to vector<16xi32>
      %add3A_1166 = arith.addi %iota3A, %add3A_1165 : vector<16xi32>
      %select_n3A_1167 = arith.select %and3A_1147, %iota3A, %add3A_1166 : vector<16xi1>, vector<16xi32>
      %masked_sort3A_1168 = arith.constant dense<true> : vector<16xi1>
      %masked_sort3A_1169 = arith.constant -2147483648 : i32
      %masked_sort3A_1170 = vector.broadcast %masked_sort3A_1169 : i32 to vector<16xi32>
      %masked_sort3A_1171 = arith.xori %select_n3A_1163, %masked_sort3A_1170 : vector<16xi32>
      %masked_sort3A_1172, %masked_sort3A_1173, %masked_sort3A_1174 = tpu.sort %masked_sort3A_1171, %or3A_1153 masked %masked_sort3A_1168 : (vector<16xi32>, vector<16xi32>, vector<16xi1>) -> (vector<16xi1>, vector<16xi32>, vector<16xi32>)
      %masked_sort3A_1175 = arith.xori %masked_sort3A_1173, %masked_sort3A_1170 : vector<16xi32>
      %masked_sort3A_1176 = arith.constant dense<true> : vector<16xi1>
      %masked_sort3A_1177 = arith.constant -2147483648 : i32
      %masked_sort3A_1178 = vector.broadcast %masked_sort3A_1177 : i32 to vector<16xi32>
      %masked_sort3A_1179 = arith.xori %select_n3A_1167, %masked_sort3A_1178 : vector<16xi32>
      %masked_sort3A_1180, %masked_sort3A_1181, %masked_sort3A_1182 = tpu.sort %masked_sort3A_1179, %or3A_1159 masked %masked_sort3A_1176 : (vector<16xi32>, vector<16xi32>, vector<16xi1>) -> (vector<16xi1>, vector<16xi32>, vector<16xi32>)
      %masked_sort3A_1183 = arith.xori %masked_sort3A_1181, %masked_sort3A_1178 : vector<16xi32>
      %all_reduce_population_count3A_1184 = tpu.all_reduce %and3A_1140 {dim = 0 : i64, kind = #tpu.reduction_kind<sum>} : vector<16xi1> -> vector<16xi32>
      %slice3A_1185 = vector.extract_strided_slice %all_reduce_population_count3A_1184 {offsets = [0], sizes = [1], strides = [1]} : vector<16xi32> to vector<1xi32>
      %squeeze3A_1186 = vector.extract %slice3A_1185[0] : i32 from vector<1xi32>
      %all_reduce_population_count3A_1187 = tpu.all_reduce %and3A_1147 {dim = 0 : i64, kind = #tpu.reduction_kind<sum>} : vector<16xi1> -> vector<16xi32>
      %slice3A_1188 = vector.extract_strided_slice %all_reduce_population_count3A_1187 {offsets = [0], sizes = [1], strides = [1]} : vector<16xi32> to vector<1xi32>
      %squeeze3A_1189 = vector.extract %slice3A_1188[0] : i32 from vector<1xi32>
      %swap3A_1190 = arith.index_cast %add3A_1125 : i32 to index
      %swap3A_1191 = tpu.vector_load %arg10[%swap3A_1190] {strides = array<i32>} : memref<1312xi32, #tpu.memory_space<vmem>>, vector<16xi32>,
      tpu.vector_store %arg10[%swap3A_1190], %masked_sort3A_1174 {strides = array<i32>} : memref<1312xi32, #tpu.memory_space<vmem>>, vector<16xi32>,
      %add3A_1192 = arith.addi %add3A_1125, %squeeze3A_1186 : i32
      %swap3A_1193 = arith.index_cast %add3A_1192 : i32 to index
      %swap3A_1194 = tpu.vector_load %arg10[%swap3A_1193] {strides = array<i32>} : memref<1312xi32, #tpu.memory_space<vmem>>, vector<16xi32>,
      tpu.vector_store %arg10[%swap3A_1193], %masked_sort3A_1182 {strides = array<i32>} : memref<1312xi32, #tpu.memory_space<vmem>>, vector<16xi32>,
      %add3A_1195 = arith.addi %add3A_1125, %squeeze3A_1186 : i32
      %add3A_1196 = arith.addi %add3A_1195, %squeeze3A_1189 : i32
      %get3A_1197 = arith.constant 512 : index
      %get3A_1198 = tpu.vector_load %arg7[%get3A_1197] {strides = array<i32>} : memref<640xi32, #tpu.memory_space<vmem>>, vector<16xi32>,
      %get3A_1199 = arith.constant 512 : index
      %get3A_1200 = tpu.vector_load %arg6[%get3A_1199] {strides = array<i32>} : memref<640xi32, #tpu.memory_space<vmem>>, vector<16xi32>,
      %get3A_1201 = arith.constant 528 : index
      %get3A_1202 = tpu.vector_load %arg7[%get3A_1201] {strides = array<i32>} : memref<640xi32, #tpu.memory_space<vmem>>, vector<16xi32>,
      %get3A_1203 = arith.constant 528 : index
      %get3A_1204 = tpu.vector_load %arg6[%get3A_1203] {strides = array<i32>} : memref<640xi32, #tpu.memory_space<vmem>>, vector<16xi32>,
      %ge3A_1205 = vector.broadcast %mul3A_2 : i32 to vector<16xi32>
      %ge3A_1206 = arith.cmpi sge, %get3A_1198, %ge3A_1205 : vector<16xi32>
      %add3A_1207 = arith.constant 320 : i32
      %add3A_1208 = arith.addi %mul3A_2, %add3A_1207 : i32
      %lt3A_1209 = vector.broadcast %add3A_1208 : i32 to vector<16xi32>
      %lt3A_1210 = arith.cmpi slt, %get3A_1198, %lt3A_1209 : vector<16xi32>
      %and3A_1211 = arith.andi %ge3A_1206, %lt3A_1210 : vector<16xi1>
      %ge3A_1212 = vector.broadcast %mul3A_2 : i32 to vector<16xi32>
      %ge3A_1213 = arith.cmpi sge, %get3A_1202, %ge3A_1212 : vector<16xi32>
      %add3A_1214 = arith.constant 320 : i32
      %add3A_1215 = arith.addi %mul3A_2, %add3A_1214 : i32
      %lt3A_1216 = vector.broadcast %add3A_1215 : i32 to vector<16xi32>
      %lt3A_1217 = arith.cmpi slt, %get3A_1202, %lt3A_1216 : vector<16xi32>
      %and3A_1218 = arith.andi %ge3A_1213, %lt3A_1217 : vector<16xi1>
      %shift_left3A_1219 = arith.constant 9 : i32
      %shift_left3A_1220 = vector.broadcast %shift_left3A_1219 : i32 to vector<16xi32>
      %shift_left3A_1221 = arith.shli %get3A_1200, %shift_left3A_1220 : vector<16xi32>
      %sub3A_1222 = vector.broadcast %mul3A_2 : i32 to vector<16xi32>
      %sub3A_1223 = arith.subi %get3A_1198, %sub3A_1222 : vector<16xi32>
      %or3A_1224 = arith.ori %shift_left3A_1221, %sub3A_1223 : vector<16xi32>
      %shift_left3A_1225 = arith.constant 9 : i32
      %shift_left3A_1226 = vector.broadcast %shift_left3A_1225 : i32 to vector<16xi32>
      %shift_left3A_1227 = arith.shli %get3A_1204, %shift_left3A_1226 : vector<16xi32>
      %sub3A_1228 = vector.broadcast %mul3A_2 : i32 to vector<16xi32>
      %sub3A_1229 = arith.subi %get3A_1202, %sub3A_1228 : vector<16xi32>
      %or3A_1230 = arith.ori %shift_left3A_1227, %sub3A_1229 : vector<16xi32>
      %add3A_1231 = arith.constant 16 : i32
      %add3A_1232 = vector.broadcast %add3A_1231 : i32 to vector<16xi32>
      %add3A_1233 = arith.addi %iota3A, %add3A_1232 : vector<16xi32>
      %select_n3A_1234 = arith.select %and3A_1211, %iota3A, %add3A_1233 : vector<16xi1>, vector<16xi32>
      %add3A_1235 = arith.constant 16 : i32
      %add3A_1236 = vector.broadcast %add3A_1235 : i32 to vector<16xi32>
      %add3A_1237 = arith.addi %iota3A, %add3A_1236 : vector<16xi32>
      %select_n3A_1238 = arith.select %and3A_1218, %iota3A, %add3A_1237 : vector<16xi1>, vector<16xi32>
      %masked_sort3A_1239 = arith.constant dense<true> : vector<16xi1>
      %masked_sort3A_1240 = arith.constant -2147483648 : i32
      %masked_sort3A_1241 = vector.broadcast %masked_sort3A_1240 : i32 to vector<16xi32>
      %masked_sort3A_1242 = arith.xori %select_n3A_1234, %masked_sort3A_1241 : vector<16xi32>
      %masked_sort3A_1243, %masked_sort3A_1244, %masked_sort3A_1245 = tpu.sort %masked_sort3A_1242, %or3A_1224 masked %masked_sort3A_1239 : (vector<16xi32>, vector<16xi32>, vector<16xi1>) -> (vector<16xi1>, vector<16xi32>, vector<16xi32>)
      %masked_sort3A_1246 = arith.xori %masked_sort3A_1244, %masked_sort3A_1241 : vector<16xi32>
      %masked_sort3A_1247 = arith.constant dense<true> : vector<16xi1>
      %masked_sort3A_1248 = arith.constant -2147483648 : i32
      %masked_sort3A_1249 = vector.broadcast %masked_sort3A_1248 : i32 to vector<16xi32>
      %masked_sort3A_1250 = arith.xori %select_n3A_1238, %masked_sort3A_1249 : vector<16xi32>
      %masked_sort3A_1251, %masked_sort3A_1252, %masked_sort3A_1253 = tpu.sort %masked_sort3A_1250, %or3A_1230 masked %masked_sort3A_1247 : (vector<16xi32>, vector<16xi32>, vector<16xi1>) -> (vector<16xi1>, vector<16xi32>, vector<16xi32>)
      %masked_sort3A_1254 = arith.xori %masked_sort3A_1252, %masked_sort3A_1249 : vector<16xi32>
      %all_reduce_population_count3A_1255 = tpu.all_reduce %and3A_1211 {dim = 0 : i64, kind = #tpu.reduction_kind<sum>} : vector<16xi1> -> vector<16xi32>
      %slice3A_1256 = vector.extract_strided_slice %all_reduce_population_count3A_1255 {offsets = [0], sizes = [1], strides = [1]} : vector<16xi32> to vector<1xi32>
      %squeeze3A_1257 = vector.extract %slice3A_1256[0] : i32 from vector<1xi32>
      %all_reduce_population_count3A_1258 = tpu.all_reduce %and3A_1218 {dim = 0 : i64, kind = #tpu.reduction_kind<sum>} : vector<16xi1> -> vector<16xi32>
      %slice3A_1259 = vector.extract_strided_slice %all_reduce_population_count3A_1258 {offsets = [0], sizes = [1], strides = [1]} : vector<16xi32> to vector<1xi32>
      %squeeze3A_1260 = vector.extract %slice3A_1259[0] : i32 from vector<1xi32>
      %swap3A_1261 = arith.index_cast %add3A_1196 : i32 to index
      %swap3A_1262 = tpu.vector_load %arg10[%swap3A_1261] {strides = array<i32>} : memref<1312xi32, #tpu.memory_space<vmem>>, vector<16xi32>,
      tpu.vector_store %arg10[%swap3A_1261], %masked_sort3A_1245 {strides = array<i32>} : memref<1312xi32, #tpu.memory_space<vmem>>, vector<16xi32>,
      %add3A_1263 = arith.addi %add3A_1196, %squeeze3A_1257 : i32
      %swap3A_1264 = arith.index_cast %add3A_1263 : i32 to index
      %swap3A_1265 = tpu.vector_load %arg10[%swap3A_1264] {strides = array<i32>} : memref<1312xi32, #tpu.memory_space<vmem>>, vector<16xi32>,
      tpu.vector_store %arg10[%swap3A_1264], %masked_sort3A_1253 {strides = array<i32>} : memref<1312xi32, #tpu.memory_space<vmem>>, vector<16xi32>,
      %add3A_1266 = arith.addi %add3A_1196, %squeeze3A_1257 : i32
      %add3A_1267 = arith.addi %add3A_1266, %squeeze3A_1260 : i32
      %get3A_1268 = arith.constant 544 : index
      %get3A_1269 = tpu.vector_load %arg7[%get3A_1268] {strides = array<i32>} : memref<640xi32, #tpu.memory_space<vmem>>, vector<16xi32>,
      %get3A_1270 = arith.constant 544 : index
      %get3A_1271 = tpu.vector_load %arg6[%get3A_1270] {strides = array<i32>} : memref<640xi32, #tpu.memory_space<vmem>>, vector<16xi32>,
      %get3A_1272 = arith.constant 560 : index
      %get3A_1273 = tpu.vector_load %arg7[%get3A_1272] {strides = array<i32>} : memref<640xi32, #tpu.memory_space<vmem>>, vector<16xi32>,
      %get3A_1274 = arith.constant 560 : index
      %get3A_1275 = tpu.vector_load %arg6[%get3A_1274] {strides = array<i32>} : memref<640xi32, #tpu.memory_space<vmem>>, vector<16xi32>,
      %ge3A_1276 = vector.broadcast %mul3A_2 : i32 to vector<16xi32>
      %ge3A_1277 = arith.cmpi sge, %get3A_1269, %ge3A_1276 : vector<16xi32>
      %add3A_1278 = arith.constant 320 : i32
      %add3A_1279 = arith.addi %mul3A_2, %add3A_1278 : i32
      %lt3A_1280 = vector.broadcast %add3A_1279 : i32 to vector<16xi32>
      %lt3A_1281 = arith.cmpi slt, %get3A_1269, %lt3A_1280 : vector<16xi32>
      %and3A_1282 = arith.andi %ge3A_1277, %lt3A_1281 : vector<16xi1>
      %ge3A_1283 = vector.broadcast %mul3A_2 : i32 to vector<16xi32>
      %ge3A_1284 = arith.cmpi sge, %get3A_1273, %ge3A_1283 : vector<16xi32>
      %add3A_1285 = arith.constant 320 : i32
      %add3A_1286 = arith.addi %mul3A_2, %add3A_1285 : i32
      %lt3A_1287 = vector.broadcast %add3A_1286 : i32 to vector<16xi32>
      %lt3A_1288 = arith.cmpi slt, %get3A_1273, %lt3A_1287 : vector<16xi32>
      %and3A_1289 = arith.andi %ge3A_1284, %lt3A_1288 : vector<16xi1>
      %shift_left3A_1290 = arith.constant 9 : i32
      %shift_left3A_1291 = vector.broadcast %shift_left3A_1290 : i32 to vector<16xi32>
      %shift_left3A_1292 = arith.shli %get3A_1271, %shift_left3A_1291 : vector<16xi32>
      %sub3A_1293 = vector.broadcast %mul3A_2 : i32 to vector<16xi32>
      %sub3A_1294 = arith.subi %get3A_1269, %sub3A_1293 : vector<16xi32>
      %or3A_1295 = arith.ori %shift_left3A_1292, %sub3A_1294 : vector<16xi32>
      %shift_left3A_1296 = arith.constant 9 : i32
      %shift_left3A_1297 = vector.broadcast %shift_left3A_1296 : i32 to vector<16xi32>
      %shift_left3A_1298 = arith.shli %get3A_1275, %shift_left3A_1297 : vector<16xi32>
      %sub3A_1299 = vector.broadcast %mul3A_2 : i32 to vector<16xi32>
      %sub3A_1300 = arith.subi %get3A_1273, %sub3A_1299 : vector<16xi32>
      %or3A_1301 = arith.ori %shift_left3A_1298, %sub3A_1300 : vector<16xi32>
      %add3A_1302 = arith.constant 16 : i32
      %add3A_1303 = vector.broadcast %add3A_1302 : i32 to vector<16xi32>
      %add3A_1304 = arith.addi %iota3A, %add3A_1303 : vector<16xi32>
      %select_n3A_1305 = arith.select %and3A_1282, %iota3A, %add3A_1304 : vector<16xi1>, vector<16xi32>
      %add3A_1306 = arith.constant 16 : i32
      %add3A_1307 = vector.broadcast %add3A_1306 : i32 to vector<16xi32>
      %add3A_1308 = arith.addi %iota3A, %add3A_1307 : vector<16xi32>
      %select_n3A_1309 = arith.select %and3A_1289, %iota3A, %add3A_1308 : vector<16xi1>, vector<16xi32>
      %masked_sort3A_1310 = arith.constant dense<true> : vector<16xi1>
      %masked_sort3A_1311 = arith.constant -2147483648 : i32
      %masked_sort3A_1312 = vector.broadcast %masked_sort3A_1311 : i32 to vector<16xi32>
      %masked_sort3A_1313 = arith.xori %select_n3A_1305, %masked_sort3A_1312 : vector<16xi32>
      %masked_sort3A_1314, %masked_sort3A_1315, %masked_sort3A_1316 = tpu.sort %masked_sort3A_1313, %or3A_1295 masked %masked_sort3A_1310 : (vector<16xi32>, vector<16xi32>, vector<16xi1>) -> (vector<16xi1>, vector<16xi32>, vector<16xi32>)
      %masked_sort3A_1317 = arith.xori %masked_sort3A_1315, %masked_sort3A_1312 : vector<16xi32>
      %masked_sort3A_1318 = arith.constant dense<true> : vector<16xi1>
      %masked_sort3A_1319 = arith.constant -2147483648 : i32
      %masked_sort3A_1320 = vector.broadcast %masked_sort3A_1319 : i32 to vector<16xi32>
      %masked_sort3A_1321 = arith.xori %select_n3A_1309, %masked_sort3A_1320 : vector<16xi32>
      %masked_sort3A_1322, %masked_sort3A_1323, %masked_sort3A_1324 = tpu.sort %masked_sort3A_1321, %or3A_1301 masked %masked_sort3A_1318 : (vector<16xi32>, vector<16xi32>, vector<16xi1>) -> (vector<16xi1>, vector<16xi32>, vector<16xi32>)
      %masked_sort3A_1325 = arith.xori %masked_sort3A_1323, %masked_sort3A_1320 : vector<16xi32>
      %all_reduce_population_count3A_1326 = tpu.all_reduce %and3A_1282 {dim = 0 : i64, kind = #tpu.reduction_kind<sum>} : vector<16xi1> -> vector<16xi32>
      %slice3A_1327 = vector.extract_strided_slice %all_reduce_population_count3A_1326 {offsets = [0], sizes = [1], strides = [1]} : vector<16xi32> to vector<1xi32>
      %squeeze3A_1328 = vector.extract %slice3A_1327[0] : i32 from vector<1xi32>
      %all_reduce_population_count3A_1329 = tpu.all_reduce %and3A_1289 {dim = 0 : i64, kind = #tpu.reduction_kind<sum>} : vector<16xi1> -> vector<16xi32>
      %slice3A_1330 = vector.extract_strided_slice %all_reduce_population_count3A_1329 {offsets = [0], sizes = [1], strides = [1]} : vector<16xi32> to vector<1xi32>
      %squeeze3A_1331 = vector.extract %slice3A_1330[0] : i32 from vector<1xi32>
      %swap3A_1332 = arith.index_cast %add3A_1267 : i32 to index
      %swap3A_1333 = tpu.vector_load %arg10[%swap3A_1332] {strides = array<i32>} : memref<1312xi32, #tpu.memory_space<vmem>>, vector<16xi32>,
      tpu.vector_store %arg10[%swap3A_1332], %masked_sort3A_1316 {strides = array<i32>} : memref<1312xi32, #tpu.memory_space<vmem>>, vector<16xi32>,
      %add3A_1334 = arith.addi %add3A_1267, %squeeze3A_1328 : i32
      %swap3A_1335 = arith.index_cast %add3A_1334 : i32 to index
      %swap3A_1336 = tpu.vector_load %arg10[%swap3A_1335] {strides = array<i32>} : memref<1312xi32, #tpu.memory_space<vmem>>, vector<16xi32>,
      tpu.vector_store %arg10[%swap3A_1335], %masked_sort3A_1324 {strides = array<i32>} : memref<1312xi32, #tpu.memory_space<vmem>>, vector<16xi32>,
      %add3A_1337 = arith.addi %add3A_1267, %squeeze3A_1328 : i32
      %add3A_1338 = arith.addi %add3A_1337, %squeeze3A_1331 : i32
      %get3A_1339 = arith.constant 576 : index
      %get3A_1340 = tpu.vector_load %arg7[%get3A_1339] {strides = array<i32>} : memref<640xi32, #tpu.memory_space<vmem>>, vector<16xi32>,
      %get3A_1341 = arith.constant 576 : index
      %get3A_1342 = tpu.vector_load %arg6[%get3A_1341] {strides = array<i32>} : memref<640xi32, #tpu.memory_space<vmem>>, vector<16xi32>,
      %get3A_1343 = arith.constant 592 : index
      %get3A_1344 = tpu.vector_load %arg7[%get3A_1343] {strides = array<i32>} : memref<640xi32, #tpu.memory_space<vmem>>, vector<16xi32>,
      %get3A_1345 = arith.constant 592 : index
      %get3A_1346 = tpu.vector_load %arg6[%get3A_1345] {strides = array<i32>} : memref<640xi32, #tpu.memory_space<vmem>>, vector<16xi32>,
      %ge3A_1347 = vector.broadcast %mul3A_2 : i32 to vector<16xi32>
      %ge3A_1348 = arith.cmpi sge, %get3A_1340, %ge3A_1347 : vector<16xi32>
      %add3A_1349 = arith.constant 320 : i32
      %add3A_1350 = arith.addi %mul3A_2, %add3A_1349 : i32
      %lt3A_1351 = vector.broadcast %add3A_1350 : i32 to vector<16xi32>
      %lt3A_1352 = arith.cmpi slt, %get3A_1340, %lt3A_1351 : vector<16xi32>
      %and3A_1353 = arith.andi %ge3A_1348, %lt3A_1352 : vector<16xi1>
      %ge3A_1354 = vector.broadcast %mul3A_2 : i32 to vector<16xi32>
      %ge3A_1355 = arith.cmpi sge, %get3A_1344, %ge3A_1354 : vector<16xi32>
      %add3A_1356 = arith.constant 320 : i32
      %add3A_1357 = arith.addi %mul3A_2, %add3A_1356 : i32
      %lt3A_1358 = vector.broadcast %add3A_1357 : i32 to vector<16xi32>
      %lt3A_1359 = arith.cmpi slt, %get3A_1344, %lt3A_1358 : vector<16xi32>
      %and3A_1360 = arith.andi %ge3A_1355, %lt3A_1359 : vector<16xi1>
      %shift_left3A_1361 = arith.constant 9 : i32
      %shift_left3A_1362 = vector.broadcast %shift_left3A_1361 : i32 to vector<16xi32>
      %shift_left3A_1363 = arith.shli %get3A_1342, %shift_left3A_1362 : vector<16xi32>
      %sub3A_1364 = vector.broadcast %mul3A_2 : i32 to vector<16xi32>
      %sub3A_1365 = arith.subi %get3A_1340, %sub3A_1364 : vector<16xi32>
      %or3A_1366 = arith.ori %shift_left3A_1363, %sub3A_1365 : vector<16xi32>
      %shift_left3A_1367 = arith.constant 9 : i32
      %shift_left3A_1368 = vector.broadcast %shift_left3A_1367 : i32 to vector<16xi32>
      %shift_left3A_1369 = arith.shli %get3A_1346, %shift_left3A_1368 : vector<16xi32>
      %sub3A_1370 = vector.broadcast %mul3A_2 : i32 to vector<16xi32>
      %sub3A_1371 = arith.subi %get3A_1344, %sub3A_1370 : vector<16xi32>
      %or3A_1372 = arith.ori %shift_left3A_1369, %sub3A_1371 : vector<16xi32>
      %add3A_1373 = arith.constant 16 : i32
      %add3A_1374 = vector.broadcast %add3A_1373 : i32 to vector<16xi32>
      %add3A_1375 = arith.addi %iota3A, %add3A_1374 : vector<16xi32>
      %select_n3A_1376 = arith.select %and3A_1353, %iota3A, %add3A_1375 : vector<16xi1>, vector<16xi32>
      %add3A_1377 = arith.constant 16 : i32
      %add3A_1378 = vector.broadcast %add3A_1377 : i32 to vector<16xi32>
      %add3A_1379 = arith.addi %iota3A, %add3A_1378 : vector<16xi32>
      %select_n3A_1380 = arith.select %and3A_1360, %iota3A, %add3A_1379 : vector<16xi1>, vector<16xi32>
      %masked_sort3A_1381 = arith.constant dense<true> : vector<16xi1>
      %masked_sort3A_1382 = arith.constant -2147483648 : i32
      %masked_sort3A_1383 = vector.broadcast %masked_sort3A_1382 : i32 to vector<16xi32>
      %masked_sort3A_1384 = arith.xori %select_n3A_1376, %masked_sort3A_1383 : vector<16xi32>
      %masked_sort3A_1385, %masked_sort3A_1386, %masked_sort3A_1387 = tpu.sort %masked_sort3A_1384, %or3A_1366 masked %masked_sort3A_1381 : (vector<16xi32>, vector<16xi32>, vector<16xi1>) -> (vector<16xi1>, vector<16xi32>, vector<16xi32>)
      %masked_sort3A_1388 = arith.xori %masked_sort3A_1386, %masked_sort3A_1383 : vector<16xi32>
      %masked_sort3A_1389 = arith.constant dense<true> : vector<16xi1>
      %masked_sort3A_1390 = arith.constant -2147483648 : i32
      %masked_sort3A_1391 = vector.broadcast %masked_sort3A_1390 : i32 to vector<16xi32>
      %masked_sort3A_1392 = arith.xori %select_n3A_1380, %masked_sort3A_1391 : vector<16xi32>
      %masked_sort3A_1393, %masked_sort3A_1394, %masked_sort3A_1395 = tpu.sort %masked_sort3A_1392, %or3A_1372 masked %masked_sort3A_1389 : (vector<16xi32>, vector<16xi32>, vector<16xi1>) -> (vector<16xi1>, vector<16xi32>, vector<16xi32>)
      %masked_sort3A_1396 = arith.xori %masked_sort3A_1394, %masked_sort3A_1391 : vector<16xi32>
      %all_reduce_population_count3A_1397 = tpu.all_reduce %and3A_1353 {dim = 0 : i64, kind = #tpu.reduction_kind<sum>} : vector<16xi1> -> vector<16xi32>
      %slice3A_1398 = vector.extract_strided_slice %all_reduce_population_count3A_1397 {offsets = [0], sizes = [1], strides = [1]} : vector<16xi32> to vector<1xi32>
      %squeeze3A_1399 = vector.extract %slice3A_1398[0] : i32 from vector<1xi32>
      %all_reduce_population_count3A_1400 = tpu.all_reduce %and3A_1360 {dim = 0 : i64, kind = #tpu.reduction_kind<sum>} : vector<16xi1> -> vector<16xi32>
      %slice3A_1401 = vector.extract_strided_slice %all_reduce_population_count3A_1400 {offsets = [0], sizes = [1], strides = [1]} : vector<16xi32> to vector<1xi32>
      %squeeze3A_1402 = vector.extract %slice3A_1401[0] : i32 from vector<1xi32>
      %swap3A_1403 = arith.index_cast %add3A_1338 : i32 to index
      %swap3A_1404 = tpu.vector_load %arg10[%swap3A_1403] {strides = array<i32>} : memref<1312xi32, #tpu.memory_space<vmem>>, vector<16xi32>,
      tpu.vector_store %arg10[%swap3A_1403], %masked_sort3A_1387 {strides = array<i32>} : memref<1312xi32, #tpu.memory_space<vmem>>, vector<16xi32>,
      %add3A_1405 = arith.addi %add3A_1338, %squeeze3A_1399 : i32
      %swap3A_1406 = arith.index_cast %add3A_1405 : i32 to index
      %swap3A_1407 = tpu.vector_load %arg10[%swap3A_1406] {strides = array<i32>} : memref<1312xi32, #tpu.memory_space<vmem>>, vector<16xi32>,
      tpu.vector_store %arg10[%swap3A_1406], %masked_sort3A_1395 {strides = array<i32>} : memref<1312xi32, #tpu.memory_space<vmem>>, vector<16xi32>,
      %add3A_1408 = arith.addi %add3A_1338, %squeeze3A_1399 : i32
      %add3A_1409 = arith.addi %add3A_1408, %squeeze3A_1402 : i32
      %get3A_1410 = arith.constant 608 : index
      %get3A_1411 = tpu.vector_load %arg7[%get3A_1410] {strides = array<i32>} : memref<640xi32, #tpu.memory_space<vmem>>, vector<16xi32>,
      %get3A_1412 = arith.constant 608 : index
      %get3A_1413 = tpu.vector_load %arg6[%get3A_1412] {strides = array<i32>} : memref<640xi32, #tpu.memory_space<vmem>>, vector<16xi32>,
      %get3A_1414 = arith.constant 624 : index
      %get3A_1415 = tpu.vector_load %arg7[%get3A_1414] {strides = array<i32>} : memref<640xi32, #tpu.memory_space<vmem>>, vector<16xi32>,
      %get3A_1416 = arith.constant 624 : index
      %get3A_1417 = tpu.vector_load %arg6[%get3A_1416] {strides = array<i32>} : memref<640xi32, #tpu.memory_space<vmem>>, vector<16xi32>,
      %ge3A_1418 = vector.broadcast %mul3A_2 : i32 to vector<16xi32>
      %ge3A_1419 = arith.cmpi sge, %get3A_1411, %ge3A_1418 : vector<16xi32>
      %add3A_1420 = arith.constant 320 : i32
      %add3A_1421 = arith.addi %mul3A_2, %add3A_1420 : i32
      %lt3A_1422 = vector.broadcast %add3A_1421 : i32 to vector<16xi32>
      %lt3A_1423 = arith.cmpi slt, %get3A_1411, %lt3A_1422 : vector<16xi32>
      %and3A_1424 = arith.andi %ge3A_1419, %lt3A_1423 : vector<16xi1>
      %ge3A_1425 = vector.broadcast %mul3A_2 : i32 to vector<16xi32>
      %ge3A_1426 = arith.cmpi sge, %get3A_1415, %ge3A_1425 : vector<16xi32>
      %add3A_1427 = arith.constant 320 : i32
      %add3A_1428 = arith.addi %mul3A_2, %add3A_1427 : i32
      %lt3A_1429 = vector.broadcast %add3A_1428 : i32 to vector<16xi32>
      %lt3A_1430 = arith.cmpi slt, %get3A_1415, %lt3A_1429 : vector<16xi32>
      %and3A_1431 = arith.andi %ge3A_1426, %lt3A_1430 : vector<16xi1>
      %shift_left3A_1432 = arith.constant 9 : i32
      %shift_left3A_1433 = vector.broadcast %shift_left3A_1432 : i32 to vector<16xi32>
      %shift_left3A_1434 = arith.shli %get3A_1413, %shift_left3A_1433 : vector<16xi32>
      %sub3A_1435 = vector.broadcast %mul3A_2 : i32 to vector<16xi32>
      %sub3A_1436 = arith.subi %get3A_1411, %sub3A_1435 : vector<16xi32>
      %or3A_1437 = arith.ori %shift_left3A_1434, %sub3A_1436 : vector<16xi32>
      %shift_left3A_1438 = arith.constant 9 : i32
      %shift_left3A_1439 = vector.broadcast %shift_left3A_1438 : i32 to vector<16xi32>
      %shift_left3A_1440 = arith.shli %get3A_1417, %shift_left3A_1439 : vector<16xi32>
      %sub3A_1441 = vector.broadcast %mul3A_2 : i32 to vector<16xi32>
      %sub3A_1442 = arith.subi %get3A_1415, %sub3A_1441 : vector<16xi32>
      %or3A_1443 = arith.ori %shift_left3A_1440, %sub3A_1442 : vector<16xi32>
      %add3A_1444 = arith.constant 16 : i32
      %add3A_1445 = vector.broadcast %add3A_1444 : i32 to vector<16xi32>
      %add3A_1446 = arith.addi %iota3A, %add3A_1445 : vector<16xi32>
      %select_n3A_1447 = arith.select %and3A_1424, %iota3A, %add3A_1446 : vector<16xi1>, vector<16xi32>
      %add3A_1448 = arith.constant 16 : i32
      %add3A_1449 = vector.broadcast %add3A_1448 : i32 to vector<16xi32>
      %add3A_1450 = arith.addi %iota3A, %add3A_1449 : vector<16xi32>
      %select_n3A_1451 = arith.select %and3A_1431, %iota3A, %add3A_1450 : vector<16xi1>, vector<16xi32>
      %masked_sort3A_1452 = arith.constant dense<true> : vector<16xi1>
      %masked_sort3A_1453 = arith.constant -2147483648 : i32
      %masked_sort3A_1454 = vector.broadcast %masked_sort3A_1453 : i32 to vector<16xi32>
      %masked_sort3A_1455 = arith.xori %select_n3A_1447, %masked_sort3A_1454 : vector<16xi32>
      %masked_sort3A_1456, %masked_sort3A_1457, %masked_sort3A_1458 = tpu.sort %masked_sort3A_1455, %or3A_1437 masked %masked_sort3A_1452 : (vector<16xi32>, vector<16xi32>, vector<16xi1>) -> (vector<16xi1>, vector<16xi32>, vector<16xi32>)
      %masked_sort3A_1459 = arith.xori %masked_sort3A_1457, %masked_sort3A_1454 : vector<16xi32>
      %masked_sort3A_1460 = arith.constant dense<true> : vector<16xi1>
      %masked_sort3A_1461 = arith.constant -2147483648 : i32
      %masked_sort3A_1462 = vector.broadcast %masked_sort3A_1461 : i32 to vector<16xi32>
      %masked_sort3A_1463 = arith.xori %select_n3A_1451, %masked_sort3A_1462 : vector<16xi32>
      %masked_sort3A_1464, %masked_sort3A_1465, %masked_sort3A_1466 = tpu.sort %masked_sort3A_1463, %or3A_1443 masked %masked_sort3A_1460 : (vector<16xi32>, vector<16xi32>, vector<16xi1>) -> (vector<16xi1>, vector<16xi32>, vector<16xi32>)
      %masked_sort3A_1467 = arith.xori %masked_sort3A_1465, %masked_sort3A_1462 : vector<16xi32>
      %all_reduce_population_count3A_1468 = tpu.all_reduce %and3A_1424 {dim = 0 : i64, kind = #tpu.reduction_kind<sum>} : vector<16xi1> -> vector<16xi32>
      %slice3A_1469 = vector.extract_strided_slice %all_reduce_population_count3A_1468 {offsets = [0], sizes = [1], strides = [1]} : vector<16xi32> to vector<1xi32>
      %squeeze3A_1470 = vector.extract %slice3A_1469[0] : i32 from vector<1xi32>
      %all_reduce_population_count3A_1471 = tpu.all_reduce %and3A_1431 {dim = 0 : i64, kind = #tpu.reduction_kind<sum>} : vector<16xi1> -> vector<16xi32>
      %slice3A_1472 = vector.extract_strided_slice %all_reduce_population_count3A_1471 {offsets = [0], sizes = [1], strides = [1]} : vector<16xi32> to vector<1xi32>
      %squeeze3A_1473 = vector.extract %slice3A_1472[0] : i32 from vector<1xi32>
      %swap3A_1474 = arith.index_cast %add3A_1409 : i32 to index
      %swap3A_1475 = tpu.vector_load %arg10[%swap3A_1474] {strides = array<i32>} : memref<1312xi32, #tpu.memory_space<vmem>>, vector<16xi32>,
      tpu.vector_store %arg10[%swap3A_1474], %masked_sort3A_1458 {strides = array<i32>} : memref<1312xi32, #tpu.memory_space<vmem>>, vector<16xi32>,
      %add3A_1476 = arith.addi %add3A_1409, %squeeze3A_1470 : i32
      %swap3A_1477 = arith.index_cast %add3A_1476 : i32 to index
      %swap3A_1478 = tpu.vector_load %arg10[%swap3A_1477] {strides = array<i32>} : memref<1312xi32, #tpu.memory_space<vmem>>, vector<16xi32>,
      tpu.vector_store %arg10[%swap3A_1477], %masked_sort3A_1466 {strides = array<i32>} : memref<1312xi32, #tpu.memory_space<vmem>>, vector<16xi32>,
      %add3A_1479 = arith.addi %add3A_1409, %squeeze3A_1470 : i32
      %add3A_1480 = arith.addi %add3A_1479, %squeeze3A_1473 : i32
      %ge3A_1481 = arith.constant 640 : i32
      %ge3A_1482 = arith.cmpi sge, %add3A_1480, %ge3A_1481 : i32
      %convert_element_type3A = arith.extui %ge3A_1482 : i1 to i32
      %cond3A = arith.constant 0 : i32
      %cond3A_1483 = arith.cmpi ne, %convert_element_type3A, %cond3A : i32
      scf.if %cond3A_1483 {
        %add3A_2939 = arith.addi %mul3A_4, %scan3A_62 : i32
        %multiple_of3A_2940 = tpu.assume_multiple %add3A_2939, 640 : i32
        "tpu.region"() ({
          %run_scoped3A = tpu.sem_alloc : memref<!tpu.dma_semaphore, #tpu.memory_space<semaphore_mem>>
          %dma_start3A_2947 = arith.constant 0 : i32
          %dma_start3A_2948 = tpu.memref_slice %arg10[%dma_start3A_2947] : memref<1312xi32, #tpu.memory_space<vmem>> -> memref<640xi32, #tpu.memory_space<vmem>>
          %dma_start3A_2949 = tpu.memref_slice %arg4[%multiple_of3A_2940] : memref<5144576xi32, #tpu.memory_space<hbm>> -> memref<640xi32, #tpu.memory_space<hbm>>
          %dma_start3A_2950 = tpu.memref_slice %arg4[%multiple_of3A_2940] : memref<5144576xi32, #tpu.memory_space<hbm>> -> memref<640xi32, #tpu.memory_space<hbm>>
          %dma_start3A_2951 = arith.constant 0 : i32
          %dma_start3A_2952 = tpu.memref_slice %arg10[%dma_start3A_2951] : memref<1312xi32, #tpu.memory_space<vmem>> -> memref<640xi32, #tpu.memory_space<vmem>>
          tpu.enqueue_dma source(%dma_start3A_2952 : memref<640xi32, #tpu.memory_space<vmem>>) target(%dma_start3A_2950 : memref<640xi32, #tpu.memory_space<hbm>>) target_semaphore(%run_scoped3A : memref<!tpu.dma_semaphore, #tpu.memory_space<semaphore_mem>>)
          %dma_wait3A_2953 = arith.constant 0 : i32
          %dma_wait3A_2954 = tpu.memref_slice %arg10[%dma_wait3A_2953] : memref<1312xi32, #tpu.memory_space<vmem>> -> memref<640xi32, #tpu.memory_space<vmem>>
          %dma_wait3A_2955 = tpu.memref_slice %arg4[%multiple_of3A_2940] : memref<5144576xi32, #tpu.memory_space<hbm>> -> memref<640xi32, #tpu.memory_space<hbm>>
          %dma_wait3A_2956 = tpu.memref_slice %arg4[%multiple_of3A_2940] : memref<5144576xi32, #tpu.memory_space<hbm>> -> memref<640xi32, #tpu.memory_space<hbm>>
          %dma_wait3A_2957 = arith.constant 0 : i32
          %dma_wait3A_2958 = tpu.memref_slice %arg10[%dma_wait3A_2957] : memref<1312xi32, #tpu.memory_space<vmem>> -> memref<640xi32, #tpu.memory_space<vmem>>
          tpu.wait_dma2 semaphore(%run_scoped3A : memref<!tpu.dma_semaphore, #tpu.memory_space<semaphore_mem>>) src(%dma_wait3A_2958 : memref<640xi32, #tpu.memory_space<vmem>>) dst(%dma_wait3A_2956 : memref<640xi32, #tpu.memory_space<hbm>>)
          tpu.yield
        }) : () -> ()
        %scan3A_2941 = arith.constant 0 : i32
        %scan3A_2942 = arith.constant 0 : i32
        %scan3A_2943 = arith.constant 42 : i32
        %scan3A_2944 = arith.addi %scan3A_2942, %scan3A_2943 : i32
        %scan3A_2945 = arith.constant 1 : i32
        scf.for %scan3A_2947 = %scan3A_2942 to %scan3A_2944 step %scan3A_2945  : i32 {
          %mul3A_2948 = arith.constant 16 : i32
          %mul3A_2949 = arith.muli %scan3A_2947, %mul3A_2948 : i32
          %add3A_2950 = arith.constant 640 : i32
          %add3A_2951 = arith.addi %add3A_2950, %mul3A_2949 : i32
          %get3A_2952 = arith.index_cast %add3A_2951 : i32 to index
          %get3A_2953 = tpu.vector_load %arg10[%get3A_2952] {strides = array<i32>} : memref<1312xi32, #tpu.memory_space<vmem>>, vector<16xi32>,
          %mul3A_2954 = arith.constant 16 : i32
          %mul3A_2955 = arith.muli %scan3A_2947, %mul3A_2954 : i32
          %swap3A_2956 = arith.index_cast %mul3A_2955 : i32 to index
          %swap3A_2957 = tpu.vector_load %arg10[%swap3A_2956] {strides = array<i32>} : memref<1312xi32, #tpu.memory_space<vmem>>, vector<16xi32>,
          tpu.vector_store %arg10[%swap3A_2956], %get3A_2953 {strides = array<i32>} : memref<1312xi32, #tpu.memory_space<vmem>>, vector<16xi32>,
        }
        %scan3A_2946 = arith.constant 42 : i32
      } else {
      }
      %sub3A_1484 = arith.constant 640 : i32
      %sub3A_1485 = arith.subi %add3A_1480, %sub3A_1484 : i32
      %select_n3A_1486 = arith.select %ge3A_1482, %sub3A_1485, %add3A_1480 : i32
      %add3A_1487 = arith.constant 640 : i32
      %add3A_1488 = arith.addi %scan3A_62, %add3A_1487 : i32
      %select_n3A_1489 = arith.select %ge3A_1482, %add3A_1488, %scan3A_62 : i32
      %lt3A_1490 = arith.constant 124 : i32
      %lt3A_1491 = arith.cmpi slt, %scan3A_60, %lt3A_1490 : i32
      %convert_element_type3A_1492 = arith.extui %lt3A_1491 : i1 to i32
      %cond3A_1493 = arith.constant 0 : i32
      %cond3A_1494 = arith.cmpi ne, %convert_element_type3A_1492, %cond3A_1493 : i32
      scf.if %cond3A_1494 {
        %mul3A_2939 = arith.constant 2 : i32
        %mul3A_2940 = arith.muli %mul3A_2939, %scan3A_60 : i32
        %add3A_2941 = arith.constant 2 : i32
        %add3A_2942 = arith.addi %mul3A_2940, %add3A_2941 : i32
        %mul3A_2943 = arith.constant 640 : i32
        %mul3A_2944 = arith.muli %add3A_2942, %mul3A_2943 : i32
        %multiple_of3A_2945 = tpu.assume_multiple %mul3A_2944, 640 : i32
        %dma_start3A_2946 = tpu.memref_slice %arg2[%multiple_of3A_2945] : memref<160000xi32, #tpu.memory_space<hbm>> -> memref<640xi32, #tpu.memory_space<hbm>>
        %dma_start3A_2947 = tpu.memref_slice %arg2[%multiple_of3A_2945] : memref<160000xi32, #tpu.memory_space<hbm>> -> memref<640xi32, #tpu.memory_space<hbm>>
        tpu.enqueue_dma source(%dma_start3A_2947 : memref<640xi32, #tpu.memory_space<hbm>>) target(%arg6 : memref<640xi32, #tpu.memory_space<vmem>>) target_semaphore(%arg12 : memref<!tpu.dma_semaphore, #tpu.memory_space<semaphore_mem>>)
        %dma_start3A_2948 = tpu.memref_slice %arg3[%multiple_of3A_2945] : memref<160000xi32, #tpu.memory_space<hbm>> -> memref<640xi32, #tpu.memory_space<hbm>>
        %dma_start3A_2949 = tpu.memref_slice %arg3[%multiple_of3A_2945] : memref<160000xi32, #tpu.memory_space<hbm>> -> memref<640xi32, #tpu.memory_space<hbm>>
        tpu.enqueue_dma source(%dma_start3A_2949 : memref<640xi32, #tpu.memory_space<hbm>>) target(%arg7 : memref<640xi32, #tpu.memory_space<vmem>>) target_semaphore(%arg13 : memref<!tpu.dma_semaphore, #tpu.memory_space<semaphore_mem>>)
      } else {
      }
      %dma_wait3A_1495 = arith.constant 0 : i32
      %dma_wait3A_1496 = tpu.memref_slice %arg2[%dma_wait3A_1495] : memref<160000xi32, #tpu.memory_space<hbm>> -> memref<640xi32, #tpu.memory_space<hbm>>
      %dma_wait3A_1497 = arith.constant 0 : i32
      %dma_wait3A_1498 = tpu.memref_slice %arg2[%dma_wait3A_1497] : memref<160000xi32, #tpu.memory_space<hbm>> -> memref<640xi32, #tpu.memory_space<hbm>>
      tpu.wait_dma2 semaphore(%arg14 : memref<!tpu.dma_semaphore, #tpu.memory_space<semaphore_mem>>) src(%dma_wait3A_1498 : memref<640xi32, #tpu.memory_space<hbm>>) dst(%arg8 : memref<640xi32, #tpu.memory_space<vmem>>)
      %dma_wait3A_1499 = arith.constant 0 : i32
      %dma_wait3A_1500 = tpu.memref_slice %arg3[%dma_wait3A_1499] : memref<160000xi32, #tpu.memory_space<hbm>> -> memref<640xi32, #tpu.memory_space<hbm>>
      %dma_wait3A_1501 = arith.constant 0 : i32
      %dma_wait3A_1502 = tpu.memref_slice %arg3[%dma_wait3A_1501] : memref<160000xi32, #tpu.memory_space<hbm>> -> memref<640xi32, #tpu.memory_space<hbm>>
      tpu.wait_dma2 semaphore(%arg15 : memref<!tpu.dma_semaphore, #tpu.memory_space<semaphore_mem>>) src(%dma_wait3A_1502 : memref<640xi32, #tpu.memory_space<hbm>>) dst(%arg9 : memref<640xi32, #tpu.memory_space<vmem>>)
      %get3A_1503 = arith.constant 0 : index
      %get3A_1504 = tpu.vector_load %arg9[%get3A_1503] {strides = array<i32>} : memref<640xi32, #tpu.memory_space<vmem>>, vector<16xi32>,
      %get3A_1505 = arith.constant 0 : index
      %get3A_1506 = tpu.vector_load %arg8[%get3A_1505] {strides = array<i32>} : memref<640xi32, #tpu.memory_space<vmem>>, vector<16xi32>,
      %get3A_1507 = arith.constant 16 : index
      %get3A_1508 = tpu.vector_load %arg9[%get3A_1507] {strides = array<i32>} : memref<640xi32, #tpu.memory_space<vmem>>, vector<16xi32>,
      %get3A_1509 = arith.constant 16 : index
      %get3A_1510 = tpu.vector_load %arg8[%get3A_1509] {strides = array<i32>} : memref<640xi32, #tpu.memory_space<vmem>>, vector<16xi32>,
      %ge3A_1511 = vector.broadcast %mul3A_2 : i32 to vector<16xi32>
      %ge3A_1512 = arith.cmpi sge, %get3A_1504, %ge3A_1511 : vector<16xi32>
      %add3A_1513 = arith.constant 320 : i32
      %add3A_1514 = arith.addi %mul3A_2, %add3A_1513 : i32
      %lt3A_1515 = vector.broadcast %add3A_1514 : i32 to vector<16xi32>
      %lt3A_1516 = arith.cmpi slt, %get3A_1504, %lt3A_1515 : vector<16xi32>
      %and3A_1517 = arith.andi %ge3A_1512, %lt3A_1516 : vector<16xi1>
      %ge3A_1518 = vector.broadcast %mul3A_2 : i32 to vector<16xi32>
      %ge3A_1519 = arith.cmpi sge, %get3A_1508, %ge3A_1518 : vector<16xi32>
      %add3A_1520 = arith.constant 320 : i32
      %add3A_1521 = arith.addi %mul3A_2, %add3A_1520 : i32
      %lt3A_1522 = vector.broadcast %add3A_1521 : i32 to vector<16xi32>
      %lt3A_1523 = arith.cmpi slt, %get3A_1508, %lt3A_1522 : vector<16xi32>
      %and3A_1524 = arith.andi %ge3A_1519, %lt3A_1523 : vector<16xi1>
      %shift_left3A_1525 = arith.constant 9 : i32
      %shift_left3A_1526 = vector.broadcast %shift_left3A_1525 : i32 to vector<16xi32>
      %shift_left3A_1527 = arith.shli %get3A_1506, %shift_left3A_1526 : vector<16xi32>
      %sub3A_1528 = vector.broadcast %mul3A_2 : i32 to vector<16xi32>
      %sub3A_1529 = arith.subi %get3A_1504, %sub3A_1528 : vector<16xi32>
      %or3A_1530 = arith.ori %shift_left3A_1527, %sub3A_1529 : vector<16xi32>
      %shift_left3A_1531 = arith.constant 9 : i32
      %shift_left3A_1532 = vector.broadcast %shift_left3A_1531 : i32 to vector<16xi32>
      %shift_left3A_1533 = arith.shli %get3A_1510, %shift_left3A_1532 : vector<16xi32>
      %sub3A_1534 = vector.broadcast %mul3A_2 : i32 to vector<16xi32>
      %sub3A_1535 = arith.subi %get3A_1508, %sub3A_1534 : vector<16xi32>
      %or3A_1536 = arith.ori %shift_left3A_1533, %sub3A_1535 : vector<16xi32>
      %add3A_1537 = arith.constant 16 : i32
      %add3A_1538 = vector.broadcast %add3A_1537 : i32 to vector<16xi32>
      %add3A_1539 = arith.addi %iota3A, %add3A_1538 : vector<16xi32>
      %select_n3A_1540 = arith.select %and3A_1517, %iota3A, %add3A_1539 : vector<16xi1>, vector<16xi32>
      %add3A_1541 = arith.constant 16 : i32
      %add3A_1542 = vector.broadcast %add3A_1541 : i32 to vector<16xi32>
      %add3A_1543 = arith.addi %iota3A, %add3A_1542 : vector<16xi32>
      %select_n3A_1544 = arith.select %and3A_1524, %iota3A, %add3A_1543 : vector<16xi1>, vector<16xi32>
      %masked_sort3A_1545 = arith.constant dense<true> : vector<16xi1>
      %masked_sort3A_1546 = arith.constant -2147483648 : i32
      %masked_sort3A_1547 = vector.broadcast %masked_sort3A_1546 : i32 to vector<16xi32>
      %masked_sort3A_1548 = arith.xori %select_n3A_1540, %masked_sort3A_1547 : vector<16xi32>
      %masked_sort3A_1549, %masked_sort3A_1550, %masked_sort3A_1551 = tpu.sort %masked_sort3A_1548, %or3A_1530 masked %masked_sort3A_1545 : (vector<16xi32>, vector<16xi32>, vector<16xi1>) -> (vector<16xi1>, vector<16xi32>, vector<16xi32>)
      %masked_sort3A_1552 = arith.xori %masked_sort3A_1550, %masked_sort3A_1547 : vector<16xi32>
      %masked_sort3A_1553 = arith.constant dense<true> : vector<16xi1>
      %masked_sort3A_1554 = arith.constant -2147483648 : i32
      %masked_sort3A_1555 = vector.broadcast %masked_sort3A_1554 : i32 to vector<16xi32>
      %masked_sort3A_1556 = arith.xori %select_n3A_1544, %masked_sort3A_1555 : vector<16xi32>
      %masked_sort3A_1557, %masked_sort3A_1558, %masked_sort3A_1559 = tpu.sort %masked_sort3A_1556, %or3A_1536 masked %masked_sort3A_1553 : (vector<16xi32>, vector<16xi32>, vector<16xi1>) -> (vector<16xi1>, vector<16xi32>, vector<16xi32>)
      %masked_sort3A_1560 = arith.xori %masked_sort3A_1558, %masked_sort3A_1555 : vector<16xi32>
      %all_reduce_population_count3A_1561 = tpu.all_reduce %and3A_1517 {dim = 0 : i64, kind = #tpu.reduction_kind<sum>} : vector<16xi1> -> vector<16xi32>
      %slice3A_1562 = vector.extract_strided_slice %all_reduce_population_count3A_1561 {offsets = [0], sizes = [1], strides = [1]} : vector<16xi32> to vector<1xi32>
      %squeeze3A_1563 = vector.extract %slice3A_1562[0] : i32 from vector<1xi32>
      %all_reduce_population_count3A_1564 = tpu.all_reduce %and3A_1524 {dim = 0 : i64, kind = #tpu.reduction_kind<sum>} : vector<16xi1> -> vector<16xi32>
      %slice3A_1565 = vector.extract_strided_slice %all_reduce_population_count3A_1564 {offsets = [0], sizes = [1], strides = [1]} : vector<16xi32> to vector<1xi32>
      %squeeze3A_1566 = vector.extract %slice3A_1565[0] : i32 from vector<1xi32>
      %swap3A_1567 = arith.index_cast %select_n3A_1486 : i32 to index
      %swap3A_1568 = tpu.vector_load %arg10[%swap3A_1567] {strides = array<i32>} : memref<1312xi32, #tpu.memory_space<vmem>>, vector<16xi32>,
      tpu.vector_store %arg10[%swap3A_1567], %masked_sort3A_1551 {strides = array<i32>} : memref<1312xi32, #tpu.memory_space<vmem>>, vector<16xi32>,
      %add3A_1569 = arith.addi %select_n3A_1486, %squeeze3A_1563 : i32
      %swap3A_1570 = arith.index_cast %add3A_1569 : i32 to index
      %swap3A_1571 = tpu.vector_load %arg10[%swap3A_1570] {strides = array<i32>} : memref<1312xi32, #tpu.memory_space<vmem>>, vector<16xi32>,
      tpu.vector_store %arg10[%swap3A_1570], %masked_sort3A_1559 {strides = array<i32>} : memref<1312xi32, #tpu.memory_space<vmem>>, vector<16xi32>,
      %add3A_1572 = arith.addi %select_n3A_1486, %squeeze3A_1563 : i32
      %add3A_1573 = arith.addi %add3A_1572, %squeeze3A_1566 : i32
      %get3A_1574 = arith.constant 32 : index
      %get3A_1575 = tpu.vector_load %arg9[%get3A_1574] {strides = array<i32>} : memref<640xi32, #tpu.memory_space<vmem>>, vector<16xi32>,
      %get3A_1576 = arith.constant 32 : index
      %get3A_1577 = tpu.vector_load %arg8[%get3A_1576] {strides = array<i32>} : memref<640xi32, #tpu.memory_space<vmem>>, vector<16xi32>,
      %get3A_1578 = arith.constant 48 : index
      %get3A_1579 = tpu.vector_load %arg9[%get3A_1578] {strides = array<i32>} : memref<640xi32, #tpu.memory_space<vmem>>, vector<16xi32>,
      %get3A_1580 = arith.constant 48 : index
      %get3A_1581 = tpu.vector_load %arg8[%get3A_1580] {strides = array<i32>} : memref<640xi32, #tpu.memory_space<vmem>>, vector<16xi32>,
      %ge3A_1582 = vector.broadcast %mul3A_2 : i32 to vector<16xi32>
      %ge3A_1583 = arith.cmpi sge, %get3A_1575, %ge3A_1582 : vector<16xi32>
      %add3A_1584 = arith.constant 320 : i32
      %add3A_1585 = arith.addi %mul3A_2, %add3A_1584 : i32
      %lt3A_1586 = vector.broadcast %add3A_1585 : i32 to vector<16xi32>
      %lt3A_1587 = arith.cmpi slt, %get3A_1575, %lt3A_1586 : vector<16xi32>
      %and3A_1588 = arith.andi %ge3A_1583, %lt3A_1587 : vector<16xi1>
      %ge3A_1589 = vector.broadcast %mul3A_2 : i32 to vector<16xi32>
      %ge3A_1590 = arith.cmpi sge, %get3A_1579, %ge3A_1589 : vector<16xi32>
      %add3A_1591 = arith.constant 320 : i32
      %add3A_1592 = arith.addi %mul3A_2, %add3A_1591 : i32
      %lt3A_1593 = vector.broadcast %add3A_1592 : i32 to vector<16xi32>
      %lt3A_1594 = arith.cmpi slt, %get3A_1579, %lt3A_1593 : vector<16xi32>
      %and3A_1595 = arith.andi %ge3A_1590, %lt3A_1594 : vector<16xi1>
      %shift_left3A_1596 = arith.constant 9 : i32
      %shift_left3A_1597 = vector.broadcast %shift_left3A_1596 : i32 to vector<16xi32>
      %shift_left3A_1598 = arith.shli %get3A_1577, %shift_left3A_1597 : vector<16xi32>
      %sub3A_1599 = vector.broadcast %mul3A_2 : i32 to vector<16xi32>
      %sub3A_1600 = arith.subi %get3A_1575, %sub3A_1599 : vector<16xi32>
      %or3A_1601 = arith.ori %shift_left3A_1598, %sub3A_1600 : vector<16xi32>
      %shift_left3A_1602 = arith.constant 9 : i32
      %shift_left3A_1603 = vector.broadcast %shift_left3A_1602 : i32 to vector<16xi32>
      %shift_left3A_1604 = arith.shli %get3A_1581, %shift_left3A_1603 : vector<16xi32>
      %sub3A_1605 = vector.broadcast %mul3A_2 : i32 to vector<16xi32>
      %sub3A_1606 = arith.subi %get3A_1579, %sub3A_1605 : vector<16xi32>
      %or3A_1607 = arith.ori %shift_left3A_1604, %sub3A_1606 : vector<16xi32>
      %add3A_1608 = arith.constant 16 : i32
      %add3A_1609 = vector.broadcast %add3A_1608 : i32 to vector<16xi32>
      %add3A_1610 = arith.addi %iota3A, %add3A_1609 : vector<16xi32>
      %select_n3A_1611 = arith.select %and3A_1588, %iota3A, %add3A_1610 : vector<16xi1>, vector<16xi32>
      %add3A_1612 = arith.constant 16 : i32
      %add3A_1613 = vector.broadcast %add3A_1612 : i32 to vector<16xi32>
      %add3A_1614 = arith.addi %iota3A, %add3A_1613 : vector<16xi32>
      %select_n3A_1615 = arith.select %and3A_1595, %iota3A, %add3A_1614 : vector<16xi1>, vector<16xi32>
      %masked_sort3A_1616 = arith.constant dense<true> : vector<16xi1>
      %masked_sort3A_1617 = arith.constant -2147483648 : i32
      %masked_sort3A_1618 = vector.broadcast %masked_sort3A_1617 : i32 to vector<16xi32>
      %masked_sort3A_1619 = arith.xori %select_n3A_1611, %masked_sort3A_1618 : vector<16xi32>
      %masked_sort3A_1620, %masked_sort3A_1621, %masked_sort3A_1622 = tpu.sort %masked_sort3A_1619, %or3A_1601 masked %masked_sort3A_1616 : (vector<16xi32>, vector<16xi32>, vector<16xi1>) -> (vector<16xi1>, vector<16xi32>, vector<16xi32>)
      %masked_sort3A_1623 = arith.xori %masked_sort3A_1621, %masked_sort3A_1618 : vector<16xi32>
      %masked_sort3A_1624 = arith.constant dense<true> : vector<16xi1>
      %masked_sort3A_1625 = arith.constant -2147483648 : i32
      %masked_sort3A_1626 = vector.broadcast %masked_sort3A_1625 : i32 to vector<16xi32>
      %masked_sort3A_1627 = arith.xori %select_n3A_1615, %masked_sort3A_1626 : vector<16xi32>
      %masked_sort3A_1628, %masked_sort3A_1629, %masked_sort3A_1630 = tpu.sort %masked_sort3A_1627, %or3A_1607 masked %masked_sort3A_1624 : (vector<16xi32>, vector<16xi32>, vector<16xi1>) -> (vector<16xi1>, vector<16xi32>, vector<16xi32>)
      %masked_sort3A_1631 = arith.xori %masked_sort3A_1629, %masked_sort3A_1626 : vector<16xi32>
      %all_reduce_population_count3A_1632 = tpu.all_reduce %and3A_1588 {dim = 0 : i64, kind = #tpu.reduction_kind<sum>} : vector<16xi1> -> vector<16xi32>
      %slice3A_1633 = vector.extract_strided_slice %all_reduce_population_count3A_1632 {offsets = [0], sizes = [1], strides = [1]} : vector<16xi32> to vector<1xi32>
      %squeeze3A_1634 = vector.extract %slice3A_1633[0] : i32 from vector<1xi32>
      %all_reduce_population_count3A_1635 = tpu.all_reduce %and3A_1595 {dim = 0 : i64, kind = #tpu.reduction_kind<sum>} : vector<16xi1> -> vector<16xi32>
      %slice3A_1636 = vector.extract_strided_slice %all_reduce_population_count3A_1635 {offsets = [0], sizes = [1], strides = [1]} : vector<16xi32> to vector<1xi32>
      %squeeze3A_1637 = vector.extract %slice3A_1636[0] : i32 from vector<1xi32>
      %swap3A_1638 = arith.index_cast %add3A_1573 : i32 to index
      %swap3A_1639 = tpu.vector_load %arg10[%swap3A_1638] {strides = array<i32>} : memref<1312xi32, #tpu.memory_space<vmem>>, vector<16xi32>,
      tpu.vector_store %arg10[%swap3A_1638], %masked_sort3A_1622 {strides = array<i32>} : memref<1312xi32, #tpu.memory_space<vmem>>, vector<16xi32>,
      %add3A_1640 = arith.addi %add3A_1573, %squeeze3A_1634 : i32
      %swap3A_1641 = arith.index_cast %add3A_1640 : i32 to index
      %swap3A_1642 = tpu.vector_load %arg10[%swap3A_1641] {strides = array<i32>} : memref<1312xi32, #tpu.memory_space<vmem>>, vector<16xi32>,
      tpu.vector_store %arg10[%swap3A_1641], %masked_sort3A_1630 {strides = array<i32>} : memref<1312xi32, #tpu.memory_space<vmem>>, vector<16xi32>,
      %add3A_1643 = arith.addi %add3A_1573, %squeeze3A_1634 : i32
      %add3A_1644 = arith.addi %add3A_1643, %squeeze3A_1637 : i32
      %get3A_1645 = arith.constant 64 : index
      %get3A_1646 = tpu.vector_load %arg9[%get3A_1645] {strides = array<i32>} : memref<640xi32, #tpu.memory_space<vmem>>, vector<16xi32>,
      %get3A_1647 = arith.constant 64 : index
      %get3A_1648 = tpu.vector_load %arg8[%get3A_1647] {strides = array<i32>} : memref<640xi32, #tpu.memory_space<vmem>>, vector<16xi32>,
      %get3A_1649 = arith.constant 80 : index
      %get3A_1650 = tpu.vector_load %arg9[%get3A_1649] {strides = array<i32>} : memref<640xi32, #tpu.memory_space<vmem>>, vector<16xi32>,
      %get3A_1651 = arith.constant 80 : index
      %get3A_1652 = tpu.vector_load %arg8[%get3A_1651] {strides = array<i32>} : memref<640xi32, #tpu.memory_space<vmem>>, vector<16xi32>,
      %ge3A_1653 = vector.broadcast %mul3A_2 : i32 to vector<16xi32>
      %ge3A_1654 = arith.cmpi sge, %get3A_1646, %ge3A_1653 : vector<16xi32>
      %add3A_1655 = arith.constant 320 : i32
      %add3A_1656 = arith.addi %mul3A_2, %add3A_1655 : i32
      %lt3A_1657 = vector.broadcast %add3A_1656 : i32 to vector<16xi32>
      %lt3A_1658 = arith.cmpi slt, %get3A_1646, %lt3A_1657 : vector<16xi32>
      %and3A_1659 = arith.andi %ge3A_1654, %lt3A_1658 : vector<16xi1>
      %ge3A_1660 = vector.broadcast %mul3A_2 : i32 to vector<16xi32>
      %ge3A_1661 = arith.cmpi sge, %get3A_1650, %ge3A_1660 : vector<16xi32>
      %add3A_1662 = arith.constant 320 : i32
      %add3A_1663 = arith.addi %mul3A_2, %add3A_1662 : i32
      %lt3A_1664 = vector.broadcast %add3A_1663 : i32 to vector<16xi32>
      %lt3A_1665 = arith.cmpi slt, %get3A_1650, %lt3A_1664 : vector<16xi32>
      %and3A_1666 = arith.andi %ge3A_1661, %lt3A_1665 : vector<16xi1>
      %shift_left3A_1667 = arith.constant 9 : i32
      %shift_left3A_1668 = vector.broadcast %shift_left3A_1667 : i32 to vector<16xi32>
      %shift_left3A_1669 = arith.shli %get3A_1648, %shift_left3A_1668 : vector<16xi32>
      %sub3A_1670 = vector.broadcast %mul3A_2 : i32 to vector<16xi32>
      %sub3A_1671 = arith.subi %get3A_1646, %sub3A_1670 : vector<16xi32>
      %or3A_1672 = arith.ori %shift_left3A_1669, %sub3A_1671 : vector<16xi32>
      %shift_left3A_1673 = arith.constant 9 : i32
      %shift_left3A_1674 = vector.broadcast %shift_left3A_1673 : i32 to vector<16xi32>
      %shift_left3A_1675 = arith.shli %get3A_1652, %shift_left3A_1674 : vector<16xi32>
      %sub3A_1676 = vector.broadcast %mul3A_2 : i32 to vector<16xi32>
      %sub3A_1677 = arith.subi %get3A_1650, %sub3A_1676 : vector<16xi32>
      %or3A_1678 = arith.ori %shift_left3A_1675, %sub3A_1677 : vector<16xi32>
      %add3A_1679 = arith.constant 16 : i32
      %add3A_1680 = vector.broadcast %add3A_1679 : i32 to vector<16xi32>
      %add3A_1681 = arith.addi %iota3A, %add3A_1680 : vector<16xi32>
      %select_n3A_1682 = arith.select %and3A_1659, %iota3A, %add3A_1681 : vector<16xi1>, vector<16xi32>
      %add3A_1683 = arith.constant 16 : i32
      %add3A_1684 = vector.broadcast %add3A_1683 : i32 to vector<16xi32>
      %add3A_1685 = arith.addi %iota3A, %add3A_1684 : vector<16xi32>
      %select_n3A_1686 = arith.select %and3A_1666, %iota3A, %add3A_1685 : vector<16xi1>, vector<16xi32>
      %masked_sort3A_1687 = arith.constant dense<true> : vector<16xi1>
      %masked_sort3A_1688 = arith.constant -2147483648 : i32
      %masked_sort3A_1689 = vector.broadcast %masked_sort3A_1688 : i32 to vector<16xi32>
      %masked_sort3A_1690 = arith.xori %select_n3A_1682, %masked_sort3A_1689 : vector<16xi32>
      %masked_sort3A_1691, %masked_sort3A_1692, %masked_sort3A_1693 = tpu.sort %masked_sort3A_1690, %or3A_1672 masked %masked_sort3A_1687 : (vector<16xi32>, vector<16xi32>, vector<16xi1>) -> (vector<16xi1>, vector<16xi32>, vector<16xi32>)
      %masked_sort3A_1694 = arith.xori %masked_sort3A_1692, %masked_sort3A_1689 : vector<16xi32>
      %masked_sort3A_1695 = arith.constant dense<true> : vector<16xi1>
      %masked_sort3A_1696 = arith.constant -2147483648 : i32
      %masked_sort3A_1697 = vector.broadcast %masked_sort3A_1696 : i32 to vector<16xi32>
      %masked_sort3A_1698 = arith.xori %select_n3A_1686, %masked_sort3A_1697 : vector<16xi32>
      %masked_sort3A_1699, %masked_sort3A_1700, %masked_sort3A_1701 = tpu.sort %masked_sort3A_1698, %or3A_1678 masked %masked_sort3A_1695 : (vector<16xi32>, vector<16xi32>, vector<16xi1>) -> (vector<16xi1>, vector<16xi32>, vector<16xi32>)
      %masked_sort3A_1702 = arith.xori %masked_sort3A_1700, %masked_sort3A_1697 : vector<16xi32>
      %all_reduce_population_count3A_1703 = tpu.all_reduce %and3A_1659 {dim = 0 : i64, kind = #tpu.reduction_kind<sum>} : vector<16xi1> -> vector<16xi32>
      %slice3A_1704 = vector.extract_strided_slice %all_reduce_population_count3A_1703 {offsets = [0], sizes = [1], strides = [1]} : vector<16xi32> to vector<1xi32>
      %squeeze3A_1705 = vector.extract %slice3A_1704[0] : i32 from vector<1xi32>
      %all_reduce_population_count3A_1706 = tpu.all_reduce %and3A_1666 {dim = 0 : i64, kind = #tpu.reduction_kind<sum>} : vector<16xi1> -> vector<16xi32>
      %slice3A_1707 = vector.extract_strided_slice %all_reduce_population_count3A_1706 {offsets = [0], sizes = [1], strides = [1]} : vector<16xi32> to vector<1xi32>
      %squeeze3A_1708 = vector.extract %slice3A_1707[0] : i32 from vector<1xi32>
      %swap3A_1709 = arith.index_cast %add3A_1644 : i32 to index
      %swap3A_1710 = tpu.vector_load %arg10[%swap3A_1709] {strides = array<i32>} : memref<1312xi32, #tpu.memory_space<vmem>>, vector<16xi32>,
      tpu.vector_store %arg10[%swap3A_1709], %masked_sort3A_1693 {strides = array<i32>} : memref<1312xi32, #tpu.memory_space<vmem>>, vector<16xi32>,
      %add3A_1711 = arith.addi %add3A_1644, %squeeze3A_1705 : i32
      %swap3A_1712 = arith.index_cast %add3A_1711 : i32 to index
      %swap3A_1713 = tpu.vector_load %arg10[%swap3A_1712] {strides = array<i32>} : memref<1312xi32, #tpu.memory_space<vmem>>, vector<16xi32>,
      tpu.vector_store %arg10[%swap3A_1712], %masked_sort3A_1701 {strides = array<i32>} : memref<1312xi32, #tpu.memory_space<vmem>>, vector<16xi32>,
      %add3A_1714 = arith.addi %add3A_1644, %squeeze3A_1705 : i32
      %add3A_1715 = arith.addi %add3A_1714, %squeeze3A_1708 : i32
      %get3A_1716 = arith.constant 96 : index
      %get3A_1717 = tpu.vector_load %arg9[%get3A_1716] {strides = array<i32>} : memref<640xi32, #tpu.memory_space<vmem>>, vector<16xi32>,
      %get3A_1718 = arith.constant 96 : index
      %get3A_1719 = tpu.vector_load %arg8[%get3A_1718] {strides = array<i32>} : memref<640xi32, #tpu.memory_space<vmem>>, vector<16xi32>,
      %get3A_1720 = arith.constant 112 : index
      %get3A_1721 = tpu.vector_load %arg9[%get3A_1720] {strides = array<i32>} : memref<640xi32, #tpu.memory_space<vmem>>, vector<16xi32>,
      %get3A_1722 = arith.constant 112 : index
      %get3A_1723 = tpu.vector_load %arg8[%get3A_1722] {strides = array<i32>} : memref<640xi32, #tpu.memory_space<vmem>>, vector<16xi32>,
      %ge3A_1724 = vector.broadcast %mul3A_2 : i32 to vector<16xi32>
      %ge3A_1725 = arith.cmpi sge, %get3A_1717, %ge3A_1724 : vector<16xi32>
      %add3A_1726 = arith.constant 320 : i32
      %add3A_1727 = arith.addi %mul3A_2, %add3A_1726 : i32
      %lt3A_1728 = vector.broadcast %add3A_1727 : i32 to vector<16xi32>
      %lt3A_1729 = arith.cmpi slt, %get3A_1717, %lt3A_1728 : vector<16xi32>
      %and3A_1730 = arith.andi %ge3A_1725, %lt3A_1729 : vector<16xi1>
      %ge3A_1731 = vector.broadcast %mul3A_2 : i32 to vector<16xi32>
      %ge3A_1732 = arith.cmpi sge, %get3A_1721, %ge3A_1731 : vector<16xi32>
      %add3A_1733 = arith.constant 320 : i32
      %add3A_1734 = arith.addi %mul3A_2, %add3A_1733 : i32
      %lt3A_1735 = vector.broadcast %add3A_1734 : i32 to vector<16xi32>
      %lt3A_1736 = arith.cmpi slt, %get3A_1721, %lt3A_1735 : vector<16xi32>
      %and3A_1737 = arith.andi %ge3A_1732, %lt3A_1736 : vector<16xi1>
      %shift_left3A_1738 = arith.constant 9 : i32
      %shift_left3A_1739 = vector.broadcast %shift_left3A_1738 : i32 to vector<16xi32>
      %shift_left3A_1740 = arith.shli %get3A_1719, %shift_left3A_1739 : vector<16xi32>
      %sub3A_1741 = vector.broadcast %mul3A_2 : i32 to vector<16xi32>
      %sub3A_1742 = arith.subi %get3A_1717, %sub3A_1741 : vector<16xi32>
      %or3A_1743 = arith.ori %shift_left3A_1740, %sub3A_1742 : vector<16xi32>
      %shift_left3A_1744 = arith.constant 9 : i32
      %shift_left3A_1745 = vector.broadcast %shift_left3A_1744 : i32 to vector<16xi32>
      %shift_left3A_1746 = arith.shli %get3A_1723, %shift_left3A_1745 : vector<16xi32>
      %sub3A_1747 = vector.broadcast %mul3A_2 : i32 to vector<16xi32>
      %sub3A_1748 = arith.subi %get3A_1721, %sub3A_1747 : vector<16xi32>
      %or3A_1749 = arith.ori %shift_left3A_1746, %sub3A_1748 : vector<16xi32>
      %add3A_1750 = arith.constant 16 : i32
      %add3A_1751 = vector.broadcast %add3A_1750 : i32 to vector<16xi32>
      %add3A_1752 = arith.addi %iota3A, %add3A_1751 : vector<16xi32>
      %select_n3A_1753 = arith.select %and3A_1730, %iota3A, %add3A_1752 : vector<16xi1>, vector<16xi32>
      %add3A_1754 = arith.constant 16 : i32
      %add3A_1755 = vector.broadcast %add3A_1754 : i32 to vector<16xi32>
      %add3A_1756 = arith.addi %iota3A, %add3A_1755 : vector<16xi32>
      %select_n3A_1757 = arith.select %and3A_1737, %iota3A, %add3A_1756 : vector<16xi1>, vector<16xi32>
      %masked_sort3A_1758 = arith.constant dense<true> : vector<16xi1>
      %masked_sort3A_1759 = arith.constant -2147483648 : i32
      %masked_sort3A_1760 = vector.broadcast %masked_sort3A_1759 : i32 to vector<16xi32>
      %masked_sort3A_1761 = arith.xori %select_n3A_1753, %masked_sort3A_1760 : vector<16xi32>
      %masked_sort3A_1762, %masked_sort3A_1763, %masked_sort3A_1764 = tpu.sort %masked_sort3A_1761, %or3A_1743 masked %masked_sort3A_1758 : (vector<16xi32>, vector<16xi32>, vector<16xi1>) -> (vector<16xi1>, vector<16xi32>, vector<16xi32>)
      %masked_sort3A_1765 = arith.xori %masked_sort3A_1763, %masked_sort3A_1760 : vector<16xi32>
      %masked_sort3A_1766 = arith.constant dense<true> : vector<16xi1>
      %masked_sort3A_1767 = arith.constant -2147483648 : i32
      %masked_sort3A_1768 = vector.broadcast %masked_sort3A_1767 : i32 to vector<16xi32>
      %masked_sort3A_1769 = arith.xori %select_n3A_1757, %masked_sort3A_1768 : vector<16xi32>
      %masked_sort3A_1770, %masked_sort3A_1771, %masked_sort3A_1772 = tpu.sort %masked_sort3A_1769, %or3A_1749 masked %masked_sort3A_1766 : (vector<16xi32>, vector<16xi32>, vector<16xi1>) -> (vector<16xi1>, vector<16xi32>, vector<16xi32>)
      %masked_sort3A_1773 = arith.xori %masked_sort3A_1771, %masked_sort3A_1768 : vector<16xi32>
      %all_reduce_population_count3A_1774 = tpu.all_reduce %and3A_1730 {dim = 0 : i64, kind = #tpu.reduction_kind<sum>} : vector<16xi1> -> vector<16xi32>
      %slice3A_1775 = vector.extract_strided_slice %all_reduce_population_count3A_1774 {offsets = [0], sizes = [1], strides = [1]} : vector<16xi32> to vector<1xi32>
      %squeeze3A_1776 = vector.extract %slice3A_1775[0] : i32 from vector<1xi32>
      %all_reduce_population_count3A_1777 = tpu.all_reduce %and3A_1737 {dim = 0 : i64, kind = #tpu.reduction_kind<sum>} : vector<16xi1> -> vector<16xi32>
      %slice3A_1778 = vector.extract_strided_slice %all_reduce_population_count3A_1777 {offsets = [0], sizes = [1], strides = [1]} : vector<16xi32> to vector<1xi32>
      %squeeze3A_1779 = vector.extract %slice3A_1778[0] : i32 from vector<1xi32>
      %swap3A_1780 = arith.index_cast %add3A_1715 : i32 to index
      %swap3A_1781 = tpu.vector_load %arg10[%swap3A_1780] {strides = array<i32>} : memref<1312xi32, #tpu.memory_space<vmem>>, vector<16xi32>,
      tpu.vector_store %arg10[%swap3A_1780], %masked_sort3A_1764 {strides = array<i32>} : memref<1312xi32, #tpu.memory_space<vmem>>, vector<16xi32>,
      %add3A_1782 = arith.addi %add3A_1715, %squeeze3A_1776 : i32
      %swap3A_1783 = arith.index_cast %add3A_1782 : i32 to index
      %swap3A_1784 = tpu.vector_load %arg10[%swap3A_1783] {strides = array<i32>} : memref<1312xi32, #tpu.memory_space<vmem>>, vector<16xi32>,
      tpu.vector_store %arg10[%swap3A_1783], %masked_sort3A_1772 {strides = array<i32>} : memref<1312xi32, #tpu.memory_space<vmem>>, vector<16xi32>,
      %add3A_1785 = arith.addi %add3A_1715, %squeeze3A_1776 : i32
      %add3A_1786 = arith.addi %add3A_1785, %squeeze3A_1779 : i32
      %get3A_1787 = arith.constant 128 : index
      %get3A_1788 = tpu.vector_load %arg9[%get3A_1787] {strides = array<i32>} : memref<640xi32, #tpu.memory_space<vmem>>, vector<16xi32>,
      %get3A_1789 = arith.constant 128 : index
      %get3A_1790 = tpu.vector_load %arg8[%get3A_1789] {strides = array<i32>} : memref<640xi32, #tpu.memory_space<vmem>>, vector<16xi32>,
      %get3A_1791 = arith.constant 144 : index
      %get3A_1792 = tpu.vector_load %arg9[%get3A_1791] {strides = array<i32>} : memref<640xi32, #tpu.memory_space<vmem>>, vector<16xi32>,
      %get3A_1793 = arith.constant 144 : index
      %get3A_1794 = tpu.vector_load %arg8[%get3A_1793] {strides = array<i32>} : memref<640xi32, #tpu.memory_space<vmem>>, vector<16xi32>,
      %ge3A_1795 = vector.broadcast %mul3A_2 : i32 to vector<16xi32>
      %ge3A_1796 = arith.cmpi sge, %get3A_1788, %ge3A_1795 : vector<16xi32>
      %add3A_1797 = arith.constant 320 : i32
      %add3A_1798 = arith.addi %mul3A_2, %add3A_1797 : i32
      %lt3A_1799 = vector.broadcast %add3A_1798 : i32 to vector<16xi32>
      %lt3A_1800 = arith.cmpi slt, %get3A_1788, %lt3A_1799 : vector<16xi32>
      %and3A_1801 = arith.andi %ge3A_1796, %lt3A_1800 : vector<16xi1>
      %ge3A_1802 = vector.broadcast %mul3A_2 : i32 to vector<16xi32>
      %ge3A_1803 = arith.cmpi sge, %get3A_1792, %ge3A_1802 : vector<16xi32>
      %add3A_1804 = arith.constant 320 : i32
      %add3A_1805 = arith.addi %mul3A_2, %add3A_1804 : i32
      %lt3A_1806 = vector.broadcast %add3A_1805 : i32 to vector<16xi32>
      %lt3A_1807 = arith.cmpi slt, %get3A_1792, %lt3A_1806 : vector<16xi32>
      %and3A_1808 = arith.andi %ge3A_1803, %lt3A_1807 : vector<16xi1>
      %shift_left3A_1809 = arith.constant 9 : i32
      %shift_left3A_1810 = vector.broadcast %shift_left3A_1809 : i32 to vector<16xi32>
      %shift_left3A_1811 = arith.shli %get3A_1790, %shift_left3A_1810 : vector<16xi32>
      %sub3A_1812 = vector.broadcast %mul3A_2 : i32 to vector<16xi32>
      %sub3A_1813 = arith.subi %get3A_1788, %sub3A_1812 : vector<16xi32>
      %or3A_1814 = arith.ori %shift_left3A_1811, %sub3A_1813 : vector<16xi32>
      %shift_left3A_1815 = arith.constant 9 : i32
      %shift_left3A_1816 = vector.broadcast %shift_left3A_1815 : i32 to vector<16xi32>
      %shift_left3A_1817 = arith.shli %get3A_1794, %shift_left3A_1816 : vector<16xi32>
      %sub3A_1818 = vector.broadcast %mul3A_2 : i32 to vector<16xi32>
      %sub3A_1819 = arith.subi %get3A_1792, %sub3A_1818 : vector<16xi32>
      %or3A_1820 = arith.ori %shift_left3A_1817, %sub3A_1819 : vector<16xi32>
      %add3A_1821 = arith.constant 16 : i32
      %add3A_1822 = vector.broadcast %add3A_1821 : i32 to vector<16xi32>
      %add3A_1823 = arith.addi %iota3A, %add3A_1822 : vector<16xi32>
      %select_n3A_1824 = arith.select %and3A_1801, %iota3A, %add3A_1823 : vector<16xi1>, vector<16xi32>
      %add3A_1825 = arith.constant 16 : i32
      %add3A_1826 = vector.broadcast %add3A_1825 : i32 to vector<16xi32>
      %add3A_1827 = arith.addi %iota3A, %add3A_1826 : vector<16xi32>
      %select_n3A_1828 = arith.select %and3A_1808, %iota3A, %add3A_1827 : vector<16xi1>, vector<16xi32>
      %masked_sort3A_1829 = arith.constant dense<true> : vector<16xi1>
      %masked_sort3A_1830 = arith.constant -2147483648 : i32
      %masked_sort3A_1831 = vector.broadcast %masked_sort3A_1830 : i32 to vector<16xi32>
      %masked_sort3A_1832 = arith.xori %select_n3A_1824, %masked_sort3A_1831 : vector<16xi32>
      %masked_sort3A_1833, %masked_sort3A_1834, %masked_sort3A_1835 = tpu.sort %masked_sort3A_1832, %or3A_1814 masked %masked_sort3A_1829 : (vector<16xi32>, vector<16xi32>, vector<16xi1>) -> (vector<16xi1>, vector<16xi32>, vector<16xi32>)
      %masked_sort3A_1836 = arith.xori %masked_sort3A_1834, %masked_sort3A_1831 : vector<16xi32>
      %masked_sort3A_1837 = arith.constant dense<true> : vector<16xi1>
      %masked_sort3A_1838 = arith.constant -2147483648 : i32
      %masked_sort3A_1839 = vector.broadcast %masked_sort3A_1838 : i32 to vector<16xi32>
      %masked_sort3A_1840 = arith.xori %select_n3A_1828, %masked_sort3A_1839 : vector<16xi32>
      %masked_sort3A_1841, %masked_sort3A_1842, %masked_sort3A_1843 = tpu.sort %masked_sort3A_1840, %or3A_1820 masked %masked_sort3A_1837 : (vector<16xi32>, vector<16xi32>, vector<16xi1>) -> (vector<16xi1>, vector<16xi32>, vector<16xi32>)
      %masked_sort3A_1844 = arith.xori %masked_sort3A_1842, %masked_sort3A_1839 : vector<16xi32>
      %all_reduce_population_count3A_1845 = tpu.all_reduce %and3A_1801 {dim = 0 : i64, kind = #tpu.reduction_kind<sum>} : vector<16xi1> -> vector<16xi32>
      %slice3A_1846 = vector.extract_strided_slice %all_reduce_population_count3A_1845 {offsets = [0], sizes = [1], strides = [1]} : vector<16xi32> to vector<1xi32>
      %squeeze3A_1847 = vector.extract %slice3A_1846[0] : i32 from vector<1xi32>
      %all_reduce_population_count3A_1848 = tpu.all_reduce %and3A_1808 {dim = 0 : i64, kind = #tpu.reduction_kind<sum>} : vector<16xi1> -> vector<16xi32>
      %slice3A_1849 = vector.extract_strided_slice %all_reduce_population_count3A_1848 {offsets = [0], sizes = [1], strides = [1]} : vector<16xi32> to vector<1xi32>
      %squeeze3A_1850 = vector.extract %slice3A_1849[0] : i32 from vector<1xi32>
      %swap3A_1851 = arith.index_cast %add3A_1786 : i32 to index
      %swap3A_1852 = tpu.vector_load %arg10[%swap3A_1851] {strides = array<i32>} : memref<1312xi32, #tpu.memory_space<vmem>>, vector<16xi32>,
      tpu.vector_store %arg10[%swap3A_1851], %masked_sort3A_1835 {strides = array<i32>} : memref<1312xi32, #tpu.memory_space<vmem>>, vector<16xi32>,
      %add3A_1853 = arith.addi %add3A_1786, %squeeze3A_1847 : i32
      %swap3A_1854 = arith.index_cast %add3A_1853 : i32 to index
      %swap3A_1855 = tpu.vector_load %arg10[%swap3A_1854] {strides = array<i32>} : memref<1312xi32, #tpu.memory_space<vmem>>, vector<16xi32>,
      tpu.vector_store %arg10[%swap3A_1854], %masked_sort3A_1843 {strides = array<i32>} : memref<1312xi32, #tpu.memory_space<vmem>>, vector<16xi32>,
      %add3A_1856 = arith.addi %add3A_1786, %squeeze3A_1847 : i32
      %add3A_1857 = arith.addi %add3A_1856, %squeeze3A_1850 : i32
      %get3A_1858 = arith.constant 160 : index
      %get3A_1859 = tpu.vector_load %arg9[%get3A_1858] {strides = array<i32>} : memref<640xi32, #tpu.memory_space<vmem>>, vector<16xi32>,
      %get3A_1860 = arith.constant 160 : index
      %get3A_1861 = tpu.vector_load %arg8[%get3A_1860] {strides = array<i32>} : memref<640xi32, #tpu.memory_space<vmem>>, vector<16xi32>,
      %get3A_1862 = arith.constant 176 : index
      %get3A_1863 = tpu.vector_load %arg9[%get3A_1862] {strides = array<i32>} : memref<640xi32, #tpu.memory_space<vmem>>, vector<16xi32>,
      %get3A_1864 = arith.constant 176 : index
      %get3A_1865 = tpu.vector_load %arg8[%get3A_1864] {strides = array<i32>} : memref<640xi32, #tpu.memory_space<vmem>>, vector<16xi32>,
      %ge3A_1866 = vector.broadcast %mul3A_2 : i32 to vector<16xi32>
      %ge3A_1867 = arith.cmpi sge, %get3A_1859, %ge3A_1866 : vector<16xi32>
      %add3A_1868 = arith.constant 320 : i32
      %add3A_1869 = arith.addi %mul3A_2, %add3A_1868 : i32
      %lt3A_1870 = vector.broadcast %add3A_1869 : i32 to vector<16xi32>
      %lt3A_1871 = arith.cmpi slt, %get3A_1859, %lt3A_1870 : vector<16xi32>
      %and3A_1872 = arith.andi %ge3A_1867, %lt3A_1871 : vector<16xi1>
      %ge3A_1873 = vector.broadcast %mul3A_2 : i32 to vector<16xi32>
      %ge3A_1874 = arith.cmpi sge, %get3A_1863, %ge3A_1873 : vector<16xi32>
      %add3A_1875 = arith.constant 320 : i32
      %add3A_1876 = arith.addi %mul3A_2, %add3A_1875 : i32
      %lt3A_1877 = vector.broadcast %add3A_1876 : i32 to vector<16xi32>
      %lt3A_1878 = arith.cmpi slt, %get3A_1863, %lt3A_1877 : vector<16xi32>
      %and3A_1879 = arith.andi %ge3A_1874, %lt3A_1878 : vector<16xi1>
      %shift_left3A_1880 = arith.constant 9 : i32
      %shift_left3A_1881 = vector.broadcast %shift_left3A_1880 : i32 to vector<16xi32>
      %shift_left3A_1882 = arith.shli %get3A_1861, %shift_left3A_1881 : vector<16xi32>
      %sub3A_1883 = vector.broadcast %mul3A_2 : i32 to vector<16xi32>
      %sub3A_1884 = arith.subi %get3A_1859, %sub3A_1883 : vector<16xi32>
      %or3A_1885 = arith.ori %shift_left3A_1882, %sub3A_1884 : vector<16xi32>
      %shift_left3A_1886 = arith.constant 9 : i32
      %shift_left3A_1887 = vector.broadcast %shift_left3A_1886 : i32 to vector<16xi32>
      %shift_left3A_1888 = arith.shli %get3A_1865, %shift_left3A_1887 : vector<16xi32>
      %sub3A_1889 = vector.broadcast %mul3A_2 : i32 to vector<16xi32>
      %sub3A_1890 = arith.subi %get3A_1863, %sub3A_1889 : vector<16xi32>
      %or3A_1891 = arith.ori %shift_left3A_1888, %sub3A_1890 : vector<16xi32>
      %add3A_1892 = arith.constant 16 : i32
      %add3A_1893 = vector.broadcast %add3A_1892 : i32 to vector<16xi32>
      %add3A_1894 = arith.addi %iota3A, %add3A_1893 : vector<16xi32>
      %select_n3A_1895 = arith.select %and3A_1872, %iota3A, %add3A_1894 : vector<16xi1>, vector<16xi32>
      %add3A_1896 = arith.constant 16 : i32
      %add3A_1897 = vector.broadcast %add3A_1896 : i32 to vector<16xi32>
      %add3A_1898 = arith.addi %iota3A, %add3A_1897 : vector<16xi32>
      %select_n3A_1899 = arith.select %and3A_1879, %iota3A, %add3A_1898 : vector<16xi1>, vector<16xi32>
      %masked_sort3A_1900 = arith.constant dense<true> : vector<16xi1>
      %masked_sort3A_1901 = arith.constant -2147483648 : i32
      %masked_sort3A_1902 = vector.broadcast %masked_sort3A_1901 : i32 to vector<16xi32>
      %masked_sort3A_1903 = arith.xori %select_n3A_1895, %masked_sort3A_1902 : vector<16xi32>
      %masked_sort3A_1904, %masked_sort3A_1905, %masked_sort3A_1906 = tpu.sort %masked_sort3A_1903, %or3A_1885 masked %masked_sort3A_1900 : (vector<16xi32>, vector<16xi32>, vector<16xi1>) -> (vector<16xi1>, vector<16xi32>, vector<16xi32>)
      %masked_sort3A_1907 = arith.xori %masked_sort3A_1905, %masked_sort3A_1902 : vector<16xi32>
      %masked_sort3A_1908 = arith.constant dense<true> : vector<16xi1>
      %masked_sort3A_1909 = arith.constant -2147483648 : i32
      %masked_sort3A_1910 = vector.broadcast %masked_sort3A_1909 : i32 to vector<16xi32>
      %masked_sort3A_1911 = arith.xori %select_n3A_1899, %masked_sort3A_1910 : vector<16xi32>
      %masked_sort3A_1912, %masked_sort3A_1913, %masked_sort3A_1914 = tpu.sort %masked_sort3A_1911, %or3A_1891 masked %masked_sort3A_1908 : (vector<16xi32>, vector<16xi32>, vector<16xi1>) -> (vector<16xi1>, vector<16xi32>, vector<16xi32>)
      %masked_sort3A_1915 = arith.xori %masked_sort3A_1913, %masked_sort3A_1910 : vector<16xi32>
      %all_reduce_population_count3A_1916 = tpu.all_reduce %and3A_1872 {dim = 0 : i64, kind = #tpu.reduction_kind<sum>} : vector<16xi1> -> vector<16xi32>
      %slice3A_1917 = vector.extract_strided_slice %all_reduce_population_count3A_1916 {offsets = [0], sizes = [1], strides = [1]} : vector<16xi32> to vector<1xi32>
      %squeeze3A_1918 = vector.extract %slice3A_1917[0] : i32 from vector<1xi32>
      %all_reduce_population_count3A_1919 = tpu.all_reduce %and3A_1879 {dim = 0 : i64, kind = #tpu.reduction_kind<sum>} : vector<16xi1> -> vector<16xi32>
      %slice3A_1920 = vector.extract_strided_slice %all_reduce_population_count3A_1919 {offsets = [0], sizes = [1], strides = [1]} : vector<16xi32> to vector<1xi32>
      %squeeze3A_1921 = vector.extract %slice3A_1920[0] : i32 from vector<1xi32>
      %swap3A_1922 = arith.index_cast %add3A_1857 : i32 to index
      %swap3A_1923 = tpu.vector_load %arg10[%swap3A_1922] {strides = array<i32>} : memref<1312xi32, #tpu.memory_space<vmem>>, vector<16xi32>,
      tpu.vector_store %arg10[%swap3A_1922], %masked_sort3A_1906 {strides = array<i32>} : memref<1312xi32, #tpu.memory_space<vmem>>, vector<16xi32>,
      %add3A_1924 = arith.addi %add3A_1857, %squeeze3A_1918 : i32
      %swap3A_1925 = arith.index_cast %add3A_1924 : i32 to index
      %swap3A_1926 = tpu.vector_load %arg10[%swap3A_1925] {strides = array<i32>} : memref<1312xi32, #tpu.memory_space<vmem>>, vector<16xi32>,
      tpu.vector_store %arg10[%swap3A_1925], %masked_sort3A_1914 {strides = array<i32>} : memref<1312xi32, #tpu.memory_space<vmem>>, vector<16xi32>,
      %add3A_1927 = arith.addi %add3A_1857, %squeeze3A_1918 : i32
      %add3A_1928 = arith.addi %add3A_1927, %squeeze3A_1921 : i32
      %get3A_1929 = arith.constant 192 : index
      %get3A_1930 = tpu.vector_load %arg9[%get3A_1929] {strides = array<i32>} : memref<640xi32, #tpu.memory_space<vmem>>, vector<16xi32>,
      %get3A_1931 = arith.constant 192 : index
      %get3A_1932 = tpu.vector_load %arg8[%get3A_1931] {strides = array<i32>} : memref<640xi32, #tpu.memory_space<vmem>>, vector<16xi32>,
      %get3A_1933 = arith.constant 208 : index
      %get3A_1934 = tpu.vector_load %arg9[%get3A_1933] {strides = array<i32>} : memref<640xi32, #tpu.memory_space<vmem>>, vector<16xi32>,
      %get3A_1935 = arith.constant 208 : index
      %get3A_1936 = tpu.vector_load %arg8[%get3A_1935] {strides = array<i32>} : memref<640xi32, #tpu.memory_space<vmem>>, vector<16xi32>,
      %ge3A_1937 = vector.broadcast %mul3A_2 : i32 to vector<16xi32>
      %ge3A_1938 = arith.cmpi sge, %get3A_1930, %ge3A_1937 : vector<16xi32>
      %add3A_1939 = arith.constant 320 : i32
      %add3A_1940 = arith.addi %mul3A_2, %add3A_1939 : i32
      %lt3A_1941 = vector.broadcast %add3A_1940 : i32 to vector<16xi32>
      %lt3A_1942 = arith.cmpi slt, %get3A_1930, %lt3A_1941 : vector<16xi32>
      %and3A_1943 = arith.andi %ge3A_1938, %lt3A_1942 : vector<16xi1>
      %ge3A_1944 = vector.broadcast %mul3A_2 : i32 to vector<16xi32>
      %ge3A_1945 = arith.cmpi sge, %get3A_1934, %ge3A_1944 : vector<16xi32>
      %add3A_1946 = arith.constant 320 : i32
      %add3A_1947 = arith.addi %mul3A_2, %add3A_1946 : i32
      %lt3A_1948 = vector.broadcast %add3A_1947 : i32 to vector<16xi32>
      %lt3A_1949 = arith.cmpi slt, %get3A_1934, %lt3A_1948 : vector<16xi32>
      %and3A_1950 = arith.andi %ge3A_1945, %lt3A_1949 : vector<16xi1>
      %shift_left3A_1951 = arith.constant 9 : i32
      %shift_left3A_1952 = vector.broadcast %shift_left3A_1951 : i32 to vector<16xi32>
      %shift_left3A_1953 = arith.shli %get3A_1932, %shift_left3A_1952 : vector<16xi32>
      %sub3A_1954 = vector.broadcast %mul3A_2 : i32 to vector<16xi32>
      %sub3A_1955 = arith.subi %get3A_1930, %sub3A_1954 : vector<16xi32>
      %or3A_1956 = arith.ori %shift_left3A_1953, %sub3A_1955 : vector<16xi32>
      %shift_left3A_1957 = arith.constant 9 : i32
      %shift_left3A_1958 = vector.broadcast %shift_left3A_1957 : i32 to vector<16xi32>
      %shift_left3A_1959 = arith.shli %get3A_1936, %shift_left3A_1958 : vector<16xi32>
      %sub3A_1960 = vector.broadcast %mul3A_2 : i32 to vector<16xi32>
      %sub3A_1961 = arith.subi %get3A_1934, %sub3A_1960 : vector<16xi32>
      %or3A_1962 = arith.ori %shift_left3A_1959, %sub3A_1961 : vector<16xi32>
      %add3A_1963 = arith.constant 16 : i32
      %add3A_1964 = vector.broadcast %add3A_1963 : i32 to vector<16xi32>
      %add3A_1965 = arith.addi %iota3A, %add3A_1964 : vector<16xi32>
      %select_n3A_1966 = arith.select %and3A_1943, %iota3A, %add3A_1965 : vector<16xi1>, vector<16xi32>
      %add3A_1967 = arith.constant 16 : i32
      %add3A_1968 = vector.broadcast %add3A_1967 : i32 to vector<16xi32>
      %add3A_1969 = arith.addi %iota3A, %add3A_1968 : vector<16xi32>
      %select_n3A_1970 = arith.select %and3A_1950, %iota3A, %add3A_1969 : vector<16xi1>, vector<16xi32>
      %masked_sort3A_1971 = arith.constant dense<true> : vector<16xi1>
      %masked_sort3A_1972 = arith.constant -2147483648 : i32
      %masked_sort3A_1973 = vector.broadcast %masked_sort3A_1972 : i32 to vector<16xi32>
      %masked_sort3A_1974 = arith.xori %select_n3A_1966, %masked_sort3A_1973 : vector<16xi32>
      %masked_sort3A_1975, %masked_sort3A_1976, %masked_sort3A_1977 = tpu.sort %masked_sort3A_1974, %or3A_1956 masked %masked_sort3A_1971 : (vector<16xi32>, vector<16xi32>, vector<16xi1>) -> (vector<16xi1>, vector<16xi32>, vector<16xi32>)
      %masked_sort3A_1978 = arith.xori %masked_sort3A_1976, %masked_sort3A_1973 : vector<16xi32>
      %masked_sort3A_1979 = arith.constant dense<true> : vector<16xi1>
      %masked_sort3A_1980 = arith.constant -2147483648 : i32
      %masked_sort3A_1981 = vector.broadcast %masked_sort3A_1980 : i32 to vector<16xi32>
      %masked_sort3A_1982 = arith.xori %select_n3A_1970, %masked_sort3A_1981 : vector<16xi32>
      %masked_sort3A_1983, %masked_sort3A_1984, %masked_sort3A_1985 = tpu.sort %masked_sort3A_1982, %or3A_1962 masked %masked_sort3A_1979 : (vector<16xi32>, vector<16xi32>, vector<16xi1>) -> (vector<16xi1>, vector<16xi32>, vector<16xi32>)
      %masked_sort3A_1986 = arith.xori %masked_sort3A_1984, %masked_sort3A_1981 : vector<16xi32>
      %all_reduce_population_count3A_1987 = tpu.all_reduce %and3A_1943 {dim = 0 : i64, kind = #tpu.reduction_kind<sum>} : vector<16xi1> -> vector<16xi32>
      %slice3A_1988 = vector.extract_strided_slice %all_reduce_population_count3A_1987 {offsets = [0], sizes = [1], strides = [1]} : vector<16xi32> to vector<1xi32>
      %squeeze3A_1989 = vector.extract %slice3A_1988[0] : i32 from vector<1xi32>
      %all_reduce_population_count3A_1990 = tpu.all_reduce %and3A_1950 {dim = 0 : i64, kind = #tpu.reduction_kind<sum>} : vector<16xi1> -> vector<16xi32>
      %slice3A_1991 = vector.extract_strided_slice %all_reduce_population_count3A_1990 {offsets = [0], sizes = [1], strides = [1]} : vector<16xi32> to vector<1xi32>
      %squeeze3A_1992 = vector.extract %slice3A_1991[0] : i32 from vector<1xi32>
      %swap3A_1993 = arith.index_cast %add3A_1928 : i32 to index
      %swap3A_1994 = tpu.vector_load %arg10[%swap3A_1993] {strides = array<i32>} : memref<1312xi32, #tpu.memory_space<vmem>>, vector<16xi32>,
      tpu.vector_store %arg10[%swap3A_1993], %masked_sort3A_1977 {strides = array<i32>} : memref<1312xi32, #tpu.memory_space<vmem>>, vector<16xi32>,
      %add3A_1995 = arith.addi %add3A_1928, %squeeze3A_1989 : i32
      %swap3A_1996 = arith.index_cast %add3A_1995 : i32 to index
      %swap3A_1997 = tpu.vector_load %arg10[%swap3A_1996] {strides = array<i32>} : memref<1312xi32, #tpu.memory_space<vmem>>, vector<16xi32>,
      tpu.vector_store %arg10[%swap3A_1996], %masked_sort3A_1985 {strides = array<i32>} : memref<1312xi32, #tpu.memory_space<vmem>>, vector<16xi32>,
      %add3A_1998 = arith.addi %add3A_1928, %squeeze3A_1989 : i32
      %add3A_1999 = arith.addi %add3A_1998, %squeeze3A_1992 : i32
      %get3A_2000 = arith.constant 224 : index
      %get3A_2001 = tpu.vector_load %arg9[%get3A_2000] {strides = array<i32>} : memref<640xi32, #tpu.memory_space<vmem>>, vector<16xi32>,
      %get3A_2002 = arith.constant 224 : index
      %get3A_2003 = tpu.vector_load %arg8[%get3A_2002] {strides = array<i32>} : memref<640xi32, #tpu.memory_space<vmem>>, vector<16xi32>,
      %get3A_2004 = arith.constant 240 : index
      %get3A_2005 = tpu.vector_load %arg9[%get3A_2004] {strides = array<i32>} : memref<640xi32, #tpu.memory_space<vmem>>, vector<16xi32>,
      %get3A_2006 = arith.constant 240 : index
      %get3A_2007 = tpu.vector_load %arg8[%get3A_2006] {strides = array<i32>} : memref<640xi32, #tpu.memory_space<vmem>>, vector<16xi32>,
      %ge3A_2008 = vector.broadcast %mul3A_2 : i32 to vector<16xi32>
      %ge3A_2009 = arith.cmpi sge, %get3A_2001, %ge3A_2008 : vector<16xi32>
      %add3A_2010 = arith.constant 320 : i32
      %add3A_2011 = arith.addi %mul3A_2, %add3A_2010 : i32
      %lt3A_2012 = vector.broadcast %add3A_2011 : i32 to vector<16xi32>
      %lt3A_2013 = arith.cmpi slt, %get3A_2001, %lt3A_2012 : vector<16xi32>
      %and3A_2014 = arith.andi %ge3A_2009, %lt3A_2013 : vector<16xi1>
      %ge3A_2015 = vector.broadcast %mul3A_2 : i32 to vector<16xi32>
      %ge3A_2016 = arith.cmpi sge, %get3A_2005, %ge3A_2015 : vector<16xi32>
      %add3A_2017 = arith.constant 320 : i32
      %add3A_2018 = arith.addi %mul3A_2, %add3A_2017 : i32
      %lt3A_2019 = vector.broadcast %add3A_2018 : i32 to vector<16xi32>
      %lt3A_2020 = arith.cmpi slt, %get3A_2005, %lt3A_2019 : vector<16xi32>
      %and3A_2021 = arith.andi %ge3A_2016, %lt3A_2020 : vector<16xi1>
      %shift_left3A_2022 = arith.constant 9 : i32
      %shift_left3A_2023 = vector.broadcast %shift_left3A_2022 : i32 to vector<16xi32>
      %shift_left3A_2024 = arith.shli %get3A_2003, %shift_left3A_2023 : vector<16xi32>
      %sub3A_2025 = vector.broadcast %mul3A_2 : i32 to vector<16xi32>
      %sub3A_2026 = arith.subi %get3A_2001, %sub3A_2025 : vector<16xi32>
      %or3A_2027 = arith.ori %shift_left3A_2024, %sub3A_2026 : vector<16xi32>
      %shift_left3A_2028 = arith.constant 9 : i32
      %shift_left3A_2029 = vector.broadcast %shift_left3A_2028 : i32 to vector<16xi32>
      %shift_left3A_2030 = arith.shli %get3A_2007, %shift_left3A_2029 : vector<16xi32>
      %sub3A_2031 = vector.broadcast %mul3A_2 : i32 to vector<16xi32>
      %sub3A_2032 = arith.subi %get3A_2005, %sub3A_2031 : vector<16xi32>
      %or3A_2033 = arith.ori %shift_left3A_2030, %sub3A_2032 : vector<16xi32>
      %add3A_2034 = arith.constant 16 : i32
      %add3A_2035 = vector.broadcast %add3A_2034 : i32 to vector<16xi32>
      %add3A_2036 = arith.addi %iota3A, %add3A_2035 : vector<16xi32>
      %select_n3A_2037 = arith.select %and3A_2014, %iota3A, %add3A_2036 : vector<16xi1>, vector<16xi32>
      %add3A_2038 = arith.constant 16 : i32
      %add3A_2039 = vector.broadcast %add3A_2038 : i32 to vector<16xi32>
      %add3A_2040 = arith.addi %iota3A, %add3A_2039 : vector<16xi32>
      %select_n3A_2041 = arith.select %and3A_2021, %iota3A, %add3A_2040 : vector<16xi1>, vector<16xi32>
      %masked_sort3A_2042 = arith.constant dense<true> : vector<16xi1>
      %masked_sort3A_2043 = arith.constant -2147483648 : i32
      %masked_sort3A_2044 = vector.broadcast %masked_sort3A_2043 : i32 to vector<16xi32>
      %masked_sort3A_2045 = arith.xori %select_n3A_2037, %masked_sort3A_2044 : vector<16xi32>
      %masked_sort3A_2046, %masked_sort3A_2047, %masked_sort3A_2048 = tpu.sort %masked_sort3A_2045, %or3A_2027 masked %masked_sort3A_2042 : (vector<16xi32>, vector<16xi32>, vector<16xi1>) -> (vector<16xi1>, vector<16xi32>, vector<16xi32>)
      %masked_sort3A_2049 = arith.xori %masked_sort3A_2047, %masked_sort3A_2044 : vector<16xi32>
      %masked_sort3A_2050 = arith.constant dense<true> : vector<16xi1>
      %masked_sort3A_2051 = arith.constant -2147483648 : i32
      %masked_sort3A_2052 = vector.broadcast %masked_sort3A_2051 : i32 to vector<16xi32>
      %masked_sort3A_2053 = arith.xori %select_n3A_2041, %masked_sort3A_2052 : vector<16xi32>
      %masked_sort3A_2054, %masked_sort3A_2055, %masked_sort3A_2056 = tpu.sort %masked_sort3A_2053, %or3A_2033 masked %masked_sort3A_2050 : (vector<16xi32>, vector<16xi32>, vector<16xi1>) -> (vector<16xi1>, vector<16xi32>, vector<16xi32>)
      %masked_sort3A_2057 = arith.xori %masked_sort3A_2055, %masked_sort3A_2052 : vector<16xi32>
      %all_reduce_population_count3A_2058 = tpu.all_reduce %and3A_2014 {dim = 0 : i64, kind = #tpu.reduction_kind<sum>} : vector<16xi1> -> vector<16xi32>
      %slice3A_2059 = vector.extract_strided_slice %all_reduce_population_count3A_2058 {offsets = [0], sizes = [1], strides = [1]} : vector<16xi32> to vector<1xi32>
      %squeeze3A_2060 = vector.extract %slice3A_2059[0] : i32 from vector<1xi32>
      %all_reduce_population_count3A_2061 = tpu.all_reduce %and3A_2021 {dim = 0 : i64, kind = #tpu.reduction_kind<sum>} : vector<16xi1> -> vector<16xi32>
      %slice3A_2062 = vector.extract_strided_slice %all_reduce_population_count3A_2061 {offsets = [0], sizes = [1], strides = [1]} : vector<16xi32> to vector<1xi32>
      %squeeze3A_2063 = vector.extract %slice3A_2062[0] : i32 from vector<1xi32>
      %swap3A_2064 = arith.index_cast %add3A_1999 : i32 to index
      %swap3A_2065 = tpu.vector_load %arg10[%swap3A_2064] {strides = array<i32>} : memref<1312xi32, #tpu.memory_space<vmem>>, vector<16xi32>,
      tpu.vector_store %arg10[%swap3A_2064], %masked_sort3A_2048 {strides = array<i32>} : memref<1312xi32, #tpu.memory_space<vmem>>, vector<16xi32>,
      %add3A_2066 = arith.addi %add3A_1999, %squeeze3A_2060 : i32
      %swap3A_2067 = arith.index_cast %add3A_2066 : i32 to index
      %swap3A_2068 = tpu.vector_load %arg10[%swap3A_2067] {strides = array<i32>} : memref<1312xi32, #tpu.memory_space<vmem>>, vector<16xi32>,
      tpu.vector_store %arg10[%swap3A_2067], %masked_sort3A_2056 {strides = array<i32>} : memref<1312xi32, #tpu.memory_space<vmem>>, vector<16xi32>,
      %add3A_2069 = arith.addi %add3A_1999, %squeeze3A_2060 : i32
      %add3A_2070 = arith.addi %add3A_2069, %squeeze3A_2063 : i32
      %get3A_2071 = arith.constant 256 : index
      %get3A_2072 = tpu.vector_load %arg9[%get3A_2071] {strides = array<i32>} : memref<640xi32, #tpu.memory_space<vmem>>, vector<16xi32>,
      %get3A_2073 = arith.constant 256 : index
      %get3A_2074 = tpu.vector_load %arg8[%get3A_2073] {strides = array<i32>} : memref<640xi32, #tpu.memory_space<vmem>>, vector<16xi32>,
      %get3A_2075 = arith.constant 272 : index
      %get3A_2076 = tpu.vector_load %arg9[%get3A_2075] {strides = array<i32>} : memref<640xi32, #tpu.memory_space<vmem>>, vector<16xi32>,
      %get3A_2077 = arith.constant 272 : index
      %get3A_2078 = tpu.vector_load %arg8[%get3A_2077] {strides = array<i32>} : memref<640xi32, #tpu.memory_space<vmem>>, vector<16xi32>,
      %ge3A_2079 = vector.broadcast %mul3A_2 : i32 to vector<16xi32>
      %ge3A_2080 = arith.cmpi sge, %get3A_2072, %ge3A_2079 : vector<16xi32>
      %add3A_2081 = arith.constant 320 : i32
      %add3A_2082 = arith.addi %mul3A_2, %add3A_2081 : i32
      %lt3A_2083 = vector.broadcast %add3A_2082 : i32 to vector<16xi32>
      %lt3A_2084 = arith.cmpi slt, %get3A_2072, %lt3A_2083 : vector<16xi32>
      %and3A_2085 = arith.andi %ge3A_2080, %lt3A_2084 : vector<16xi1>
      %ge3A_2086 = vector.broadcast %mul3A_2 : i32 to vector<16xi32>
      %ge3A_2087 = arith.cmpi sge, %get3A_2076, %ge3A_2086 : vector<16xi32>
      %add3A_2088 = arith.constant 320 : i32
      %add3A_2089 = arith.addi %mul3A_2, %add3A_2088 : i32
      %lt3A_2090 = vector.broadcast %add3A_2089 : i32 to vector<16xi32>
      %lt3A_2091 = arith.cmpi slt, %get3A_2076, %lt3A_2090 : vector<16xi32>
      %and3A_2092 = arith.andi %ge3A_2087, %lt3A_2091 : vector<16xi1>
      %shift_left3A_2093 = arith.constant 9 : i32
      %shift_left3A_2094 = vector.broadcast %shift_left3A_2093 : i32 to vector<16xi32>
      %shift_left3A_2095 = arith.shli %get3A_2074, %shift_left3A_2094 : vector<16xi32>
      %sub3A_2096 = vector.broadcast %mul3A_2 : i32 to vector<16xi32>
      %sub3A_2097 = arith.subi %get3A_2072, %sub3A_2096 : vector<16xi32>
      %or3A_2098 = arith.ori %shift_left3A_2095, %sub3A_2097 : vector<16xi32>
      %shift_left3A_2099 = arith.constant 9 : i32
      %shift_left3A_2100 = vector.broadcast %shift_left3A_2099 : i32 to vector<16xi32>
      %shift_left3A_2101 = arith.shli %get3A_2078, %shift_left3A_2100 : vector<16xi32>
      %sub3A_2102 = vector.broadcast %mul3A_2 : i32 to vector<16xi32>
      %sub3A_2103 = arith.subi %get3A_2076, %sub3A_2102 : vector<16xi32>
      %or3A_2104 = arith.ori %shift_left3A_2101, %sub3A_2103 : vector<16xi32>
      %add3A_2105 = arith.constant 16 : i32
      %add3A_2106 = vector.broadcast %add3A_2105 : i32 to vector<16xi32>
      %add3A_2107 = arith.addi %iota3A, %add3A_2106 : vector<16xi32>
      %select_n3A_2108 = arith.select %and3A_2085, %iota3A, %add3A_2107 : vector<16xi1>, vector<16xi32>
      %add3A_2109 = arith.constant 16 : i32
      %add3A_2110 = vector.broadcast %add3A_2109 : i32 to vector<16xi32>
      %add3A_2111 = arith.addi %iota3A, %add3A_2110 : vector<16xi32>
      %select_n3A_2112 = arith.select %and3A_2092, %iota3A, %add3A_2111 : vector<16xi1>, vector<16xi32>
      %masked_sort3A_2113 = arith.constant dense<true> : vector<16xi1>
      %masked_sort3A_2114 = arith.constant -2147483648 : i32
      %masked_sort3A_2115 = vector.broadcast %masked_sort3A_2114 : i32 to vector<16xi32>
      %masked_sort3A_2116 = arith.xori %select_n3A_2108, %masked_sort3A_2115 : vector<16xi32>
      %masked_sort3A_2117, %masked_sort3A_2118, %masked_sort3A_2119 = tpu.sort %masked_sort3A_2116, %or3A_2098 masked %masked_sort3A_2113 : (vector<16xi32>, vector<16xi32>, vector<16xi1>) -> (vector<16xi1>, vector<16xi32>, vector<16xi32>)
      %masked_sort3A_2120 = arith.xori %masked_sort3A_2118, %masked_sort3A_2115 : vector<16xi32>
      %masked_sort3A_2121 = arith.constant dense<true> : vector<16xi1>
      %masked_sort3A_2122 = arith.constant -2147483648 : i32
      %masked_sort3A_2123 = vector.broadcast %masked_sort3A_2122 : i32 to vector<16xi32>
      %masked_sort3A_2124 = arith.xori %select_n3A_2112, %masked_sort3A_2123 : vector<16xi32>
      %masked_sort3A_2125, %masked_sort3A_2126, %masked_sort3A_2127 = tpu.sort %masked_sort3A_2124, %or3A_2104 masked %masked_sort3A_2121 : (vector<16xi32>, vector<16xi32>, vector<16xi1>) -> (vector<16xi1>, vector<16xi32>, vector<16xi32>)
      %masked_sort3A_2128 = arith.xori %masked_sort3A_2126, %masked_sort3A_2123 : vector<16xi32>
      %all_reduce_population_count3A_2129 = tpu.all_reduce %and3A_2085 {dim = 0 : i64, kind = #tpu.reduction_kind<sum>} : vector<16xi1> -> vector<16xi32>
      %slice3A_2130 = vector.extract_strided_slice %all_reduce_population_count3A_2129 {offsets = [0], sizes = [1], strides = [1]} : vector<16xi32> to vector<1xi32>
      %squeeze3A_2131 = vector.extract %slice3A_2130[0] : i32 from vector<1xi32>
      %all_reduce_population_count3A_2132 = tpu.all_reduce %and3A_2092 {dim = 0 : i64, kind = #tpu.reduction_kind<sum>} : vector<16xi1> -> vector<16xi32>
      %slice3A_2133 = vector.extract_strided_slice %all_reduce_population_count3A_2132 {offsets = [0], sizes = [1], strides = [1]} : vector<16xi32> to vector<1xi32>
      %squeeze3A_2134 = vector.extract %slice3A_2133[0] : i32 from vector<1xi32>
      %swap3A_2135 = arith.index_cast %add3A_2070 : i32 to index
      %swap3A_2136 = tpu.vector_load %arg10[%swap3A_2135] {strides = array<i32>} : memref<1312xi32, #tpu.memory_space<vmem>>, vector<16xi32>,
      tpu.vector_store %arg10[%swap3A_2135], %masked_sort3A_2119 {strides = array<i32>} : memref<1312xi32, #tpu.memory_space<vmem>>, vector<16xi32>,
      %add3A_2137 = arith.addi %add3A_2070, %squeeze3A_2131 : i32
      %swap3A_2138 = arith.index_cast %add3A_2137 : i32 to index
      %swap3A_2139 = tpu.vector_load %arg10[%swap3A_2138] {strides = array<i32>} : memref<1312xi32, #tpu.memory_space<vmem>>, vector<16xi32>,
      tpu.vector_store %arg10[%swap3A_2138], %masked_sort3A_2127 {strides = array<i32>} : memref<1312xi32, #tpu.memory_space<vmem>>, vector<16xi32>,
      %add3A_2140 = arith.addi %add3A_2070, %squeeze3A_2131 : i32
      %add3A_2141 = arith.addi %add3A_2140, %squeeze3A_2134 : i32
      %get3A_2142 = arith.constant 288 : index
      %get3A_2143 = tpu.vector_load %arg9[%get3A_2142] {strides = array<i32>} : memref<640xi32, #tpu.memory_space<vmem>>, vector<16xi32>,
      %get3A_2144 = arith.constant 288 : index
      %get3A_2145 = tpu.vector_load %arg8[%get3A_2144] {strides = array<i32>} : memref<640xi32, #tpu.memory_space<vmem>>, vector<16xi32>,
      %get3A_2146 = arith.constant 304 : index
      %get3A_2147 = tpu.vector_load %arg9[%get3A_2146] {strides = array<i32>} : memref<640xi32, #tpu.memory_space<vmem>>, vector<16xi32>,
      %get3A_2148 = arith.constant 304 : index
      %get3A_2149 = tpu.vector_load %arg8[%get3A_2148] {strides = array<i32>} : memref<640xi32, #tpu.memory_space<vmem>>, vector<16xi32>,
      %ge3A_2150 = vector.broadcast %mul3A_2 : i32 to vector<16xi32>
      %ge3A_2151 = arith.cmpi sge, %get3A_2143, %ge3A_2150 : vector<16xi32>
      %add3A_2152 = arith.constant 320 : i32
      %add3A_2153 = arith.addi %mul3A_2, %add3A_2152 : i32
      %lt3A_2154 = vector.broadcast %add3A_2153 : i32 to vector<16xi32>
      %lt3A_2155 = arith.cmpi slt, %get3A_2143, %lt3A_2154 : vector<16xi32>
      %and3A_2156 = arith.andi %ge3A_2151, %lt3A_2155 : vector<16xi1>
      %ge3A_2157 = vector.broadcast %mul3A_2 : i32 to vector<16xi32>
      %ge3A_2158 = arith.cmpi sge, %get3A_2147, %ge3A_2157 : vector<16xi32>
      %add3A_2159 = arith.constant 320 : i32
      %add3A_2160 = arith.addi %mul3A_2, %add3A_2159 : i32
      %lt3A_2161 = vector.broadcast %add3A_2160 : i32 to vector<16xi32>
      %lt3A_2162 = arith.cmpi slt, %get3A_2147, %lt3A_2161 : vector<16xi32>
      %and3A_2163 = arith.andi %ge3A_2158, %lt3A_2162 : vector<16xi1>
      %shift_left3A_2164 = arith.constant 9 : i32
      %shift_left3A_2165 = vector.broadcast %shift_left3A_2164 : i32 to vector<16xi32>
      %shift_left3A_2166 = arith.shli %get3A_2145, %shift_left3A_2165 : vector<16xi32>
      %sub3A_2167 = vector.broadcast %mul3A_2 : i32 to vector<16xi32>
      %sub3A_2168 = arith.subi %get3A_2143, %sub3A_2167 : vector<16xi32>
      %or3A_2169 = arith.ori %shift_left3A_2166, %sub3A_2168 : vector<16xi32>
      %shift_left3A_2170 = arith.constant 9 : i32
      %shift_left3A_2171 = vector.broadcast %shift_left3A_2170 : i32 to vector<16xi32>
      %shift_left3A_2172 = arith.shli %get3A_2149, %shift_left3A_2171 : vector<16xi32>
      %sub3A_2173 = vector.broadcast %mul3A_2 : i32 to vector<16xi32>
      %sub3A_2174 = arith.subi %get3A_2147, %sub3A_2173 : vector<16xi32>
      %or3A_2175 = arith.ori %shift_left3A_2172, %sub3A_2174 : vector<16xi32>
      %add3A_2176 = arith.constant 16 : i32
      %add3A_2177 = vector.broadcast %add3A_2176 : i32 to vector<16xi32>
      %add3A_2178 = arith.addi %iota3A, %add3A_2177 : vector<16xi32>
      %select_n3A_2179 = arith.select %and3A_2156, %iota3A, %add3A_2178 : vector<16xi1>, vector<16xi32>
      %add3A_2180 = arith.constant 16 : i32
      %add3A_2181 = vector.broadcast %add3A_2180 : i32 to vector<16xi32>
      %add3A_2182 = arith.addi %iota3A, %add3A_2181 : vector<16xi32>
      %select_n3A_2183 = arith.select %and3A_2163, %iota3A, %add3A_2182 : vector<16xi1>, vector<16xi32>
      %masked_sort3A_2184 = arith.constant dense<true> : vector<16xi1>
      %masked_sort3A_2185 = arith.constant -2147483648 : i32
      %masked_sort3A_2186 = vector.broadcast %masked_sort3A_2185 : i32 to vector<16xi32>
      %masked_sort3A_2187 = arith.xori %select_n3A_2179, %masked_sort3A_2186 : vector<16xi32>
      %masked_sort3A_2188, %masked_sort3A_2189, %masked_sort3A_2190 = tpu.sort %masked_sort3A_2187, %or3A_2169 masked %masked_sort3A_2184 : (vector<16xi32>, vector<16xi32>, vector<16xi1>) -> (vector<16xi1>, vector<16xi32>, vector<16xi32>)
      %masked_sort3A_2191 = arith.xori %masked_sort3A_2189, %masked_sort3A_2186 : vector<16xi32>
      %masked_sort3A_2192 = arith.constant dense<true> : vector<16xi1>
      %masked_sort3A_2193 = arith.constant -2147483648 : i32
      %masked_sort3A_2194 = vector.broadcast %masked_sort3A_2193 : i32 to vector<16xi32>
      %masked_sort3A_2195 = arith.xori %select_n3A_2183, %masked_sort3A_2194 : vector<16xi32>
      %masked_sort3A_2196, %masked_sort3A_2197, %masked_sort3A_2198 = tpu.sort %masked_sort3A_2195, %or3A_2175 masked %masked_sort3A_2192 : (vector<16xi32>, vector<16xi32>, vector<16xi1>) -> (vector<16xi1>, vector<16xi32>, vector<16xi32>)
      %masked_sort3A_2199 = arith.xori %masked_sort3A_2197, %masked_sort3A_2194 : vector<16xi32>
      %all_reduce_population_count3A_2200 = tpu.all_reduce %and3A_2156 {dim = 0 : i64, kind = #tpu.reduction_kind<sum>} : vector<16xi1> -> vector<16xi32>
      %slice3A_2201 = vector.extract_strided_slice %all_reduce_population_count3A_2200 {offsets = [0], sizes = [1], strides = [1]} : vector<16xi32> to vector<1xi32>
      %squeeze3A_2202 = vector.extract %slice3A_2201[0] : i32 from vector<1xi32>
      %all_reduce_population_count3A_2203 = tpu.all_reduce %and3A_2163 {dim = 0 : i64, kind = #tpu.reduction_kind<sum>} : vector<16xi1> -> vector<16xi32>
      %slice3A_2204 = vector.extract_strided_slice %all_reduce_population_count3A_2203 {offsets = [0], sizes = [1], strides = [1]} : vector<16xi32> to vector<1xi32>
      %squeeze3A_2205 = vector.extract %slice3A_2204[0] : i32 from vector<1xi32>
      %swap3A_2206 = arith.index_cast %add3A_2141 : i32 to index
      %swap3A_2207 = tpu.vector_load %arg10[%swap3A_2206] {strides = array<i32>} : memref<1312xi32, #tpu.memory_space<vmem>>, vector<16xi32>,
      tpu.vector_store %arg10[%swap3A_2206], %masked_sort3A_2190 {strides = array<i32>} : memref<1312xi32, #tpu.memory_space<vmem>>, vector<16xi32>,
      %add3A_2208 = arith.addi %add3A_2141, %squeeze3A_2202 : i32
      %swap3A_2209 = arith.index_cast %add3A_2208 : i32 to index
      %swap3A_2210 = tpu.vector_load %arg10[%swap3A_2209] {strides = array<i32>} : memref<1312xi32, #tpu.memory_space<vmem>>, vector<16xi32>,
      tpu.vector_store %arg10[%swap3A_2209], %masked_sort3A_2198 {strides = array<i32>} : memref<1312xi32, #tpu.memory_space<vmem>>, vector<16xi32>,
      %add3A_2211 = arith.addi %add3A_2141, %squeeze3A_2202 : i32
      %add3A_2212 = arith.addi %add3A_2211, %squeeze3A_2205 : i32
      %get3A_2213 = arith.constant 320 : index
      %get3A_2214 = tpu.vector_load %arg9[%get3A_2213] {strides = array<i32>} : memref<640xi32, #tpu.memory_space<vmem>>, vector<16xi32>,
      %get3A_2215 = arith.constant 320 : index
      %get3A_2216 = tpu.vector_load %arg8[%get3A_2215] {strides = array<i32>} : memref<640xi32, #tpu.memory_space<vmem>>, vector<16xi32>,
      %get3A_2217 = arith.constant 336 : index
      %get3A_2218 = tpu.vector_load %arg9[%get3A_2217] {strides = array<i32>} : memref<640xi32, #tpu.memory_space<vmem>>, vector<16xi32>,
      %get3A_2219 = arith.constant 336 : index
      %get3A_2220 = tpu.vector_load %arg8[%get3A_2219] {strides = array<i32>} : memref<640xi32, #tpu.memory_space<vmem>>, vector<16xi32>,
      %ge3A_2221 = vector.broadcast %mul3A_2 : i32 to vector<16xi32>
      %ge3A_2222 = arith.cmpi sge, %get3A_2214, %ge3A_2221 : vector<16xi32>
      %add3A_2223 = arith.constant 320 : i32
      %add3A_2224 = arith.addi %mul3A_2, %add3A_2223 : i32
      %lt3A_2225 = vector.broadcast %add3A_2224 : i32 to vector<16xi32>
      %lt3A_2226 = arith.cmpi slt, %get3A_2214, %lt3A_2225 : vector<16xi32>
      %and3A_2227 = arith.andi %ge3A_2222, %lt3A_2226 : vector<16xi1>
      %ge3A_2228 = vector.broadcast %mul3A_2 : i32 to vector<16xi32>
      %ge3A_2229 = arith.cmpi sge, %get3A_2218, %ge3A_2228 : vector<16xi32>
      %add3A_2230 = arith.constant 320 : i32
      %add3A_2231 = arith.addi %mul3A_2, %add3A_2230 : i32
      %lt3A_2232 = vector.broadcast %add3A_2231 : i32 to vector<16xi32>
      %lt3A_2233 = arith.cmpi slt, %get3A_2218, %lt3A_2232 : vector<16xi32>
      %and3A_2234 = arith.andi %ge3A_2229, %lt3A_2233 : vector<16xi1>
      %shift_left3A_2235 = arith.constant 9 : i32
      %shift_left3A_2236 = vector.broadcast %shift_left3A_2235 : i32 to vector<16xi32>
      %shift_left3A_2237 = arith.shli %get3A_2216, %shift_left3A_2236 : vector<16xi32>
      %sub3A_2238 = vector.broadcast %mul3A_2 : i32 to vector<16xi32>
      %sub3A_2239 = arith.subi %get3A_2214, %sub3A_2238 : vector<16xi32>
      %or3A_2240 = arith.ori %shift_left3A_2237, %sub3A_2239 : vector<16xi32>
      %shift_left3A_2241 = arith.constant 9 : i32
      %shift_left3A_2242 = vector.broadcast %shift_left3A_2241 : i32 to vector<16xi32>
      %shift_left3A_2243 = arith.shli %get3A_2220, %shift_left3A_2242 : vector<16xi32>
      %sub3A_2244 = vector.broadcast %mul3A_2 : i32 to vector<16xi32>
      %sub3A_2245 = arith.subi %get3A_2218, %sub3A_2244 : vector<16xi32>
      %or3A_2246 = arith.ori %shift_left3A_2243, %sub3A_2245 : vector<16xi32>
      %add3A_2247 = arith.constant 16 : i32
      %add3A_2248 = vector.broadcast %add3A_2247 : i32 to vector<16xi32>
      %add3A_2249 = arith.addi %iota3A, %add3A_2248 : vector<16xi32>
      %select_n3A_2250 = arith.select %and3A_2227, %iota3A, %add3A_2249 : vector<16xi1>, vector<16xi32>
      %add3A_2251 = arith.constant 16 : i32
      %add3A_2252 = vector.broadcast %add3A_2251 : i32 to vector<16xi32>
      %add3A_2253 = arith.addi %iota3A, %add3A_2252 : vector<16xi32>
      %select_n3A_2254 = arith.select %and3A_2234, %iota3A, %add3A_2253 : vector<16xi1>, vector<16xi32>
      %masked_sort3A_2255 = arith.constant dense<true> : vector<16xi1>
      %masked_sort3A_2256 = arith.constant -2147483648 : i32
      %masked_sort3A_2257 = vector.broadcast %masked_sort3A_2256 : i32 to vector<16xi32>
      %masked_sort3A_2258 = arith.xori %select_n3A_2250, %masked_sort3A_2257 : vector<16xi32>
      %masked_sort3A_2259, %masked_sort3A_2260, %masked_sort3A_2261 = tpu.sort %masked_sort3A_2258, %or3A_2240 masked %masked_sort3A_2255 : (vector<16xi32>, vector<16xi32>, vector<16xi1>) -> (vector<16xi1>, vector<16xi32>, vector<16xi32>)
      %masked_sort3A_2262 = arith.xori %masked_sort3A_2260, %masked_sort3A_2257 : vector<16xi32>
      %masked_sort3A_2263 = arith.constant dense<true> : vector<16xi1>
      %masked_sort3A_2264 = arith.constant -2147483648 : i32
      %masked_sort3A_2265 = vector.broadcast %masked_sort3A_2264 : i32 to vector<16xi32>
      %masked_sort3A_2266 = arith.xori %select_n3A_2254, %masked_sort3A_2265 : vector<16xi32>
      %masked_sort3A_2267, %masked_sort3A_2268, %masked_sort3A_2269 = tpu.sort %masked_sort3A_2266, %or3A_2246 masked %masked_sort3A_2263 : (vector<16xi32>, vector<16xi32>, vector<16xi1>) -> (vector<16xi1>, vector<16xi32>, vector<16xi32>)
      %masked_sort3A_2270 = arith.xori %masked_sort3A_2268, %masked_sort3A_2265 : vector<16xi32>
      %all_reduce_population_count3A_2271 = tpu.all_reduce %and3A_2227 {dim = 0 : i64, kind = #tpu.reduction_kind<sum>} : vector<16xi1> -> vector<16xi32>
      %slice3A_2272 = vector.extract_strided_slice %all_reduce_population_count3A_2271 {offsets = [0], sizes = [1], strides = [1]} : vector<16xi32> to vector<1xi32>
      %squeeze3A_2273 = vector.extract %slice3A_2272[0] : i32 from vector<1xi32>
      %all_reduce_population_count3A_2274 = tpu.all_reduce %and3A_2234 {dim = 0 : i64, kind = #tpu.reduction_kind<sum>} : vector<16xi1> -> vector<16xi32>
      %slice3A_2275 = vector.extract_strided_slice %all_reduce_population_count3A_2274 {offsets = [0], sizes = [1], strides = [1]} : vector<16xi32> to vector<1xi32>
      %squeeze3A_2276 = vector.extract %slice3A_2275[0] : i32 from vector<1xi32>
      %swap3A_2277 = arith.index_cast %add3A_2212 : i32 to index
      %swap3A_2278 = tpu.vector_load %arg10[%swap3A_2277] {strides = array<i32>} : memref<1312xi32, #tpu.memory_space<vmem>>, vector<16xi32>,
      tpu.vector_store %arg10[%swap3A_2277], %masked_sort3A_2261 {strides = array<i32>} : memref<1312xi32, #tpu.memory_space<vmem>>, vector<16xi32>,
      %add3A_2279 = arith.addi %add3A_2212, %squeeze3A_2273 : i32
      %swap3A_2280 = arith.index_cast %add3A_2279 : i32 to index
      %swap3A_2281 = tpu.vector_load %arg10[%swap3A_2280] {strides = array<i32>} : memref<1312xi32, #tpu.memory_space<vmem>>, vector<16xi32>,
      tpu.vector_store %arg10[%swap3A_2280], %masked_sort3A_2269 {strides = array<i32>} : memref<1312xi32, #tpu.memory_space<vmem>>, vector<16xi32>,
      %add3A_2282 = arith.addi %add3A_2212, %squeeze3A_2273 : i32
      %add3A_2283 = arith.addi %add3A_2282, %squeeze3A_2276 : i32
      %get3A_2284 = arith.constant 352 : index
      %get3A_2285 = tpu.vector_load %arg9[%get3A_2284] {strides = array<i32>} : memref<640xi32, #tpu.memory_space<vmem>>, vector<16xi32>,
      %get3A_2286 = arith.constant 352 : index
      %get3A_2287 = tpu.vector_load %arg8[%get3A_2286] {strides = array<i32>} : memref<640xi32, #tpu.memory_space<vmem>>, vector<16xi32>,
      %get3A_2288 = arith.constant 368 : index
      %get3A_2289 = tpu.vector_load %arg9[%get3A_2288] {strides = array<i32>} : memref<640xi32, #tpu.memory_space<vmem>>, vector<16xi32>,
      %get3A_2290 = arith.constant 368 : index
      %get3A_2291 = tpu.vector_load %arg8[%get3A_2290] {strides = array<i32>} : memref<640xi32, #tpu.memory_space<vmem>>, vector<16xi32>,
      %ge3A_2292 = vector.broadcast %mul3A_2 : i32 to vector<16xi32>
      %ge3A_2293 = arith.cmpi sge, %get3A_2285, %ge3A_2292 : vector<16xi32>
      %add3A_2294 = arith.constant 320 : i32
      %add3A_2295 = arith.addi %mul3A_2, %add3A_2294 : i32
      %lt3A_2296 = vector.broadcast %add3A_2295 : i32 to vector<16xi32>
      %lt3A_2297 = arith.cmpi slt, %get3A_2285, %lt3A_2296 : vector<16xi32>
      %and3A_2298 = arith.andi %ge3A_2293, %lt3A_2297 : vector<16xi1>
      %ge3A_2299 = vector.broadcast %mul3A_2 : i32 to vector<16xi32>
      %ge3A_2300 = arith.cmpi sge, %get3A_2289, %ge3A_2299 : vector<16xi32>
      %add3A_2301 = arith.constant 320 : i32
      %add3A_2302 = arith.addi %mul3A_2, %add3A_2301 : i32
      %lt3A_2303 = vector.broadcast %add3A_2302 : i32 to vector<16xi32>
      %lt3A_2304 = arith.cmpi slt, %get3A_2289, %lt3A_2303 : vector<16xi32>
      %and3A_2305 = arith.andi %ge3A_2300, %lt3A_2304 : vector<16xi1>
      %shift_left3A_2306 = arith.constant 9 : i32
      %shift_left3A_2307 = vector.broadcast %shift_left3A_2306 : i32 to vector<16xi32>
      %shift_left3A_2308 = arith.shli %get3A_2287, %shift_left3A_2307 : vector<16xi32>
      %sub3A_2309 = vector.broadcast %mul3A_2 : i32 to vector<16xi32>
      %sub3A_2310 = arith.subi %get3A_2285, %sub3A_2309 : vector<16xi32>
      %or3A_2311 = arith.ori %shift_left3A_2308, %sub3A_2310 : vector<16xi32>
      %shift_left3A_2312 = arith.constant 9 : i32
      %shift_left3A_2313 = vector.broadcast %shift_left3A_2312 : i32 to vector<16xi32>
      %shift_left3A_2314 = arith.shli %get3A_2291, %shift_left3A_2313 : vector<16xi32>
      %sub3A_2315 = vector.broadcast %mul3A_2 : i32 to vector<16xi32>
      %sub3A_2316 = arith.subi %get3A_2289, %sub3A_2315 : vector<16xi32>
      %or3A_2317 = arith.ori %shift_left3A_2314, %sub3A_2316 : vector<16xi32>
      %add3A_2318 = arith.constant 16 : i32
      %add3A_2319 = vector.broadcast %add3A_2318 : i32 to vector<16xi32>
      %add3A_2320 = arith.addi %iota3A, %add3A_2319 : vector<16xi32>
      %select_n3A_2321 = arith.select %and3A_2298, %iota3A, %add3A_2320 : vector<16xi1>, vector<16xi32>
      %add3A_2322 = arith.constant 16 : i32
      %add3A_2323 = vector.broadcast %add3A_2322 : i32 to vector<16xi32>
      %add3A_2324 = arith.addi %iota3A, %add3A_2323 : vector<16xi32>
      %select_n3A_2325 = arith.select %and3A_2305, %iota3A, %add3A_2324 : vector<16xi1>, vector<16xi32>
      %masked_sort3A_2326 = arith.constant dense<true> : vector<16xi1>
      %masked_sort3A_2327 = arith.constant -2147483648 : i32
      %masked_sort3A_2328 = vector.broadcast %masked_sort3A_2327 : i32 to vector<16xi32>
      %masked_sort3A_2329 = arith.xori %select_n3A_2321, %masked_sort3A_2328 : vector<16xi32>
      %masked_sort3A_2330, %masked_sort3A_2331, %masked_sort3A_2332 = tpu.sort %masked_sort3A_2329, %or3A_2311 masked %masked_sort3A_2326 : (vector<16xi32>, vector<16xi32>, vector<16xi1>) -> (vector<16xi1>, vector<16xi32>, vector<16xi32>)
      %masked_sort3A_2333 = arith.xori %masked_sort3A_2331, %masked_sort3A_2328 : vector<16xi32>
      %masked_sort3A_2334 = arith.constant dense<true> : vector<16xi1>
      %masked_sort3A_2335 = arith.constant -2147483648 : i32
      %masked_sort3A_2336 = vector.broadcast %masked_sort3A_2335 : i32 to vector<16xi32>
      %masked_sort3A_2337 = arith.xori %select_n3A_2325, %masked_sort3A_2336 : vector<16xi32>
      %masked_sort3A_2338, %masked_sort3A_2339, %masked_sort3A_2340 = tpu.sort %masked_sort3A_2337, %or3A_2317 masked %masked_sort3A_2334 : (vector<16xi32>, vector<16xi32>, vector<16xi1>) -> (vector<16xi1>, vector<16xi32>, vector<16xi32>)
      %masked_sort3A_2341 = arith.xori %masked_sort3A_2339, %masked_sort3A_2336 : vector<16xi32>
      %all_reduce_population_count3A_2342 = tpu.all_reduce %and3A_2298 {dim = 0 : i64, kind = #tpu.reduction_kind<sum>} : vector<16xi1> -> vector<16xi32>
      %slice3A_2343 = vector.extract_strided_slice %all_reduce_population_count3A_2342 {offsets = [0], sizes = [1], strides = [1]} : vector<16xi32> to vector<1xi32>
      %squeeze3A_2344 = vector.extract %slice3A_2343[0] : i32 from vector<1xi32>
      %all_reduce_population_count3A_2345 = tpu.all_reduce %and3A_2305 {dim = 0 : i64, kind = #tpu.reduction_kind<sum>} : vector<16xi1> -> vector<16xi32>
      %slice3A_2346 = vector.extract_strided_slice %all_reduce_population_count3A_2345 {offsets = [0], sizes = [1], strides = [1]} : vector<16xi32> to vector<1xi32>
      %squeeze3A_2347 = vector.extract %slice3A_2346[0] : i32 from vector<1xi32>
      %swap3A_2348 = arith.index_cast %add3A_2283 : i32 to index
      %swap3A_2349 = tpu.vector_load %arg10[%swap3A_2348] {strides = array<i32>} : memref<1312xi32, #tpu.memory_space<vmem>>, vector<16xi32>,
      tpu.vector_store %arg10[%swap3A_2348], %masked_sort3A_2332 {strides = array<i32>} : memref<1312xi32, #tpu.memory_space<vmem>>, vector<16xi32>,
      %add3A_2350 = arith.addi %add3A_2283, %squeeze3A_2344 : i32
      %swap3A_2351 = arith.index_cast %add3A_2350 : i32 to index
      %swap3A_2352 = tpu.vector_load %arg10[%swap3A_2351] {strides = array<i32>} : memref<1312xi32, #tpu.memory_space<vmem>>, vector<16xi32>,
      tpu.vector_store %arg10[%swap3A_2351], %masked_sort3A_2340 {strides = array<i32>} : memref<1312xi32, #tpu.memory_space<vmem>>, vector<16xi32>,
      %add3A_2353 = arith.addi %add3A_2283, %squeeze3A_2344 : i32
      %add3A_2354 = arith.addi %add3A_2353, %squeeze3A_2347 : i32
      %get3A_2355 = arith.constant 384 : index
      %get3A_2356 = tpu.vector_load %arg9[%get3A_2355] {strides = array<i32>} : memref<640xi32, #tpu.memory_space<vmem>>, vector<16xi32>,
      %get3A_2357 = arith.constant 384 : index
      %get3A_2358 = tpu.vector_load %arg8[%get3A_2357] {strides = array<i32>} : memref<640xi32, #tpu.memory_space<vmem>>, vector<16xi32>,
      %get3A_2359 = arith.constant 400 : index
      %get3A_2360 = tpu.vector_load %arg9[%get3A_2359] {strides = array<i32>} : memref<640xi32, #tpu.memory_space<vmem>>, vector<16xi32>,
      %get3A_2361 = arith.constant 400 : index
      %get3A_2362 = tpu.vector_load %arg8[%get3A_2361] {strides = array<i32>} : memref<640xi32, #tpu.memory_space<vmem>>, vector<16xi32>,
      %ge3A_2363 = vector.broadcast %mul3A_2 : i32 to vector<16xi32>
      %ge3A_2364 = arith.cmpi sge, %get3A_2356, %ge3A_2363 : vector<16xi32>
      %add3A_2365 = arith.constant 320 : i32
      %add3A_2366 = arith.addi %mul3A_2, %add3A_2365 : i32
      %lt3A_2367 = vector.broadcast %add3A_2366 : i32 to vector<16xi32>
      %lt3A_2368 = arith.cmpi slt, %get3A_2356, %lt3A_2367 : vector<16xi32>
      %and3A_2369 = arith.andi %ge3A_2364, %lt3A_2368 : vector<16xi1>
      %ge3A_2370 = vector.broadcast %mul3A_2 : i32 to vector<16xi32>
      %ge3A_2371 = arith.cmpi sge, %get3A_2360, %ge3A_2370 : vector<16xi32>
      %add3A_2372 = arith.constant 320 : i32
      %add3A_2373 = arith.addi %mul3A_2, %add3A_2372 : i32
      %lt3A_2374 = vector.broadcast %add3A_2373 : i32 to vector<16xi32>
      %lt3A_2375 = arith.cmpi slt, %get3A_2360, %lt3A_2374 : vector<16xi32>
      %and3A_2376 = arith.andi %ge3A_2371, %lt3A_2375 : vector<16xi1>
      %shift_left3A_2377 = arith.constant 9 : i32
      %shift_left3A_2378 = vector.broadcast %shift_left3A_2377 : i32 to vector<16xi32>
      %shift_left3A_2379 = arith.shli %get3A_2358, %shift_left3A_2378 : vector<16xi32>
      %sub3A_2380 = vector.broadcast %mul3A_2 : i32 to vector<16xi32>
      %sub3A_2381 = arith.subi %get3A_2356, %sub3A_2380 : vector<16xi32>
      %or3A_2382 = arith.ori %shift_left3A_2379, %sub3A_2381 : vector<16xi32>
      %shift_left3A_2383 = arith.constant 9 : i32
      %shift_left3A_2384 = vector.broadcast %shift_left3A_2383 : i32 to vector<16xi32>
      %shift_left3A_2385 = arith.shli %get3A_2362, %shift_left3A_2384 : vector<16xi32>
      %sub3A_2386 = vector.broadcast %mul3A_2 : i32 to vector<16xi32>
      %sub3A_2387 = arith.subi %get3A_2360, %sub3A_2386 : vector<16xi32>
      %or3A_2388 = arith.ori %shift_left3A_2385, %sub3A_2387 : vector<16xi32>
      %add3A_2389 = arith.constant 16 : i32
      %add3A_2390 = vector.broadcast %add3A_2389 : i32 to vector<16xi32>
      %add3A_2391 = arith.addi %iota3A, %add3A_2390 : vector<16xi32>
      %select_n3A_2392 = arith.select %and3A_2369, %iota3A, %add3A_2391 : vector<16xi1>, vector<16xi32>
      %add3A_2393 = arith.constant 16 : i32
      %add3A_2394 = vector.broadcast %add3A_2393 : i32 to vector<16xi32>
      %add3A_2395 = arith.addi %iota3A, %add3A_2394 : vector<16xi32>
      %select_n3A_2396 = arith.select %and3A_2376, %iota3A, %add3A_2395 : vector<16xi1>, vector<16xi32>
      %masked_sort3A_2397 = arith.constant dense<true> : vector<16xi1>
      %masked_sort3A_2398 = arith.constant -2147483648 : i32
      %masked_sort3A_2399 = vector.broadcast %masked_sort3A_2398 : i32 to vector<16xi32>
      %masked_sort3A_2400 = arith.xori %select_n3A_2392, %masked_sort3A_2399 : vector<16xi32>
      %masked_sort3A_2401, %masked_sort3A_2402, %masked_sort3A_2403 = tpu.sort %masked_sort3A_2400, %or3A_2382 masked %masked_sort3A_2397 : (vector<16xi32>, vector<16xi32>, vector<16xi1>) -> (vector<16xi1>, vector<16xi32>, vector<16xi32>)
      %masked_sort3A_2404 = arith.xori %masked_sort3A_2402, %masked_sort3A_2399 : vector<16xi32>
      %masked_sort3A_2405 = arith.constant dense<true> : vector<16xi1>
      %masked_sort3A_2406 = arith.constant -2147483648 : i32
      %masked_sort3A_2407 = vector.broadcast %masked_sort3A_2406 : i32 to vector<16xi32>
      %masked_sort3A_2408 = arith.xori %select_n3A_2396, %masked_sort3A_2407 : vector<16xi32>
      %masked_sort3A_2409, %masked_sort3A_2410, %masked_sort3A_2411 = tpu.sort %masked_sort3A_2408, %or3A_2388 masked %masked_sort3A_2405 : (vector<16xi32>, vector<16xi32>, vector<16xi1>) -> (vector<16xi1>, vector<16xi32>, vector<16xi32>)
      %masked_sort3A_2412 = arith.xori %masked_sort3A_2410, %masked_sort3A_2407 : vector<16xi32>
      %all_reduce_population_count3A_2413 = tpu.all_reduce %and3A_2369 {dim = 0 : i64, kind = #tpu.reduction_kind<sum>} : vector<16xi1> -> vector<16xi32>
      %slice3A_2414 = vector.extract_strided_slice %all_reduce_population_count3A_2413 {offsets = [0], sizes = [1], strides = [1]} : vector<16xi32> to vector<1xi32>
      %squeeze3A_2415 = vector.extract %slice3A_2414[0] : i32 from vector<1xi32>
      %all_reduce_population_count3A_2416 = tpu.all_reduce %and3A_2376 {dim = 0 : i64, kind = #tpu.reduction_kind<sum>} : vector<16xi1> -> vector<16xi32>
      %slice3A_2417 = vector.extract_strided_slice %all_reduce_population_count3A_2416 {offsets = [0], sizes = [1], strides = [1]} : vector<16xi32> to vector<1xi32>
      %squeeze3A_2418 = vector.extract %slice3A_2417[0] : i32 from vector<1xi32>
      %swap3A_2419 = arith.index_cast %add3A_2354 : i32 to index
      %swap3A_2420 = tpu.vector_load %arg10[%swap3A_2419] {strides = array<i32>} : memref<1312xi32, #tpu.memory_space<vmem>>, vector<16xi32>,
      tpu.vector_store %arg10[%swap3A_2419], %masked_sort3A_2403 {strides = array<i32>} : memref<1312xi32, #tpu.memory_space<vmem>>, vector<16xi32>,
      %add3A_2421 = arith.addi %add3A_2354, %squeeze3A_2415 : i32
      %swap3A_2422 = arith.index_cast %add3A_2421 : i32 to index
      %swap3A_2423 = tpu.vector_load %arg10[%swap3A_2422] {strides = array<i32>} : memref<1312xi32, #tpu.memory_space<vmem>>, vector<16xi32>,
      tpu.vector_store %arg10[%swap3A_2422], %masked_sort3A_2411 {strides = array<i32>} : memref<1312xi32, #tpu.memory_space<vmem>>, vector<16xi32>,
      %add3A_2424 = arith.addi %add3A_2354, %squeeze3A_2415 : i32
      %add3A_2425 = arith.addi %add3A_2424, %squeeze3A_2418 : i32
      %get3A_2426 = arith.constant 416 : index
      %get3A_2427 = tpu.vector_load %arg9[%get3A_2426] {strides = array<i32>} : memref<640xi32, #tpu.memory_space<vmem>>, vector<16xi32>,
      %get3A_2428 = arith.constant 416 : index
      %get3A_2429 = tpu.vector_load %arg8[%get3A_2428] {strides = array<i32>} : memref<640xi32, #tpu.memory_space<vmem>>, vector<16xi32>,
      %get3A_2430 = arith.constant 432 : index
      %get3A_2431 = tpu.vector_load %arg9[%get3A_2430] {strides = array<i32>} : memref<640xi32, #tpu.memory_space<vmem>>, vector<16xi32>,
      %get3A_2432 = arith.constant 432 : index
      %get3A_2433 = tpu.vector_load %arg8[%get3A_2432] {strides = array<i32>} : memref<640xi32, #tpu.memory_space<vmem>>, vector<16xi32>,
      %ge3A_2434 = vector.broadcast %mul3A_2 : i32 to vector<16xi32>
      %ge3A_2435 = arith.cmpi sge, %get3A_2427, %ge3A_2434 : vector<16xi32>
      %add3A_2436 = arith.constant 320 : i32
      %add3A_2437 = arith.addi %mul3A_2, %add3A_2436 : i32
      %lt3A_2438 = vector.broadcast %add3A_2437 : i32 to vector<16xi32>
      %lt3A_2439 = arith.cmpi slt, %get3A_2427, %lt3A_2438 : vector<16xi32>
      %and3A_2440 = arith.andi %ge3A_2435, %lt3A_2439 : vector<16xi1>
      %ge3A_2441 = vector.broadcast %mul3A_2 : i32 to vector<16xi32>
      %ge3A_2442 = arith.cmpi sge, %get3A_2431, %ge3A_2441 : vector<16xi32>
      %add3A_2443 = arith.constant 320 : i32
      %add3A_2444 = arith.addi %mul3A_2, %add3A_2443 : i32
      %lt3A_2445 = vector.broadcast %add3A_2444 : i32 to vector<16xi32>
      %lt3A_2446 = arith.cmpi slt, %get3A_2431, %lt3A_2445 : vector<16xi32>
      %and3A_2447 = arith.andi %ge3A_2442, %lt3A_2446 : vector<16xi1>
      %shift_left3A_2448 = arith.constant 9 : i32
      %shift_left3A_2449 = vector.broadcast %shift_left3A_2448 : i32 to vector<16xi32>
      %shift_left3A_2450 = arith.shli %get3A_2429, %shift_left3A_2449 : vector<16xi32>
      %sub3A_2451 = vector.broadcast %mul3A_2 : i32 to vector<16xi32>
      %sub3A_2452 = arith.subi %get3A_2427, %sub3A_2451 : vector<16xi32>
      %or3A_2453 = arith.ori %shift_left3A_2450, %sub3A_2452 : vector<16xi32>
      %shift_left3A_2454 = arith.constant 9 : i32
      %shift_left3A_2455 = vector.broadcast %shift_left3A_2454 : i32 to vector<16xi32>
      %shift_left3A_2456 = arith.shli %get3A_2433, %shift_left3A_2455 : vector<16xi32>
      %sub3A_2457 = vector.broadcast %mul3A_2 : i32 to vector<16xi32>
      %sub3A_2458 = arith.subi %get3A_2431, %sub3A_2457 : vector<16xi32>
      %or3A_2459 = arith.ori %shift_left3A_2456, %sub3A_2458 : vector<16xi32>
      %add3A_2460 = arith.constant 16 : i32
      %add3A_2461 = vector.broadcast %add3A_2460 : i32 to vector<16xi32>
      %add3A_2462 = arith.addi %iota3A, %add3A_2461 : vector<16xi32>
      %select_n3A_2463 = arith.select %and3A_2440, %iota3A, %add3A_2462 : vector<16xi1>, vector<16xi32>
      %add3A_2464 = arith.constant 16 : i32
      %add3A_2465 = vector.broadcast %add3A_2464 : i32 to vector<16xi32>
      %add3A_2466 = arith.addi %iota3A, %add3A_2465 : vector<16xi32>
      %select_n3A_2467 = arith.select %and3A_2447, %iota3A, %add3A_2466 : vector<16xi1>, vector<16xi32>
      %masked_sort3A_2468 = arith.constant dense<true> : vector<16xi1>
      %masked_sort3A_2469 = arith.constant -2147483648 : i32
      %masked_sort3A_2470 = vector.broadcast %masked_sort3A_2469 : i32 to vector<16xi32>
      %masked_sort3A_2471 = arith.xori %select_n3A_2463, %masked_sort3A_2470 : vector<16xi32>
      %masked_sort3A_2472, %masked_sort3A_2473, %masked_sort3A_2474 = tpu.sort %masked_sort3A_2471, %or3A_2453 masked %masked_sort3A_2468 : (vector<16xi32>, vector<16xi32>, vector<16xi1>) -> (vector<16xi1>, vector<16xi32>, vector<16xi32>)
      %masked_sort3A_2475 = arith.xori %masked_sort3A_2473, %masked_sort3A_2470 : vector<16xi32>
      %masked_sort3A_2476 = arith.constant dense<true> : vector<16xi1>
      %masked_sort3A_2477 = arith.constant -2147483648 : i32
      %masked_sort3A_2478 = vector.broadcast %masked_sort3A_2477 : i32 to vector<16xi32>
      %masked_sort3A_2479 = arith.xori %select_n3A_2467, %masked_sort3A_2478 : vector<16xi32>
      %masked_sort3A_2480, %masked_sort3A_2481, %masked_sort3A_2482 = tpu.sort %masked_sort3A_2479, %or3A_2459 masked %masked_sort3A_2476 : (vector<16xi32>, vector<16xi32>, vector<16xi1>) -> (vector<16xi1>, vector<16xi32>, vector<16xi32>)
      %masked_sort3A_2483 = arith.xori %masked_sort3A_2481, %masked_sort3A_2478 : vector<16xi32>
      %all_reduce_population_count3A_2484 = tpu.all_reduce %and3A_2440 {dim = 0 : i64, kind = #tpu.reduction_kind<sum>} : vector<16xi1> -> vector<16xi32>
      %slice3A_2485 = vector.extract_strided_slice %all_reduce_population_count3A_2484 {offsets = [0], sizes = [1], strides = [1]} : vector<16xi32> to vector<1xi32>
      %squeeze3A_2486 = vector.extract %slice3A_2485[0] : i32 from vector<1xi32>
      %all_reduce_population_count3A_2487 = tpu.all_reduce %and3A_2447 {dim = 0 : i64, kind = #tpu.reduction_kind<sum>} : vector<16xi1> -> vector<16xi32>
      %slice3A_2488 = vector.extract_strided_slice %all_reduce_population_count3A_2487 {offsets = [0], sizes = [1], strides = [1]} : vector<16xi32> to vector<1xi32>
      %squeeze3A_2489 = vector.extract %slice3A_2488[0] : i32 from vector<1xi32>
      %swap3A_2490 = arith.index_cast %add3A_2425 : i32 to index
      %swap3A_2491 = tpu.vector_load %arg10[%swap3A_2490] {strides = array<i32>} : memref<1312xi32, #tpu.memory_space<vmem>>, vector<16xi32>,
      tpu.vector_store %arg10[%swap3A_2490], %masked_sort3A_2474 {strides = array<i32>} : memref<1312xi32, #tpu.memory_space<vmem>>, vector<16xi32>,
      %add3A_2492 = arith.addi %add3A_2425, %squeeze3A_2486 : i32
      %swap3A_2493 = arith.index_cast %add3A_2492 : i32 to index
      %swap3A_2494 = tpu.vector_load %arg10[%swap3A_2493] {strides = array<i32>} : memref<1312xi32, #tpu.memory_space<vmem>>, vector<16xi32>,
      tpu.vector_store %arg10[%swap3A_2493], %masked_sort3A_2482 {strides = array<i32>} : memref<1312xi32, #tpu.memory_space<vmem>>, vector<16xi32>,
      %add3A_2495 = arith.addi %add3A_2425, %squeeze3A_2486 : i32
      %add3A_2496 = arith.addi %add3A_2495, %squeeze3A_2489 : i32
      %get3A_2497 = arith.constant 448 : index
      %get3A_2498 = tpu.vector_load %arg9[%get3A_2497] {strides = array<i32>} : memref<640xi32, #tpu.memory_space<vmem>>, vector<16xi32>,
      %get3A_2499 = arith.constant 448 : index
      %get3A_2500 = tpu.vector_load %arg8[%get3A_2499] {strides = array<i32>} : memref<640xi32, #tpu.memory_space<vmem>>, vector<16xi32>,
      %get3A_2501 = arith.constant 464 : index
      %get3A_2502 = tpu.vector_load %arg9[%get3A_2501] {strides = array<i32>} : memref<640xi32, #tpu.memory_space<vmem>>, vector<16xi32>,
      %get3A_2503 = arith.constant 464 : index
      %get3A_2504 = tpu.vector_load %arg8[%get3A_2503] {strides = array<i32>} : memref<640xi32, #tpu.memory_space<vmem>>, vector<16xi32>,
      %ge3A_2505 = vector.broadcast %mul3A_2 : i32 to vector<16xi32>
      %ge3A_2506 = arith.cmpi sge, %get3A_2498, %ge3A_2505 : vector<16xi32>
      %add3A_2507 = arith.constant 320 : i32
      %add3A_2508 = arith.addi %mul3A_2, %add3A_2507 : i32
      %lt3A_2509 = vector.broadcast %add3A_2508 : i32 to vector<16xi32>
      %lt3A_2510 = arith.cmpi slt, %get3A_2498, %lt3A_2509 : vector<16xi32>
      %and3A_2511 = arith.andi %ge3A_2506, %lt3A_2510 : vector<16xi1>
      %ge3A_2512 = vector.broadcast %mul3A_2 : i32 to vector<16xi32>
      %ge3A_2513 = arith.cmpi sge, %get3A_2502, %ge3A_2512 : vector<16xi32>
      %add3A_2514 = arith.constant 320 : i32
      %add3A_2515 = arith.addi %mul3A_2, %add3A_2514 : i32
      %lt3A_2516 = vector.broadcast %add3A_2515 : i32 to vector<16xi32>
      %lt3A_2517 = arith.cmpi slt, %get3A_2502, %lt3A_2516 : vector<16xi32>
      %and3A_2518 = arith.andi %ge3A_2513, %lt3A_2517 : vector<16xi1>
      %shift_left3A_2519 = arith.constant 9 : i32
      %shift_left3A_2520 = vector.broadcast %shift_left3A_2519 : i32 to vector<16xi32>
      %shift_left3A_2521 = arith.shli %get3A_2500, %shift_left3A_2520 : vector<16xi32>
      %sub3A_2522 = vector.broadcast %mul3A_2 : i32 to vector<16xi32>
      %sub3A_2523 = arith.subi %get3A_2498, %sub3A_2522 : vector<16xi32>
      %or3A_2524 = arith.ori %shift_left3A_2521, %sub3A_2523 : vector<16xi32>
      %shift_left3A_2525 = arith.constant 9 : i32
      %shift_left3A_2526 = vector.broadcast %shift_left3A_2525 : i32 to vector<16xi32>
      %shift_left3A_2527 = arith.shli %get3A_2504, %shift_left3A_2526 : vector<16xi32>
      %sub3A_2528 = vector.broadcast %mul3A_2 : i32 to vector<16xi32>
      %sub3A_2529 = arith.subi %get3A_2502, %sub3A_2528 : vector<16xi32>
      %or3A_2530 = arith.ori %shift_left3A_2527, %sub3A_2529 : vector<16xi32>
      %add3A_2531 = arith.constant 16 : i32
      %add3A_2532 = vector.broadcast %add3A_2531 : i32 to vector<16xi32>
      %add3A_2533 = arith.addi %iota3A, %add3A_2532 : vector<16xi32>
      %select_n3A_2534 = arith.select %and3A_2511, %iota3A, %add3A_2533 : vector<16xi1>, vector<16xi32>
      %add3A_2535 = arith.constant 16 : i32
      %add3A_2536 = vector.broadcast %add3A_2535 : i32 to vector<16xi32>
      %add3A_2537 = arith.addi %iota3A, %add3A_2536 : vector<16xi32>
      %select_n3A_2538 = arith.select %and3A_2518, %iota3A, %add3A_2537 : vector<16xi1>, vector<16xi32>
      %masked_sort3A_2539 = arith.constant dense<true> : vector<16xi1>
      %masked_sort3A_2540 = arith.constant -2147483648 : i32
      %masked_sort3A_2541 = vector.broadcast %masked_sort3A_2540 : i32 to vector<16xi32>
      %masked_sort3A_2542 = arith.xori %select_n3A_2534, %masked_sort3A_2541 : vector<16xi32>
      %masked_sort3A_2543, %masked_sort3A_2544, %masked_sort3A_2545 = tpu.sort %masked_sort3A_2542, %or3A_2524 masked %masked_sort3A_2539 : (vector<16xi32>, vector<16xi32>, vector<16xi1>) -> (vector<16xi1>, vector<16xi32>, vector<16xi32>)
      %masked_sort3A_2546 = arith.xori %masked_sort3A_2544, %masked_sort3A_2541 : vector<16xi32>
      %masked_sort3A_2547 = arith.constant dense<true> : vector<16xi1>
      %masked_sort3A_2548 = arith.constant -2147483648 : i32
      %masked_sort3A_2549 = vector.broadcast %masked_sort3A_2548 : i32 to vector<16xi32>
      %masked_sort3A_2550 = arith.xori %select_n3A_2538, %masked_sort3A_2549 : vector<16xi32>
      %masked_sort3A_2551, %masked_sort3A_2552, %masked_sort3A_2553 = tpu.sort %masked_sort3A_2550, %or3A_2530 masked %masked_sort3A_2547 : (vector<16xi32>, vector<16xi32>, vector<16xi1>) -> (vector<16xi1>, vector<16xi32>, vector<16xi32>)
      %masked_sort3A_2554 = arith.xori %masked_sort3A_2552, %masked_sort3A_2549 : vector<16xi32>
      %all_reduce_population_count3A_2555 = tpu.all_reduce %and3A_2511 {dim = 0 : i64, kind = #tpu.reduction_kind<sum>} : vector<16xi1> -> vector<16xi32>
      %slice3A_2556 = vector.extract_strided_slice %all_reduce_population_count3A_2555 {offsets = [0], sizes = [1], strides = [1]} : vector<16xi32> to vector<1xi32>
      %squeeze3A_2557 = vector.extract %slice3A_2556[0] : i32 from vector<1xi32>
      %all_reduce_population_count3A_2558 = tpu.all_reduce %and3A_2518 {dim = 0 : i64, kind = #tpu.reduction_kind<sum>} : vector<16xi1> -> vector<16xi32>
      %slice3A_2559 = vector.extract_strided_slice %all_reduce_population_count3A_2558 {offsets = [0], sizes = [1], strides = [1]} : vector<16xi32> to vector<1xi32>
      %squeeze3A_2560 = vector.extract %slice3A_2559[0] : i32 from vector<1xi32>
      %swap3A_2561 = arith.index_cast %add3A_2496 : i32 to index
      %swap3A_2562 = tpu.vector_load %arg10[%swap3A_2561] {strides = array<i32>} : memref<1312xi32, #tpu.memory_space<vmem>>, vector<16xi32>,
      tpu.vector_store %arg10[%swap3A_2561], %masked_sort3A_2545 {strides = array<i32>} : memref<1312xi32, #tpu.memory_space<vmem>>, vector<16xi32>,
      %add3A_2563 = arith.addi %add3A_2496, %squeeze3A_2557 : i32
      %swap3A_2564 = arith.index_cast %add3A_2563 : i32 to index
      %swap3A_2565 = tpu.vector_load %arg10[%swap3A_2564] {strides = array<i32>} : memref<1312xi32, #tpu.memory_space<vmem>>, vector<16xi32>,
      tpu.vector_store %arg10[%swap3A_2564], %masked_sort3A_2553 {strides = array<i32>} : memref<1312xi32, #tpu.memory_space<vmem>>, vector<16xi32>,
      %add3A_2566 = arith.addi %add3A_2496, %squeeze3A_2557 : i32
      %add3A_2567 = arith.addi %add3A_2566, %squeeze3A_2560 : i32
      %get3A_2568 = arith.constant 480 : index
      %get3A_2569 = tpu.vector_load %arg9[%get3A_2568] {strides = array<i32>} : memref<640xi32, #tpu.memory_space<vmem>>, vector<16xi32>,
      %get3A_2570 = arith.constant 480 : index
      %get3A_2571 = tpu.vector_load %arg8[%get3A_2570] {strides = array<i32>} : memref<640xi32, #tpu.memory_space<vmem>>, vector<16xi32>,
      %get3A_2572 = arith.constant 496 : index
      %get3A_2573 = tpu.vector_load %arg9[%get3A_2572] {strides = array<i32>} : memref<640xi32, #tpu.memory_space<vmem>>, vector<16xi32>,
      %get3A_2574 = arith.constant 496 : index
      %get3A_2575 = tpu.vector_load %arg8[%get3A_2574] {strides = array<i32>} : memref<640xi32, #tpu.memory_space<vmem>>, vector<16xi32>,
      %ge3A_2576 = vector.broadcast %mul3A_2 : i32 to vector<16xi32>
      %ge3A_2577 = arith.cmpi sge, %get3A_2569, %ge3A_2576 : vector<16xi32>
      %add3A_2578 = arith.constant 320 : i32
      %add3A_2579 = arith.addi %mul3A_2, %add3A_2578 : i32
      %lt3A_2580 = vector.broadcast %add3A_2579 : i32 to vector<16xi32>
      %lt3A_2581 = arith.cmpi slt, %get3A_2569, %lt3A_2580 : vector<16xi32>
      %and3A_2582 = arith.andi %ge3A_2577, %lt3A_2581 : vector<16xi1>
      %ge3A_2583 = vector.broadcast %mul3A_2 : i32 to vector<16xi32>
      %ge3A_2584 = arith.cmpi sge, %get3A_2573, %ge3A_2583 : vector<16xi32>
      %add3A_2585 = arith.constant 320 : i32
      %add3A_2586 = arith.addi %mul3A_2, %add3A_2585 : i32
      %lt3A_2587 = vector.broadcast %add3A_2586 : i32 to vector<16xi32>
      %lt3A_2588 = arith.cmpi slt, %get3A_2573, %lt3A_2587 : vector<16xi32>
      %and3A_2589 = arith.andi %ge3A_2584, %lt3A_2588 : vector<16xi1>
      %shift_left3A_2590 = arith.constant 9 : i32
      %shift_left3A_2591 = vector.broadcast %shift_left3A_2590 : i32 to vector<16xi32>
      %shift_left3A_2592 = arith.shli %get3A_2571, %shift_left3A_2591 : vector<16xi32>
      %sub3A_2593 = vector.broadcast %mul3A_2 : i32 to vector<16xi32>
      %sub3A_2594 = arith.subi %get3A_2569, %sub3A_2593 : vector<16xi32>
      %or3A_2595 = arith.ori %shift_left3A_2592, %sub3A_2594 : vector<16xi32>
      %shift_left3A_2596 = arith.constant 9 : i32
      %shift_left3A_2597 = vector.broadcast %shift_left3A_2596 : i32 to vector<16xi32>
      %shift_left3A_2598 = arith.shli %get3A_2575, %shift_left3A_2597 : vector<16xi32>
      %sub3A_2599 = vector.broadcast %mul3A_2 : i32 to vector<16xi32>
      %sub3A_2600 = arith.subi %get3A_2573, %sub3A_2599 : vector<16xi32>
      %or3A_2601 = arith.ori %shift_left3A_2598, %sub3A_2600 : vector<16xi32>
      %add3A_2602 = arith.constant 16 : i32
      %add3A_2603 = vector.broadcast %add3A_2602 : i32 to vector<16xi32>
      %add3A_2604 = arith.addi %iota3A, %add3A_2603 : vector<16xi32>
      %select_n3A_2605 = arith.select %and3A_2582, %iota3A, %add3A_2604 : vector<16xi1>, vector<16xi32>
      %add3A_2606 = arith.constant 16 : i32
      %add3A_2607 = vector.broadcast %add3A_2606 : i32 to vector<16xi32>
      %add3A_2608 = arith.addi %iota3A, %add3A_2607 : vector<16xi32>
      %select_n3A_2609 = arith.select %and3A_2589, %iota3A, %add3A_2608 : vector<16xi1>, vector<16xi32>
      %masked_sort3A_2610 = arith.constant dense<true> : vector<16xi1>
      %masked_sort3A_2611 = arith.constant -2147483648 : i32
      %masked_sort3A_2612 = vector.broadcast %masked_sort3A_2611 : i32 to vector<16xi32>
      %masked_sort3A_2613 = arith.xori %select_n3A_2605, %masked_sort3A_2612 : vector<16xi32>
      %masked_sort3A_2614, %masked_sort3A_2615, %masked_sort3A_2616 = tpu.sort %masked_sort3A_2613, %or3A_2595 masked %masked_sort3A_2610 : (vector<16xi32>, vector<16xi32>, vector<16xi1>) -> (vector<16xi1>, vector<16xi32>, vector<16xi32>)
      %masked_sort3A_2617 = arith.xori %masked_sort3A_2615, %masked_sort3A_2612 : vector<16xi32>
      %masked_sort3A_2618 = arith.constant dense<true> : vector<16xi1>
      %masked_sort3A_2619 = arith.constant -2147483648 : i32
      %masked_sort3A_2620 = vector.broadcast %masked_sort3A_2619 : i32 to vector<16xi32>
      %masked_sort3A_2621 = arith.xori %select_n3A_2609, %masked_sort3A_2620 : vector<16xi32>
      %masked_sort3A_2622, %masked_sort3A_2623, %masked_sort3A_2624 = tpu.sort %masked_sort3A_2621, %or3A_2601 masked %masked_sort3A_2618 : (vector<16xi32>, vector<16xi32>, vector<16xi1>) -> (vector<16xi1>, vector<16xi32>, vector<16xi32>)
      %masked_sort3A_2625 = arith.xori %masked_sort3A_2623, %masked_sort3A_2620 : vector<16xi32>
      %all_reduce_population_count3A_2626 = tpu.all_reduce %and3A_2582 {dim = 0 : i64, kind = #tpu.reduction_kind<sum>} : vector<16xi1> -> vector<16xi32>
      %slice3A_2627 = vector.extract_strided_slice %all_reduce_population_count3A_2626 {offsets = [0], sizes = [1], strides = [1]} : vector<16xi32> to vector<1xi32>
      %squeeze3A_2628 = vector.extract %slice3A_2627[0] : i32 from vector<1xi32>
      %all_reduce_population_count3A_2629 = tpu.all_reduce %and3A_2589 {dim = 0 : i64, kind = #tpu.reduction_kind<sum>} : vector<16xi1> -> vector<16xi32>
      %slice3A_2630 = vector.extract_strided_slice %all_reduce_population_count3A_2629 {offsets = [0], sizes = [1], strides = [1]} : vector<16xi32> to vector<1xi32>
      %squeeze3A_2631 = vector.extract %slice3A_2630[0] : i32 from vector<1xi32>
      %swap3A_2632 = arith.index_cast %add3A_2567 : i32 to index
      %swap3A_2633 = tpu.vector_load %arg10[%swap3A_2632] {strides = array<i32>} : memref<1312xi32, #tpu.memory_space<vmem>>, vector<16xi32>,
      tpu.vector_store %arg10[%swap3A_2632], %masked_sort3A_2616 {strides = array<i32>} : memref<1312xi32, #tpu.memory_space<vmem>>, vector<16xi32>,
      %add3A_2634 = arith.addi %add3A_2567, %squeeze3A_2628 : i32
      %swap3A_2635 = arith.index_cast %add3A_2634 : i32 to index
      %swap3A_2636 = tpu.vector_load %arg10[%swap3A_2635] {strides = array<i32>} : memref<1312xi32, #tpu.memory_space<vmem>>, vector<16xi32>,
      tpu.vector_store %arg10[%swap3A_2635], %masked_sort3A_2624 {strides = array<i32>} : memref<1312xi32, #tpu.memory_space<vmem>>, vector<16xi32>,
      %add3A_2637 = arith.addi %add3A_2567, %squeeze3A_2628 : i32
      %add3A_2638 = arith.addi %add3A_2637, %squeeze3A_2631 : i32
      %get3A_2639 = arith.constant 512 : index
      %get3A_2640 = tpu.vector_load %arg9[%get3A_2639] {strides = array<i32>} : memref<640xi32, #tpu.memory_space<vmem>>, vector<16xi32>,
      %get3A_2641 = arith.constant 512 : index
      %get3A_2642 = tpu.vector_load %arg8[%get3A_2641] {strides = array<i32>} : memref<640xi32, #tpu.memory_space<vmem>>, vector<16xi32>,
      %get3A_2643 = arith.constant 528 : index
      %get3A_2644 = tpu.vector_load %arg9[%get3A_2643] {strides = array<i32>} : memref<640xi32, #tpu.memory_space<vmem>>, vector<16xi32>,
      %get3A_2645 = arith.constant 528 : index
      %get3A_2646 = tpu.vector_load %arg8[%get3A_2645] {strides = array<i32>} : memref<640xi32, #tpu.memory_space<vmem>>, vector<16xi32>,
      %ge3A_2647 = vector.broadcast %mul3A_2 : i32 to vector<16xi32>
      %ge3A_2648 = arith.cmpi sge, %get3A_2640, %ge3A_2647 : vector<16xi32>
      %add3A_2649 = arith.constant 320 : i32
      %add3A_2650 = arith.addi %mul3A_2, %add3A_2649 : i32
      %lt3A_2651 = vector.broadcast %add3A_2650 : i32 to vector<16xi32>
      %lt3A_2652 = arith.cmpi slt, %get3A_2640, %lt3A_2651 : vector<16xi32>
      %and3A_2653 = arith.andi %ge3A_2648, %lt3A_2652 : vector<16xi1>
      %ge3A_2654 = vector.broadcast %mul3A_2 : i32 to vector<16xi32>
      %ge3A_2655 = arith.cmpi sge, %get3A_2644, %ge3A_2654 : vector<16xi32>
      %add3A_2656 = arith.constant 320 : i32
      %add3A_2657 = arith.addi %mul3A_2, %add3A_2656 : i32
      %lt3A_2658 = vector.broadcast %add3A_2657 : i32 to vector<16xi32>
      %lt3A_2659 = arith.cmpi slt, %get3A_2644, %lt3A_2658 : vector<16xi32>
      %and3A_2660 = arith.andi %ge3A_2655, %lt3A_2659 : vector<16xi1>
      %shift_left3A_2661 = arith.constant 9 : i32
      %shift_left3A_2662 = vector.broadcast %shift_left3A_2661 : i32 to vector<16xi32>
      %shift_left3A_2663 = arith.shli %get3A_2642, %shift_left3A_2662 : vector<16xi32>
      %sub3A_2664 = vector.broadcast %mul3A_2 : i32 to vector<16xi32>
      %sub3A_2665 = arith.subi %get3A_2640, %sub3A_2664 : vector<16xi32>
      %or3A_2666 = arith.ori %shift_left3A_2663, %sub3A_2665 : vector<16xi32>
      %shift_left3A_2667 = arith.constant 9 : i32
      %shift_left3A_2668 = vector.broadcast %shift_left3A_2667 : i32 to vector<16xi32>
      %shift_left3A_2669 = arith.shli %get3A_2646, %shift_left3A_2668 : vector<16xi32>
      %sub3A_2670 = vector.broadcast %mul3A_2 : i32 to vector<16xi32>
      %sub3A_2671 = arith.subi %get3A_2644, %sub3A_2670 : vector<16xi32>
      %or3A_2672 = arith.ori %shift_left3A_2669, %sub3A_2671 : vector<16xi32>
      %add3A_2673 = arith.constant 16 : i32
      %add3A_2674 = vector.broadcast %add3A_2673 : i32 to vector<16xi32>
      %add3A_2675 = arith.addi %iota3A, %add3A_2674 : vector<16xi32>
      %select_n3A_2676 = arith.select %and3A_2653, %iota3A, %add3A_2675 : vector<16xi1>, vector<16xi32>
      %add3A_2677 = arith.constant 16 : i32
      %add3A_2678 = vector.broadcast %add3A_2677 : i32 to vector<16xi32>
      %add3A_2679 = arith.addi %iota3A, %add3A_2678 : vector<16xi32>
      %select_n3A_2680 = arith.select %and3A_2660, %iota3A, %add3A_2679 : vector<16xi1>, vector<16xi32>
      %masked_sort3A_2681 = arith.constant dense<true> : vector<16xi1>
      %masked_sort3A_2682 = arith.constant -2147483648 : i32
      %masked_sort3A_2683 = vector.broadcast %masked_sort3A_2682 : i32 to vector<16xi32>
      %masked_sort3A_2684 = arith.xori %select_n3A_2676, %masked_sort3A_2683 : vector<16xi32>
      %masked_sort3A_2685, %masked_sort3A_2686, %masked_sort3A_2687 = tpu.sort %masked_sort3A_2684, %or3A_2666 masked %masked_sort3A_2681 : (vector<16xi32>, vector<16xi32>, vector<16xi1>) -> (vector<16xi1>, vector<16xi32>, vector<16xi32>)
      %masked_sort3A_2688 = arith.xori %masked_sort3A_2686, %masked_sort3A_2683 : vector<16xi32>
      %masked_sort3A_2689 = arith.constant dense<true> : vector<16xi1>
      %masked_sort3A_2690 = arith.constant -2147483648 : i32
      %masked_sort3A_2691 = vector.broadcast %masked_sort3A_2690 : i32 to vector<16xi32>
      %masked_sort3A_2692 = arith.xori %select_n3A_2680, %masked_sort3A_2691 : vector<16xi32>
      %masked_sort3A_2693, %masked_sort3A_2694, %masked_sort3A_2695 = tpu.sort %masked_sort3A_2692, %or3A_2672 masked %masked_sort3A_2689 : (vector<16xi32>, vector<16xi32>, vector<16xi1>) -> (vector<16xi1>, vector<16xi32>, vector<16xi32>)
      %masked_sort3A_2696 = arith.xori %masked_sort3A_2694, %masked_sort3A_2691 : vector<16xi32>
      %all_reduce_population_count3A_2697 = tpu.all_reduce %and3A_2653 {dim = 0 : i64, kind = #tpu.reduction_kind<sum>} : vector<16xi1> -> vector<16xi32>
      %slice3A_2698 = vector.extract_strided_slice %all_reduce_population_count3A_2697 {offsets = [0], sizes = [1], strides = [1]} : vector<16xi32> to vector<1xi32>
      %squeeze3A_2699 = vector.extract %slice3A_2698[0] : i32 from vector<1xi32>
      %all_reduce_population_count3A_2700 = tpu.all_reduce %and3A_2660 {dim = 0 : i64, kind = #tpu.reduction_kind<sum>} : vector<16xi1> -> vector<16xi32>
      %slice3A_2701 = vector.extract_strided_slice %all_reduce_population_count3A_2700 {offsets = [0], sizes = [1], strides = [1]} : vector<16xi32> to vector<1xi32>
      %squeeze3A_2702 = vector.extract %slice3A_2701[0] : i32 from vector<1xi32>
      %swap3A_2703 = arith.index_cast %add3A_2638 : i32 to index
      %swap3A_2704 = tpu.vector_load %arg10[%swap3A_2703] {strides = array<i32>} : memref<1312xi32, #tpu.memory_space<vmem>>, vector<16xi32>,
      tpu.vector_store %arg10[%swap3A_2703], %masked_sort3A_2687 {strides = array<i32>} : memref<1312xi32, #tpu.memory_space<vmem>>, vector<16xi32>,
      %add3A_2705 = arith.addi %add3A_2638, %squeeze3A_2699 : i32
      %swap3A_2706 = arith.index_cast %add3A_2705 : i32 to index
      %swap3A_2707 = tpu.vector_load %arg10[%swap3A_2706] {strides = array<i32>} : memref<1312xi32, #tpu.memory_space<vmem>>, vector<16xi32>,
      tpu.vector_store %arg10[%swap3A_2706], %masked_sort3A_2695 {strides = array<i32>} : memref<1312xi32, #tpu.memory_space<vmem>>, vector<16xi32>,
      %add3A_2708 = arith.addi %add3A_2638, %squeeze3A_2699 : i32
      %add3A_2709 = arith.addi %add3A_2708, %squeeze3A_2702 : i32
      %get3A_2710 = arith.constant 544 : index
      %get3A_2711 = tpu.vector_load %arg9[%get3A_2710] {strides = array<i32>} : memref<640xi32, #tpu.memory_space<vmem>>, vector<16xi32>,
      %get3A_2712 = arith.constant 544 : index
      %get3A_2713 = tpu.vector_load %arg8[%get3A_2712] {strides = array<i32>} : memref<640xi32, #tpu.memory_space<vmem>>, vector<16xi32>,
      %get3A_2714 = arith.constant 560 : index
      %get3A_2715 = tpu.vector_load %arg9[%get3A_2714] {strides = array<i32>} : memref<640xi32, #tpu.memory_space<vmem>>, vector<16xi32>,
      %get3A_2716 = arith.constant 560 : index
      %get3A_2717 = tpu.vector_load %arg8[%get3A_2716] {strides = array<i32>} : memref<640xi32, #tpu.memory_space<vmem>>, vector<16xi32>,
      %ge3A_2718 = vector.broadcast %mul3A_2 : i32 to vector<16xi32>
      %ge3A_2719 = arith.cmpi sge, %get3A_2711, %ge3A_2718 : vector<16xi32>
      %add3A_2720 = arith.constant 320 : i32
      %add3A_2721 = arith.addi %mul3A_2, %add3A_2720 : i32
      %lt3A_2722 = vector.broadcast %add3A_2721 : i32 to vector<16xi32>
      %lt3A_2723 = arith.cmpi slt, %get3A_2711, %lt3A_2722 : vector<16xi32>
      %and3A_2724 = arith.andi %ge3A_2719, %lt3A_2723 : vector<16xi1>
      %ge3A_2725 = vector.broadcast %mul3A_2 : i32 to vector<16xi32>
      %ge3A_2726 = arith.cmpi sge, %get3A_2715, %ge3A_2725 : vector<16xi32>
      %add3A_2727 = arith.constant 320 : i32
      %add3A_2728 = arith.addi %mul3A_2, %add3A_2727 : i32
      %lt3A_2729 = vector.broadcast %add3A_2728 : i32 to vector<16xi32>
      %lt3A_2730 = arith.cmpi slt, %get3A_2715, %lt3A_2729 : vector<16xi32>
      %and3A_2731 = arith.andi %ge3A_2726, %lt3A_2730 : vector<16xi1>
      %shift_left3A_2732 = arith.constant 9 : i32
      %shift_left3A_2733 = vector.broadcast %shift_left3A_2732 : i32 to vector<16xi32>
      %shift_left3A_2734 = arith.shli %get3A_2713, %shift_left3A_2733 : vector<16xi32>
      %sub3A_2735 = vector.broadcast %mul3A_2 : i32 to vector<16xi32>
      %sub3A_2736 = arith.subi %get3A_2711, %sub3A_2735 : vector<16xi32>
      %or3A_2737 = arith.ori %shift_left3A_2734, %sub3A_2736 : vector<16xi32>
      %shift_left3A_2738 = arith.constant 9 : i32
      %shift_left3A_2739 = vector.broadcast %shift_left3A_2738 : i32 to vector<16xi32>
      %shift_left3A_2740 = arith.shli %get3A_2717, %shift_left3A_2739 : vector<16xi32>
      %sub3A_2741 = vector.broadcast %mul3A_2 : i32 to vector<16xi32>
      %sub3A_2742 = arith.subi %get3A_2715, %sub3A_2741 : vector<16xi32>
      %or3A_2743 = arith.ori %shift_left3A_2740, %sub3A_2742 : vector<16xi32>
      %add3A_2744 = arith.constant 16 : i32
      %add3A_2745 = vector.broadcast %add3A_2744 : i32 to vector<16xi32>
      %add3A_2746 = arith.addi %iota3A, %add3A_2745 : vector<16xi32>
      %select_n3A_2747 = arith.select %and3A_2724, %iota3A, %add3A_2746 : vector<16xi1>, vector<16xi32>
      %add3A_2748 = arith.constant 16 : i32
      %add3A_2749 = vector.broadcast %add3A_2748 : i32 to vector<16xi32>
      %add3A_2750 = arith.addi %iota3A, %add3A_2749 : vector<16xi32>
      %select_n3A_2751 = arith.select %and3A_2731, %iota3A, %add3A_2750 : vector<16xi1>, vector<16xi32>
      %masked_sort3A_2752 = arith.constant dense<true> : vector<16xi1>
      %masked_sort3A_2753 = arith.constant -2147483648 : i32
      %masked_sort3A_2754 = vector.broadcast %masked_sort3A_2753 : i32 to vector<16xi32>
      %masked_sort3A_2755 = arith.xori %select_n3A_2747, %masked_sort3A_2754 : vector<16xi32>
      %masked_sort3A_2756, %masked_sort3A_2757, %masked_sort3A_2758 = tpu.sort %masked_sort3A_2755, %or3A_2737 masked %masked_sort3A_2752 : (vector<16xi32>, vector<16xi32>, vector<16xi1>) -> (vector<16xi1>, vector<16xi32>, vector<16xi32>)
      %masked_sort3A_2759 = arith.xori %masked_sort3A_2757, %masked_sort3A_2754 : vector<16xi32>
      %masked_sort3A_2760 = arith.constant dense<true> : vector<16xi1>
      %masked_sort3A_2761 = arith.constant -2147483648 : i32
      %masked_sort3A_2762 = vector.broadcast %masked_sort3A_2761 : i32 to vector<16xi32>
      %masked_sort3A_2763 = arith.xori %select_n3A_2751, %masked_sort3A_2762 : vector<16xi32>
      %masked_sort3A_2764, %masked_sort3A_2765, %masked_sort3A_2766 = tpu.sort %masked_sort3A_2763, %or3A_2743 masked %masked_sort3A_2760 : (vector<16xi32>, vector<16xi32>, vector<16xi1>) -> (vector<16xi1>, vector<16xi32>, vector<16xi32>)
      %masked_sort3A_2767 = arith.xori %masked_sort3A_2765, %masked_sort3A_2762 : vector<16xi32>
      %all_reduce_population_count3A_2768 = tpu.all_reduce %and3A_2724 {dim = 0 : i64, kind = #tpu.reduction_kind<sum>} : vector<16xi1> -> vector<16xi32>
      %slice3A_2769 = vector.extract_strided_slice %all_reduce_population_count3A_2768 {offsets = [0], sizes = [1], strides = [1]} : vector<16xi32> to vector<1xi32>
      %squeeze3A_2770 = vector.extract %slice3A_2769[0] : i32 from vector<1xi32>
      %all_reduce_population_count3A_2771 = tpu.all_reduce %and3A_2731 {dim = 0 : i64, kind = #tpu.reduction_kind<sum>} : vector<16xi1> -> vector<16xi32>
      %slice3A_2772 = vector.extract_strided_slice %all_reduce_population_count3A_2771 {offsets = [0], sizes = [1], strides = [1]} : vector<16xi32> to vector<1xi32>
      %squeeze3A_2773 = vector.extract %slice3A_2772[0] : i32 from vector<1xi32>
      %swap3A_2774 = arith.index_cast %add3A_2709 : i32 to index
      %swap3A_2775 = tpu.vector_load %arg10[%swap3A_2774] {strides = array<i32>} : memref<1312xi32, #tpu.memory_space<vmem>>, vector<16xi32>,
      tpu.vector_store %arg10[%swap3A_2774], %masked_sort3A_2758 {strides = array<i32>} : memref<1312xi32, #tpu.memory_space<vmem>>, vector<16xi32>,
      %add3A_2776 = arith.addi %add3A_2709, %squeeze3A_2770 : i32
      %swap3A_2777 = arith.index_cast %add3A_2776 : i32 to index
      %swap3A_2778 = tpu.vector_load %arg10[%swap3A_2777] {strides = array<i32>} : memref<1312xi32, #tpu.memory_space<vmem>>, vector<16xi32>,
      tpu.vector_store %arg10[%swap3A_2777], %masked_sort3A_2766 {strides = array<i32>} : memref<1312xi32, #tpu.memory_space<vmem>>, vector<16xi32>,
      %add3A_2779 = arith.addi %add3A_2709, %squeeze3A_2770 : i32
      %add3A_2780 = arith.addi %add3A_2779, %squeeze3A_2773 : i32
      %get3A_2781 = arith.constant 576 : index
      %get3A_2782 = tpu.vector_load %arg9[%get3A_2781] {strides = array<i32>} : memref<640xi32, #tpu.memory_space<vmem>>, vector<16xi32>,
      %get3A_2783 = arith.constant 576 : index
      %get3A_2784 = tpu.vector_load %arg8[%get3A_2783] {strides = array<i32>} : memref<640xi32, #tpu.memory_space<vmem>>, vector<16xi32>,
      %get3A_2785 = arith.constant 592 : index
      %get3A_2786 = tpu.vector_load %arg9[%get3A_2785] {strides = array<i32>} : memref<640xi32, #tpu.memory_space<vmem>>, vector<16xi32>,
      %get3A_2787 = arith.constant 592 : index
      %get3A_2788 = tpu.vector_load %arg8[%get3A_2787] {strides = array<i32>} : memref<640xi32, #tpu.memory_space<vmem>>, vector<16xi32>,
      %ge3A_2789 = vector.broadcast %mul3A_2 : i32 to vector<16xi32>
      %ge3A_2790 = arith.cmpi sge, %get3A_2782, %ge3A_2789 : vector<16xi32>
      %add3A_2791 = arith.constant 320 : i32
      %add3A_2792 = arith.addi %mul3A_2, %add3A_2791 : i32
      %lt3A_2793 = vector.broadcast %add3A_2792 : i32 to vector<16xi32>
      %lt3A_2794 = arith.cmpi slt, %get3A_2782, %lt3A_2793 : vector<16xi32>
      %and3A_2795 = arith.andi %ge3A_2790, %lt3A_2794 : vector<16xi1>
      %ge3A_2796 = vector.broadcast %mul3A_2 : i32 to vector<16xi32>
      %ge3A_2797 = arith.cmpi sge, %get3A_2786, %ge3A_2796 : vector<16xi32>
      %add3A_2798 = arith.constant 320 : i32
      %add3A_2799 = arith.addi %mul3A_2, %add3A_2798 : i32
      %lt3A_2800 = vector.broadcast %add3A_2799 : i32 to vector<16xi32>
      %lt3A_2801 = arith.cmpi slt, %get3A_2786, %lt3A_2800 : vector<16xi32>
      %and3A_2802 = arith.andi %ge3A_2797, %lt3A_2801 : vector<16xi1>
      %shift_left3A_2803 = arith.constant 9 : i32
      %shift_left3A_2804 = vector.broadcast %shift_left3A_2803 : i32 to vector<16xi32>
      %shift_left3A_2805 = arith.shli %get3A_2784, %shift_left3A_2804 : vector<16xi32>
      %sub3A_2806 = vector.broadcast %mul3A_2 : i32 to vector<16xi32>
      %sub3A_2807 = arith.subi %get3A_2782, %sub3A_2806 : vector<16xi32>
      %or3A_2808 = arith.ori %shift_left3A_2805, %sub3A_2807 : vector<16xi32>
      %shift_left3A_2809 = arith.constant 9 : i32
      %shift_left3A_2810 = vector.broadcast %shift_left3A_2809 : i32 to vector<16xi32>
      %shift_left3A_2811 = arith.shli %get3A_2788, %shift_left3A_2810 : vector<16xi32>
      %sub3A_2812 = vector.broadcast %mul3A_2 : i32 to vector<16xi32>
      %sub3A_2813 = arith.subi %get3A_2786, %sub3A_2812 : vector<16xi32>
      %or3A_2814 = arith.ori %shift_left3A_2811, %sub3A_2813 : vector<16xi32>
      %add3A_2815 = arith.constant 16 : i32
      %add3A_2816 = vector.broadcast %add3A_2815 : i32 to vector<16xi32>
      %add3A_2817 = arith.addi %iota3A, %add3A_2816 : vector<16xi32>
      %select_n3A_2818 = arith.select %and3A_2795, %iota3A, %add3A_2817 : vector<16xi1>, vector<16xi32>
      %add3A_2819 = arith.constant 16 : i32
      %add3A_2820 = vector.broadcast %add3A_2819 : i32 to vector<16xi32>
      %add3A_2821 = arith.addi %iota3A, %add3A_2820 : vector<16xi32>
      %select_n3A_2822 = arith.select %and3A_2802, %iota3A, %add3A_2821 : vector<16xi1>, vector<16xi32>
      %masked_sort3A_2823 = arith.constant dense<true> : vector<16xi1>
      %masked_sort3A_2824 = arith.constant -2147483648 : i32
      %masked_sort3A_2825 = vector.broadcast %masked_sort3A_2824 : i32 to vector<16xi32>
      %masked_sort3A_2826 = arith.xori %select_n3A_2818, %masked_sort3A_2825 : vector<16xi32>
      %masked_sort3A_2827, %masked_sort3A_2828, %masked_sort3A_2829 = tpu.sort %masked_sort3A_2826, %or3A_2808 masked %masked_sort3A_2823 : (vector<16xi32>, vector<16xi32>, vector<16xi1>) -> (vector<16xi1>, vector<16xi32>, vector<16xi32>)
      %masked_sort3A_2830 = arith.xori %masked_sort3A_2828, %masked_sort3A_2825 : vector<16xi32>
      %masked_sort3A_2831 = arith.constant dense<true> : vector<16xi1>
      %masked_sort3A_2832 = arith.constant -2147483648 : i32
      %masked_sort3A_2833 = vector.broadcast %masked_sort3A_2832 : i32 to vector<16xi32>
      %masked_sort3A_2834 = arith.xori %select_n3A_2822, %masked_sort3A_2833 : vector<16xi32>
      %masked_sort3A_2835, %masked_sort3A_2836, %masked_sort3A_2837 = tpu.sort %masked_sort3A_2834, %or3A_2814 masked %masked_sort3A_2831 : (vector<16xi32>, vector<16xi32>, vector<16xi1>) -> (vector<16xi1>, vector<16xi32>, vector<16xi32>)
      %masked_sort3A_2838 = arith.xori %masked_sort3A_2836, %masked_sort3A_2833 : vector<16xi32>
      %all_reduce_population_count3A_2839 = tpu.all_reduce %and3A_2795 {dim = 0 : i64, kind = #tpu.reduction_kind<sum>} : vector<16xi1> -> vector<16xi32>
      %slice3A_2840 = vector.extract_strided_slice %all_reduce_population_count3A_2839 {offsets = [0], sizes = [1], strides = [1]} : vector<16xi32> to vector<1xi32>
      %squeeze3A_2841 = vector.extract %slice3A_2840[0] : i32 from vector<1xi32>
      %all_reduce_population_count3A_2842 = tpu.all_reduce %and3A_2802 {dim = 0 : i64, kind = #tpu.reduction_kind<sum>} : vector<16xi1> -> vector<16xi32>
      %slice3A_2843 = vector.extract_strided_slice %all_reduce_population_count3A_2842 {offsets = [0], sizes = [1], strides = [1]} : vector<16xi32> to vector<1xi32>
      %squeeze3A_2844 = vector.extract %slice3A_2843[0] : i32 from vector<1xi32>
      %swap3A_2845 = arith.index_cast %add3A_2780 : i32 to index
      %swap3A_2846 = tpu.vector_load %arg10[%swap3A_2845] {strides = array<i32>} : memref<1312xi32, #tpu.memory_space<vmem>>, vector<16xi32>,
      tpu.vector_store %arg10[%swap3A_2845], %masked_sort3A_2829 {strides = array<i32>} : memref<1312xi32, #tpu.memory_space<vmem>>, vector<16xi32>,
      %add3A_2847 = arith.addi %add3A_2780, %squeeze3A_2841 : i32
      %swap3A_2848 = arith.index_cast %add3A_2847 : i32 to index
      %swap3A_2849 = tpu.vector_load %arg10[%swap3A_2848] {strides = array<i32>} : memref<1312xi32, #tpu.memory_space<vmem>>, vector<16xi32>,
      tpu.vector_store %arg10[%swap3A_2848], %masked_sort3A_2837 {strides = array<i32>} : memref<1312xi32, #tpu.memory_space<vmem>>, vector<16xi32>,
      %add3A_2850 = arith.addi %add3A_2780, %squeeze3A_2841 : i32
      %add3A_2851 = arith.addi %add3A_2850, %squeeze3A_2844 : i32
      %get3A_2852 = arith.constant 608 : index
      %get3A_2853 = tpu.vector_load %arg9[%get3A_2852] {strides = array<i32>} : memref<640xi32, #tpu.memory_space<vmem>>, vector<16xi32>,
      %get3A_2854 = arith.constant 608 : index
      %get3A_2855 = tpu.vector_load %arg8[%get3A_2854] {strides = array<i32>} : memref<640xi32, #tpu.memory_space<vmem>>, vector<16xi32>,
      %get3A_2856 = arith.constant 624 : index
      %get3A_2857 = tpu.vector_load %arg9[%get3A_2856] {strides = array<i32>} : memref<640xi32, #tpu.memory_space<vmem>>, vector<16xi32>,
      %get3A_2858 = arith.constant 624 : index
      %get3A_2859 = tpu.vector_load %arg8[%get3A_2858] {strides = array<i32>} : memref<640xi32, #tpu.memory_space<vmem>>, vector<16xi32>,
      %ge3A_2860 = vector.broadcast %mul3A_2 : i32 to vector<16xi32>
      %ge3A_2861 = arith.cmpi sge, %get3A_2853, %ge3A_2860 : vector<16xi32>
      %add3A_2862 = arith.constant 320 : i32
      %add3A_2863 = arith.addi %mul3A_2, %add3A_2862 : i32
      %lt3A_2864 = vector.broadcast %add3A_2863 : i32 to vector<16xi32>
      %lt3A_2865 = arith.cmpi slt, %get3A_2853, %lt3A_2864 : vector<16xi32>
      %and3A_2866 = arith.andi %ge3A_2861, %lt3A_2865 : vector<16xi1>
      %ge3A_2867 = vector.broadcast %mul3A_2 : i32 to vector<16xi32>
      %ge3A_2868 = arith.cmpi sge, %get3A_2857, %ge3A_2867 : vector<16xi32>
      %add3A_2869 = arith.constant 320 : i32
      %add3A_2870 = arith.addi %mul3A_2, %add3A_2869 : i32
      %lt3A_2871 = vector.broadcast %add3A_2870 : i32 to vector<16xi32>
      %lt3A_2872 = arith.cmpi slt, %get3A_2857, %lt3A_2871 : vector<16xi32>
      %and3A_2873 = arith.andi %ge3A_2868, %lt3A_2872 : vector<16xi1>
      %shift_left3A_2874 = arith.constant 9 : i32
      %shift_left3A_2875 = vector.broadcast %shift_left3A_2874 : i32 to vector<16xi32>
      %shift_left3A_2876 = arith.shli %get3A_2855, %shift_left3A_2875 : vector<16xi32>
      %sub3A_2877 = vector.broadcast %mul3A_2 : i32 to vector<16xi32>
      %sub3A_2878 = arith.subi %get3A_2853, %sub3A_2877 : vector<16xi32>
      %or3A_2879 = arith.ori %shift_left3A_2876, %sub3A_2878 : vector<16xi32>
      %shift_left3A_2880 = arith.constant 9 : i32
      %shift_left3A_2881 = vector.broadcast %shift_left3A_2880 : i32 to vector<16xi32>
      %shift_left3A_2882 = arith.shli %get3A_2859, %shift_left3A_2881 : vector<16xi32>
      %sub3A_2883 = vector.broadcast %mul3A_2 : i32 to vector<16xi32>
      %sub3A_2884 = arith.subi %get3A_2857, %sub3A_2883 : vector<16xi32>
      %or3A_2885 = arith.ori %shift_left3A_2882, %sub3A_2884 : vector<16xi32>
      %add3A_2886 = arith.constant 16 : i32
      %add3A_2887 = vector.broadcast %add3A_2886 : i32 to vector<16xi32>
      %add3A_2888 = arith.addi %iota3A, %add3A_2887 : vector<16xi32>
      %select_n3A_2889 = arith.select %and3A_2866, %iota3A, %add3A_2888 : vector<16xi1>, vector<16xi32>
      %add3A_2890 = arith.constant 16 : i32
      %add3A_2891 = vector.broadcast %add3A_2890 : i32 to vector<16xi32>
      %add3A_2892 = arith.addi %iota3A, %add3A_2891 : vector<16xi32>
      %select_n3A_2893 = arith.select %and3A_2873, %iota3A, %add3A_2892 : vector<16xi1>, vector<16xi32>
      %masked_sort3A_2894 = arith.constant dense<true> : vector<16xi1>
      %masked_sort3A_2895 = arith.constant -2147483648 : i32
      %masked_sort3A_2896 = vector.broadcast %masked_sort3A_2895 : i32 to vector<16xi32>
      %masked_sort3A_2897 = arith.xori %select_n3A_2889, %masked_sort3A_2896 : vector<16xi32>
      %masked_sort3A_2898, %masked_sort3A_2899, %masked_sort3A_2900 = tpu.sort %masked_sort3A_2897, %or3A_2879 masked %masked_sort3A_2894 : (vector<16xi32>, vector<16xi32>, vector<16xi1>) -> (vector<16xi1>, vector<16xi32>, vector<16xi32>)
      %masked_sort3A_2901 = arith.xori %masked_sort3A_2899, %masked_sort3A_2896 : vector<16xi32>
      %masked_sort3A_2902 = arith.constant dense<true> : vector<16xi1>
      %masked_sort3A_2903 = arith.constant -2147483648 : i32
      %masked_sort3A_2904 = vector.broadcast %masked_sort3A_2903 : i32 to vector<16xi32>
      %masked_sort3A_2905 = arith.xori %select_n3A_2893, %masked_sort3A_2904 : vector<16xi32>
      %masked_sort3A_2906, %masked_sort3A_2907, %masked_sort3A_2908 = tpu.sort %masked_sort3A_2905, %or3A_2885 masked %masked_sort3A_2902 : (vector<16xi32>, vector<16xi32>, vector<16xi1>) -> (vector<16xi1>, vector<16xi32>, vector<16xi32>)
      %masked_sort3A_2909 = arith.xori %masked_sort3A_2907, %masked_sort3A_2904 : vector<16xi32>
      %all_reduce_population_count3A_2910 = tpu.all_reduce %and3A_2866 {dim = 0 : i64, kind = #tpu.reduction_kind<sum>} : vector<16xi1> -> vector<16xi32>
      %slice3A_2911 = vector.extract_strided_slice %all_reduce_population_count3A_2910 {offsets = [0], sizes = [1], strides = [1]} : vector<16xi32> to vector<1xi32>
      %squeeze3A_2912 = vector.extract %slice3A_2911[0] : i32 from vector<1xi32>
      %all_reduce_population_count3A_2913 = tpu.all_reduce %and3A_2873 {dim = 0 : i64, kind = #tpu.reduction_kind<sum>} : vector<16xi1> -> vector<16xi32>
      %slice3A_2914 = vector.extract_strided_slice %all_reduce_population_count3A_2913 {offsets = [0], sizes = [1], strides = [1]} : vector<16xi32> to vector<1xi32>
      %squeeze3A_2915 = vector.extract %slice3A_2914[0] : i32 from vector<1xi32>
      %swap3A_2916 = arith.index_cast %add3A_2851 : i32 to index
      %swap3A_2917 = tpu.vector_load %arg10[%swap3A_2916] {strides = array<i32>} : memref<1312xi32, #tpu.memory_space<vmem>>, vector<16xi32>,
      tpu.vector_store %arg10[%swap3A_2916], %masked_sort3A_2900 {strides = array<i32>} : memref<1312xi32, #tpu.memory_space<vmem>>, vector<16xi32>,
      %add3A_2918 = arith.addi %add3A_2851, %squeeze3A_2912 : i32
      %swap3A_2919 = arith.index_cast %add3A_2918 : i32 to index
      %swap3A_2920 = tpu.vector_load %arg10[%swap3A_2919] {strides = array<i32>} : memref<1312xi32, #tpu.memory_space<vmem>>, vector<16xi32>,
      tpu.vector_store %arg10[%swap3A_2919], %masked_sort3A_2908 {strides = array<i32>} : memref<1312xi32, #tpu.memory_space<vmem>>, vector<16xi32>,
      %add3A_2921 = arith.addi %add3A_2851, %squeeze3A_2912 : i32
      %add3A_2922 = arith.addi %add3A_2921, %squeeze3A_2915 : i32
      %ge3A_2923 = arith.constant 640 : i32
      %ge3A_2924 = arith.cmpi sge, %add3A_2922, %ge3A_2923 : i32
      %convert_element_type3A_2925 = arith.extui %ge3A_2924 : i1 to i32
      %cond3A_2926 = arith.constant 0 : i32
      %cond3A_2927 = arith.cmpi ne, %convert_element_type3A_2925, %cond3A_2926 : i32
      scf.if %cond3A_2927 {
        %add3A_2939 = arith.addi %mul3A_4, %select_n3A_1489 : i32
        %multiple_of3A_2940 = tpu.assume_multiple %add3A_2939, 640 : i32
        "tpu.region"() ({
          %run_scoped3A = tpu.sem_alloc : memref<!tpu.dma_semaphore, #tpu.memory_space<semaphore_mem>>
          %dma_start3A_2947 = arith.constant 0 : i32
          %dma_start3A_2948 = tpu.memref_slice %arg10[%dma_start3A_2947] : memref<1312xi32, #tpu.memory_space<vmem>> -> memref<640xi32, #tpu.memory_space<vmem>>
          %dma_start3A_2949 = tpu.memref_slice %arg4[%multiple_of3A_2940] : memref<5144576xi32, #tpu.memory_space<hbm>> -> memref<640xi32, #tpu.memory_space<hbm>>
          %dma_start3A_2950 = tpu.memref_slice %arg4[%multiple_of3A_2940] : memref<5144576xi32, #tpu.memory_space<hbm>> -> memref<640xi32, #tpu.memory_space<hbm>>
          %dma_start3A_2951 = arith.constant 0 : i32
          %dma_start3A_2952 = tpu.memref_slice %arg10[%dma_start3A_2951] : memref<1312xi32, #tpu.memory_space<vmem>> -> memref<640xi32, #tpu.memory_space<vmem>>
          tpu.enqueue_dma source(%dma_start3A_2952 : memref<640xi32, #tpu.memory_space<vmem>>) target(%dma_start3A_2950 : memref<640xi32, #tpu.memory_space<hbm>>) target_semaphore(%run_scoped3A : memref<!tpu.dma_semaphore, #tpu.memory_space<semaphore_mem>>)
          %dma_wait3A_2953 = arith.constant 0 : i32
          %dma_wait3A_2954 = tpu.memref_slice %arg10[%dma_wait3A_2953] : memref<1312xi32, #tpu.memory_space<vmem>> -> memref<640xi32, #tpu.memory_space<vmem>>
          %dma_wait3A_2955 = tpu.memref_slice %arg4[%multiple_of3A_2940] : memref<5144576xi32, #tpu.memory_space<hbm>> -> memref<640xi32, #tpu.memory_space<hbm>>
          %dma_wait3A_2956 = tpu.memref_slice %arg4[%multiple_of3A_2940] : memref<5144576xi32, #tpu.memory_space<hbm>> -> memref<640xi32, #tpu.memory_space<hbm>>
          %dma_wait3A_2957 = arith.constant 0 : i32
          %dma_wait3A_2958 = tpu.memref_slice %arg10[%dma_wait3A_2957] : memref<1312xi32, #tpu.memory_space<vmem>> -> memref<640xi32, #tpu.memory_space<vmem>>
          tpu.wait_dma2 semaphore(%run_scoped3A : memref<!tpu.dma_semaphore, #tpu.memory_space<semaphore_mem>>) src(%dma_wait3A_2958 : memref<640xi32, #tpu.memory_space<vmem>>) dst(%dma_wait3A_2956 : memref<640xi32, #tpu.memory_space<hbm>>)
          tpu.yield
        }) : () -> ()
        %scan3A_2941 = arith.constant 0 : i32
        %scan3A_2942 = arith.constant 0 : i32
        %scan3A_2943 = arith.constant 42 : i32
        %scan3A_2944 = arith.addi %scan3A_2942, %scan3A_2943 : i32
        %scan3A_2945 = arith.constant 1 : i32
        scf.for %scan3A_2947 = %scan3A_2942 to %scan3A_2944 step %scan3A_2945  : i32 {
          %mul3A_2948 = arith.constant 16 : i32
          %mul3A_2949 = arith.muli %scan3A_2947, %mul3A_2948 : i32
          %add3A_2950 = arith.constant 640 : i32
          %add3A_2951 = arith.addi %add3A_2950, %mul3A_2949 : i32
          %get3A_2952 = arith.index_cast %add3A_2951 : i32 to index
          %get3A_2953 = tpu.vector_load %arg10[%get3A_2952] {strides = array<i32>} : memref<1312xi32, #tpu.memory_space<vmem>>, vector<16xi32>,
          %mul3A_2954 = arith.constant 16 : i32
          %mul3A_2955 = arith.muli %scan3A_2947, %mul3A_2954 : i32
          %swap3A_2956 = arith.index_cast %mul3A_2955 : i32 to index
          %swap3A_2957 = tpu.vector_load %arg10[%swap3A_2956] {strides = array<i32>} : memref<1312xi32, #tpu.memory_space<vmem>>, vector<16xi32>,
          tpu.vector_store %arg10[%swap3A_2956], %get3A_2953 {strides = array<i32>} : memref<1312xi32, #tpu.memory_space<vmem>>, vector<16xi32>,
        }
        %scan3A_2946 = arith.constant 42 : i32
      } else {
      }
      %sub3A_2928 = arith.constant 640 : i32
      %sub3A_2929 = arith.subi %add3A_2922, %sub3A_2928 : i32
      %select_n3A_2930 = arith.select %ge3A_2924, %sub3A_2929, %add3A_2922 : i32
      %add3A_2931 = arith.constant 640 : i32
      %add3A_2932 = arith.addi %select_n3A_1489, %add3A_2931 : i32
      %select_n3A_2933 = arith.select %ge3A_2924, %add3A_2932, %select_n3A_1489 : i32
      %lt3A_2934 = arith.constant 124 : i32
      %lt3A_2935 = arith.cmpi slt, %scan3A_60, %lt3A_2934 : i32
      %convert_element_type3A_2936 = arith.extui %lt3A_2935 : i1 to i32
      %cond3A_2937 = arith.constant 0 : i32
      %cond3A_2938 = arith.cmpi ne, %convert_element_type3A_2936, %cond3A_2937 : i32
      scf.if %cond3A_2938 {
        %mul3A_2939 = arith.constant 2 : i32
        %mul3A_2940 = arith.muli %mul3A_2939, %scan3A_60 : i32
        %add3A_2941 = arith.constant 3 : i32
        %add3A_2942 = arith.addi %mul3A_2940, %add3A_2941 : i32
        %mul3A_2943 = arith.constant 640 : i32
        %mul3A_2944 = arith.muli %add3A_2942, %mul3A_2943 : i32
        %multiple_of3A_2945 = tpu.assume_multiple %mul3A_2944, 640 : i32
        %dma_start3A_2946 = tpu.memref_slice %arg2[%multiple_of3A_2945] : memref<160000xi32, #tpu.memory_space<hbm>> -> memref<640xi32, #tpu.memory_space<hbm>>
        %dma_start3A_2947 = tpu.memref_slice %arg2[%multiple_of3A_2945] : memref<160000xi32, #tpu.memory_space<hbm>> -> memref<640xi32, #tpu.memory_space<hbm>>
        tpu.enqueue_dma source(%dma_start3A_2947 : memref<640xi32, #tpu.memory_space<hbm>>) target(%arg8 : memref<640xi32, #tpu.memory_space<vmem>>) target_semaphore(%arg14 : memref<!tpu.dma_semaphore, #tpu.memory_space<semaphore_mem>>)
        %dma_start3A_2948 = tpu.memref_slice %arg3[%multiple_of3A_2945] : memref<160000xi32, #tpu.memory_space<hbm>> -> memref<640xi32, #tpu.memory_space<hbm>>
        %dma_start3A_2949 = tpu.memref_slice %arg3[%multiple_of3A_2945] : memref<160000xi32, #tpu.memory_space<hbm>> -> memref<640xi32, #tpu.memory_space<hbm>>
        tpu.enqueue_dma source(%dma_start3A_2949 : memref<640xi32, #tpu.memory_space<hbm>>) target(%arg9 : memref<640xi32, #tpu.memory_space<vmem>>) target_semaphore(%arg15 : memref<!tpu.dma_semaphore, #tpu.memory_space<semaphore_mem>>)
      } else {
      }
      scf.yield %select_n3A_2930, %select_n3A_2933 : i32, i32
    }
    %scan3A_26 = arith.constant 125 : i32
    %add3A_27 = arith.constant 128 : i32
    %add3A_28 = arith.addi %scan3A_25#0, %add3A_27 : i32
    %sub3A = arith.constant 1 : i32
    %sub3A_29 = arith.subi %add3A_28, %sub3A : i32
    %jit3A = arith.constant 128 : i32
    %div3A = arith.divsi %sub3A_29, %jit3A : i32
    %sign3A = arith.constant 0 : i32
    %sign3A_30 = arith.cmpi sgt, %sub3A_29, %sign3A : i32
    %sign3A_31 = arith.extui %sign3A_30 : i1 to i32
    %sign3A_32 = arith.constant 0 : i32
    %sign3A_33 = arith.cmpi slt, %sub3A_29, %sign3A_32 : i32
    %sign3A_34 = arith.extui %sign3A_33 : i1 to i32
    %sign3A_35 = arith.subi %sign3A_31, %sign3A_34 : i32
    %sign3A_36 = arith.constant 0 : i32
    %sign3A_37 = arith.cmpi sgt, %jit3A, %sign3A_36 : i32
    %sign3A_38 = arith.extui %sign3A_37 : i1 to i32
    %sign3A_39 = arith.constant 0 : i32
    %sign3A_40 = arith.cmpi slt, %jit3A, %sign3A_39 : i32
    %sign3A_41 = arith.extui %sign3A_40 : i1 to i32
    %sign3A_42 = arith.subi %sign3A_38, %sign3A_41 : i32
    %ne3A = arith.cmpi ne, %sign3A_35, %sign3A_42 : i32
    %rem3A = arith.remsi %sub3A_29, %jit3A : i32
    %ne3A_43 = arith.constant 0 : i32
    %ne3A_44 = arith.cmpi ne, %rem3A, %ne3A_43 : i32
    %and3A = arith.andi %ne3A, %ne3A_44 : i1
    %sub3A_45 = arith.constant 1 : i32
    %sub3A_46 = arith.subi %div3A, %sub3A_45 : i32
    %select_n3A = arith.select %and3A, %sub3A_46, %div3A : i32
    %mul3A_47 = arith.constant 128 : i32
    %mul3A_48 = arith.muli %select_n3A, %mul3A_47 : i32
    %scan3A_49 = arith.constant 0 : i32
    %scan3A_50 = arith.constant 0 : i32
    %scan3A_51 = arith.constant 82 : i32
    %scan3A_52 = arith.addi %scan3A_50, %scan3A_51 : i32
    %scan3A_53 = arith.constant 1 : i32
    scf.for %scan3A_60 = %scan3A_50 to %scan3A_52 step %scan3A_53  : i32 {
      %mul3A_61 = arith.constant 16 : i32
      %mul3A_62 = arith.muli %scan3A_60, %mul3A_61 : i32
      %get3A = arith.index_cast %mul3A_62 : i32 to index
      %get3A_63 = tpu.vector_load %arg10[%get3A] {strides = array<i32>} : memref<1312xi32, #tpu.memory_space<vmem>>, vector<16xi32>,
      %add3A_64 = vector.broadcast %mul3A_62 : i32 to vector<16xi32>
      %add3A_65 = arith.addi %add3A_64, %iota3A : vector<16xi32>
      %lt3A = vector.broadcast %scan3A_25#0 : i32 to vector<16xi32>
      %lt3A_66 = arith.cmpi slt, %add3A_65, %lt3A : vector<16xi32>
      %jit3A_67 = arith.constant 320 : i32
      %broadcast_in_dim3A_68 = vector.broadcast %jit3A_67 : i32 to vector<16xi32>
      %select_n3A_69 = arith.select %lt3A_66, %get3A_63, %broadcast_in_dim3A_68 : vector<16xi1>, vector<16xi32>
      %swap3A_70 = arith.index_cast %mul3A_62 : i32 to index
      %swap3A_71 = tpu.vector_load %arg10[%swap3A_70] {strides = array<i32>} : memref<1312xi32, #tpu.memory_space<vmem>>, vector<16xi32>,
      tpu.vector_store %arg10[%swap3A_70], %select_n3A_69 {strides = array<i32>} : memref<1312xi32, #tpu.memory_space<vmem>>, vector<16xi32>,
    }
    %scan3A_54 = arith.constant 82 : i32
    %add3A_55 = arith.addi %mul3A_4, %scan3A_25#1 : i32
    %multiple_of3A = tpu.assume_multiple %add3A_55, 32 : i32
    "tpu.region"() ({
      %run_scoped3A = tpu.sem_alloc : memref<!tpu.dma_semaphore, #tpu.memory_space<semaphore_mem>>
      %dma_start3A_60 = tpu.memref_slice %arg4[%multiple_of3A] : memref<5144576xi32, #tpu.memory_space<hbm>> -> memref<1312xi32, #tpu.memory_space<hbm>>
      %dma_start3A_61 = tpu.memref_slice %arg4[%multiple_of3A] : memref<5144576xi32, #tpu.memory_space<hbm>> -> memref<1312xi32, #tpu.memory_space<hbm>>
      tpu.enqueue_dma source(%arg10 : memref<1312xi32, #tpu.memory_space<vmem>>) target(%dma_start3A_61 : memref<1312xi32, #tpu.memory_space<hbm>>) target_semaphore(%run_scoped3A : memref<!tpu.dma_semaphore, #tpu.memory_space<semaphore_mem>>)
      %dma_wait3A = tpu.memref_slice %arg4[%multiple_of3A] : memref<5144576xi32, #tpu.memory_space<hbm>> -> memref<1312xi32, #tpu.memory_space<hbm>>
      %dma_wait3A_62 = tpu.memref_slice %arg4[%multiple_of3A] : memref<5144576xi32, #tpu.memory_space<hbm>> -> memref<1312xi32, #tpu.memory_space<hbm>>
      tpu.wait_dma2 semaphore(%run_scoped3A : memref<!tpu.dma_semaphore, #tpu.memory_space<semaphore_mem>>) src(%arg10 : memref<1312xi32, #tpu.memory_space<vmem>>) dst(%dma_wait3A_62 : memref<1312xi32, #tpu.memory_space<hbm>>)
      tpu.yield
    }) : () -> ()
    %add3A_56 = arith.addi %scan3A_25#1, %mul3A_48 : i32
    %broadcast_in_dim3A = vector.broadcast %add3A_56 : i32 to vector<16xi32>
    %swap3A = arith.constant 0 : index
    %swap3A_57 = tpu.vector_load %arg11[%swap3A] {strides = array<i32>} : memref<16xi32, #tpu.memory_space<vmem>>, vector<16xi32>,
    tpu.vector_store %arg11[%swap3A], %broadcast_in_dim3A {strides = array<i32>} : memref<16xi32, #tpu.memory_space<vmem>>, vector<16xi32>,
    %mul3A_58 = arith.constant 16 : i32
    %mul3A_59 = arith.muli %add3A, %mul3A_58 : i32
    "tpu.region"() ({
      %run_scoped3A = tpu.sem_alloc : memref<!tpu.dma_semaphore, #tpu.memory_space<semaphore_mem>>
      %dma_start3A_60 = tpu.memref_slice %arg5[%mul3A_59] : memref<512xi32, #tpu.memory_space<hbm>> -> memref<16xi32, #tpu.memory_space<hbm>>
      %dma_start3A_61 = tpu.memref_slice %arg5[%mul3A_59] : memref<512xi32, #tpu.memory_space<hbm>> -> memref<16xi32, #tpu.memory_space<hbm>>
      tpu.enqueue_dma source(%arg11 : memref<16xi32, #tpu.memory_space<vmem>>) target(%dma_start3A_61 : memref<16xi32, #tpu.memory_space<hbm>>) target_semaphore(%run_scoped3A : memref<!tpu.dma_semaphore, #tpu.memory_space<semaphore_mem>>)
      %dma_wait3A = tpu.memref_slice %arg5[%mul3A_59] : memref<512xi32, #tpu.memory_space<hbm>> -> memref<16xi32, #tpu.memory_space<hbm>>
      %dma_wait3A_62 = tpu.memref_slice %arg5[%mul3A_59] : memref<512xi32, #tpu.memory_space<hbm>> -> memref<16xi32, #tpu.memory_space<hbm>>
      tpu.wait_dma2 semaphore(%run_scoped3A : memref<!tpu.dma_semaphore, #tpu.memory_space<semaphore_mem>>) src(%arg11 : memref<16xi32, #tpu.memory_space<vmem>>) dst(%dma_wait3A_62 : memref<16xi32, #tpu.memory_space<hbm>>)
      tpu.yield
    }) : () -> ()
    return
  }
}

</mosaic_0001>

<sc_bundles>
// kernel: _agg_build.3.cloned.1.call-start
scs
__scs_entry_jumppad:
0x0: {  	(pc) =	sbr.rel $0x88, $3  }
0x1: {  	(tag) =	ssettag $0x0;
	lr =	simm.s32 $0x1  }
0x2: {  	[smem:$0x3F9F] =	sst lr;
	_ =	strace $0xD0000000  }
0x3: {  	_ = 	snop  }
0x4: {  	_ = 	snop  }
0x5: {  	_ = 	snop  }
0x6: {  	_ = 	snop  }
0x7: {  	_ = 	snop  }
__scs_overlays_trampoline_lowered:
0x8: {  	[smem:$0x3FAE] =	sst s0  }
0x9: {  	[smem:$0x3FAF] =	sst s1  }
0xa: {  	[smem:$0x3FB0] =	sst s2  }
0xb: {  	[smem:$0x3FB1] =	sst s3  }
0xc: {  	[smem:$0x3FB2] =	sst s4  }
0xd: {  	[smem:$0x3FB3] =	sst s5  }
0xe: {  	[smem:$0x3FB4] =	sst s6  }
0xf: {  	[smem:$0x3FB5] =	sst s7  }
0x10: {  	[smem:$0x3FB6] =	sst s8  }
0x11: {  	[smem:$0x3FB7] =	sst s9;
	s0 =	simm.s32 @!p0 $0x0  }
0x12: {  	s1 =	sld [smem:$0x3F9D];
	s0 =	simm.s32 @p0 $0x1  }
0x13: {  	[smem:$0x3FB8] =	sst s0;
	s0 =	simm.s32 @!p1 $0x0  }
0x14: {  	s2 =	sld [smem:$0x3F9C];
	s0 =	simm.s32 @p1 $0x1  }
0x15: {  	[smem:$0x3FB9] =	sst s0;
	s0 =	simm.s32 @!p2 $0x0  }
0x16: {  	s3 =	sld [smem:$0x3FDB];
	s0 =	simm.s32 @p2 $0x1  }
0x17: {  	s4 =	simm.s32 $0x1BF5;
	[smem:$0x3FBB] =	sst s0  }
0x18: {  	s0 =	sld [smem:$0x3F9E];
	_ =	swait.ge [sflag:s4], $0x0  }
0x19: {  	s7 =	sld [smem:$0x3F9F]  }
0x1a: {  	s8 =	sadd.s32 $0xFFFFE003, lr  }
0x1b: {  	s9 =	sadd.s32 $0xFFFFFEF7, lr;
	s5 =	simm.s32 $0xFFFFFFFF;
	p2 =	slt.u32 s8, $0xFFFFF086  }
0x1c: {  	p1 =	slt.u32 s9, $0xF7A;
	s5 =	simm.s32 @!p2 $0x0  }
0x1d: {  	s5 =	simm.s32 @p1 $0x1;
	p0 =	seq.s32 s7, s2  }
0x1e: {  	s7 =	smul.u32 @!p0 $0xF7A, s2;
	p2 =	seq.s32 @!p0 s5, $0x0  }
0x1f: {  	s9 =	smul.u32 $0xF7A, s1;
	s8 =	simm.s32 @!p0 $0x1BF5;
	p2 =	por !p2, p0  }
0x20: {  	[sflag:s8] =	ssyncset.s32 @!p0 $0xFFFFF086;
	s6 =	sadd.s32 @!p0 s3, s7;
	s7 =	simm.s32 @!p0 $0x108  }
0x21: {  	s3 =	sadd.s32 s3, s9;
	s6 =	sadd.s32 @!p0 $0x88, s6;
	s7 =	simm.s32 @p2 $0x1082  }
0x22: {  	[simem:s7], [sflag:s8] =	dma.local @!p0 [hbm:s6], $0xF7A  }
0x23: {  	s9 =	sor.u32 $0xD0000000, s2;
	s6 =	simm.s32 $0x108;
	_ =	swait.ge @!p0 [sflag:s8], $0x0  }
0x24: {  	s3 =	sadd.s32 $0x88, s3;
	s6 =	simm.s32 @!p1 $0x1082;
	[sflag:s4] =	ssyncset.s32 $0xFFFFF086  }
0x25: {  	[simem:s6], [sflag:s4] =	dma.local [hbm:s3], $0xF7A  }
0x26: {  	[smem:$0x3F9F] =	sst s1;
	(tag) =	ssettag s2;
	_ =	strace s9  }
0x27: {  	s1 =	sld [smem:$0x3FAF]  }
0x28: {  	s2 =	sld [smem:$0x3FB0]  }
0x29: {  	s4 =	sld [smem:$0x3FB2]  }
0x2a: {  	p0 =	seq.s32 s5, $0x0;
	s5 =	sld [smem:$0x3FB3]  }
0x2b: {  	s6 =	sld [smem:$0x3FB4]  }
0x2c: {  	s7 =	sld [smem:$0x3FB5]  }
0x2d: {  	s3 =	simm.s32 $0x108;
	s8 =	sld [smem:$0x3FB6]  }
0x2e: {  	s3 =	simm.s32 @!p0 $0x1082;
	s9 =	sld [smem:$0x3FB7]  }
0x2f: {  	lr =	sadd.s32 s0, s3;
	s0 =	sld [smem:$0x3FAE]  }
0x30: {  	s3 =	sld [smem:$0x3FB1]  }
0x31: {  	[smem:$0x3FBA] =	sst s10  }
0x32: {  	s10 =	sld [smem:$0x3FB8];
	_ =	sdelay $0x3  }
0x33: {  	p0 =	seq.s32 s10, $0x1;
	s10 =	sld [smem:$0x3FBA];
	_ =	sdelay $0x3  }
0x34: {  	[smem:$0x3FBA] =	sst s10  }
0x35: {  	s10 =	sld [smem:$0x3FB9];
	_ =	sdelay $0x3  }
0x36: {  	p1 =	seq.s32 s10, $0x1;
	s10 =	sld [smem:$0x3FBA];
	_ =	sdelay $0x3  }
0x37: {  	[smem:$0x3FBA] =	sst s10  }
0x38: {  	s10 =	sld [smem:$0x3FBB]  }
0x39: {  	_ = 	snop;
	(pc) =	sbr.ind lr, $3  }
0x3a: {  	_ = 	snop  }
0x3b: {  	_ = 	snop  }
0x3c: {  	p2 =	seq.s32 s10, $0x1;
	s10 =	sld [smem:$0x3FBA]  }
0x3d: {  	_ =	shalt  }
0x3e: {  	_ =	shalt  }
0x3f: {  	_ =	shalt  }
0x40: {  	_ =	shalt  }
0x41: {  	_ =	shalt  }
0x42: {  	_ =	shalt  }
0x43: {  	_ =	shalt  }
0x44: {  	_ =	shalt  }
0x45: {  	_ =	shalt  }
0x46: {  	_ =	shalt  }
0x47: {  	_ =	shalt  }
0x48: {  	_ =	shalt  }
0x49: {  	_ =	shalt  }
0x4a: {  	_ =	shalt  }
0x4b: {  	_ =	shalt  }
0x4c: {  	_ =	shalt  }
0x4d: {  	_ =	shalt  }
0x4e: {  	_ =	shalt  }
0x4f: {  	_ =	shalt  }
0x50: {  	_ =	shalt  }
0x51: {  	_ =	shalt  }
0x52: {  	_ =	shalt  }
0x53: {  	_ =	shalt  }
0x54: {  	_ =	shalt  }
0x55: {  	_ =	shalt  }
0x56: {  	_ =	shalt  }
0x57: {  	_ =	shalt  }
0x58: {  	_ =	shalt  }
0x59: {  	_ =	shalt  }
0x5a: {  	_ =	shalt  }
0x5b: {  	_ =	shalt  }
0x5c: {  	_ =	shalt  }
0x5d: {  	_ =	shalt  }
0x5e: {  	_ =	shalt  }
0x5f: {  	_ =	shalt  }
0x60: {  	_ =	shalt  }
0x61: {  	_ =	shalt  }
0x62: {  	_ =	shalt  }
0x63: {  	_ =	shalt  }
0x64: {  	_ =	shalt  }
0x65: {  	_ =	shalt  }
0x66: {  	_ =	shalt  }
0x67: {  	_ =	shalt  }
0x68: {  	_ =	shalt  }
0x69: {  	_ =	shalt  }
0x6a: {  	_ =	shalt  }
0x6b: {  	_ =	shalt  }
0x6c: {  	_ =	shalt  }
0x6d: {  	_ =	shalt  }
0x6e: {  	_ =	shalt  }
0x6f: {  	_ =	shalt  }
0x70: {  	_ =	shalt  }
0x71: {  	_ =	shalt  }
0x72: {  	_ =	shalt  }
0x73: {  	_ =	shalt  }
0x74: {  	_ =	shalt  }
0x75: {  	_ =	shalt  }
0x76: {  	_ =	shalt  }
0x77: {  	_ =	shalt  }
0x78: {  	_ =	shalt  }
0x79: {  	_ =	shalt  }
0x7a: {  	_ =	shalt  }
0x7b: {  	_ =	shalt  }
0x7c: {  	_ =	shalt  }
0x7d: {  	_ =	shalt  }
0x7e: {  	_ =	shalt  }
0x7f: {  	_ =	shalt  }
0x80: {  	_ =	shalt  }
0x81: {  	_ =	shalt  }
0x82: {  	_ =	shalt  }
0x83: {  	_ =	shalt  }
0x84: {  	_ =	shalt  }
0x85: {  	_ =	shalt  }
0x86: {  	_ =	shalt  }
0x87: {  	_ =	shalt  }
.Lfunc_end0:
.L_simem_size_0:
called_computation_lowered:
.L_overlay_start_0:
0x88: {  	s2 =	sld [smem:$0x3FD9]  }
0x89: {  	s3 =	sld [smem:$0x3FFE];
	_ =	sdelay $0x1  }
0x8a: {  	s1 =	srdreg.scid  }
0x8b: {  	s0 =	sand.u32 $0x1, s1  }
0x8c: {  	s15 =	sshll.u32 s0, $0xA;
	s2 =	sadd.s32 s3, s2  }
0x8d: {  	s2 =	sadd.s32 s2, s15  }
0x8e: {  	[smem:$0x3FC6] =	sst s2  }
0x8f: {  	_ = 	snop  }
0x90: {  	s2 =	sld [smem:$0x3FD0];
	_ =	sdelay $0x1  }
0x91: {  	s16 =	sld [smem:$0x3FC9]  }
0x92: {  	s5 =	simm.s32 $0xA;
	s6 =	simm.s32 $0x10;
	s4 =	sld [smem:$0x3FC8]  }
0x93: {  	[smem:s6], [sflag:s5] =	dma.local [hbm:s2], $0x1  }
0x94: {  	_ =	swait.eq [sflag:s5], $0x1  }
0x95: {  	[sflag:s5] =	ssyncset.done $0x0  }
0x96: {  	s17 =	sld [smem:$0x10];
	[sflag:s5] =	ssyncadd.s32 $0xFFFFFFFF  }
0x97: {  	s18 =	sld [smem:$0x11];
	(tm) =	ssettm $0x1  }
0x98: {  	s19 =	sld [smem:$0x3FFB];
	_ =	sdelay $0x3  }
0x99: {  	_ =	strace s19  }
0x9a: {  	s6 =	sld [smem:$0x3FFC];
	_ =	sdelay $0x3  }
0x9b: {  	_ =	strace s6  }
0x9c: {  	s6 =	sld [smem:$0x3FFD];
	_ =	sdelay $0x3  }
0x9d: {  	_ =	strace s6  }
0x9e: {  	_ =	strace $0x8FFFFFFF  }
0x9f: {  	s20 =	sld [smem:$0x3FDB];
	_ =	sdelay $0x1  }
0xa0: {  	s7 =	simm.s32 $_scs_section_size  }
0xa1: {  	s8 =	simm.s32 $_size__tile_overlayer_lowered;
	s9 =	simm.s32 $_tile_overlayer_lowered  }
0xa2: {  	s23 =	simm.s32 $0x1BFF;
	s22 =	sshll.u32 s9, $0x1;
	s6 =	sadd.s32 s7, s20  }
0xa3: {  	s10 =	simm.s32 $0x0;
	s21 =	sshll.u32 s8, $0x1;
	s8 =	sadd.s32 s22, s6  }
0xa4: {  	[timem:s10], [sflag:s23] =	dma.local [hbm:s8], s21  }
0xa5: {  	_ =	swait.ge [sflag:s23], s21  }
0xa6: {  	s7 =	ssub.s32 $0x0, s21;
	[sflag:s23] =	ssyncset.done $0x0  }
0xa7: {  	[sflag:s23] =	ssyncadd.s32 s7;
	_ =	sdelay $0x1  }
0xa8: {  	s24 =	simm.s32 $0x1B8B  }
0xa9: {  	_ =	swait.ge [sflag:s24], $0x1  }
0xaa: {  	[sflag:s24] =	ssyncset.done $0x0  }
0xab: {  	s25 =	simm.s32 $0x1B8E;
	[sflag:s24] =	ssyncadd.s32 $0xFFFFFFFF  }
0xac: {  	s26 =	simm.s32 $execute0_lowered;
	[smem:$0x3FD2] =	sst s25  }
0xad: {  	s7 =	sshll.u32 s26, $0x1;
	_ =	strace $0x80000046;
	[dreg:$0x1] =	wrdreg $0xFFFFFFFF  }
0xae: {  	s28 =	simm.s32 $_size_execute0_lowered;
	s6 =	sadd.s32 s6, s7;
	[dreg:$0x0] =	wrdreg $0x0  }
0xaf: {  	s7 =	sshll.u32 s28, $0x1;
	[dreg:$0x2] =	wrdreg s6  }
0xb0: {  	[dreg:$0x3] =	wrdreg s7  }
0xb1: {  	[dreg:$0x4] =	wrdreg $0xC0  }
0xb2: {  	_ =	task [dreg:s10], $0x5FFFF  }
0xb3: {  	[dreg:$0x1] =	wrdreg $0xFFFFFFFF  }
0xb4: {  	[dreg:$0x0] =	wrdreg $0x60  }
0xb5: {  	[dreg:$0x2] =	wrdreg s16  }
0xb6: {  	[dreg:$0x3] =	wrdreg s4  }
0xb7: {  	[dreg:$0x4] =	wrdreg s17  }
0xb8: {  	[dreg:$0x5] =	wrdreg s18  }
0xb9: {  	[dreg:$0x6] =	wrdreg $0x9  }
0xba: {  	_ =	task.clear_ibuf [dreg:s10], $0x7FFFF;
	_ =	strace $0x90000046  }
0xbb: {  	s29 =	simm.s32 $0x9;
	_ =	strace $0x80000048  }
0xbc: {  	_ =	swait.ge [sflag:s29], $0x1  }
0xbd: {  	[sflag:s29] =	ssyncadd.s32 $0xFFFFFFFF  }
0xbe: {  	_ =	strace $0x90000048  }
0xbf: {  	_ =	sfence  }
0xc0: {  	s30 =	sld [smem:$0x0];
	_ =	sdelay $0x2  }
0xc1: {  	s31 =	sshll.u32 s1, $0xD;
	s1 =	sshrl.u32 s1, $0x2  }
0xc2: {  	s3 =	sand.u32 $0x4000, s31;
	s1 =	sadd.s32 s1, s30  }
0xc3: {  	s0 =	sor.u32 s3, s0;
	s1 =	sshll.u32 s1, $0x11  }
0xc4: {  	s0 =	sor.u32 s1, s0  }
0xc5: {  	s0 =	sadd.s32 $0x8F2B, s0  }
0xc6: {  	[sflag:s0] =	ssyncadd.remote.s32 $0x1  }
0xc7: {  	_ =	sfence.sel $0xFFFF  }
0xc8: {  	[dreg:$0x0] =	wrdreg $0xFFFFFFFF;
	(pc) =	sbr.abs _section_cstart, $3  }
0xc9: {  	[dreg:$0x1] =	wrdreg $0xFFFFFFFF  }
0xca: {  	_ =	task.clear_ibuf [dreg:s10], $0x2FFFF;
	_ =	strace $0x9FFFFFFF  }
0xcb: {  	(tm) =	ssettm $0x7FFFFFFF  }
tec
execute0_lowered:
.L_overlay_start_1:
0x0: {  	(tag) =	ssettag $0x1  }
0x1: {  	s1 =	rddreg [dreg:$0x0]  }
0x2: {  	s2 =	rddreg [dreg:$0x1]  }
0x3: {  	s3 =	rddreg [dreg:$0x2];
	s0 =	srdreg.scid  }
0x4: {  	s10 =	rddreg [dreg:$0x3];
	s4 =	stileid.u32  }
0x5: {  	s5 =	simm.s32 $0x0;
	s13 =	simm.s32 $0x500;
	s14 =	simm.s32 $0x780  }
0x6: {  	s15 =	simm.s32 $0x1;
	s16 =	simm.s32 $0x2;
	s18 =	simm.s32 $0x3  }
0x7: {  	s19 =	simm.s32 $0x4;
	s6 =	sand.u32 $0x1, s0;
	s0 =	rddreg [dreg:$0x4]  }
0x8: {  	s21 =	simm.s32 $0xF80;
	s22 =	simm.s32 $0x0;
	[smem:$0x7FF] =	sst s5  }
0x9: {  	s8 =	sadd.s32 $0x50, s2;
	s7 =	sshll.u32 s6, $0x4;
	s6 =	ssub.s32 $0x2, s6  }
0xa: {  	_ =	strace $0x80000047;
	s9 =	sor.u32 s4, s7;
	s31 =	sshrl.u32 s6, $0x1  }
0xb: {  	s7 =	sadd.s32 $0x50, s1;
	s17 =	smul.u32 $0x140, s9;
	s11 =	ssub.s32 s6, s31  }
0xc: {  	v1 =	vlaneseq.u32;
	s6 =	smul.u32 $0x27400, s9;
	s12 =	sshll.u32 s9, $0x1;
	s9 =	sadd.s32 $0x3FEA, s4  }
0xd: {  	v3 =	vor.u32 $0x80000010, v1;
	s10 =	sadd.s32 s10, s12;
	s11 =	smax.u32 s11, $0x1;
	s20 =	sadd.s32 $0x140, s17  }
0xe: {  	v4 =	vor.u32 $0x80000000, v1;
	s12 =	simm.s32 $0x280;
	v0 =	vmov s17;
	s17 =	simm.s32 $0x5;
	v2 =	vmov s20;
	s20 =	simm.s32 $0xA00  }
.LBB2_1:
0xf: {  	[tilespmem:s5], [sflag:$0x1] =	stream.linear.gather [hbm4b:s1+s5], $0x280, $0x38;
	[tilespmem:$0x1000] =	vst v63  }
0x10: {  	_ = 	snop  }
0x11: {  	[tilespmem:s12], [sflag:$0x2] =	stream.linear.gather [hbm4b:s2+s5], $0x280, $0x38;
	[tilespmem:$0x1000] =	vst v63  }
0x12: {  	_ = 	snop  }
0x13: {  	[tilespmem:s13], [sflag:$0x3] =	stream.linear.gather [hbm4b:s7+s5], $0x280, $0x38;
	[tilespmem:$0x1000] =	vst v63  }
0x14: {  	s23 =	simm.s32 $0x0;
	s25 =	simm.s32 $0x0;
	s24 =	simm.s32 $0x0  }
0x15: {  	[tilespmem:s14], [sflag:$0x4] =	stream.linear.gather [hbm4b:s8+s5], $0x280, $0x38;
	[tilespmem:$0x1000] =	vst v63  }
.LBB2_2:
0x16: {  	_ =	swait.ge [sflag:s15], $0x280  }
0x17: {  	[sflag:s15] =	ssyncset.done $0x0  }
0x18: {  	[sflag:s15] =	ssyncadd.s32 $0xFFFFFD80  }
0x19: {  	_ =	swait.ge [sflag:s16], $0x280  }
0x1a: {  	[sflag:s16] =	ssyncset.done $0x0  }
0x1b: {  	[sflag:s16] =	ssyncadd.s32 $0xFFFFFD80  }
0x1c: {  	v5 =	vld [tilespmem:$0x280]  }
0x1d: {  	v6 =	vld [tilespmem:$0x290]  }
0x1e: {  	v7 =	vld [tilespmem:$0x0];
	_ =	sdelay $0x1  }
0x1f: {  	v8 =	vld [tilespmem:$0x10]  }
0x20: {  	vm0 =	vge.s32 v5, v0;
	vm1 =	vlt.s32 v5, v2  }
0x21: {  	vm11 =	vge.s32 v6, v0;
	vm2 =	vlt.s32 v6, v2;
	vm0 =	vmand vm0, vm1  }
0x22: {  	v7 =	vshll.u32 v7, $0x9;
	v5 =	vsub.s32 v5, v0;
	v9 =	vmpcnt.ones.xlane vm0  }
0x23: {  	v6 =	vsub.s32 v6, v0;
	vm1 =	vmand vm11, vm2;
	v5 =	vor.u32 v5, v7  }
0x24: {  	v7 =	vshll.u32 v8, $0x9;
	v39 =	vsel vm0, v4, v3;
	(v2sf) =	vpush v9, $0x0  }
0x25: {  	v6 =	vor.u32 v6, v7;
	(xrf1) =	vsort.ascd.msk.u32 $0xffff, v39, v5;
	v5 =	vsel vm1, v4, v3  }
0x26: {  	(xrf1) =	vsort.ascd.msk.u32 $0xffff, v5, v6;
	_ =	sdelay $0xc  }
0x27: {  	_, v5, _ =	vpop (xrf1);
	s26 =	spop (v2sf)  }
0x28: {  	_, v6, _ =	vpop (xrf1);
	[tilespmem:s25+$0xA00] =	vst v5;
	s29 =	sadd.s32 s25, s26  }
0x29: {  	[tilespmem:s29+$0xA00] =	vst v6  }
0x2a: {  	v5 =	vld [tilespmem:$0x2A0]  }
0x2b: {  	v6 =	vld [tilespmem:$0x2B0]  }
0x2c: {  	v7 =	vld [tilespmem:$0x20]  }
0x2d: {  	v40 =	vmpcnt.ones.xlane vm1  }
0x2e: {  	v41 =	vld [tilespmem:$0x30]  }
0x2f: {  	(v2sf) =	vpush v40, $0x0;
	vm12 =	vge.s32 v5, v0;
	vm13 =	vlt.s32 v5, v2  }
0x30: {  	vm14 =	vge.s32 v6, v0;
	vm15 =	vlt.s32 v6, v2;
	vm0 =	vmand vm12, vm13  }
0x31: {  	v7 =	vshll.u32 v7, $0x9;
	v5 =	vsub.s32 v5, v0;
	v42 =	vmpcnt.ones.xlane vm0  }
0x32: {  	v6 =	vsub.s32 v6, v0;
	vm1 =	vmand vm14, vm15;
	v5 =	vor.u32 v5, v7  }
0x33: {  	v7 =	vshll.u32 v41, $0x9;
	v43 =	vsel vm0, v4, v3;
	(v2sf) =	vpush v42, $0x0  }
0x34: {  	v6 =	vor.u32 v6, v7;
	(xrf1) =	vsort.ascd.msk.u32 $0xffff, v43, v5;
	v5 =	vsel vm1, v4, v3  }
0x35: {  	(xrf1) =	vsort.ascd.msk.u32 $0xffff, v5, v6;
	_ =	sdelay $0xb  }
0x36: {  	s30 =	spop (v2sf)  }
0x37: {  	s25 =	sadd.s32 s30, s29;
	_, v5, _ =	vpop (xrf1);
	s31 =	spop (v2sf)  }
0x38: {  	_, v6, _ =	vpop (xrf1);
	[tilespmem:s25+$0xA00] =	vst v5;
	s25 =	sadd.s32 s25, s31  }
0x39: {  	[tilespmem:s25+$0xA00] =	vst v6  }
0x3a: {  	v5 =	vld [tilespmem:$0x2C0]  }
0x3b: {  	v6 =	vld [tilespmem:$0x2D0]  }
0x3c: {  	v7 =	vld [tilespmem:$0x40]  }
0x3d: {  	v44 =	vmpcnt.ones.xlane vm1  }
0x3e: {  	v45 =	vld [tilespmem:$0x50]  }
0x3f: {  	(v2sf) =	vpush v44, $0x0;
	vm4 =	vge.s32 v5, v0;
	vm5 =	vlt.s32 v5, v2  }
0x40: {  	vm6 =	vge.s32 v6, v0;
	vm7 =	vlt.s32 v6, v2;
	vm0 =	vmand vm4, vm5  }
0x41: {  	v7 =	vshll.u32 v7, $0x9;
	v5 =	vsub.s32 v5, v0;
	v46 =	vmpcnt.ones.xlane vm0  }
0x42: {  	v6 =	vsub.s32 v6, v0;
	vm1 =	vmand vm6, vm7;
	v5 =	vor.u32 v5, v7  }
0x43: {  	v7 =	vshll.u32 v45, $0x9;
	v47 =	vsel vm0, v4, v3;
	(v2sf) =	vpush v46, $0x0  }
0x44: {  	v6 =	vor.u32 v6, v7;
	(xrf1) =	vsort.ascd.msk.u32 $0xffff, v47, v5;
	v5 =	vsel vm1, v4, v3  }
0x45: {  	(xrf1) =	vsort.ascd.msk.u32 $0xffff, v5, v6;
	_ =	sdelay $0xb  }
0x46: {  	s28 =	spop (v2sf)  }
0x47: {  	s25 =	sadd.s32 s28, s25;
	_, v5, _ =	vpop (xrf1);
	s29 =	spop (v2sf)  }
0x48: {  	_, v6, _ =	vpop (xrf1);
	[tilespmem:s25+$0xA00] =	vst v5;
	s25 =	sadd.s32 s25, s29  }
0x49: {  	[tilespmem:s25+$0xA00] =	vst v6  }
0x4a: {  	v5 =	vld [tilespmem:$0x2E0]  }
0x4b: {  	v6 =	vld [tilespmem:$0x2F0]  }
0x4c: {  	v7 =	vld [tilespmem:$0x60]  }
0x4d: {  	v48 =	vmpcnt.ones.xlane vm1  }
0x4e: {  	v49 =	vld [tilespmem:$0x70]  }
0x4f: {  	(v2sf) =	vpush v48, $0x0;
	vm8 =	vge.s32 v5, v0;
	vm9 =	vlt.s32 v5, v2  }
0x50: {  	vm10 =	vge.s32 v6, v0;
	vm11 =	vlt.s32 v6, v2;
	vm0 =	vmand vm8, vm9  }
0x51: {  	v7 =	vshll.u32 v7, $0x9;
	v5 =	vsub.s32 v5, v0;
	v50 =	vmpcnt.ones.xlane vm0  }
0x52: {  	v6 =	vsub.s32 v6, v0;
	vm1 =	vmand vm10, vm11;
	v5 =	vor.u32 v5, v7  }
0x53: {  	v7 =	vshll.u32 v49, $0x9;
	v51 =	vsel vm0, v4, v3;
	(v2sf) =	vpush v50, $0x0  }
0x54: {  	v6 =	vor.u32 v6, v7;
	(xrf1) =	vsort.ascd.msk.u32 $0xffff, v51, v5;
	v5 =	vsel vm1, v4, v3  }
0x55: {  	(xrf1) =	vsort.ascd.msk.u32 $0xffff, v5, v6;
	_ =	sdelay $0xb  }
0x56: {  	s30 =	spop (v2sf)  }
0x57: {  	s25 =	sadd.s32 s30, s25;
	_, v5, _ =	vpop (xrf1);
	s31 =	spop (v2sf)  }
0x58: {  	_, v6, _ =	vpop (xrf1);
	[tilespmem:s25+$0xA00] =	vst v5;
	s25 =	sadd.s32 s25, s31  }
0x59: {  	[tilespmem:s25+$0xA00] =	vst v6  }
0x5a: {  	v5 =	vld [tilespmem:$0x300]  }
0x5b: {  	v6 =	vld [tilespmem:$0x310]  }
0x5c: {  	v7 =	vld [tilespmem:$0x80]  }
0x5d: {  	v52 =	vmpcnt.ones.xlane vm1  }
0x5e: {  	v53 =	vld [tilespmem:$0x90]  }
0x5f: {  	(v2sf) =	vpush v52, $0x0;
	vm12 =	vge.s32 v5, v0;
	vm13 =	vlt.s32 v5, v2  }
0x60: {  	vm14 =	vge.s32 v6, v0;
	vm15 =	vlt.s32 v6, v2;
	vm0 =	vmand vm12, vm13  }
0x61: {  	v7 =	vshll.u32 v7, $0x9;
	v5 =	vsub.s32 v5, v0;
	v54 =	vmpcnt.ones.xlane vm0  }
0x62: {  	v6 =	vsub.s32 v6, v0;
	vm1 =	vmand vm14, vm15;
	v5 =	vor.u32 v5, v7  }
0x63: {  	v7 =	vshll.u32 v53, $0x9;
	v55 =	vsel vm0, v4, v3;
	(v2sf) =	vpush v54, $0x0  }
0x64: {  	v6 =	vor.u32 v6, v7;
	(xrf1) =	vsort.ascd.msk.u32 $0xffff, v55, v5;
	v5 =	vsel vm1, v4, v3  }
0x65: {  	(xrf1) =	vsort.ascd.msk.u32 $0xffff, v5, v6;
	_ =	sdelay $0xb  }
0x66: {  	s28 =	spop (v2sf)  }
0x67: {  	s25 =	sadd.s32 s28, s25;
	_, v5, _ =	vpop (xrf1);
	s29 =	spop (v2sf)  }
0x68: {  	_, v6, _ =	vpop (xrf1);
	[tilespmem:s25+$0xA00] =	vst v5;
	s25 =	sadd.s32 s25, s29  }
0x69: {  	[tilespmem:s25+$0xA00] =	vst v6  }
0x6a: {  	v5 =	vld [tilespmem:$0x320]  }
0x6b: {  	v6 =	vld [tilespmem:$0x330]  }
0x6c: {  	v7 =	vld [tilespmem:$0xA0]  }
0x6d: {  	v56 =	vmpcnt.ones.xlane vm1  }
0x6e: {  	v57 =	vld [tilespmem:$0xB0]  }
0x6f: {  	(v2sf) =	vpush v56, $0x0;
	vm4 =	vge.s32 v5, v0;
	vm5 =	vlt.s32 v5, v2  }
0x70: {  	vm6 =	vge.s32 v6, v0;
	vm7 =	vlt.s32 v6, v2;
	vm0 =	vmand vm4, vm5  }
0x71: {  	v7 =	vshll.u32 v7, $0x9;
	v5 =	vsub.s32 v5, v0;
	v58 =	vmpcnt.ones.xlane vm0  }
0x72: {  	v6 =	vsub.s32 v6, v0;
	vm1 =	vmand vm6, vm7;
	v5 =	vor.u32 v5, v7  }
0x73: {  	v7 =	vshll.u32 v57, $0x9;
	v59 =	vsel vm0, v4, v3;
	(v2sf) =	vpush v58, $0x0  }
0x74: {  	v6 =	vor.u32 v6, v7;
	(xrf1) =	vsort.ascd.msk.u32 $0xffff, v59, v5;
	v5 =	vsel vm1, v4, v3  }
0x75: {  	(xrf1) =	vsort.ascd.msk.u32 $0xffff, v5, v6;
	_ =	sdelay $0xb  }
0x76: {  	s30 =	spop (v2sf)  }
0x77: {  	s25 =	sadd.s32 s30, s25;
	_, v5, _ =	vpop (xrf1);
	s31 =	spop (v2sf)  }
0x78: {  	_, v6, _ =	vpop (xrf1);
	[tilespmem:s25+$0xA00] =	vst v5;
	s25 =	sadd.s32 s25, s31  }
0x79: {  	[tilespmem:s25+$0xA00] =	vst v6  }
0x7a: {  	v5 =	vld [tilespmem:$0x340]  }
0x7b: {  	v6 =	vld [tilespmem:$0x350]  }
0x7c: {  	v7 =	vld [tilespmem:$0xC0]  }
0x7d: {  	v60 =	vmpcnt.ones.xlane vm1  }
0x7e: {  	v61 =	vld [tilespmem:$0xD0]  }
0x7f: {  	(v2sf) =	vpush v60, $0x0;
	vm8 =	vge.s32 v5, v0;
	vm9 =	vlt.s32 v5, v2  }
0x80: {  	vm10 =	vge.s32 v6, v0;
	vm11 =	vlt.s32 v6, v2;
	vm0 =	vmand vm8, vm9  }
0x81: {  	v7 =	vshll.u32 v7, $0x9;
	v5 =	vsub.s32 v5, v0;
	v62 =	vmpcnt.ones.xlane vm0  }
0x82: {  	v6 =	vsub.s32 v6, v0;
	vm1 =	vmand vm10, vm11;
	v5 =	vor.u32 v5, v7  }
0x83: {  	v7 =	vshll.u32 v61, $0x9;
	v63 =	vsel vm0, v4, v3;
	(v2sf) =	vpush v62, $0x0  }
0x84: {  	v6 =	vor.u32 v6, v7;
	(xrf1) =	vsort.ascd.msk.u32 $0xffff, v63, v5;
	v5 =	vsel vm1, v4, v3  }
0x85: {  	(xrf1) =	vsort.ascd.msk.u32 $0xffff, v5, v6;
	_ =	sdelay $0xb  }
0x86: {  	s28 =	spop (v2sf)  }
0x87: {  	s25 =	sadd.s32 s28, s25;
	_, v5, _ =	vpop (xrf1);
	s29 =	spop (v2sf)  }
0x88: {  	_, v6, _ =	vpop (xrf1);
	[tilespmem:s25+$0xA00] =	vst v5;
	s25 =	sadd.s32 s25, s29  }
0x89: {  	[tilespmem:s25+$0xA00] =	vst v6  }
0x8a: {  	v5 =	vld [tilespmem:$0x360]  }
0x8b: {  	v6 =	vld [tilespmem:$0x370]  }
0x8c: {  	v7 =	vld [tilespmem:$0xE0]  }
0x8d: {  	v12 =	vmpcnt.ones.xlane vm1  }
0x8e: {  	v13 =	vld [tilespmem:$0xF0]  }
0x8f: {  	(v2sf) =	vpush v12, $0x0;
	vm12 =	vge.s32 v5, v0;
	vm13 =	vlt.s32 v5, v2  }
0x90: {  	vm14 =	vge.s32 v6, v0;
	vm15 =	vlt.s32 v6, v2;
	vm0 =	vmand vm12, vm13  }
0x91: {  	v7 =	vshll.u32 v7, $0x9;
	v5 =	vsub.s32 v5, v0;
	v14 =	vmpcnt.ones.xlane vm0  }
0x92: {  	v6 =	vsub.s32 v6, v0;
	vm1 =	vmand vm14, vm15;
	v5 =	vor.u32 v5, v7  }
0x93: {  	v7 =	vshll.u32 v13, $0x9;
	v15 =	vsel vm0, v4, v3;
	(v2sf) =	vpush v14, $0x0  }
0x94: {  	v6 =	vor.u32 v6, v7;
	(xrf1) =	vsort.ascd.msk.u32 $0xffff, v15, v5;
	v5 =	vsel vm1, v4, v3  }
0x95: {  	(xrf1) =	vsort.ascd.msk.u32 $0xffff, v5, v6;
	_ =	sdelay $0xb  }
0x96: {  	s30 =	spop (v2sf)  }
0x97: {  	s25 =	sadd.s32 s30, s25;
	_, v5, _ =	vpop (xrf1);
	s31 =	spop (v2sf)  }
0x98: {  	_, v6, _ =	vpop (xrf1);
	[tilespmem:s25+$0xA00] =	vst v5;
	s25 =	sadd.s32 s25, s31  }
0x99: {  	[tilespmem:s25+$0xA00] =	vst v6  }
0x9a: {  	v5 =	vld [tilespmem:$0x380]  }
0x9b: {  	v6 =	vld [tilespmem:$0x390]  }
0x9c: {  	v7 =	vld [tilespmem:$0x100]  }
0x9d: {  	v16 =	vmpcnt.ones.xlane vm1  }
0x9e: {  	v17 =	vld [tilespmem:$0x110]  }
0x9f: {  	(v2sf) =	vpush v16, $0x0;
	vm4 =	vge.s32 v5, v0;
	vm5 =	vlt.s32 v5, v2  }
0xa0: {  	vm6 =	vge.s32 v6, v0;
	vm7 =	vlt.s32 v6, v2;
	vm0 =	vmand vm4, vm5  }
0xa1: {  	v7 =	vshll.u32 v7, $0x9;
	v5 =	vsub.s32 v5, v0;
	v18 =	vmpcnt.ones.xlane vm0  }
0xa2: {  	v6 =	vsub.s32 v6, v0;
	vm1 =	vmand vm6, vm7;
	v5 =	vor.u32 v5, v7  }
0xa3: {  	v7 =	vshll.u32 v17, $0x9;
	v19 =	vsel vm0, v4, v3;
	(v2sf) =	vpush v18, $0x0  }
0xa4: {  	v6 =	vor.u32 v6, v7;
	(xrf1) =	vsort.ascd.msk.u32 $0xffff, v19, v5;
	v5 =	vsel vm1, v4, v3  }
0xa5: {  	(xrf1) =	vsort.ascd.msk.u32 $0xffff, v5, v6;
	_ =	sdelay $0xb  }
0xa6: {  	s28 =	spop (v2sf)  }
0xa7: {  	s25 =	sadd.s32 s28, s25;
	_, v5, _ =	vpop (xrf1);
	s29 =	spop (v2sf)  }
0xa8: {  	_, v6, _ =	vpop (xrf1);
	[tilespmem:s25+$0xA00] =	vst v5;
	s25 =	sadd.s32 s25, s29  }
0xa9: {  	[tilespmem:s25+$0xA00] =	vst v6  }
0xaa: {  	v5 =	vld [tilespmem:$0x3A0]  }
0xab: {  	v6 =	vld [tilespmem:$0x3B0]  }
0xac: {  	v7 =	vld [tilespmem:$0x120]  }
0xad: {  	v20 =	vmpcnt.ones.xlane vm1  }
0xae: {  	v21 =	vld [tilespmem:$0x130]  }
0xaf: {  	(v2sf) =	vpush v20, $0x0;
	vm8 =	vge.s32 v5, v0;
	vm9 =	vlt.s32 v5, v2  }
0xb0: {  	vm10 =	vge.s32 v6, v0;
	vm11 =	vlt.s32 v6, v2;
	vm0 =	vmand vm8, vm9  }
0xb1: {  	v7 =	vshll.u32 v7, $0x9;
	v5 =	vsub.s32 v5, v0;
	v22 =	vmpcnt.ones.xlane vm0  }
0xb2: {  	v6 =	vsub.s32 v6, v0;
	vm1 =	vmand vm10, vm11;
	v5 =	vor.u32 v5, v7  }
0xb3: {  	v7 =	vshll.u32 v21, $0x9;
	v23 =	vsel vm0, v4, v3;
	(v2sf) =	vpush v22, $0x0  }
0xb4: {  	v6 =	vor.u32 v6, v7;
	(xrf1) =	vsort.ascd.msk.u32 $0xffff, v23, v5;
	v5 =	vsel vm1, v4, v3  }
0xb5: {  	(xrf1) =	vsort.ascd.msk.u32 $0xffff, v5, v6;
	_ =	sdelay $0xb  }
0xb6: {  	s30 =	spop (v2sf)  }
0xb7: {  	s25 =	sadd.s32 s30, s25;
	_, v5, _ =	vpop (xrf1);
	s31 =	spop (v2sf)  }
0xb8: {  	_, v6, _ =	vpop (xrf1);
	[tilespmem:s25+$0xA00] =	vst v5;
	s25 =	sadd.s32 s25, s31  }
0xb9: {  	[tilespmem:s25+$0xA00] =	vst v6  }
0xba: {  	v5 =	vld [tilespmem:$0x3C0]  }
0xbb: {  	v6 =	vld [tilespmem:$0x3D0]  }
0xbc: {  	v7 =	vld [tilespmem:$0x140]  }
0xbd: {  	v24 =	vmpcnt.ones.xlane vm1  }
0xbe: {  	v25 =	vld [tilespmem:$0x150]  }
0xbf: {  	(v2sf) =	vpush v24, $0x0;
	vm12 =	vge.s32 v5, v0;
	vm13 =	vlt.s32 v5, v2  }
0xc0: {  	vm14 =	vge.s32 v6, v0;
	vm15 =	vlt.s32 v6, v2;
	vm0 =	vmand vm12, vm13  }
0xc1: {  	v7 =	vshll.u32 v7, $0x9;
	v5 =	vsub.s32 v5, v0;
	v26 =	vmpcnt.ones.xlane vm0  }
0xc2: {  	v6 =	vsub.s32 v6, v0;
	vm1 =	vmand vm14, vm15;
	v5 =	vor.u32 v5, v7  }
0xc3: {  	v7 =	vshll.u32 v25, $0x9;
	v27 =	vsel vm0, v4, v3;
	(v2sf) =	vpush v26, $0x0  }
0xc4: {  	v6 =	vor.u32 v6, v7;
	(xrf1) =	vsort.ascd.msk.u32 $0xffff, v27, v5;
	v5 =	vsel vm1, v4, v3  }
0xc5: {  	(xrf1) =	vsort.ascd.msk.u32 $0xffff, v5, v6;
	_ =	sdelay $0xb  }
0xc6: {  	s28 =	spop (v2sf)  }
0xc7: {  	s25 =	sadd.s32 s28, s25;
	_, v5, _ =	vpop (xrf1);
	s29 =	spop (v2sf)  }
0xc8: {  	_, v6, _ =	vpop (xrf1);
	[tilespmem:s25+$0xA00] =	vst v5;
	s25 =	sadd.s32 s25, s29  }
0xc9: {  	[tilespmem:s25+$0xA00] =	vst v6  }
0xca: {  	v5 =	vld [tilespmem:$0x3E0]  }
0xcb: {  	v6 =	vld [tilespmem:$0x3F0]  }
0xcc: {  	v7 =	vld [tilespmem:$0x160]  }
0xcd: {  	v28 =	vmpcnt.ones.xlane vm1  }
0xce: {  	v29 =	vld [tilespmem:$0x170]  }
0xcf: {  	(v2sf) =	vpush v28, $0x0;
	vm4 =	vge.s32 v5, v0;
	vm5 =	vlt.s32 v5, v2  }
0xd0: {  	vm6 =	vge.s32 v6, v0;
	vm7 =	vlt.s32 v6, v2;
	vm0 =	vmand vm4, vm5  }
0xd1: {  	v7 =	vshll.u32 v7, $0x9;
	v5 =	vsub.s32 v5, v0;
	v30 =	vmpcnt.ones.xlane vm0  }
0xd2: {  	v6 =	vsub.s32 v6, v0;
	vm1 =	vmand vm6, vm7;
	v5 =	vor.u32 v5, v7  }
0xd3: {  	v7 =	vshll.u32 v29, $0x9;
	v31 =	vsel vm0, v4, v3;
	(v2sf) =	vpush v30, $0x0  }
0xd4: {  	v6 =	vor.u32 v6, v7;
	(xrf1) =	vsort.ascd.msk.u32 $0xffff, v31, v5;
	v5 =	vsel vm1, v4, v3  }
0xd5: {  	(xrf1) =	vsort.ascd.msk.u32 $0xffff, v5, v6;
	_ =	sdelay $0xb  }
0xd6: {  	s30 =	spop (v2sf)  }
0xd7: {  	s25 =	sadd.s32 s30, s25;
	_, v5, _ =	vpop (xrf1);
	s31 =	spop (v2sf)  }
0xd8: {  	_, v6, _ =	vpop (xrf1);
	[tilespmem:s25+$0xA00] =	vst v5;
	s25 =	sadd.s32 s25, s31  }
0xd9: {  	[tilespmem:s25+$0xA00] =	vst v6  }
0xda: {  	v5 =	vld [tilespmem:$0x400]  }
0xdb: {  	v6 =	vld [tilespmem:$0x410]  }
0xdc: {  	v7 =	vld [tilespmem:$0x180]  }
0xdd: {  	v32 =	vmpcnt.ones.xlane vm1  }
0xde: {  	v33 =	vld [tilespmem:$0x190]  }
0xdf: {  	(v2sf) =	vpush v32, $0x0;
	vm8 =	vge.s32 v5, v0;
	vm9 =	vlt.s32 v5, v2  }
0xe0: {  	vm10 =	vge.s32 v6, v0;
	vm11 =	vlt.s32 v6, v2;
	vm0 =	vmand vm8, vm9  }
0xe1: {  	v7 =	vshll.u32 v7, $0x9;
	v5 =	vsub.s32 v5, v0;
	v34 =	vmpcnt.ones.xlane vm0  }
0xe2: {  	v6 =	vsub.s32 v6, v0;
	vm1 =	vmand vm10, vm11;
	v5 =	vor.u32 v5, v7  }
0xe3: {  	v7 =	vshll.u32 v33, $0x9;
	v35 =	vsel vm0, v4, v3;
	(v2sf) =	vpush v34, $0x0  }
0xe4: {  	v6 =	vor.u32 v6, v7;
	(xrf1) =	vsort.ascd.msk.u32 $0xffff, v35, v5;
	v5 =	vsel vm1, v4, v3  }
0xe5: {  	(xrf1) =	vsort.ascd.msk.u32 $0xffff, v5, v6;
	_ =	sdelay $0xb  }
0xe6: {  	s28 =	spop (v2sf)  }
0xe7: {  	s25 =	sadd.s32 s28, s25;
	_, v5, _ =	vpop (xrf1);
	s29 =	spop (v2sf)  }
0xe8: {  	_, v6, _ =	vpop (xrf1);
	[tilespmem:s25+$0xA00] =	vst v5;
	s25 =	sadd.s32 s25, s29  }
0xe9: {  	[tilespmem:s25+$0xA00] =	vst v6  }
0xea: {  	v5 =	vld [tilespmem:$0x420]  }
0xeb: {  	v6 =	vld [tilespmem:$0x430]  }
0xec: {  	v7 =	vld [tilespmem:$0x1A0]  }
0xed: {  	v36 =	vmpcnt.ones.xlane vm1  }
0xee: {  	v37 =	vld [tilespmem:$0x1B0]  }
0xef: {  	(v2sf) =	vpush v36, $0x0;
	vm12 =	vge.s32 v5, v0;
	vm13 =	vlt.s32 v5, v2  }
0xf0: {  	vm14 =	vge.s32 v6, v0;
	vm15 =	vlt.s32 v6, v2;
	vm0 =	vmand vm12, vm13  }
0xf1: {  	v7 =	vshll.u32 v7, $0x9;
	v5 =	vsub.s32 v5, v0;
	v38 =	vmpcnt.ones.xlane vm0  }
0xf2: {  	v6 =	vsub.s32 v6, v0;
	vm1 =	vmand vm14, vm15;
	v5 =	vor.u32 v5, v7  }
0xf3: {  	v7 =	vshll.u32 v37, $0x9;
	v39 =	vsel vm0, v4, v3;
	(v2sf) =	vpush v38, $0x0  }
0xf4: {  	v6 =	vor.u32 v6, v7;
	(xrf1) =	vsort.ascd.msk.u32 $0xffff, v39, v5;
	v5 =	vsel vm1, v4, v3  }
0xf5: {  	(xrf1) =	vsort.ascd.msk.u32 $0xffff, v5, v6;
	_ =	sdelay $0xb  }
0xf6: {  	s30 =	spop (v2sf)  }
0xf7: {  	s25 =	sadd.s32 s30, s25;
	_, v5, _ =	vpop (xrf1);
	s31 =	spop (v2sf)  }
0xf8: {  	_, v6, _ =	vpop (xrf1);
	[tilespmem:s25+$0xA00] =	vst v5;
	s25 =	sadd.s32 s25, s31  }
0xf9: {  	[tilespmem:s25+$0xA00] =	vst v6  }
0xfa: {  	v5 =	vld [tilespmem:$0x440]  }
0xfb: {  	v6 =	vld [tilespmem:$0x450]  }
0xfc: {  	v7 =	vld [tilespmem:$0x1C0]  }
0xfd: {  	v40 =	vmpcnt.ones.xlane vm1  }
0xfe: {  	v41 =	vld [tilespmem:$0x1D0]  }
0xff: {  	(v2sf) =	vpush v40, $0x0;
	vm4 =	vge.s32 v5, v0;
	vm5 =	vlt.s32 v5, v2  }
0x100: {  	vm6 =	vge.s32 v6, v0;
	vm7 =	vlt.s32 v6, v2;
	vm0 =	vmand vm4, vm5  }
0x101: {  	v7 =	vshll.u32 v7, $0x9;
	v5 =	vsub.s32 v5, v0;
	v42 =	vmpcnt.ones.xlane vm0  }
0x102: {  	v6 =	vsub.s32 v6, v0;
	vm1 =	vmand vm6, vm7;
	v5 =	vor.u32 v5, v7  }
0x103: {  	v7 =	vshll.u32 v41, $0x9;
	v43 =	vsel vm0, v4, v3;
	(v2sf) =	vpush v42, $0x0  }
0x104: {  	v6 =	vor.u32 v6, v7;
	(xrf1) =	vsort.ascd.msk.u32 $0xffff, v43, v5;
	v5 =	vsel vm1, v4, v3  }
0x105: {  	(xrf1) =	vsort.ascd.msk.u32 $0xffff, v5, v6;
	_ =	sdelay $0xb  }
0x106: {  	s28 =	spop (v2sf)  }
0x107: {  	s25 =	sadd.s32 s28, s25;
	_, v5, _ =	vpop (xrf1);
	s29 =	spop (v2sf)  }
0x108: {  	_, v6, _ =	vpop (xrf1);
	[tilespmem:s25+$0xA00] =	vst v5;
	s25 =	sadd.s32 s25, s29  }
0x109: {  	[tilespmem:s25+$0xA00] =	vst v6  }
0x10a: {  	v5 =	vld [tilespmem:$0x460]  }
0x10b: {  	v6 =	vld [tilespmem:$0x470]  }
0x10c: {  	v7 =	vld [tilespmem:$0x1E0]  }
0x10d: {  	v44 =	vmpcnt.ones.xlane vm1  }
0x10e: {  	v45 =	vld [tilespmem:$0x1F0]  }
0x10f: {  	(v2sf) =	vpush v44, $0x0;
	vm8 =	vge.s32 v5, v0;
	vm9 =	vlt.s32 v5, v2  }
0x110: {  	vm10 =	vge.s32 v6, v0;
	vm11 =	vlt.s32 v6, v2;
	vm0 =	vmand vm8, vm9  }
0x111: {  	v7 =	vshll.u32 v7, $0x9;
	v5 =	vsub.s32 v5, v0;
	v46 =	vmpcnt.ones.xlane vm0  }
0x112: {  	v6 =	vsub.s32 v6, v0;
	vm1 =	vmand vm10, vm11;
	v5 =	vor.u32 v5, v7  }
0x113: {  	v7 =	vshll.u32 v45, $0x9;
	v47 =	vsel vm0, v4, v3;
	(v2sf) =	vpush v46, $0x0  }
0x114: {  	v6 =	vor.u32 v6, v7;
	(xrf1) =	vsort.ascd.msk.u32 $0xffff, v47, v5;
	v5 =	vsel vm1, v4, v3  }
0x115: {  	(xrf1) =	vsort.ascd.msk.u32 $0xffff, v5, v6;
	_ =	sdelay $0xb  }
0x116: {  	s30 =	spop (v2sf)  }
0x117: {  	s25 =	sadd.s32 s30, s25;
	_, v5, _ =	vpop (xrf1);
	s31 =	spop (v2sf)  }
0x118: {  	_, v6, _ =	vpop (xrf1);
	[tilespmem:s25+$0xA00] =	vst v5;
	s25 =	sadd.s32 s25, s31  }
0x119: {  	[tilespmem:s25+$0xA00] =	vst v6  }
0x11a: {  	v5 =	vld [tilespmem:$0x480]  }
0x11b: {  	v6 =	vld [tilespmem:$0x490]  }
0x11c: {  	v7 =	vld [tilespmem:$0x200]  }
0x11d: {  	v48 =	vmpcnt.ones.xlane vm1  }
0x11e: {  	v49 =	vld [tilespmem:$0x210]  }
0x11f: {  	(v2sf) =	vpush v48, $0x0;
	vm12 =	vge.s32 v5, v0;
	vm13 =	vlt.s32 v5, v2  }
0x120: {  	vm14 =	vge.s32 v6, v0;
	vm15 =	vlt.s32 v6, v2;
	vm0 =	vmand vm12, vm13  }
0x121: {  	v7 =	vshll.u32 v7, $0x9;
	v5 =	vsub.s32 v5, v0;
	v50 =	vmpcnt.ones.xlane vm0  }
0x122: {  	v6 =	vsub.s32 v6, v0;
	vm1 =	vmand vm14, vm15;
	v5 =	vor.u32 v5, v7  }
0x123: {  	v7 =	vshll.u32 v49, $0x9;
	v51 =	vsel vm0, v4, v3;
	(v2sf) =	vpush v50, $0x0  }
0x124: {  	v6 =	vor.u32 v6, v7;
	(xrf1) =	vsort.ascd.msk.u32 $0xffff, v51, v5;
	v5 =	vsel vm1, v4, v3  }
0x125: {  	(xrf1) =	vsort.ascd.msk.u32 $0xffff, v5, v6;
	_ =	sdelay $0xb  }
0x126: {  	s28 =	spop (v2sf)  }
0x127: {  	s25 =	sadd.s32 s28, s25;
	_, v5, _ =	vpop (xrf1);
	s29 =	spop (v2sf)  }
0x128: {  	_, v6, _ =	vpop (xrf1);
	[tilespmem:s25+$0xA00] =	vst v5;
	s25 =	sadd.s32 s25, s29  }
0x129: {  	[tilespmem:s25+$0xA00] =	vst v6  }
0x12a: {  	v5 =	vld [tilespmem:$0x4A0]  }
0x12b: {  	v6 =	vld [tilespmem:$0x4B0]  }
0x12c: {  	v7 =	vld [tilespmem:$0x220]  }
0x12d: {  	v52 =	vmpcnt.ones.xlane vm1  }
0x12e: {  	v53 =	vld [tilespmem:$0x230]  }
0x12f: {  	(v2sf) =	vpush v52, $0x0;
	vm4 =	vge.s32 v5, v0;
	vm5 =	vlt.s32 v5, v2  }
0x130: {  	vm6 =	vge.s32 v6, v0;
	vm7 =	vlt.s32 v6, v2;
	vm0 =	vmand vm4, vm5  }
0x131: {  	v7 =	vshll.u32 v7, $0x9;
	v5 =	vsub.s32 v5, v0;
	v54 =	vmpcnt.ones.xlane vm0  }
0x132: {  	v6 =	vsub.s32 v6, v0;
	vm1 =	vmand vm6, vm7;
	v5 =	vor.u32 v5, v7  }
0x133: {  	v7 =	vshll.u32 v53, $0x9;
	v55 =	vsel vm0, v4, v3;
	(v2sf) =	vpush v54, $0x0  }
0x134: {  	v6 =	vor.u32 v6, v7;
	(xrf1) =	vsort.ascd.msk.u32 $0xffff, v55, v5;
	v5 =	vsel vm1, v4, v3  }
0x135: {  	(xrf1) =	vsort.ascd.msk.u32 $0xffff, v5, v6;
	_ =	sdelay $0xb  }
0x136: {  	s30 =	spop (v2sf)  }
0x137: {  	s25 =	sadd.s32 s30, s25;
	_, v5, _ =	vpop (xrf1);
	s31 =	spop (v2sf)  }
0x138: {  	_, v6, _ =	vpop (xrf1);
	[tilespmem:s25+$0xA00] =	vst v5;
	s25 =	sadd.s32 s25, s31  }
0x139: {  	[tilespmem:s25+$0xA00] =	vst v6  }
0x13a: {  	v5 =	vld [tilespmem:$0x4C0]  }
0x13b: {  	v6 =	vld [tilespmem:$0x4D0]  }
0x13c: {  	v7 =	vld [tilespmem:$0x240]  }
0x13d: {  	v56 =	vmpcnt.ones.xlane vm1  }
0x13e: {  	v57 =	vld [tilespmem:$0x250]  }
0x13f: {  	(v2sf) =	vpush v56, $0x0;
	vm8 =	vge.s32 v5, v0;
	vm9 =	vlt.s32 v5, v2  }
0x140: {  	vm10 =	vge.s32 v6, v0;
	vm11 =	vlt.s32 v6, v2;
	vm0 =	vmand vm8, vm9  }
0x141: {  	v7 =	vshll.u32 v7, $0x9;
	v5 =	vsub.s32 v5, v0;
	v58 =	vmpcnt.ones.xlane vm0  }
0x142: {  	v6 =	vsub.s32 v6, v0;
	vm1 =	vmand vm10, vm11;
	v5 =	vor.u32 v5, v7  }
0x143: {  	v7 =	vshll.u32 v57, $0x9;
	v59 =	vsel vm0, v4, v3;
	(v2sf) =	vpush v58, $0x0  }
0x144: {  	v6 =	vor.u32 v6, v7;
	(xrf1) =	vsort.ascd.msk.u32 $0xffff, v59, v5;
	v5 =	vsel vm1, v4, v3  }
0x145: {  	(xrf1) =	vsort.ascd.msk.u32 $0xffff, v5, v6;
	_ =	sdelay $0xb  }
0x146: {  	s28 =	spop (v2sf)  }
0x147: {  	s25 =	sadd.s32 s28, s25;
	_, v5, _ =	vpop (xrf1);
	s29 =	spop (v2sf)  }
0x148: {  	_, v6, _ =	vpop (xrf1);
	[tilespmem:s25+$0xA00] =	vst v5;
	s25 =	sadd.s32 s25, s29  }
0x149: {  	[tilespmem:s25+$0xA00] =	vst v6  }
0x14a: {  	v5 =	vld [tilespmem:$0x4E0]  }
0x14b: {  	v6 =	vld [tilespmem:$0x4F0];
	_ =	sdelay $0x3  }
0x14c: {  	v60 =	vmpcnt.ones.xlane vm1;
	vm12 =	vge.s32 v5, v0;
	vm13 =	vlt.s32 v5, v2  }
0x14d: {  	vm14 =	vge.s32 v6, v0;
	vm15 =	vlt.s32 v6, v2;
	vm0 =	vmand vm12, vm13  }
0x14e: {  	vm1 =	vmand vm14, vm15;
	v10 =	vmpcnt.ones.xlane vm0  }
0x14f: {  	(v2sf) =	vpush v60, $0x0;
	v62 =	vmpcnt.ones.xlane vm1  }
0x150: {  	v7 =	vld [tilespmem:$0x260];
	(v2sf) =	vpush v10, $0x0  }
0x151: {  	v61 =	vld [tilespmem:$0x270];
	(v2sf) =	vpush v62, $0x0;
	_ =	sdelay $0x3  }
0x152: {  	v7 =	vshll.u32 v7, $0x9;
	v5 =	vsub.s32 v5, v0;
	v6 =	vsub.s32 v6, v0  }
0x153: {  	v5 =	vor.u32 v5, v7;
	v7 =	vshll.u32 v61, $0x9;
	v63 =	vsel vm0, v4, v3  }
0x154: {  	v6 =	vor.u32 v6, v7;
	(xrf1) =	vsort.ascd.msk.u32 $0xffff, v63, v5;
	v5 =	vsel vm1, v4, v3  }
0x155: {  	(xrf1) =	vsort.ascd.msk.u32 $0xffff, v5, v6;
	_ =	sdelay $0x5  }
0x156: {  	s30 =	spop (v2sf)  }
0x157: {  	s26 =	sadd.s32 s30, s25;
	s28 =	spop (v2sf)  }
0x158: {  	s31 =	spop (v2sf);
	s28 =	sadd.s32 s26, s28  }
0x159: {  	s25 =	sadd.s32 s31, s28  }
0x15a: {  	p0 =	slt.s32 s25, $0x280  }
.Ltmp0:
0x15b: {  	_ = 	snop;
	(pc) =	sbr.rel @p0 .LBB2_6-.Ltmp0, $4  }
0x15c: {  	_ = 	snop  }
0x15d: {  	_, v5, _ =	vpop (xrf1)  }
0x15e: {  	_, v6, _ =	vpop (xrf1);
	[tilespmem:s26+$0xA00] =	vst v5  }
0x15f: {  	[tilespmem:s28+$0xA00] =	vst v6  }
0x160: {  	s26 =	sld [smem:$0x7FF]  }
0x161: {  	s28 =	sand.u32 $0x7, s23  }
0x162: {  	p0 =	seq.s32 s28, $0x0  }
0x163: {  	p1 =	sne.s32 @!p0 s26, $0x1  }
0x164: {  	p0 =	por !p1, p0  }
0x165: {  	s26 =	sor.u32 @!p0 $0x100000, s9  }
0x166: {  	[smem:s26], [sflag:$0x0] =	smem.add.s32 @!p0 $0x2FB;
	s26 =	simm.s32 @!p0 $0x0  }
0x167: {  	s28 =	simm.s32 @!p0 $0x1;
	_ =	swait.done @!p0 [sflag:s26]  }
0x168: {  	[smem:$0x7FF] =	sst @!p0 s28;
	s28 =	sadd.s32 s6, s23  }
0x169: {  	s29 =	simm.s32 $0x0;
	_ =	sint @!p0 $0x2;
	s31 =	sshrl.u32 s28, $0x3  }
0x16a: {  	_ =	swait.notdone @!p0 [sflag:s26];
	s28 =	sadd.s32 s3, s31;
	s26 =	simm.s32 $0xA00  }
0x16b: {  	[hbm4b:s28+s29] =	stream.linear.scatter [tilespmem:s26], [sflag:$0x5], $0x280, $0x38;
	[tilespmem:$0x1000] =	vst v63  }
0x16c: {  	_ =	swait.ge [sflag:s17], $0x280  }
0x16d: {  	[sflag:s17] =	ssyncset.done $0x0  }
0x16e: {  	s29 =	sand.u32 $0x3F0, s29;
	[sflag:s17] =	ssyncadd.s32 $0xFFFFFD80  }
0x16f: {  	v5 =	vld [tilespmem:s29+$0xC80];
	_ =	sdelay $0x3  }
0x170: {  	s28 =	simm.s32 $0x10  }
.LBB2_4:
0x171: {  	s29 =	sand.u32 $0x3F0, s28;
	p0 =	sne.s32 s28, $0x290;
	s28 =	sadd.s32 $0x10, s28;
	[tilespmem:s26+$0x0] =	vst v5  }
.Ltmp1:
0x172: {  	v5 =	vld [tilespmem:s29+$0xC80];
	(pc) =	sbr.rel @p0 .LBB2_4-.Ltmp1, $2  }
0x173: {  	_ =	sdelay $0x2  }
0x174: {  	s26 =	sadd.s32 $0x10, s26  }
0x175: {  	[tilespmem:s26+$0x0] =	vst v5  }
.LBB2_6:
0x176: {  	p0 =	seq.s32 s24, $0x7C  }
0x177: {  	s26 =	smul.u32 @!p0 $0x500, s24;
	_ =	sdelay $0x1  }
0x178: {  	s26 =	sshrl.u32 @!p0 s26, $0x3  }
0x179: {  	s26 =	sadd.s32 @!p0 $0xA0, s26  }
0x17a: {  	s29 =	simm.s32 @!p0 $0x0;
	s28 =	sadd.s32 @!p0 s1, s26  }
0x17b: {  	[tilespmem:s29], [sflag:$0x1] =	stream.linear.gather @!p0 [hbm4b:s28+s29], $0x280, $0x38;
	[tilespmem:$0x1000] =	vst v63  }
0x17c: {  	s26 =	sadd.s32 @!p0 s2, s26;
	s28 =	simm.s32 @!p0 $0x280  }
0x17d: {  	[tilespmem:s28], [sflag:$0x2] =	stream.linear.gather @!p0 [hbm4b:s26+s29], $0x280, $0x38;
	[tilespmem:$0x1000] =	vst v63  }
0x17e: {  	_ =	swait.ge [sflag:s18], $0x280  }
0x17f: {  	[sflag:s18] =	ssyncset.done $0x0  }
0x180: {  	[sflag:s18] =	ssyncadd.s32 $0xFFFFFD80  }
0x181: {  	_ =	swait.ge [sflag:s19], $0x280  }
0x182: {  	[sflag:s19] =	ssyncset.done $0x0  }
0x183: {  	[sflag:s19] =	ssyncadd.s32 $0xFFFFFD80  }
0x184: {  	v5 =	vld [tilespmem:$0x780]  }
0x185: {  	v6 =	vld [tilespmem:$0x790]  }
0x186: {  	v7 =	vld [tilespmem:$0x500];
	_ =	sdelay $0x1  }
0x187: {  	v8 =	vld [tilespmem:$0x510]  }
0x188: {  	vm0 =	vge.s32 v5, v0;
	vm1 =	vlt.s32 v5, v2  }
0x189: {  	vm11 =	vge.s32 v6, v0;
	vm2 =	vlt.s32 v6, v2;
	vm0 =	vmand vm0, vm1  }
0x18a: {  	v7 =	vshll.u32 v7, $0x9;
	v5 =	vsub.s32 v5, v0;
	v9 =	vmpcnt.ones.xlane vm0  }
0x18b: {  	v6 =	vsub.s32 v6, v0;
	vm1 =	vmand vm11, vm2;
	v5 =	vor.u32 v5, v7  }
0x18c: {  	v7 =	vshll.u32 v8, $0x9;
	v39 =	vsel vm0, v4, v3;
	(v2sf) =	vpush v9, $0x0  }
0x18d: {  	v6 =	vor.u32 v6, v7;
	(xrf1) =	vsort.ascd.msk.u32 $0xffff, v39, v5;
	v5 =	vsel vm1, v4, v3  }
0x18e: {  	(xrf1) =	vsort.ascd.msk.u32 $0xffff, v5, v6;
	_ =	sdelay $0xb  }
0x18f: {  	p1 =	sgt.s32 s25, $0x27F;
	s26 =	sadd.s32 $0xFFFFFD80, s25  }
0x190: {  	s25 =	smov.u32 @p1 s26;
	_, v5, _ =	vpop (xrf1);
	s28 =	spop (v2sf)  }
0x191: {  	_, v6, _ =	vpop (xrf1);
	[tilespmem:s25+$0xA00] =	vst v5;
	s25 =	sadd.s32 s25, s28  }
0x192: {  	[tilespmem:s25+$0xA00] =	vst v6  }
0x193: {  	v5 =	vld [tilespmem:$0x7A0]  }
0x194: {  	v6 =	vld [tilespmem:$0x7B0]  }
0x195: {  	v7 =	vld [tilespmem:$0x520]  }
0x196: {  	v40 =	vmpcnt.ones.xlane vm1  }
0x197: {  	v41 =	vld [tilespmem:$0x530]  }
0x198: {  	(v2sf) =	vpush v40, $0x0;
	vm12 =	vge.s32 v5, v0;
	vm13 =	vlt.s32 v5, v2  }
0x199: {  	vm14 =	vge.s32 v6, v0;
	vm15 =	vlt.s32 v6, v2;
	vm0 =	vmand vm12, vm13  }
0x19a: {  	v7 =	vshll.u32 v7, $0x9;
	v5 =	vsub.s32 v5, v0;
	v42 =	vmpcnt.ones.xlane vm0  }
0x19b: {  	v6 =	vsub.s32 v6, v0;
	vm1 =	vmand vm14, vm15;
	v5 =	vor.u32 v5, v7  }
0x19c: {  	v7 =	vshll.u32 v41, $0x9;
	v43 =	vsel vm0, v4, v3;
	(v2sf) =	vpush v42, $0x0  }
0x19d: {  	v6 =	vor.u32 v6, v7;
	(xrf1) =	vsort.ascd.msk.u32 $0xffff, v43, v5;
	v5 =	vsel vm1, v4, v3  }
0x19e: {  	(xrf1) =	vsort.ascd.msk.u32 $0xffff, v5, v6;
	_ =	sdelay $0xb  }
0x19f: {  	s29 =	spop (v2sf)  }
0x1a0: {  	s25 =	sadd.s32 s29, s25;
	_, v5, _ =	vpop (xrf1);
	s30 =	spop (v2sf)  }
0x1a1: {  	_, v6, _ =	vpop (xrf1);
	[tilespmem:s25+$0xA00] =	vst v5;
	s25 =	sadd.s32 s25, s30  }
0x1a2: {  	[tilespmem:s25+$0xA00] =	vst v6  }
0x1a3: {  	v5 =	vld [tilespmem:$0x7C0]  }
0x1a4: {  	v6 =	vld [tilespmem:$0x7D0]  }
0x1a5: {  	v7 =	vld [tilespmem:$0x540]  }
0x1a6: {  	v44 =	vmpcnt.ones.xlane vm1  }
0x1a7: {  	v45 =	vld [tilespmem:$0x550]  }
0x1a8: {  	(v2sf) =	vpush v44, $0x0;
	vm4 =	vge.s32 v5, v0;
	vm5 =	vlt.s32 v5, v2  }
0x1a9: {  	vm6 =	vge.s32 v6, v0;
	vm7 =	vlt.s32 v6, v2;
	vm0 =	vmand vm4, vm5  }
0x1aa: {  	v7 =	vshll.u32 v7, $0x9;
	v5 =	vsub.s32 v5, v0;
	v46 =	vmpcnt.ones.xlane vm0  }
0x1ab: {  	v6 =	vsub.s32 v6, v0;
	vm1 =	vmand vm6, vm7;
	v5 =	vor.u32 v5, v7  }
0x1ac: {  	v7 =	vshll.u32 v45, $0x9;
	v47 =	vsel vm0, v4, v3;
	(v2sf) =	vpush v46, $0x0  }
0x1ad: {  	v6 =	vor.u32 v6, v7;
	(xrf1) =	vsort.ascd.msk.u32 $0xffff, v47, v5;
	v5 =	vsel vm1, v4, v3  }
0x1ae: {  	(xrf1) =	vsort.ascd.msk.u32 $0xffff, v5, v6;
	_ =	sdelay $0xb  }
0x1af: {  	s31 =	spop (v2sf)  }
0x1b0: {  	s25 =	sadd.s32 s31, s25;
	_, v5, _ =	vpop (xrf1);
	s28 =	spop (v2sf)  }
0x1b1: {  	_, v6, _ =	vpop (xrf1);
	[tilespmem:s25+$0xA00] =	vst v5;
	s25 =	sadd.s32 s25, s28  }
0x1b2: {  	[tilespmem:s25+$0xA00] =	vst v6  }
0x1b3: {  	v5 =	vld [tilespmem:$0x7E0]  }
0x1b4: {  	v6 =	vld [tilespmem:$0x7F0]  }
0x1b5: {  	v7 =	vld [tilespmem:$0x560]  }
0x1b6: {  	v48 =	vmpcnt.ones.xlane vm1  }
0x1b7: {  	v49 =	vld [tilespmem:$0x570]  }
0x1b8: {  	(v2sf) =	vpush v48, $0x0;
	vm8 =	vge.s32 v5, v0;
	vm9 =	vlt.s32 v5, v2  }
0x1b9: {  	vm10 =	vge.s32 v6, v0;
	vm11 =	vlt.s32 v6, v2;
	vm0 =	vmand vm8, vm9  }
0x1ba: {  	v7 =	vshll.u32 v7, $0x9;
	v5 =	vsub.s32 v5, v0;
	v50 =	vmpcnt.ones.xlane vm0  }
0x1bb: {  	v6 =	vsub.s32 v6, v0;
	vm1 =	vmand vm10, vm11;
	v5 =	vor.u32 v5, v7  }
0x1bc: {  	v7 =	vshll.u32 v49, $0x9;
	v51 =	vsel vm0, v4, v3;
	(v2sf) =	vpush v50, $0x0  }
0x1bd: {  	v6 =	vor.u32 v6, v7;
	(xrf1) =	vsort.ascd.msk.u32 $0xffff, v51, v5;
	v5 =	vsel vm1, v4, v3  }
0x1be: {  	(xrf1) =	vsort.ascd.msk.u32 $0xffff, v5, v6;
	_ =	sdelay $0xb  }
0x1bf: {  	s29 =	spop (v2sf)  }
0x1c0: {  	s25 =	sadd.s32 s29, s25;
	_, v5, _ =	vpop (xrf1);
	s30 =	spop (v2sf)  }
0x1c1: {  	_, v6, _ =	vpop (xrf1);
	[tilespmem:s25+$0xA00] =	vst v5;
	s25 =	sadd.s32 s25, s30  }
0x1c2: {  	[tilespmem:s25+$0xA00] =	vst v6  }
0x1c3: {  	v5 =	vld [tilespmem:$0x800]  }
0x1c4: {  	v6 =	vld [tilespmem:$0x810]  }
0x1c5: {  	v7 =	vld [tilespmem:$0x580]  }
0x1c6: {  	v52 =	vmpcnt.ones.xlane vm1  }
0x1c7: {  	v53 =	vld [tilespmem:$0x590]  }
0x1c8: {  	(v2sf) =	vpush v52, $0x0;
	vm12 =	vge.s32 v5, v0;
	vm13 =	vlt.s32 v5, v2  }
0x1c9: {  	vm14 =	vge.s32 v6, v0;
	vm15 =	vlt.s32 v6, v2;
	vm0 =	vmand vm12, vm13  }
0x1ca: {  	v7 =	vshll.u32 v7, $0x9;
	v5 =	vsub.s32 v5, v0;
	v54 =	vmpcnt.ones.xlane vm0  }
0x1cb: {  	v6 =	vsub.s32 v6, v0;
	vm1 =	vmand vm14, vm15;
	v5 =	vor.u32 v5, v7  }
0x1cc: {  	v7 =	vshll.u32 v53, $0x9;
	v55 =	vsel vm0, v4, v3;
	(v2sf) =	vpush v54, $0x0  }
0x1cd: {  	v6 =	vor.u32 v6, v7;
	(xrf1) =	vsort.ascd.msk.u32 $0xffff, v55, v5;
	v5 =	vsel vm1, v4, v3  }
0x1ce: {  	(xrf1) =	vsort.ascd.msk.u32 $0xffff, v5, v6;
	_ =	sdelay $0xb  }
0x1cf: {  	s31 =	spop (v2sf)  }
0x1d0: {  	s25 =	sadd.s32 s31, s25;
	_, v5, _ =	vpop (xrf1);
	s28 =	spop (v2sf)  }
0x1d1: {  	_, v6, _ =	vpop (xrf1);
	[tilespmem:s25+$0xA00] =	vst v5;
	s25 =	sadd.s32 s25, s28  }
0x1d2: {  	[tilespmem:s25+$0xA00] =	vst v6  }
0x1d3: {  	v5 =	vld [tilespmem:$0x820]  }
0x1d4: {  	v6 =	vld [tilespmem:$0x830]  }
0x1d5: {  	v7 =	vld [tilespmem:$0x5A0]  }
0x1d6: {  	v56 =	vmpcnt.ones.xlane vm1  }
0x1d7: {  	v57 =	vld [tilespmem:$0x5B0]  }
0x1d8: {  	(v2sf) =	vpush v56, $0x0;
	vm4 =	vge.s32 v5, v0;
	vm5 =	vlt.s32 v5, v2  }
0x1d9: {  	vm6 =	vge.s32 v6, v0;
	vm7 =	vlt.s32 v6, v2;
	vm0 =	vmand vm4, vm5  }
0x1da: {  	v7 =	vshll.u32 v7, $0x9;
	v5 =	vsub.s32 v5, v0;
	v58 =	vmpcnt.ones.xlane vm0  }
0x1db: {  	v6 =	vsub.s32 v6, v0;
	vm1 =	vmand vm6, vm7;
	v5 =	vor.u32 v5, v7  }
0x1dc: {  	v7 =	vshll.u32 v57, $0x9;
	v59 =	vsel vm0, v4, v3;
	(v2sf) =	vpush v58, $0x0  }
0x1dd: {  	v6 =	vor.u32 v6, v7;
	(xrf1) =	vsort.ascd.msk.u32 $0xffff, v59, v5;
	v5 =	vsel vm1, v4, v3  }
0x1de: {  	(xrf1) =	vsort.ascd.msk.u32 $0xffff, v5, v6;
	_ =	sdelay $0xb  }
0x1df: {  	s29 =	spop (v2sf)  }
0x1e0: {  	s25 =	sadd.s32 s29, s25;
	_, v5, _ =	vpop (xrf1);
	s30 =	spop (v2sf)  }
0x1e1: {  	_, v6, _ =	vpop (xrf1);
	[tilespmem:s25+$0xA00] =	vst v5;
	s25 =	sadd.s32 s25, s30  }
0x1e2: {  	[tilespmem:s25+$0xA00] =	vst v6  }
0x1e3: {  	v5 =	vld [tilespmem:$0x840]  }
0x1e4: {  	v6 =	vld [tilespmem:$0x850]  }
0x1e5: {  	v7 =	vld [tilespmem:$0x5C0]  }
0x1e6: {  	v60 =	vmpcnt.ones.xlane vm1  }
0x1e7: {  	v61 =	vld [tilespmem:$0x5D0]  }
0x1e8: {  	(v2sf) =	vpush v60, $0x0;
	vm8 =	vge.s32 v5, v0;
	vm9 =	vlt.s32 v5, v2  }
0x1e9: {  	vm10 =	vge.s32 v6, v0;
	vm11 =	vlt.s32 v6, v2;
	vm0 =	vmand vm8, vm9  }
0x1ea: {  	v7 =	vshll.u32 v7, $0x9;
	v5 =	vsub.s32 v5, v0;
	v62 =	vmpcnt.ones.xlane vm0  }
0x1eb: {  	v6 =	vsub.s32 v6, v0;
	vm1 =	vmand vm10, vm11;
	v5 =	vor.u32 v5, v7  }
0x1ec: {  	v7 =	vshll.u32 v61, $0x9;
	v63 =	vsel vm0, v4, v3;
	(v2sf) =	vpush v62, $0x0  }
0x1ed: {  	v6 =	vor.u32 v6, v7;
	(xrf1) =	vsort.ascd.msk.u32 $0xffff, v63, v5;
	v5 =	vsel vm1, v4, v3  }
0x1ee: {  	(xrf1) =	vsort.ascd.msk.u32 $0xffff, v5, v6;
	_ =	sdelay $0xb  }
0x1ef: {  	s31 =	spop (v2sf)  }
0x1f0: {  	s25 =	sadd.s32 s31, s25;
	_, v5, _ =	vpop (xrf1);
	s28 =	spop (v2sf)  }
0x1f1: {  	_, v6, _ =	vpop (xrf1);
	[tilespmem:s25+$0xA00] =	vst v5;
	s25 =	sadd.s32 s25, s28  }
0x1f2: {  	[tilespmem:s25+$0xA00] =	vst v6  }
0x1f3: {  	v5 =	vld [tilespmem:$0x860]  }
0x1f4: {  	v6 =	vld [tilespmem:$0x870]  }
0x1f5: {  	v7 =	vld [tilespmem:$0x5E0]  }
0x1f6: {  	v12 =	vmpcnt.ones.xlane vm1  }
0x1f7: {  	v13 =	vld [tilespmem:$0x5F0]  }
0x1f8: {  	(v2sf) =	vpush v12, $0x0;
	vm12 =	vge.s32 v5, v0;
	vm13 =	vlt.s32 v5, v2  }
0x1f9: {  	vm14 =	vge.s32 v6, v0;
	vm15 =	vlt.s32 v6, v2;
	vm0 =	vmand vm12, vm13  }
0x1fa: {  	v7 =	vshll.u32 v7, $0x9;
	v5 =	vsub.s32 v5, v0;
	v14 =	vmpcnt.ones.xlane vm0  }
0x1fb: {  	v6 =	vsub.s32 v6, v0;
	vm1 =	vmand vm14, vm15;
	v5 =	vor.u32 v5, v7  }
0x1fc: {  	v7 =	vshll.u32 v13, $0x9;
	v15 =	vsel vm0, v4, v3;
	(v2sf) =	vpush v14, $0x0  }
0x1fd: {  	v6 =	vor.u32 v6, v7;
	(xrf1) =	vsort.ascd.msk.u32 $0xffff, v15, v5;
	v5 =	vsel vm1, v4, v3  }
0x1fe: {  	(xrf1) =	vsort.ascd.msk.u32 $0xffff, v5, v6;
	_ =	sdelay $0xb  }
0x1ff: {  	s29 =	spop (v2sf)  }
0x200: {  	s25 =	sadd.s32 s29, s25;
	_, v5, _ =	vpop (xrf1);
	s30 =	spop (v2sf)  }
0x201: {  	_, v6, _ =	vpop (xrf1);
	[tilespmem:s25+$0xA00] =	vst v5;
	s25 =	sadd.s32 s25, s30  }
0x202: {  	[tilespmem:s25+$0xA00] =	vst v6  }
0x203: {  	v5 =	vld [tilespmem:$0x880]  }
0x204: {  	v6 =	vld [tilespmem:$0x890]  }
0x205: {  	v7 =	vld [tilespmem:$0x600]  }
0x206: {  	v16 =	vmpcnt.ones.xlane vm1  }
0x207: {  	v17 =	vld [tilespmem:$0x610]  }
0x208: {  	(v2sf) =	vpush v16, $0x0;
	vm4 =	vge.s32 v5, v0;
	vm5 =	vlt.s32 v5, v2  }
0x209: {  	vm6 =	vge.s32 v6, v0;
	vm7 =	vlt.s32 v6, v2;
	vm0 =	vmand vm4, vm5  }
0x20a: {  	v7 =	vshll.u32 v7, $0x9;
	v5 =	vsub.s32 v5, v0;
	v18 =	vmpcnt.ones.xlane vm0  }
0x20b: {  	v6 =	vsub.s32 v6, v0;
	vm1 =	vmand vm6, vm7;
	v5 =	vor.u32 v5, v7  }
0x20c: {  	v7 =	vshll.u32 v17, $0x9;
	v19 =	vsel vm0, v4, v3;
	(v2sf) =	vpush v18, $0x0  }
0x20d: {  	v6 =	vor.u32 v6, v7;
	(xrf1) =	vsort.ascd.msk.u32 $0xffff, v19, v5;
	v5 =	vsel vm1, v4, v3  }
0x20e: {  	(xrf1) =	vsort.ascd.msk.u32 $0xffff, v5, v6;
	_ =	sdelay $0xb  }
0x20f: {  	s31 =	spop (v2sf)  }
0x210: {  	s25 =	sadd.s32 s31, s25;
	_, v5, _ =	vpop (xrf1);
	s28 =	spop (v2sf)  }
0x211: {  	_, v6, _ =	vpop (xrf1);
	[tilespmem:s25+$0xA00] =	vst v5;
	s25 =	sadd.s32 s25, s28  }
0x212: {  	[tilespmem:s25+$0xA00] =	vst v6  }
0x213: {  	v5 =	vld [tilespmem:$0x8A0]  }
0x214: {  	v6 =	vld [tilespmem:$0x8B0]  }
0x215: {  	v7 =	vld [tilespmem:$0x620]  }
0x216: {  	v20 =	vmpcnt.ones.xlane vm1  }
0x217: {  	v21 =	vld [tilespmem:$0x630]  }
0x218: {  	(v2sf) =	vpush v20, $0x0;
	vm8 =	vge.s32 v5, v0;
	vm9 =	vlt.s32 v5, v2  }
0x219: {  	vm10 =	vge.s32 v6, v0;
	vm11 =	vlt.s32 v6, v2;
	vm0 =	vmand vm8, vm9  }
0x21a: {  	v7 =	vshll.u32 v7, $0x9;
	v5 =	vsub.s32 v5, v0;
	v22 =	vmpcnt.ones.xlane vm0  }
0x21b: {  	v6 =	vsub.s32 v6, v0;
	vm1 =	vmand vm10, vm11;
	v5 =	vor.u32 v5, v7  }
0x21c: {  	v7 =	vshll.u32 v21, $0x9;
	v23 =	vsel vm0, v4, v3;
	(v2sf) =	vpush v22, $0x0  }
0x21d: {  	v6 =	vor.u32 v6, v7;
	(xrf1) =	vsort.ascd.msk.u32 $0xffff, v23, v5;
	v5 =	vsel vm1, v4, v3  }
0x21e: {  	(xrf1) =	vsort.ascd.msk.u32 $0xffff, v5, v6;
	_ =	sdelay $0xb  }
0x21f: {  	s29 =	spop (v2sf)  }
0x220: {  	s25 =	sadd.s32 s29, s25;
	_, v5, _ =	vpop (xrf1);
	s30 =	spop (v2sf)  }
0x221: {  	_, v6, _ =	vpop (xrf1);
	[tilespmem:s25+$0xA00] =	vst v5;
	s25 =	sadd.s32 s25, s30  }
0x222: {  	[tilespmem:s25+$0xA00] =	vst v6  }
0x223: {  	v5 =	vld [tilespmem:$0x8C0]  }
0x224: {  	v6 =	vld [tilespmem:$0x8D0]  }
0x225: {  	v7 =	vld [tilespmem:$0x640]  }
0x226: {  	v24 =	vmpcnt.ones.xlane vm1  }
0x227: {  	v25 =	vld [tilespmem:$0x650]  }
0x228: {  	(v2sf) =	vpush v24, $0x0;
	vm12 =	vge.s32 v5, v0;
	vm13 =	vlt.s32 v5, v2  }
0x229: {  	vm14 =	vge.s32 v6, v0;
	vm15 =	vlt.s32 v6, v2;
	vm0 =	vmand vm12, vm13  }
0x22a: {  	v7 =	vshll.u32 v7, $0x9;
	v5 =	vsub.s32 v5, v0;
	v26 =	vmpcnt.ones.xlane vm0  }
0x22b: {  	v6 =	vsub.s32 v6, v0;
	vm1 =	vmand vm14, vm15;
	v5 =	vor.u32 v5, v7  }
0x22c: {  	v7 =	vshll.u32 v25, $0x9;
	v27 =	vsel vm0, v4, v3;
	(v2sf) =	vpush v26, $0x0  }
0x22d: {  	v6 =	vor.u32 v6, v7;
	(xrf1) =	vsort.ascd.msk.u32 $0xffff, v27, v5;
	v5 =	vsel vm1, v4, v3  }
0x22e: {  	(xrf1) =	vsort.ascd.msk.u32 $0xffff, v5, v6;
	_ =	sdelay $0xb  }
0x22f: {  	s31 =	spop (v2sf)  }
0x230: {  	s25 =	sadd.s32 s31, s25;
	_, v5, _ =	vpop (xrf1);
	s28 =	spop (v2sf)  }
0x231: {  	_, v6, _ =	vpop (xrf1);
	[tilespmem:s25+$0xA00] =	vst v5;
	s25 =	sadd.s32 s25, s28  }
0x232: {  	[tilespmem:s25+$0xA00] =	vst v6  }
0x233: {  	v5 =	vld [tilespmem:$0x8E0]  }
0x234: {  	v6 =	vld [tilespmem:$0x8F0]  }
0x235: {  	v7 =	vld [tilespmem:$0x660]  }
0x236: {  	v28 =	vmpcnt.ones.xlane vm1  }
0x237: {  	v29 =	vld [tilespmem:$0x670]  }
0x238: {  	(v2sf) =	vpush v28, $0x0;
	vm4 =	vge.s32 v5, v0;
	vm5 =	vlt.s32 v5, v2  }
0x239: {  	vm6 =	vge.s32 v6, v0;
	vm7 =	vlt.s32 v6, v2;
	vm0 =	vmand vm4, vm5  }
0x23a: {  	v7 =	vshll.u32 v7, $0x9;
	v5 =	vsub.s32 v5, v0;
	v30 =	vmpcnt.ones.xlane vm0  }
0x23b: {  	v6 =	vsub.s32 v6, v0;
	vm1 =	vmand vm6, vm7;
	v5 =	vor.u32 v5, v7  }
0x23c: {  	v7 =	vshll.u32 v29, $0x9;
	v31 =	vsel vm0, v4, v3;
	(v2sf) =	vpush v30, $0x0  }
0x23d: {  	v6 =	vor.u32 v6, v7;
	(xrf1) =	vsort.ascd.msk.u32 $0xffff, v31, v5;
	v5 =	vsel vm1, v4, v3  }
0x23e: {  	(xrf1) =	vsort.ascd.msk.u32 $0xffff, v5, v6;
	_ =	sdelay $0xb  }
0x23f: {  	s29 =	spop (v2sf)  }
0x240: {  	s25 =	sadd.s32 s29, s25;
	_, v5, _ =	vpop (xrf1);
	s30 =	spop (v2sf)  }
0x241: {  	_, v6, _ =	vpop (xrf1);
	[tilespmem:s25+$0xA00] =	vst v5;
	s25 =	sadd.s32 s25, s30  }
0x242: {  	[tilespmem:s25+$0xA00] =	vst v6  }
0x243: {  	v5 =	vld [tilespmem:$0x900]  }
0x244: {  	v6 =	vld [tilespmem:$0x910]  }
0x245: {  	v7 =	vld [tilespmem:$0x680]  }
0x246: {  	v32 =	vmpcnt.ones.xlane vm1  }
0x247: {  	v33 =	vld [tilespmem:$0x690]  }
0x248: {  	(v2sf) =	vpush v32, $0x0;
	vm8 =	vge.s32 v5, v0;
	vm9 =	vlt.s32 v5, v2  }
0x249: {  	vm10 =	vge.s32 v6, v0;
	vm11 =	vlt.s32 v6, v2;
	vm0 =	vmand vm8, vm9  }
0x24a: {  	v7 =	vshll.u32 v7, $0x9;
	v5 =	vsub.s32 v5, v0;
	v34 =	vmpcnt.ones.xlane vm0  }
0x24b: {  	v6 =	vsub.s32 v6, v0;
	vm1 =	vmand vm10, vm11;
	v5 =	vor.u32 v5, v7  }
0x24c: {  	v7 =	vshll.u32 v33, $0x9;
	v35 =	vsel vm0, v4, v3;
	(v2sf) =	vpush v34, $0x0  }
0x24d: {  	v6 =	vor.u32 v6, v7;
	(xrf1) =	vsort.ascd.msk.u32 $0xffff, v35, v5;
	v5 =	vsel vm1, v4, v3  }
0x24e: {  	(xrf1) =	vsort.ascd.msk.u32 $0xffff, v5, v6;
	_ =	sdelay $0xb  }
0x24f: {  	s31 =	spop (v2sf)  }
0x250: {  	s25 =	sadd.s32 s31, s25;
	_, v5, _ =	vpop (xrf1);
	s28 =	spop (v2sf)  }
0x251: {  	_, v6, _ =	vpop (xrf1);
	[tilespmem:s25+$0xA00] =	vst v5;
	s25 =	sadd.s32 s25, s28  }
0x252: {  	[tilespmem:s25+$0xA00] =	vst v6  }
0x253: {  	v5 =	vld [tilespmem:$0x920]  }
0x254: {  	v6 =	vld [tilespmem:$0x930]  }
0x255: {  	v7 =	vld [tilespmem:$0x6A0]  }
0x256: {  	v36 =	vmpcnt.ones.xlane vm1  }
0x257: {  	v37 =	vld [tilespmem:$0x6B0]  }
0x258: {  	(v2sf) =	vpush v36, $0x0;
	vm12 =	vge.s32 v5, v0;
	vm13 =	vlt.s32 v5, v2  }
0x259: {  	vm14 =	vge.s32 v6, v0;
	vm15 =	vlt.s32 v6, v2;
	vm0 =	vmand vm12, vm13  }
0x25a: {  	v7 =	vshll.u32 v7, $0x9;
	v5 =	vsub.s32 v5, v0;
	v38 =	vmpcnt.ones.xlane vm0  }
0x25b: {  	v6 =	vsub.s32 v6, v0;
	vm1 =	vmand vm14, vm15;
	v5 =	vor.u32 v5, v7  }
0x25c: {  	v7 =	vshll.u32 v37, $0x9;
	v39 =	vsel vm0, v4, v3;
	(v2sf) =	vpush v38, $0x0  }
0x25d: {  	v6 =	vor.u32 v6, v7;
	(xrf1) =	vsort.ascd.msk.u32 $0xffff, v39, v5;
	v5 =	vsel vm1, v4, v3  }
0x25e: {  	(xrf1) =	vsort.ascd.msk.u32 $0xffff, v5, v6;
	_ =	sdelay $0xb  }
0x25f: {  	s29 =	spop (v2sf)  }
0x260: {  	s25 =	sadd.s32 s29, s25;
	_, v5, _ =	vpop (xrf1);
	s30 =	spop (v2sf)  }
0x261: {  	_, v6, _ =	vpop (xrf1);
	[tilespmem:s25+$0xA00] =	vst v5;
	s25 =	sadd.s32 s25, s30  }
0x262: {  	[tilespmem:s25+$0xA00] =	vst v6  }
0x263: {  	v5 =	vld [tilespmem:$0x940]  }
0x264: {  	v6 =	vld [tilespmem:$0x950]  }
0x265: {  	v7 =	vld [tilespmem:$0x6C0]  }
0x266: {  	v40 =	vmpcnt.ones.xlane vm1  }
0x267: {  	v41 =	vld [tilespmem:$0x6D0]  }
0x268: {  	(v2sf) =	vpush v40, $0x0;
	vm4 =	vge.s32 v5, v0;
	vm5 =	vlt.s32 v5, v2  }
0x269: {  	vm6 =	vge.s32 v6, v0;
	vm7 =	vlt.s32 v6, v2;
	vm0 =	vmand vm4, vm5  }
0x26a: {  	v7 =	vshll.u32 v7, $0x9;
	v5 =	vsub.s32 v5, v0;
	v42 =	vmpcnt.ones.xlane vm0  }
0x26b: {  	v6 =	vsub.s32 v6, v0;
	vm1 =	vmand vm6, vm7;
	v5 =	vor.u32 v5, v7  }
0x26c: {  	v7 =	vshll.u32 v41, $0x9;
	v43 =	vsel vm0, v4, v3;
	(v2sf) =	vpush v42, $0x0  }
0x26d: {  	v6 =	vor.u32 v6, v7;
	(xrf1) =	vsort.ascd.msk.u32 $0xffff, v43, v5;
	v5 =	vsel vm1, v4, v3  }
0x26e: {  	(xrf1) =	vsort.ascd.msk.u32 $0xffff, v5, v6;
	_ =	sdelay $0xb  }
0x26f: {  	s31 =	spop (v2sf)  }
0x270: {  	s25 =	sadd.s32 s31, s25;
	_, v5, _ =	vpop (xrf1);
	s28 =	spop (v2sf)  }
0x271: {  	_, v6, _ =	vpop (xrf1);
	[tilespmem:s25+$0xA00] =	vst v5;
	s25 =	sadd.s32 s25, s28  }
0x272: {  	[tilespmem:s25+$0xA00] =	vst v6  }
0x273: {  	v5 =	vld [tilespmem:$0x960]  }
0x274: {  	v6 =	vld [tilespmem:$0x970]  }
0x275: {  	v7 =	vld [tilespmem:$0x6E0]  }
0x276: {  	v44 =	vmpcnt.ones.xlane vm1  }
0x277: {  	v45 =	vld [tilespmem:$0x6F0]  }
0x278: {  	(v2sf) =	vpush v44, $0x0;
	vm8 =	vge.s32 v5, v0;
	vm9 =	vlt.s32 v5, v2  }
0x279: {  	vm10 =	vge.s32 v6, v0;
	vm11 =	vlt.s32 v6, v2;
	vm0 =	vmand vm8, vm9  }
0x27a: {  	v7 =	vshll.u32 v7, $0x9;
	v5 =	vsub.s32 v5, v0;
	v46 =	vmpcnt.ones.xlane vm0  }
0x27b: {  	v6 =	vsub.s32 v6, v0;
	vm1 =	vmand vm10, vm11;
	v5 =	vor.u32 v5, v7  }
0x27c: {  	v7 =	vshll.u32 v45, $0x9;
	v47 =	vsel vm0, v4, v3;
	(v2sf) =	vpush v46, $0x0  }
0x27d: {  	v6 =	vor.u32 v6, v7;
	(xrf1) =	vsort.ascd.msk.u32 $0xffff, v47, v5;
	v5 =	vsel vm1, v4, v3  }
0x27e: {  	(xrf1) =	vsort.ascd.msk.u32 $0xffff, v5, v6;
	_ =	sdelay $0xb  }
0x27f: {  	s29 =	spop (v2sf)  }
0x280: {  	s25 =	sadd.s32 s29, s25;
	_, v5, _ =	vpop (xrf1);
	s30 =	spop (v2sf)  }
0x281: {  	_, v6, _ =	vpop (xrf1);
	[tilespmem:s25+$0xA00] =	vst v5;
	s25 =	sadd.s32 s25, s30  }
0x282: {  	[tilespmem:s25+$0xA00] =	vst v6  }
0x283: {  	v5 =	vld [tilespmem:$0x980]  }
0x284: {  	v6 =	vld [tilespmem:$0x990]  }
0x285: {  	v7 =	vld [tilespmem:$0x700]  }
0x286: {  	v48 =	vmpcnt.ones.xlane vm1  }
0x287: {  	v49 =	vld [tilespmem:$0x710]  }
0x288: {  	(v2sf) =	vpush v48, $0x0;
	vm12 =	vge.s32 v5, v0;
	vm13 =	vlt.s32 v5, v2  }
0x289: {  	vm14 =	vge.s32 v6, v0;
	vm15 =	vlt.s32 v6, v2;
	vm0 =	vmand vm12, vm13  }
0x28a: {  	v7 =	vshll.u32 v7, $0x9;
	v5 =	vsub.s32 v5, v0;
	v50 =	vmpcnt.ones.xlane vm0  }
0x28b: {  	v6 =	vsub.s32 v6, v0;
	vm1 =	vmand vm14, vm15;
	v5 =	vor.u32 v5, v7  }
0x28c: {  	v7 =	vshll.u32 v49, $0x9;
	v51 =	vsel vm0, v4, v3;
	(v2sf) =	vpush v50, $0x0  }
0x28d: {  	v6 =	vor.u32 v6, v7;
	(xrf1) =	vsort.ascd.msk.u32 $0xffff, v51, v5;
	v5 =	vsel vm1, v4, v3  }
0x28e: {  	(xrf1) =	vsort.ascd.msk.u32 $0xffff, v5, v6;
	_ =	sdelay $0xb  }
0x28f: {  	s31 =	spop (v2sf)  }
0x290: {  	s25 =	sadd.s32 s31, s25;
	_, v5, _ =	vpop (xrf1);
	s28 =	spop (v2sf)  }
0x291: {  	_, v6, _ =	vpop (xrf1);
	[tilespmem:s25+$0xA00] =	vst v5;
	s25 =	sadd.s32 s25, s28  }
0x292: {  	[tilespmem:s25+$0xA00] =	vst v6  }
0x293: {  	v5 =	vld [tilespmem:$0x9A0]  }
0x294: {  	v6 =	vld [tilespmem:$0x9B0]  }
0x295: {  	v7 =	vld [tilespmem:$0x720]  }
0x296: {  	v52 =	vmpcnt.ones.xlane vm1  }
0x297: {  	v53 =	vld [tilespmem:$0x730]  }
0x298: {  	(v2sf) =	vpush v52, $0x0;
	vm4 =	vge.s32 v5, v0;
	vm5 =	vlt.s32 v5, v2  }
0x299: {  	vm6 =	vge.s32 v6, v0;
	vm7 =	vlt.s32 v6, v2;
	vm0 =	vmand vm4, vm5  }
0x29a: {  	v7 =	vshll.u32 v7, $0x9;
	v5 =	vsub.s32 v5, v0;
	v54 =	vmpcnt.ones.xlane vm0  }
0x29b: {  	v6 =	vsub.s32 v6, v0;
	vm1 =	vmand vm6, vm7;
	v5 =	vor.u32 v5, v7  }
0x29c: {  	v7 =	vshll.u32 v53, $0x9;
	v55 =	vsel vm0, v4, v3;
	(v2sf) =	vpush v54, $0x0  }
0x29d: {  	v6 =	vor.u32 v6, v7;
	(xrf1) =	vsort.ascd.msk.u32 $0xffff, v55, v5;
	v5 =	vsel vm1, v4, v3  }
0x29e: {  	(xrf1) =	vsort.ascd.msk.u32 $0xffff, v5, v6;
	_ =	sdelay $0xb  }
0x29f: {  	s29 =	spop (v2sf)  }
0x2a0: {  	s25 =	sadd.s32 s29, s25;
	_, v5, _ =	vpop (xrf1);
	s30 =	spop (v2sf)  }
0x2a1: {  	_, v6, _ =	vpop (xrf1);
	[tilespmem:s25+$0xA00] =	vst v5;
	s25 =	sadd.s32 s25, s30  }
0x2a2: {  	[tilespmem:s25+$0xA00] =	vst v6  }
0x2a3: {  	v5 =	vld [tilespmem:$0x9C0]  }
0x2a4: {  	v6 =	vld [tilespmem:$0x9D0]  }
0x2a5: {  	v7 =	vld [tilespmem:$0x740]  }
0x2a6: {  	v56 =	vmpcnt.ones.xlane vm1  }
0x2a7: {  	v57 =	vld [tilespmem:$0x750]  }
0x2a8: {  	(v2sf) =	vpush v56, $0x0;
	vm8 =	vge.s32 v5, v0;
	vm9 =	vlt.s32 v5, v2  }
0x2a9: {  	vm10 =	vge.s32 v6, v0;
	vm11 =	vlt.s32 v6, v2;
	vm0 =	vmand vm8, vm9  }
0x2aa: {  	v7 =	vshll.u32 v7, $0x9;
	v5 =	vsub.s32 v5, v0;
	v58 =	vmpcnt.ones.xlane vm0  }
0x2ab: {  	v6 =	vsub.s32 v6, v0;
	vm1 =	vmand vm10, vm11;
	v5 =	vor.u32 v5, v7  }
0x2ac: {  	v7 =	vshll.u32 v57, $0x9;
	v59 =	vsel vm0, v4, v3;
	(v2sf) =	vpush v58, $0x0  }
0x2ad: {  	v6 =	vor.u32 v6, v7;
	(xrf1) =	vsort.ascd.msk.u32 $0xffff, v59, v5;
	v5 =	vsel vm1, v4, v3  }
0x2ae: {  	(xrf1) =	vsort.ascd.msk.u32 $0xffff, v5, v6;
	_ =	sdelay $0xb  }
0x2af: {  	s31 =	spop (v2sf)  }
0x2b0: {  	s25 =	sadd.s32 s31, s25;
	_, v5, _ =	vpop (xrf1);
	s28 =	spop (v2sf)  }
0x2b1: {  	_, v6, _ =	vpop (xrf1);
	[tilespmem:s25+$0xA00] =	vst v5;
	s25 =	sadd.s32 s25, s28  }
0x2b2: {  	[tilespmem:s25+$0xA00] =	vst v6  }
0x2b3: {  	v5 =	vld [tilespmem:$0x9E0]  }
0x2b4: {  	v6 =	vld [tilespmem:$0x9F0];
	_ =	sdelay $0x3  }
0x2b5: {  	v60 =	vmpcnt.ones.xlane vm1;
	vm12 =	vge.s32 v5, v0;
	vm13 =	vlt.s32 v5, v2  }
0x2b6: {  	vm14 =	vge.s32 v6, v0;
	vm15 =	vlt.s32 v6, v2;
	vm0 =	vmand vm12, vm13  }
0x2b7: {  	vm1 =	vmand vm14, vm15;
	v10 =	vmpcnt.ones.xlane vm0  }
0x2b8: {  	(v2sf) =	vpush v60, $0x0;
	v62 =	vmpcnt.ones.xlane vm1  }
0x2b9: {  	v7 =	vld [tilespmem:$0x760];
	(v2sf) =	vpush v10, $0x0  }
0x2ba: {  	v61 =	vld [tilespmem:$0x770];
	(v2sf) =	vpush v62, $0x0;
	_ =	sdelay $0x3  }
0x2bb: {  	v7 =	vshll.u32 v7, $0x9;
	v5 =	vsub.s32 v5, v0;
	v6 =	vsub.s32 v6, v0  }
0x2bc: {  	v5 =	vor.u32 v5, v7;
	v7 =	vshll.u32 v61, $0x9;
	v63 =	vsel vm0, v4, v3  }
0x2bd: {  	v6 =	vor.u32 v6, v7;
	(xrf1) =	vsort.ascd.msk.u32 $0xffff, v63, v5;
	v5 =	vsel vm1, v4, v3  }
0x2be: {  	(xrf1) =	vsort.ascd.msk.u32 $0xffff, v5, v6;
	_ =	sdelay $0x5  }
0x2bf: {  	s29 =	spop (v2sf)  }
0x2c0: {  	s26 =	sadd.s32 s29, s25;
	s30 =	spop (v2sf)  }
0x2c1: {  	s31 =	spop (v2sf);
	s28 =	sadd.s32 s26, s30  }
0x2c2: {  	s25 =	sadd.s32 s31, s28  }
0x2c3: {  	p2 =	slt.s32 s25, $0x280  }
.Ltmp2:
0x2c4: {  	_ = 	snop;
	(pc) =	sbr.rel @p2 .LBB2_10-.Ltmp2, $4  }
0x2c5: {  	_ = 	snop  }
0x2c6: {  	_, v5, _ =	vpop (xrf1)  }
0x2c7: {  	s29 =	sadd.s32 $0x280, s23;
	_, v6, _ =	vpop (xrf1);
	[tilespmem:s26+$0xA00] =	vst v5  }
0x2c8: {  	s23 =	smov.u32 @p1 s29;
	[tilespmem:s28+$0xA00] =	vst v6  }
0x2c9: {  	s26 =	sld [smem:$0x7FF]  }
0x2ca: {  	s28 =	sand.u32 $0x7, s23  }
0x2cb: {  	p1 =	seq.s32 s28, $0x0  }
0x2cc: {  	p2 =	sne.s32 @!p1 s26, $0x1  }
0x2cd: {  	p1 =	por !p2, p1  }
0x2ce: {  	s26 =	sor.u32 @!p1 $0x100000, s9  }
0x2cf: {  	[smem:s26], [sflag:$0x0] =	smem.add.s32 @!p1 $0x5DA;
	s26 =	simm.s32 @!p1 $0x0  }
0x2d0: {  	s28 =	simm.s32 @!p1 $0x1;
	_ =	swait.done @!p1 [sflag:s26]  }
0x2d1: {  	[smem:$0x7FF] =	sst @!p1 s28;
	s28 =	sadd.s32 s6, s23  }
0x2d2: {  	s29 =	simm.s32 $0x0;
	_ =	sint @!p1 $0x2;
	s31 =	sshrl.u32 s28, $0x3  }
0x2d3: {  	_ =	swait.notdone @!p1 [sflag:s26];
	s28 =	sadd.s32 s3, s31;
	s26 =	simm.s32 $0xA00  }
0x2d4: {  	[hbm4b:s28+s29] =	stream.linear.scatter [tilespmem:s26], [sflag:$0x5], $0x280, $0x38;
	[tilespmem:$0x1000] =	vst v63  }
0x2d5: {  	_ =	swait.ge [sflag:s17], $0x280  }
0x2d6: {  	[sflag:s17] =	ssyncset.done $0x0  }
0x2d7: {  	s29 =	sand.u32 $0x3F0, s29;
	[sflag:s17] =	ssyncadd.s32 $0xFFFFFD80  }
0x2d8: {  	v5 =	vld [tilespmem:s29+$0xC80];
	_ =	sdelay $0x3  }
0x2d9: {  	s28 =	simm.s32 $0x10  }
.LBB2_8:
0x2da: {  	s29 =	sand.u32 $0x3F0, s28;
	p1 =	sne.s32 s28, $0x290;
	s28 =	sadd.s32 $0x10, s28;
	[tilespmem:s26+$0x0] =	vst v5  }
.Ltmp3:
0x2db: {  	v5 =	vld [tilespmem:s29+$0xC80];
	(pc) =	sbr.rel @p1 .LBB2_8-.Ltmp3, $2  }
0x2dc: {  	_ =	sdelay $0x2  }
0x2dd: {  	s26 =	sadd.s32 $0x10, s26  }
0x2de: {  	[tilespmem:s26+$0x0] =	vst v5  }
.LBB2_10:
.Ltmp4:
0x2df: {  	(pc) =	sbr.rel @p0 .LBB2_12-.Ltmp4, $3  }
0x2e0: {  	_ =	sdelay $0x1  }
0x2e1: {  	p1 =	sgt.s32 s25, $0x27F;
	s26 =	sadd.s32 $0xFFFFFD80, s25;
	s28 =	sadd.s32 $0x280, s23  }
0x2e2: {  	s25 =	smov.u32 @p1 s26;
	s23 =	smov.u32 @p1 s28  }
0x2e3: {  	s26 =	smul.u32 $0x500, s24;
	_ =	sdelay $0x1  }
0x2e4: {  	s26 =	sshrl.u32 s26, $0x3  }
.Ltmp5:
0x2e5: {  	s26 =	sadd.s32 $0xF0, s26;
	(pc) =	sbr.rel .LBB2_2-.Ltmp5, $4  }
0x2e6: {  	s28 =	sadd.s32 s1, s26  }
0x2e7: {  	[tilespmem:s13], [sflag:$0x3] =	stream.linear.gather [hbm4b:s28+s5], $0x280, $0x38;
	[tilespmem:$0x1000] =	vst v63  }
0x2e8: {  	s24 =	sadd.s32 $0x1, s24;
	s26 =	sadd.s32 s2, s26  }
0x2e9: {  	[tilespmem:s14], [sflag:$0x4] =	stream.linear.gather [hbm4b:s26+s5], $0x280, $0x38;
	[tilespmem:$0x1000] =	vst v63  }
.LBB2_12:
0x2ea: {  	s24 =	simm.s32 $0xA00  }
0x2eb: {  	v5 =	vmov s25;
	s26 =	simm.s32 $0x0;
	s28 =	simm.s32 $0x10;
	v6 =	vld [tilespmem:s24+$0x0]  }
.LBB2_13:
0x2ec: {  	p0 =	sne.s32 s28, $0x510;
	_ =	sdelay $0x1  }
.Ltmp6:
0x2ed: {  	v7 =	vor.u32 s26, v1;
	s26 =	smov.u32 s28;
	(pc) =	sbr.rel @p0 .LBB2_13-.Ltmp6, $4  }
0x2ee: {  	vm0 =	vlt.s32 v7, v5  }
0x2ef: {  	v6 =	vnsel vm0, $0x140, v6  }
0x2f0: {  	[tilespmem:s24+$0x0] =	vst v6;
	s24 =	sadd.s32 $0x10, s24  }
0x2f1: {  	s28 =	sadd.s32 $0x10, s28;
	v6 =	vld [tilespmem:s24+$0x0]  }
0x2f2: {  	s28 =	sadd.s32 $0x7F, s25  }
0x2f3: {  	s30 =	sand.u32 $0x7F, s28  }
0x2f4: {  	p0 =	slt.s32 s25, $0xFFFFFF82;
	s29 =	sshra.s32 s28, $0x1F;
	p1 =	sne.s32 s30, $0x0  }
0x2f5: {  	v7 =	vor.u32 s26, v1;
	s26 =	simm.s32 $0x1;
	s30 =	sshrl.u32 s29, $0x19;
	p0 =	por !p0, !p1  }
0x2f6: {  	s31 =	sadd.s32 s6, s23;
	vm0 =	vlt.s32 v7, v5;
	s25 =	sadd.s32 s30, s28;
	p0 =	por !p0, !p0  }
0x2f7: {  	s28 =	sshrl.u32 s31, $0x3;
	v5 =	vnsel vm0, $0x140, v6;
	s25 =	sshrl.u32 s25, $0x7;
	s26 =	simm.s32 @!p0 $0x0  }
0x2f8: {  	s30 =	sadd.s32 s3, s28;
	[tilespmem:s24+$0x0] =	vst v5;
	s29 =	ssub.s32 s25, s26  }
0x2f9: {  	[hbm4b:s30+s5] =	stream.linear.scatter [tilespmem:s20], [sflag:$0x5], $0x520, $0x38;
	[tilespmem:$0x1000] =	vst v63  }
0x2fa: {  	s24 =	sshll.u32 s29, $0x7;
	_ =	swait.ge [sflag:s17], $0x520  }
0x2fb: {  	s22 =	sadd.s32 $0x1, s22;
	[sflag:s17] =	ssyncset.done $0x0;
	s31 =	sadd.s32 s23, s24  }
0x2fc: {  	p0 =	sne.s32 s22, s11;
	[sflag:s17] =	ssyncadd.s32 $0xFFFFFAE0;
	v5 =	vmov s31  }
.Ltmp7:
0x2fd: {  	[tilespmem:$0xF80] =	vst v5;
	(pc) =	sbr.rel @p0 .LBB2_1-.Ltmp7, $4  }
0x2fe: {  	[hbm4b:s10+s5] =	stream.linear.scatter [tilespmem:s21], [sflag:$0x5], $0x10, $0x38;
	[tilespmem:$0x1000] =	vst v63  }
0x2ff: {  	_ =	swait.ge [sflag:s17], $0x10  }
0x300: {  	[sflag:s17] =	ssyncset.done $0x0  }
0x301: {  	[sflag:s17] =	ssyncadd.s32 $0xFFFFFFF0  }
0x302: {  	_ =	sfence.sel $0x180000  }
0x303: {  	[bflag:$0x0] =	sbarrier.arrive $0xFFFF  }
0x304: {  	p0 =	sne.s32 s4, $0x0;
	_ =	strace $0x90000047  }
0x305: {  	s0 =	sadd.s32 @!p0 $0x100000, s0;
	[bflag:$0x2] =	sbarrier.arrive $0xFFFF  }
0x306: {  	[sflag:s0] =	ssyncadd.tile.s32 @!p0 $0x1;
	_ =	shalt  }
.Lfunc_end2:
_tile_overlayer_lowered:
.L_overlay_start_2:
0x307: {  	(tag) =	ssettag $0x2  }
0x308: {  	s0 =	rddreg [dreg:$0x0];
	s2 =	stileid.u32  }
0x309: {  	s1 =	rddreg [dreg:$0x1];
	p0 =	sne.s32 s2, $0x0  }
0x30a: {  	s3 =	rddreg [dreg:$0x2];
	[bflag:$0x3] =	sbarrier.arrive $0xFFFF;
	s2 =	simm.s32 @!p0 $0x1C05  }
0x30b: {  	[timem:s3], [sflag:s2] =	dma.local @!p0 [hbm:s0], s1  }
0x30c: {  	s0 =	simm.s32 @!p0 $0x5  }
0x30d: {  	_ =	swait.ge @!p0 [sflag:s0], s1  }
0x30e: {  	s1 =	ssub.s32 @!p0 $0x0, s1;
	[sflag:s0] =	ssyncset.done @!p0 $0x0  }
0x30f: {  	[sflag:s0] =	ssyncadd.s32 @!p0 s1  }
0x310: {  	[bflag:$0x3] =	sbarrier.arrive $0xFFFF  }
0x311: {  	_ =	shalt  }

</sc_bundles>
